<compile_context>
chip_gen: v7x
topology: tpu7x:2x2x1
jax: 0.10.2.dev20260603
libtpu: 0.0.44.dev20260713+nightly
codegen_flags: <defaults>
</compile_context>

<pallas_src>
import functools

import jax
import jax.numpy as jnp
from jax import lax
from jax.experimental import pallas as pl
from jax.experimental.pallas import tpu as pltpu
from jax.experimental.pallas import tpu_sc as plsc

_THRESH = 0.35667494393873245
_NBINS = 8
_NCLS = 19

_NACC = 3 + 2 * (_NBINS - 1)

_SC_TILES = 32
_SC_IMG = 7
_SC_ROWS_PER_CHUNK = 4


def _stats_of_loss(loss, acc):
    w = _THRESH / _NBINS
    hardf = jnp.where(loss > _THRESH, 1.0, 0.0)
    acc[0] = acc[0] + hardf * loss
    acc[1] = acc[1] + hardf
    acc[2] = acc[2] + loss
    out = list(acc)
    for k in range(1, _NBINS):
        mf = jnp.where(loss >= (k * w), 1.0, 0.0)
        out[2 + k] = out[2 + k] + mf
        out[2 + (_NBINS - 1) + k] = out[2 + (_NBINS - 1) + k] + mf * loss
    out[0], out[1], out[2] = acc[0], acc[1], acc[2]
    return out




def _tc_kernel(pred_ref, labels_ref, out_ref, acc_ref, *, nsteps):
    i = pl.program_id(0)

    @pl.when(i == 0)
    def _init():
        for j in range(_NACC):
            acc_ref[j] = 0.0

    bh = labels_ref.shape[1]
    w = _THRESH / _NBINS

    def fold(x):
        return (x[:, 0:128] + x[:, 128:256]) + (x[:, 256:384] + x[:, 384:512])

    acc = [jnp.zeros((8, 128), jnp.float32) for _ in range(_NACC)]
    for r in range(bh // 8):
        rows = pl.ds(r * 8, 8)
        lab = labels_ref[0, rows, :]

        p0 = pred_ref[0, 0, rows, :]
        s = jnp.exp(p0)
        picked = jnp.where(lab == 0, p0, 0.0)
        for c in range(1, _NCLS):
            pc = pred_ref[0, c, rows, :]
            s = s + jnp.exp(pc)
            picked = picked + jnp.where(lab == c, pc, 0.0)

        loss = jnp.log(s) - picked

        hardf = jnp.where(loss > _THRESH, 1.0, 0.0)
        acc[0] += fold(hardf * loss)
        acc[1] += fold(hardf)
        acc[2] += fold(loss)
        for k in range(1, _NBINS):
            mf = jnp.where(loss >= (k * w), 1.0, 0.0)
            acc[2 + k] += fold(mf)
            acc[2 + (_NBINS - 1) + k] += fold(mf * loss)

    for j in range(_NACC):
        acc_ref[j] += jnp.sum(acc[j])

    @pl.when(i == nsteps - 1)
    def _finish():
        for j in range(_NACC):
            out_ref[j] = acc_ref[j]


def _tc_stats(pred, labels, n_img, bh):
    b, ncls, h, wdt = pred.shape
    nr = h // bh
    nsteps = n_img * nr
    return pl.pallas_call(
        functools.partial(_tc_kernel, nsteps=nsteps),
        grid=(nsteps,),
        in_specs=[
            pl.BlockSpec((1, ncls, bh, wdt), lambda i: (i // nr, 0, i % nr, 0)),
            pl.BlockSpec((1, bh, wdt), lambda i: (i // nr, i % nr, 0)),
        ],
        out_specs=pl.BlockSpec(memory_space=pltpu.SMEM),
        out_shape=jax.ShapeDtypeStruct((_NACC,), jnp.float32),
        scratch_shapes=[pltpu.SMEM((_NACC,), jnp.float32)],
        compiler_params=pltpu.CompilerParams(
            dimension_semantics=("arbitrary",),
        ),
    )(pred, labels)




def _fast_log(s):
    i = lax.bitcast_convert_type(s, jnp.int32)
    y = (i.astype(jnp.float32) - 1064866805.0) * 8.262958405176314e-08
    y = y + s * jnp.exp(-y) - 1.0
    y = y + s * jnp.exp(-y) - 1.0
    return y


def _sc_body(pred_hbm, labels_hbm, out_hbm, pbuf, lbuf, accv):
    wid = lax.axis_index("s") * 2 + lax.axis_index("c")
    h, wdt = labels_hbm.shape[1], labels_hbm.shape[2]
    rows_per_tile = h // _SC_TILES
    nchunks = rows_per_tile // _SC_ROWS_PER_CHUNK
    groups = (_SC_ROWS_PER_CHUNK * wdt) // 16
    iota16 = lax.iota(jnp.int32, 16)

    acc0 = tuple(jnp.zeros((16,), jnp.float32) for _ in range(_NACC))

    def chunk_stats(acc):
        def body(g, acc):
            r = g >> 5
            l16 = (g & 31) * 16
            lab = lbuf[r, pl.ds(l16, 16)]
            p0 = pbuf[0, r, pl.ds(l16, 16)]
            s = jnp.exp(p0)
            picked = jnp.where(lab == 0, p0, 0.0)
            for c in range(1, _NCLS):
                pc = pbuf[c, r, pl.ds(l16, 16)]
                s = s + jnp.exp(pc)
                picked = picked + jnp.where(lab == c, pc, 0.0)
            loss = _fast_log(s) - picked
            return tuple(_stats_of_loss(loss, list(acc)))

        return lax.fori_loop(0, groups, body, acc, unroll=False)

    acc = acc0
    for j in range(nchunks):
        h0 = wid * rows_per_tile + j * _SC_ROWS_PER_CHUNK
        pltpu.sync_copy(
            pred_hbm.at[_SC_IMG, :, pl.ds(h0, _SC_ROWS_PER_CHUNK), :], pbuf)
        pltpu.sync_copy(labels_hbm.at[_SC_IMG, pl.ds(h0, _SC_ROWS_PER_CHUNK), :], lbuf)
        acc = chunk_stats(acc)

    for k in range(_NACC):
        accv[k] = acc[k]
    pltpu.sync_copy(accv, out_hbm.at[wid])


def _sc_stats(pred, labels):
    mesh = plsc.VectorSubcoreMesh(core_axis_name="c", subcore_axis_name="s")
    fn = pl.kernel(
        _sc_body,
        out_type=jax.ShapeDtypeStruct((_SC_TILES, _NACC, 16), jnp.float32),
        mesh=mesh,
        scratch_types=[
            pltpu.VMEM((_NCLS, _SC_ROWS_PER_CHUNK, 512), jnp.float32),
            pltpu.VMEM((_SC_ROWS_PER_CHUNK, 512), jnp.int32),
            pltpu.VMEM((_NACC, 16), jnp.float32),
        ],
    )
    return fn(pred, labels)




def _combine_kernel(tc_ref, sc_ref, out_ref, *, n_min, n_total):
    def tot(k):
        return tc_ref[k] + jnp.sum(sc_ref[:, k, :])

    sum_hard = tot(0)
    n_hard = tot(1)

    out_a = sum_hard / jnp.maximum(n_hard, 1.0)

    need = n_min - n_hard
    prev_rc = jnp.float32(0.0)
    prev_rs = jnp.float32(0.0)
    sel = jnp.float32(0.0)
    for k in range(_NBINS - 1, -1, -1):
        if k == 0:
            rc = jnp.float32(n_total) - n_hard
            rs = tot(2) - sum_hard
        else:
            rc = tot(2 + k) - n_hard
            rs = tot(2 + (_NBINS - 1) + k) - sum_hard
        cross = jnp.logical_and(rc >= need, prev_rc < need)
        cnt_b = jnp.maximum(rc - prev_rc, 1.0)
        part = prev_rs + (rs - prev_rs) * (need - prev_rc) / cnt_b
        sel = jnp.where(cross, part, sel)
        prev_rc, prev_rs = rc, rs
    out_b = (sum_hard + sel) / n_min

    out_ref[0] = jnp.where(n_hard >= n_min, out_a, out_b)


def _combine(tc_stats, sc_stats, n_min, n_total):
    return pl.pallas_call(
        functools.partial(_combine_kernel, n_min=n_min, n_total=n_total),
        in_specs=[
            pl.BlockSpec(memory_space=pltpu.SMEM),
            pl.BlockSpec(memory_space=pltpu.VMEM),
        ],
        out_specs=pl.BlockSpec(memory_space=pltpu.SMEM),
        out_shape=jax.ShapeDtypeStruct((1,), jnp.float32),
    )(tc_stats, sc_stats)


@jax.jit
def kernel(pred, labels):
    b, ncls, h, wdt = pred.shape
    assert ncls == _NCLS
    labels = labels.astype(jnp.int32)
    n_total = b * h * wdt
    n_min = float(n_total // 16)

    sc_stats = _sc_stats(pred, labels)
    return jnp.sum(sc_stats)

# --- scband reference (transcript-rebuilt; emitter-appended) ---
"""Pipeline reference for scband-ohem-celoss-83451214561988 (READ-ONLY COPY).

The authoritative reference and input builder live on the scoring server;
editing this copy changes nothing except your own understanding.
"""

import jax, jax.numpy as jnp
import numpy as np

IGNORE_LABEL = 255
THRESH = 0.7


def setup_inputs(seed: int = 0) -> dict:
    key = jax.random.key(seed)
    k1, k2 = jax.random.split(key)
    pred = jax.random.normal(k1, (8, 19, 512, 512), dtype=jnp.float32)
    labels = jax.random.randint(k2, (8, 512, 512), 0, 19, dtype=jnp.int64 if jax.config.jax_enable_x64 else jnp.int32)
    return {"pred": pred, "labels": labels}


def reference(pred, labels):
    # OHEM cross-entropy: per-pixel CE with ignore_index, keep hard examples
    thresh = -jnp.log(jnp.asarray(THRESH, dtype=jnp.float32))
    valid = labels != IGNORE_LABEL
    labels_safe = jnp.where(valid, labels, 0)
    logp = jax.nn.log_softmax(pred, axis=1)
    picked = jnp.take_along_axis(logp, labels_safe[:, None, :, :], axis=1)[:, 0]
    loss = jnp.where(valid, -picked, 0.0).reshape(-1)
    n_min = jnp.sum(valid) // 16
    n_hard = jnp.sum(loss > thresh)
    # torch: loss_hard = loss[loss > thresh]; if fewer than n_min, take topk(n_min).
    # Equivalent: mean of top max(n_hard, n_min) losses (descending sorted).
    k = jnp.maximum(n_hard, n_min)
    loss_sorted = jnp.sort(loss)[::-1]
    mask = jnp.arange(loss.shape[0]) < k
    loss_mean = jnp.sum(jnp.where(mask, loss_sorted, 0.0)) / k.astype(jnp.float32)
    return loss_mean

if __name__ == "__main__":
    import jax
    _d = setup_inputs()
    print(jax.jit(kernel)(*tuple(_d.values())))

</pallas_src>

<mosaic_0001>
#map = affine_map<(d0, d1) -> (0, 0, 0, 0)>
#map1 = affine_map<(d0, d1) -> (0, 0, 0)>
module attributes {stable_mosaic.version = 14 : i64} {
  func.func @_sc_body(%arg0: i32, %arg1: i32, %arg2: memref<8x19x512x512xf32, #tpu.memory_space<hbm>>, %arg3: memref<8x512x512xi32, #tpu.memory_space<hbm>>, %arg4: memref<32x17x16xf32, #tpu.memory_space<hbm>>, %arg5: memref<19x4x512xf32, #tpu.memory_space<vmem>>, %arg6: memref<4x512xi32, #tpu.memory_space<vmem>>, %arg7: memref<17x16xf32, #tpu.memory_space<vmem>>) attributes {dimension_semantics = [#tpu.dimension_semantics<core_parallel>, #tpu.dimension_semantics<subcore_parallel>], iteration_bounds = array<i64: 2, 16>, scalar_prefetch = 0 : i64, scratch_operands = 3 : i64, tpu.core_type = #tpu.core_type<sc_vector_subcore>, window_params = [{transform_indices = #map}, {transform_indices = #map1}, {transform_indices = #map1}]} {
    %mul3A = arith.constant 2 : i32
    %mul3A_0 = arith.muli %arg1, %mul3A : i32
    %add3A = arith.addi %mul3A_0, %arg0 : i32
    %iota3A = tpu.iota {dimensions = array<i32: 0>} : vector<16xi32>
    %broadcast_in_dim3A = arith.constant 0.000000e+00 : f32
    %broadcast_in_dim3A_1 = vector.broadcast %broadcast_in_dim3A : f32 to vector<16xf32>
    %broadcast_in_dim3A_2 = arith.constant 0.000000e+00 : f32
    %broadcast_in_dim3A_3 = vector.broadcast %broadcast_in_dim3A_2 : f32 to vector<16xf32>
    %broadcast_in_dim3A_4 = arith.constant 0.000000e+00 : f32
    %broadcast_in_dim3A_5 = vector.broadcast %broadcast_in_dim3A_4 : f32 to vector<16xf32>
    %broadcast_in_dim3A_6 = arith.constant 0.000000e+00 : f32
    %broadcast_in_dim3A_7 = vector.broadcast %broadcast_in_dim3A_6 : f32 to vector<16xf32>
    %broadcast_in_dim3A_8 = arith.constant 0.000000e+00 : f32
    %broadcast_in_dim3A_9 = vector.broadcast %broadcast_in_dim3A_8 : f32 to vector<16xf32>
    %broadcast_in_dim3A_10 = arith.constant 0.000000e+00 : f32
    %broadcast_in_dim3A_11 = vector.broadcast %broadcast_in_dim3A_10 : f32 to vector<16xf32>
    %broadcast_in_dim3A_12 = arith.constant 0.000000e+00 : f32
    %broadcast_in_dim3A_13 = vector.broadcast %broadcast_in_dim3A_12 : f32 to vector<16xf32>
    %broadcast_in_dim3A_14 = arith.constant 0.000000e+00 : f32
    %broadcast_in_dim3A_15 = vector.broadcast %broadcast_in_dim3A_14 : f32 to vector<16xf32>
    %broadcast_in_dim3A_16 = arith.constant 0.000000e+00 : f32
    %broadcast_in_dim3A_17 = vector.broadcast %broadcast_in_dim3A_16 : f32 to vector<16xf32>
    %broadcast_in_dim3A_18 = arith.constant 0.000000e+00 : f32
    %broadcast_in_dim3A_19 = vector.broadcast %broadcast_in_dim3A_18 : f32 to vector<16xf32>
    %broadcast_in_dim3A_20 = arith.constant 0.000000e+00 : f32
    %broadcast_in_dim3A_21 = vector.broadcast %broadcast_in_dim3A_20 : f32 to vector<16xf32>
    %broadcast_in_dim3A_22 = arith.constant 0.000000e+00 : f32
    %broadcast_in_dim3A_23 = vector.broadcast %broadcast_in_dim3A_22 : f32 to vector<16xf32>
    %broadcast_in_dim3A_24 = arith.constant 0.000000e+00 : f32
    %broadcast_in_dim3A_25 = vector.broadcast %broadcast_in_dim3A_24 : f32 to vector<16xf32>
    %broadcast_in_dim3A_26 = arith.constant 0.000000e+00 : f32
    %broadcast_in_dim3A_27 = vector.broadcast %broadcast_in_dim3A_26 : f32 to vector<16xf32>
    %broadcast_in_dim3A_28 = arith.constant 0.000000e+00 : f32
    %broadcast_in_dim3A_29 = vector.broadcast %broadcast_in_dim3A_28 : f32 to vector<16xf32>
    %broadcast_in_dim3A_30 = arith.constant 0.000000e+00 : f32
    %broadcast_in_dim3A_31 = vector.broadcast %broadcast_in_dim3A_30 : f32 to vector<16xf32>
    %broadcast_in_dim3A_32 = arith.constant 0.000000e+00 : f32
    %broadcast_in_dim3A_33 = vector.broadcast %broadcast_in_dim3A_32 : f32 to vector<16xf32>
    %mul3A_34 = arith.constant 16 : i32
    %mul3A_35 = arith.muli %add3A, %mul3A_34 : i32
    %add3A_36 = arith.constant 0 : i32
    %add3A_37 = arith.addi %mul3A_35, %add3A_36 : i32
    %run_scoped3A = arith.constant 7 : i32
    "tpu.region"() ({
      %run_scoped3A_181 = tpu.sem_alloc : memref<!tpu.dma_semaphore, #tpu.memory_space<semaphore_mem>>
      %dma_start3A = arith.constant 0 : i32
      %dma_start3A_182 = arith.constant 0 : i32
      %dma_start3A_183 = tpu.memref_slice %arg2[%run_scoped3A, %dma_start3A, %add3A_37, %dma_start3A_182] : memref<8x19x512x512xf32, #tpu.memory_space<hbm>> -> memref<1x19x4x512xf32, #tpu.memory_space<hbm>>
      %dma_start3A_184 = tpu.memref_squeeze %dma_start3A_183 : memref<1x19x4x512xf32, #tpu.memory_space<hbm>> -> memref<19x4x512xf32, #tpu.memory_space<hbm>>
      %dma_start3A_185 = arith.constant 0 : i32
      %dma_start3A_186 = arith.constant 0 : i32
      %dma_start3A_187 = tpu.memref_slice %arg2[%run_scoped3A, %dma_start3A_185, %add3A_37, %dma_start3A_186] : memref<8x19x512x512xf32, #tpu.memory_space<hbm>> -> memref<1x19x4x512xf32, #tpu.memory_space<hbm>>
      %dma_start3A_188 = tpu.memref_squeeze %dma_start3A_187 : memref<1x19x4x512xf32, #tpu.memory_space<hbm>> -> memref<19x4x512xf32, #tpu.memory_space<hbm>>
      tpu.enqueue_dma source(%dma_start3A_188 : memref<19x4x512xf32, #tpu.memory_space<hbm>>) target(%arg5 : memref<19x4x512xf32, #tpu.memory_space<vmem>>) target_semaphore(%run_scoped3A_181 : memref<!tpu.dma_semaphore, #tpu.memory_space<semaphore_mem>>)
      %dma_wait3A = arith.constant 0 : i32
      %dma_wait3A_189 = arith.constant 0 : i32
      %dma_wait3A_190 = tpu.memref_slice %arg2[%run_scoped3A, %dma_wait3A, %add3A_37, %dma_wait3A_189] : memref<8x19x512x512xf32, #tpu.memory_space<hbm>> -> memref<1x19x4x512xf32, #tpu.memory_space<hbm>>
      %dma_wait3A_191 = tpu.memref_squeeze %dma_wait3A_190 : memref<1x19x4x512xf32, #tpu.memory_space<hbm>> -> memref<19x4x512xf32, #tpu.memory_space<hbm>>
      %dma_wait3A_192 = arith.constant 0 : i32
      %dma_wait3A_193 = arith.constant 0 : i32
      %dma_wait3A_194 = tpu.memref_slice %arg2[%run_scoped3A, %dma_wait3A_192, %add3A_37, %dma_wait3A_193] : memref<8x19x512x512xf32, #tpu.memory_space<hbm>> -> memref<1x19x4x512xf32, #tpu.memory_space<hbm>>
      %dma_wait3A_195 = tpu.memref_squeeze %dma_wait3A_194 : memref<1x19x4x512xf32, #tpu.memory_space<hbm>> -> memref<19x4x512xf32, #tpu.memory_space<hbm>>
      tpu.wait_dma2 semaphore(%run_scoped3A_181 : memref<!tpu.dma_semaphore, #tpu.memory_space<semaphore_mem>>) src(%dma_wait3A_195 : memref<19x4x512xf32, #tpu.memory_space<hbm>>) dst(%arg5 : memref<19x4x512xf32, #tpu.memory_space<vmem>>)
      tpu.yield
    }) : () -> ()
    %run_scoped3A_38 = arith.constant 7 : i32
    "tpu.region"() ({
      %run_scoped3A_181 = tpu.sem_alloc : memref<!tpu.dma_semaphore, #tpu.memory_space<semaphore_mem>>
      %dma_start3A = arith.constant 0 : i32
      %dma_start3A_182 = tpu.memref_slice %arg3[%run_scoped3A_38, %add3A_37, %dma_start3A] : memref<8x512x512xi32, #tpu.memory_space<hbm>> -> memref<1x4x512xi32, #tpu.memory_space<hbm>>
      %dma_start3A_183 = tpu.memref_squeeze %dma_start3A_182 : memref<1x4x512xi32, #tpu.memory_space<hbm>> -> memref<4x512xi32, #tpu.memory_space<hbm>>
      %dma_start3A_184 = arith.constant 0 : i32
      %dma_start3A_185 = tpu.memref_slice %arg3[%run_scoped3A_38, %add3A_37, %dma_start3A_184] : memref<8x512x512xi32, #tpu.memory_space<hbm>> -> memref<1x4x512xi32, #tpu.memory_space<hbm>>
      %dma_start3A_186 = tpu.memref_squeeze %dma_start3A_185 : memref<1x4x512xi32, #tpu.memory_space<hbm>> -> memref<4x512xi32, #tpu.memory_space<hbm>>
      tpu.enqueue_dma source(%dma_start3A_186 : memref<4x512xi32, #tpu.memory_space<hbm>>) target(%arg6 : memref<4x512xi32, #tpu.memory_space<vmem>>) target_semaphore(%run_scoped3A_181 : memref<!tpu.dma_semaphore, #tpu.memory_space<semaphore_mem>>)
      %dma_wait3A = arith.constant 0 : i32
      %dma_wait3A_187 = tpu.memref_slice %arg3[%run_scoped3A_38, %add3A_37, %dma_wait3A] : memref<8x512x512xi32, #tpu.memory_space<hbm>> -> memref<1x4x512xi32, #tpu.memory_space<hbm>>
      %dma_wait3A_188 = tpu.memref_squeeze %dma_wait3A_187 : memref<1x4x512xi32, #tpu.memory_space<hbm>> -> memref<4x512xi32, #tpu.memory_space<hbm>>
      %dma_wait3A_189 = arith.constant 0 : i32
      %dma_wait3A_190 = tpu.memref_slice %arg3[%run_scoped3A_38, %add3A_37, %dma_wait3A_189] : memref<8x512x512xi32, #tpu.memory_space<hbm>> -> memref<1x4x512xi32, #tpu.memory_space<hbm>>
      %dma_wait3A_191 = tpu.memref_squeeze %dma_wait3A_190 : memref<1x4x512xi32, #tpu.memory_space<hbm>> -> memref<4x512xi32, #tpu.memory_space<hbm>>
      tpu.wait_dma2 semaphore(%run_scoped3A_181 : memref<!tpu.dma_semaphore, #tpu.memory_space<semaphore_mem>>) src(%dma_wait3A_191 : memref<4x512xi32, #tpu.memory_space<hbm>>) dst(%arg6 : memref<4x512xi32, #tpu.memory_space<vmem>>)
      tpu.yield
    }) : () -> ()
    %scan3A = arith.constant 0 : i32
    %scan3A_39 = arith.constant 128 : i32
    %scan3A_40 = arith.addi %scan3A, %scan3A_39 : i32
    %scan3A_41 = arith.constant 1 : i32
    %scan3A_42:17 = scf.for %scan3A_181 = %scan3A to %scan3A_40 step %scan3A_41 iter_args(%scan3A_182 = %broadcast_in_dim3A_1, %scan3A_183 = %broadcast_in_dim3A_3, %scan3A_184 = %broadcast_in_dim3A_5, %scan3A_185 = %broadcast_in_dim3A_7, %scan3A_186 = %broadcast_in_dim3A_9, %scan3A_187 = %broadcast_in_dim3A_11, %scan3A_188 = %broadcast_in_dim3A_13, %scan3A_189 = %broadcast_in_dim3A_15, %scan3A_190 = %broadcast_in_dim3A_17, %scan3A_191 = %broadcast_in_dim3A_19, %scan3A_192 = %broadcast_in_dim3A_21, %scan3A_193 = %broadcast_in_dim3A_23, %scan3A_194 = %broadcast_in_dim3A_25, %scan3A_195 = %broadcast_in_dim3A_27, %scan3A_196 = %broadcast_in_dim3A_29, %scan3A_197 = %broadcast_in_dim3A_31, %scan3A_198 = %broadcast_in_dim3A_33) -> (vector<16xf32>, vector<16xf32>, vector<16xf32>, vector<16xf32>, vector<16xf32>, vector<16xf32>, vector<16xf32>, vector<16xf32>, vector<16xf32>, vector<16xf32>, vector<16xf32>, vector<16xf32>, vector<16xf32>, vector<16xf32>, vector<16xf32>, vector<16xf32>, vector<16xf32>)  : i32 {
      %shift_right_arithmetic3A = arith.constant 5 : i32
      %shift_right_arithmetic3A_199 = arith.shrsi %scan3A_181, %shift_right_arithmetic3A : i32
      %and3A = arith.constant 31 : i32
      %and3A_200 = arith.andi %scan3A_181, %and3A : i32
      %mul3A_201 = arith.constant 16 : i32
      %mul3A_202 = arith.muli %and3A_200, %mul3A_201 : i32
      %get3A = arith.index_cast %shift_right_arithmetic3A_199 : i32 to index
      %get3A_203 = arith.index_cast %mul3A_202 : i32 to index
      %get3A_204 = tpu.vector_load %arg6[%get3A, %get3A_203] {strides = array<i32>} : memref<4x512xi32, #tpu.memory_space<vmem>>, vector<1x16xi32>,
      %get3A_205 = vector.shape_cast %get3A_204 : vector<1x16xi32> to vector<16xi32>
      %get3A_206 = arith.constant 0 : i32
      %get3A_207 = arith.index_cast %get3A_206 : i32 to index
      %get3A_208 = arith.index_cast %shift_right_arithmetic3A_199 : i32 to index
      %get3A_209 = arith.index_cast %mul3A_202 : i32 to index
      %get3A_210 = tpu.vector_load %arg5[%get3A_207, %get3A_208, %get3A_209] {strides = array<i32>} : memref<19x4x512xf32, #tpu.memory_space<vmem>>, vector<1x1x16xf32>,
      %get3A_211 = vector.shape_cast %get3A_210 : vector<1x1x16xf32> to vector<16xf32>
      %exp3A = math.exp %get3A_211 : vector<16xf32>
      %eq3A = arith.constant 0 : i32
      %eq3A_212 = vector.broadcast %eq3A : i32 to vector<16xi32>
      %eq3A_213 = arith.cmpi eq, %get3A_205, %eq3A_212 : vector<16xi32>
      %jit3A = arith.constant 0.000000e+00 : f32
      %broadcast_in_dim3A_214 = vector.broadcast %jit3A : f32 to vector<16xf32>
      %select_n3A = arith.select %eq3A_213, %get3A_211, %broadcast_in_dim3A_214 : vector<16xi1>, vector<16xf32>
      %get3A_215 = arith.constant 1 : i32
      %get3A_216 = arith.index_cast %get3A_215 : i32 to index
      %get3A_217 = arith.index_cast %shift_right_arithmetic3A_199 : i32 to index
      %get3A_218 = arith.index_cast %mul3A_202 : i32 to index
      %get3A_219 = tpu.vector_load %arg5[%get3A_216, %get3A_217, %get3A_218] {strides = array<i32>} : memref<19x4x512xf32, #tpu.memory_space<vmem>>, vector<1x1x16xf32>,
      %get3A_220 = vector.shape_cast %get3A_219 : vector<1x1x16xf32> to vector<16xf32>
      %exp3A_221 = math.exp %get3A_220 : vector<16xf32>
      %add3A_222 = arith.addf %exp3A, %exp3A_221 : vector<16xf32>
      %eq3A_223 = arith.constant 1 : i32
      %eq3A_224 = vector.broadcast %eq3A_223 : i32 to vector<16xi32>
      %eq3A_225 = arith.cmpi eq, %get3A_205, %eq3A_224 : vector<16xi32>
      %jit3A_226 = arith.constant 0.000000e+00 : f32
      %broadcast_in_dim3A_227 = vector.broadcast %jit3A_226 : f32 to vector<16xf32>
      %select_n3A_228 = arith.select %eq3A_225, %get3A_220, %broadcast_in_dim3A_227 : vector<16xi1>, vector<16xf32>
      %add3A_229 = arith.addf %select_n3A, %select_n3A_228 : vector<16xf32>
      %get3A_230 = arith.constant 2 : i32
      %get3A_231 = arith.index_cast %get3A_230 : i32 to index
      %get3A_232 = arith.index_cast %shift_right_arithmetic3A_199 : i32 to index
      %get3A_233 = arith.index_cast %mul3A_202 : i32 to index
      %get3A_234 = tpu.vector_load %arg5[%get3A_231, %get3A_232, %get3A_233] {strides = array<i32>} : memref<19x4x512xf32, #tpu.memory_space<vmem>>, vector<1x1x16xf32>,
      %get3A_235 = vector.shape_cast %get3A_234 : vector<1x1x16xf32> to vector<16xf32>
      %exp3A_236 = math.exp %get3A_235 : vector<16xf32>
      %add3A_237 = arith.addf %add3A_222, %exp3A_236 : vector<16xf32>
      %eq3A_238 = arith.constant 2 : i32
      %eq3A_239 = vector.broadcast %eq3A_238 : i32 to vector<16xi32>
      %eq3A_240 = arith.cmpi eq, %get3A_205, %eq3A_239 : vector<16xi32>
      %jit3A_241 = arith.constant 0.000000e+00 : f32
      %broadcast_in_dim3A_242 = vector.broadcast %jit3A_241 : f32 to vector<16xf32>
      %select_n3A_243 = arith.select %eq3A_240, %get3A_235, %broadcast_in_dim3A_242 : vector<16xi1>, vector<16xf32>
      %add3A_244 = arith.addf %add3A_229, %select_n3A_243 : vector<16xf32>
      %get3A_245 = arith.constant 3 : i32
      %get3A_246 = arith.index_cast %get3A_245 : i32 to index
      %get3A_247 = arith.index_cast %shift_right_arithmetic3A_199 : i32 to index
      %get3A_248 = arith.index_cast %mul3A_202 : i32 to index
      %get3A_249 = tpu.vector_load %arg5[%get3A_246, %get3A_247, %get3A_248] {strides = array<i32>} : memref<19x4x512xf32, #tpu.memory_space<vmem>>, vector<1x1x16xf32>,
      %get3A_250 = vector.shape_cast %get3A_249 : vector<1x1x16xf32> to vector<16xf32>
      %exp3A_251 = math.exp %get3A_250 : vector<16xf32>
      %add3A_252 = arith.addf %add3A_237, %exp3A_251 : vector<16xf32>
      %eq3A_253 = arith.constant 3 : i32
      %eq3A_254 = vector.broadcast %eq3A_253 : i32 to vector<16xi32>
      %eq3A_255 = arith.cmpi eq, %get3A_205, %eq3A_254 : vector<16xi32>
      %jit3A_256 = arith.constant 0.000000e+00 : f32
      %broadcast_in_dim3A_257 = vector.broadcast %jit3A_256 : f32 to vector<16xf32>
      %select_n3A_258 = arith.select %eq3A_255, %get3A_250, %broadcast_in_dim3A_257 : vector<16xi1>, vector<16xf32>
      %add3A_259 = arith.addf %add3A_244, %select_n3A_258 : vector<16xf32>
      %get3A_260 = arith.constant 4 : i32
      %get3A_261 = arith.index_cast %get3A_260 : i32 to index
      %get3A_262 = arith.index_cast %shift_right_arithmetic3A_199 : i32 to index
      %get3A_263 = arith.index_cast %mul3A_202 : i32 to index
      %get3A_264 = tpu.vector_load %arg5[%get3A_261, %get3A_262, %get3A_263] {strides = array<i32>} : memref<19x4x512xf32, #tpu.memory_space<vmem>>, vector<1x1x16xf32>,
      %get3A_265 = vector.shape_cast %get3A_264 : vector<1x1x16xf32> to vector<16xf32>
      %exp3A_266 = math.exp %get3A_265 : vector<16xf32>
      %add3A_267 = arith.addf %add3A_252, %exp3A_266 : vector<16xf32>
      %eq3A_268 = arith.constant 4 : i32
      %eq3A_269 = vector.broadcast %eq3A_268 : i32 to vector<16xi32>
      %eq3A_270 = arith.cmpi eq, %get3A_205, %eq3A_269 : vector<16xi32>
      %jit3A_271 = arith.constant 0.000000e+00 : f32
      %broadcast_in_dim3A_272 = vector.broadcast %jit3A_271 : f32 to vector<16xf32>
      %select_n3A_273 = arith.select %eq3A_270, %get3A_265, %broadcast_in_dim3A_272 : vector<16xi1>, vector<16xf32>
      %add3A_274 = arith.addf %add3A_259, %select_n3A_273 : vector<16xf32>
      %get3A_275 = arith.constant 5 : i32
      %get3A_276 = arith.index_cast %get3A_275 : i32 to index
      %get3A_277 = arith.index_cast %shift_right_arithmetic3A_199 : i32 to index
      %get3A_278 = arith.index_cast %mul3A_202 : i32 to index
      %get3A_279 = tpu.vector_load %arg5[%get3A_276, %get3A_277, %get3A_278] {strides = array<i32>} : memref<19x4x512xf32, #tpu.memory_space<vmem>>, vector<1x1x16xf32>,
      %get3A_280 = vector.shape_cast %get3A_279 : vector<1x1x16xf32> to vector<16xf32>
      %exp3A_281 = math.exp %get3A_280 : vector<16xf32>
      %add3A_282 = arith.addf %add3A_267, %exp3A_281 : vector<16xf32>
      %eq3A_283 = arith.constant 5 : i32
      %eq3A_284 = vector.broadcast %eq3A_283 : i32 to vector<16xi32>
      %eq3A_285 = arith.cmpi eq, %get3A_205, %eq3A_284 : vector<16xi32>
      %jit3A_286 = arith.constant 0.000000e+00 : f32
      %broadcast_in_dim3A_287 = vector.broadcast %jit3A_286 : f32 to vector<16xf32>
      %select_n3A_288 = arith.select %eq3A_285, %get3A_280, %broadcast_in_dim3A_287 : vector<16xi1>, vector<16xf32>
      %add3A_289 = arith.addf %add3A_274, %select_n3A_288 : vector<16xf32>
      %get3A_290 = arith.constant 6 : i32
      %get3A_291 = arith.index_cast %get3A_290 : i32 to index
      %get3A_292 = arith.index_cast %shift_right_arithmetic3A_199 : i32 to index
      %get3A_293 = arith.index_cast %mul3A_202 : i32 to index
      %get3A_294 = tpu.vector_load %arg5[%get3A_291, %get3A_292, %get3A_293] {strides = array<i32>} : memref<19x4x512xf32, #tpu.memory_space<vmem>>, vector<1x1x16xf32>,
      %get3A_295 = vector.shape_cast %get3A_294 : vector<1x1x16xf32> to vector<16xf32>
      %exp3A_296 = math.exp %get3A_295 : vector<16xf32>
      %add3A_297 = arith.addf %add3A_282, %exp3A_296 : vector<16xf32>
      %eq3A_298 = arith.constant 6 : i32
      %eq3A_299 = vector.broadcast %eq3A_298 : i32 to vector<16xi32>
      %eq3A_300 = arith.cmpi eq, %get3A_205, %eq3A_299 : vector<16xi32>
      %jit3A_301 = arith.constant 0.000000e+00 : f32
      %broadcast_in_dim3A_302 = vector.broadcast %jit3A_301 : f32 to vector<16xf32>
      %select_n3A_303 = arith.select %eq3A_300, %get3A_295, %broadcast_in_dim3A_302 : vector<16xi1>, vector<16xf32>
      %add3A_304 = arith.addf %add3A_289, %select_n3A_303 : vector<16xf32>
      %get3A_305 = arith.constant 7 : i32
      %get3A_306 = arith.index_cast %get3A_305 : i32 to index
      %get3A_307 = arith.index_cast %shift_right_arithmetic3A_199 : i32 to index
      %get3A_308 = arith.index_cast %mul3A_202 : i32 to index
      %get3A_309 = tpu.vector_load %arg5[%get3A_306, %get3A_307, %get3A_308] {strides = array<i32>} : memref<19x4x512xf32, #tpu.memory_space<vmem>>, vector<1x1x16xf32>,
      %get3A_310 = vector.shape_cast %get3A_309 : vector<1x1x16xf32> to vector<16xf32>
      %exp3A_311 = math.exp %get3A_310 : vector<16xf32>
      %add3A_312 = arith.addf %add3A_297, %exp3A_311 : vector<16xf32>
      %eq3A_313 = arith.constant 7 : i32
      %eq3A_314 = vector.broadcast %eq3A_313 : i32 to vector<16xi32>
      %eq3A_315 = arith.cmpi eq, %get3A_205, %eq3A_314 : vector<16xi32>
      %jit3A_316 = arith.constant 0.000000e+00 : f32
      %broadcast_in_dim3A_317 = vector.broadcast %jit3A_316 : f32 to vector<16xf32>
      %select_n3A_318 = arith.select %eq3A_315, %get3A_310, %broadcast_in_dim3A_317 : vector<16xi1>, vector<16xf32>
      %add3A_319 = arith.addf %add3A_304, %select_n3A_318 : vector<16xf32>
      %get3A_320 = arith.constant 8 : i32
      %get3A_321 = arith.index_cast %get3A_320 : i32 to index
      %get3A_322 = arith.index_cast %shift_right_arithmetic3A_199 : i32 to index
      %get3A_323 = arith.index_cast %mul3A_202 : i32 to index
      %get3A_324 = tpu.vector_load %arg5[%get3A_321, %get3A_322, %get3A_323] {strides = array<i32>} : memref<19x4x512xf32, #tpu.memory_space<vmem>>, vector<1x1x16xf32>,
      %get3A_325 = vector.shape_cast %get3A_324 : vector<1x1x16xf32> to vector<16xf32>
      %exp3A_326 = math.exp %get3A_325 : vector<16xf32>
      %add3A_327 = arith.addf %add3A_312, %exp3A_326 : vector<16xf32>
      %eq3A_328 = arith.constant 8 : i32
      %eq3A_329 = vector.broadcast %eq3A_328 : i32 to vector<16xi32>
      %eq3A_330 = arith.cmpi eq, %get3A_205, %eq3A_329 : vector<16xi32>
      %jit3A_331 = arith.constant 0.000000e+00 : f32
      %broadcast_in_dim3A_332 = vector.broadcast %jit3A_331 : f32 to vector<16xf32>
      %select_n3A_333 = arith.select %eq3A_330, %get3A_325, %broadcast_in_dim3A_332 : vector<16xi1>, vector<16xf32>
      %add3A_334 = arith.addf %add3A_319, %select_n3A_333 : vector<16xf32>
      %get3A_335 = arith.constant 9 : i32
      %get3A_336 = arith.index_cast %get3A_335 : i32 to index
      %get3A_337 = arith.index_cast %shift_right_arithmetic3A_199 : i32 to index
      %get3A_338 = arith.index_cast %mul3A_202 : i32 to index
      %get3A_339 = tpu.vector_load %arg5[%get3A_336, %get3A_337, %get3A_338] {strides = array<i32>} : memref<19x4x512xf32, #tpu.memory_space<vmem>>, vector<1x1x16xf32>,
      %get3A_340 = vector.shape_cast %get3A_339 : vector<1x1x16xf32> to vector<16xf32>
      %exp3A_341 = math.exp %get3A_340 : vector<16xf32>
      %add3A_342 = arith.addf %add3A_327, %exp3A_341 : vector<16xf32>
      %eq3A_343 = arith.constant 9 : i32
      %eq3A_344 = vector.broadcast %eq3A_343 : i32 to vector<16xi32>
      %eq3A_345 = arith.cmpi eq, %get3A_205, %eq3A_344 : vector<16xi32>
      %jit3A_346 = arith.constant 0.000000e+00 : f32
      %broadcast_in_dim3A_347 = vector.broadcast %jit3A_346 : f32 to vector<16xf32>
      %select_n3A_348 = arith.select %eq3A_345, %get3A_340, %broadcast_in_dim3A_347 : vector<16xi1>, vector<16xf32>
      %add3A_349 = arith.addf %add3A_334, %select_n3A_348 : vector<16xf32>
      %get3A_350 = arith.constant 10 : i32
      %get3A_351 = arith.index_cast %get3A_350 : i32 to index
      %get3A_352 = arith.index_cast %shift_right_arithmetic3A_199 : i32 to index
      %get3A_353 = arith.index_cast %mul3A_202 : i32 to index
      %get3A_354 = tpu.vector_load %arg5[%get3A_351, %get3A_352, %get3A_353] {strides = array<i32>} : memref<19x4x512xf32, #tpu.memory_space<vmem>>, vector<1x1x16xf32>,
      %get3A_355 = vector.shape_cast %get3A_354 : vector<1x1x16xf32> to vector<16xf32>
      %exp3A_356 = math.exp %get3A_355 : vector<16xf32>
      %add3A_357 = arith.addf %add3A_342, %exp3A_356 : vector<16xf32>
      %eq3A_358 = arith.constant 10 : i32
      %eq3A_359 = vector.broadcast %eq3A_358 : i32 to vector<16xi32>
      %eq3A_360 = arith.cmpi eq, %get3A_205, %eq3A_359 : vector<16xi32>
      %jit3A_361 = arith.constant 0.000000e+00 : f32
      %broadcast_in_dim3A_362 = vector.broadcast %jit3A_361 : f32 to vector<16xf32>
      %select_n3A_363 = arith.select %eq3A_360, %get3A_355, %broadcast_in_dim3A_362 : vector<16xi1>, vector<16xf32>
      %add3A_364 = arith.addf %add3A_349, %select_n3A_363 : vector<16xf32>
      %get3A_365 = arith.constant 11 : i32
      %get3A_366 = arith.index_cast %get3A_365 : i32 to index
      %get3A_367 = arith.index_cast %shift_right_arithmetic3A_199 : i32 to index
      %get3A_368 = arith.index_cast %mul3A_202 : i32 to index
      %get3A_369 = tpu.vector_load %arg5[%get3A_366, %get3A_367, %get3A_368] {strides = array<i32>} : memref<19x4x512xf32, #tpu.memory_space<vmem>>, vector<1x1x16xf32>,
      %get3A_370 = vector.shape_cast %get3A_369 : vector<1x1x16xf32> to vector<16xf32>
      %exp3A_371 = math.exp %get3A_370 : vector<16xf32>
      %add3A_372 = arith.addf %add3A_357, %exp3A_371 : vector<16xf32>
      %eq3A_373 = arith.constant 11 : i32
      %eq3A_374 = vector.broadcast %eq3A_373 : i32 to vector<16xi32>
      %eq3A_375 = arith.cmpi eq, %get3A_205, %eq3A_374 : vector<16xi32>
      %jit3A_376 = arith.constant 0.000000e+00 : f32
      %broadcast_in_dim3A_377 = vector.broadcast %jit3A_376 : f32 to vector<16xf32>
      %select_n3A_378 = arith.select %eq3A_375, %get3A_370, %broadcast_in_dim3A_377 : vector<16xi1>, vector<16xf32>
      %add3A_379 = arith.addf %add3A_364, %select_n3A_378 : vector<16xf32>
      %get3A_380 = arith.constant 12 : i32
      %get3A_381 = arith.index_cast %get3A_380 : i32 to index
      %get3A_382 = arith.index_cast %shift_right_arithmetic3A_199 : i32 to index
      %get3A_383 = arith.index_cast %mul3A_202 : i32 to index
      %get3A_384 = tpu.vector_load %arg5[%get3A_381, %get3A_382, %get3A_383] {strides = array<i32>} : memref<19x4x512xf32, #tpu.memory_space<vmem>>, vector<1x1x16xf32>,
      %get3A_385 = vector.shape_cast %get3A_384 : vector<1x1x16xf32> to vector<16xf32>
      %exp3A_386 = math.exp %get3A_385 : vector<16xf32>
      %add3A_387 = arith.addf %add3A_372, %exp3A_386 : vector<16xf32>
      %eq3A_388 = arith.constant 12 : i32
      %eq3A_389 = vector.broadcast %eq3A_388 : i32 to vector<16xi32>
      %eq3A_390 = arith.cmpi eq, %get3A_205, %eq3A_389 : vector<16xi32>
      %jit3A_391 = arith.constant 0.000000e+00 : f32
      %broadcast_in_dim3A_392 = vector.broadcast %jit3A_391 : f32 to vector<16xf32>
      %select_n3A_393 = arith.select %eq3A_390, %get3A_385, %broadcast_in_dim3A_392 : vector<16xi1>, vector<16xf32>
      %add3A_394 = arith.addf %add3A_379, %select_n3A_393 : vector<16xf32>
      %get3A_395 = arith.constant 13 : i32
      %get3A_396 = arith.index_cast %get3A_395 : i32 to index
      %get3A_397 = arith.index_cast %shift_right_arithmetic3A_199 : i32 to index
      %get3A_398 = arith.index_cast %mul3A_202 : i32 to index
      %get3A_399 = tpu.vector_load %arg5[%get3A_396, %get3A_397, %get3A_398] {strides = array<i32>} : memref<19x4x512xf32, #tpu.memory_space<vmem>>, vector<1x1x16xf32>,
      %get3A_400 = vector.shape_cast %get3A_399 : vector<1x1x16xf32> to vector<16xf32>
      %exp3A_401 = math.exp %get3A_400 : vector<16xf32>
      %add3A_402 = arith.addf %add3A_387, %exp3A_401 : vector<16xf32>
      %eq3A_403 = arith.constant 13 : i32
      %eq3A_404 = vector.broadcast %eq3A_403 : i32 to vector<16xi32>
      %eq3A_405 = arith.cmpi eq, %get3A_205, %eq3A_404 : vector<16xi32>
      %jit3A_406 = arith.constant 0.000000e+00 : f32
      %broadcast_in_dim3A_407 = vector.broadcast %jit3A_406 : f32 to vector<16xf32>
      %select_n3A_408 = arith.select %eq3A_405, %get3A_400, %broadcast_in_dim3A_407 : vector<16xi1>, vector<16xf32>
      %add3A_409 = arith.addf %add3A_394, %select_n3A_408 : vector<16xf32>
      %get3A_410 = arith.constant 14 : i32
      %get3A_411 = arith.index_cast %get3A_410 : i32 to index
      %get3A_412 = arith.index_cast %shift_right_arithmetic3A_199 : i32 to index
      %get3A_413 = arith.index_cast %mul3A_202 : i32 to index
      %get3A_414 = tpu.vector_load %arg5[%get3A_411, %get3A_412, %get3A_413] {strides = array<i32>} : memref<19x4x512xf32, #tpu.memory_space<vmem>>, vector<1x1x16xf32>,
      %get3A_415 = vector.shape_cast %get3A_414 : vector<1x1x16xf32> to vector<16xf32>
      %exp3A_416 = math.exp %get3A_415 : vector<16xf32>
      %add3A_417 = arith.addf %add3A_402, %exp3A_416 : vector<16xf32>
      %eq3A_418 = arith.constant 14 : i32
      %eq3A_419 = vector.broadcast %eq3A_418 : i32 to vector<16xi32>
      %eq3A_420 = arith.cmpi eq, %get3A_205, %eq3A_419 : vector<16xi32>
      %jit3A_421 = arith.constant 0.000000e+00 : f32
      %broadcast_in_dim3A_422 = vector.broadcast %jit3A_421 : f32 to vector<16xf32>
      %select_n3A_423 = arith.select %eq3A_420, %get3A_415, %broadcast_in_dim3A_422 : vector<16xi1>, vector<16xf32>
      %add3A_424 = arith.addf %add3A_409, %select_n3A_423 : vector<16xf32>
      %get3A_425 = arith.constant 15 : i32
      %get3A_426 = arith.index_cast %get3A_425 : i32 to index
      %get3A_427 = arith.index_cast %shift_right_arithmetic3A_199 : i32 to index
      %get3A_428 = arith.index_cast %mul3A_202 : i32 to index
      %get3A_429 = tpu.vector_load %arg5[%get3A_426, %get3A_427, %get3A_428] {strides = array<i32>} : memref<19x4x512xf32, #tpu.memory_space<vmem>>, vector<1x1x16xf32>,
      %get3A_430 = vector.shape_cast %get3A_429 : vector<1x1x16xf32> to vector<16xf32>
      %exp3A_431 = math.exp %get3A_430 : vector<16xf32>
      %add3A_432 = arith.addf %add3A_417, %exp3A_431 : vector<16xf32>
      %eq3A_433 = arith.constant 15 : i32
      %eq3A_434 = vector.broadcast %eq3A_433 : i32 to vector<16xi32>
      %eq3A_435 = arith.cmpi eq, %get3A_205, %eq3A_434 : vector<16xi32>
      %jit3A_436 = arith.constant 0.000000e+00 : f32
      %broadcast_in_dim3A_437 = vector.broadcast %jit3A_436 : f32 to vector<16xf32>
      %select_n3A_438 = arith.select %eq3A_435, %get3A_430, %broadcast_in_dim3A_437 : vector<16xi1>, vector<16xf32>
      %add3A_439 = arith.addf %add3A_424, %select_n3A_438 : vector<16xf32>
      %get3A_440 = arith.constant 16 : i32
      %get3A_441 = arith.index_cast %get3A_440 : i32 to index
      %get3A_442 = arith.index_cast %shift_right_arithmetic3A_199 : i32 to index
      %get3A_443 = arith.index_cast %mul3A_202 : i32 to index
      %get3A_444 = tpu.vector_load %arg5[%get3A_441, %get3A_442, %get3A_443] {strides = array<i32>} : memref<19x4x512xf32, #tpu.memory_space<vmem>>, vector<1x1x16xf32>,
      %get3A_445 = vector.shape_cast %get3A_444 : vector<1x1x16xf32> to vector<16xf32>
      %exp3A_446 = math.exp %get3A_445 : vector<16xf32>
      %add3A_447 = arith.addf %add3A_432, %exp3A_446 : vector<16xf32>
      %eq3A_448 = arith.constant 16 : i32
      %eq3A_449 = vector.broadcast %eq3A_448 : i32 to vector<16xi32>
      %eq3A_450 = arith.cmpi eq, %get3A_205, %eq3A_449 : vector<16xi32>
      %jit3A_451 = arith.constant 0.000000e+00 : f32
      %broadcast_in_dim3A_452 = vector.broadcast %jit3A_451 : f32 to vector<16xf32>
      %select_n3A_453 = arith.select %eq3A_450, %get3A_445, %broadcast_in_dim3A_452 : vector<16xi1>, vector<16xf32>
      %add3A_454 = arith.addf %add3A_439, %select_n3A_453 : vector<16xf32>
      %get3A_455 = arith.constant 17 : i32
      %get3A_456 = arith.index_cast %get3A_455 : i32 to index
      %get3A_457 = arith.index_cast %shift_right_arithmetic3A_199 : i32 to index
      %get3A_458 = arith.index_cast %mul3A_202 : i32 to index
      %get3A_459 = tpu.vector_load %arg5[%get3A_456, %get3A_457, %get3A_458] {strides = array<i32>} : memref<19x4x512xf32, #tpu.memory_space<vmem>>, vector<1x1x16xf32>,
      %get3A_460 = vector.shape_cast %get3A_459 : vector<1x1x16xf32> to vector<16xf32>
      %exp3A_461 = math.exp %get3A_460 : vector<16xf32>
      %add3A_462 = arith.addf %add3A_447, %exp3A_461 : vector<16xf32>
      %eq3A_463 = arith.constant 17 : i32
      %eq3A_464 = vector.broadcast %eq3A_463 : i32 to vector<16xi32>
      %eq3A_465 = arith.cmpi eq, %get3A_205, %eq3A_464 : vector<16xi32>
      %jit3A_466 = arith.constant 0.000000e+00 : f32
      %broadcast_in_dim3A_467 = vector.broadcast %jit3A_466 : f32 to vector<16xf32>
      %select_n3A_468 = arith.select %eq3A_465, %get3A_460, %broadcast_in_dim3A_467 : vector<16xi1>, vector<16xf32>
      %add3A_469 = arith.addf %add3A_454, %select_n3A_468 : vector<16xf32>
      %get3A_470 = arith.constant 18 : i32
      %get3A_471 = arith.index_cast %get3A_470 : i32 to index
      %get3A_472 = arith.index_cast %shift_right_arithmetic3A_199 : i32 to index
      %get3A_473 = arith.index_cast %mul3A_202 : i32 to index
      %get3A_474 = tpu.vector_load %arg5[%get3A_471, %get3A_472, %get3A_473] {strides = array<i32>} : memref<19x4x512xf32, #tpu.memory_space<vmem>>, vector<1x1x16xf32>,
      %get3A_475 = vector.shape_cast %get3A_474 : vector<1x1x16xf32> to vector<16xf32>
      %exp3A_476 = math.exp %get3A_475 : vector<16xf32>
      %add3A_477 = arith.addf %add3A_462, %exp3A_476 : vector<16xf32>
      %eq3A_478 = arith.constant 18 : i32
      %eq3A_479 = vector.broadcast %eq3A_478 : i32 to vector<16xi32>
      %eq3A_480 = arith.cmpi eq, %get3A_205, %eq3A_479 : vector<16xi32>
      %jit3A_481 = arith.constant 0.000000e+00 : f32
      %broadcast_in_dim3A_482 = vector.broadcast %jit3A_481 : f32 to vector<16xf32>
      %select_n3A_483 = arith.select %eq3A_480, %get3A_475, %broadcast_in_dim3A_482 : vector<16xi1>, vector<16xf32>
      %add3A_484 = arith.addf %add3A_469, %select_n3A_483 : vector<16xf32>
      %bitcast_convert_type3A = tpu.bitcast %add3A_477 : vector<16xf32> -> vector<16xi32>
      %convert_element_type3A = arith.sitofp %bitcast_convert_type3A : vector<16xi32> to vector<16xf32>
      %sub3A = arith.constant 1.06486682E+9 : f32
      %sub3A_485 = vector.broadcast %sub3A : f32 to vector<16xf32>
      %sub3A_486 = arith.subf %convert_element_type3A, %sub3A_485 : vector<16xf32>
      %mul3A_487 = arith.constant 8.26295832E-8 : f32
      %mul3A_488 = vector.broadcast %mul3A_487 : f32 to vector<16xf32>
      %mul3A_489 = arith.mulf %sub3A_486, %mul3A_488 : vector<16xf32>
      %neg3A = arith.constant 0.000000e+00 : f32
      %neg3A_490 = vector.broadcast %neg3A : f32 to vector<16xf32>
      %neg3A_491 = arith.subf %neg3A_490, %mul3A_489 : vector<16xf32>
      %exp3A_492 = math.exp %neg3A_491 : vector<16xf32>
      %mul3A_493 = arith.mulf %add3A_477, %exp3A_492 : vector<16xf32>
      %add3A_494 = arith.addf %mul3A_489, %mul3A_493 : vector<16xf32>
      %sub3A_495 = arith.constant 1.000000e+00 : f32
      %sub3A_496 = vector.broadcast %sub3A_495 : f32 to vector<16xf32>
      %sub3A_497 = arith.subf %add3A_494, %sub3A_496 : vector<16xf32>
      %neg3A_498 = arith.constant 0.000000e+00 : f32
      %neg3A_499 = vector.broadcast %neg3A_498 : f32 to vector<16xf32>
      %neg3A_500 = arith.subf %neg3A_499, %sub3A_497 : vector<16xf32>
      %exp3A_501 = math.exp %neg3A_500 : vector<16xf32>
      %mul3A_502 = arith.mulf %add3A_477, %exp3A_501 : vector<16xf32>
      %add3A_503 = arith.addf %sub3A_497, %mul3A_502 : vector<16xf32>
      %sub3A_504 = arith.constant 1.000000e+00 : f32
      %sub3A_505 = vector.broadcast %sub3A_504 : f32 to vector<16xf32>
      %sub3A_506 = arith.subf %add3A_503, %sub3A_505 : vector<16xf32>
      %sub3A_507 = arith.subf %sub3A_506, %add3A_484 : vector<16xf32>
      %gt3A = arith.constant 0.356674939 : f32
      %gt3A_508 = vector.broadcast %gt3A : f32 to vector<16xf32>
      %gt3A_509 = arith.cmpf ogt, %sub3A_507, %gt3A_508 : vector<16xf32>
      %jit3A_510 = arith.constant 1.000000e+00 : f32
      %jit3A_511 = arith.constant 0.000000e+00 : f32
      %broadcast_in_dim3A_512 = vector.broadcast %jit3A_510 : f32 to vector<16xf32>
      %broadcast_in_dim3A_513 = vector.broadcast %jit3A_511 : f32 to vector<16xf32>
      %select_n3A_514 = arith.select %gt3A_509, %broadcast_in_dim3A_512, %broadcast_in_dim3A_513 : vector<16xi1>, vector<16xf32>
      %mul3A_515 = arith.mulf %select_n3A_514, %sub3A_507 : vector<16xf32>
      %add3A_516 = arith.addf %scan3A_182, %mul3A_515 : vector<16xf32>
      %add3A_517 = arith.addf %scan3A_183, %select_n3A_514 : vector<16xf32>
      %add3A_518 = arith.addf %scan3A_184, %sub3A_507 : vector<16xf32>
      %ge3A = arith.constant 0.0445843674 : f32
      %ge3A_519 = vector.broadcast %ge3A : f32 to vector<16xf32>
      %ge3A_520 = arith.cmpf oge, %sub3A_507, %ge3A_519 : vector<16xf32>
      %jit3A_521 = arith.constant 1.000000e+00 : f32
      %jit3A_522 = arith.constant 0.000000e+00 : f32
      %broadcast_in_dim3A_523 = vector.broadcast %jit3A_521 : f32 to vector<16xf32>
      %broadcast_in_dim3A_524 = vector.broadcast %jit3A_522 : f32 to vector<16xf32>
      %select_n3A_525 = arith.select %ge3A_520, %broadcast_in_dim3A_523, %broadcast_in_dim3A_524 : vector<16xi1>, vector<16xf32>
      %add3A_526 = arith.addf %scan3A_185, %select_n3A_525 : vector<16xf32>
      %mul3A_527 = arith.mulf %select_n3A_525, %sub3A_507 : vector<16xf32>
      %add3A_528 = arith.addf %scan3A_192, %mul3A_527 : vector<16xf32>
      %ge3A_529 = arith.constant 0.0891687348 : f32
      %ge3A_530 = vector.broadcast %ge3A_529 : f32 to vector<16xf32>
      %ge3A_531 = arith.cmpf oge, %sub3A_507, %ge3A_530 : vector<16xf32>
      %jit3A_532 = arith.constant 1.000000e+00 : f32
      %jit3A_533 = arith.constant 0.000000e+00 : f32
      %broadcast_in_dim3A_534 = vector.broadcast %jit3A_532 : f32 to vector<16xf32>
      %broadcast_in_dim3A_535 = vector.broadcast %jit3A_533 : f32 to vector<16xf32>
      %select_n3A_536 = arith.select %ge3A_531, %broadcast_in_dim3A_534, %broadcast_in_dim3A_535 : vector<16xi1>, vector<16xf32>
      %add3A_537 = arith.addf %scan3A_186, %select_n3A_536 : vector<16xf32>
      %mul3A_538 = arith.mulf %select_n3A_536, %sub3A_507 : vector<16xf32>
      %add3A_539 = arith.addf %scan3A_193, %mul3A_538 : vector<16xf32>
      %ge3A_540 = arith.constant 0.133753106 : f32
      %ge3A_541 = vector.broadcast %ge3A_540 : f32 to vector<16xf32>
      %ge3A_542 = arith.cmpf oge, %sub3A_507, %ge3A_541 : vector<16xf32>
      %jit3A_543 = arith.constant 1.000000e+00 : f32
      %jit3A_544 = arith.constant 0.000000e+00 : f32
      %broadcast_in_dim3A_545 = vector.broadcast %jit3A_543 : f32 to vector<16xf32>
      %broadcast_in_dim3A_546 = vector.broadcast %jit3A_544 : f32 to vector<16xf32>
      %select_n3A_547 = arith.select %ge3A_542, %broadcast_in_dim3A_545, %broadcast_in_dim3A_546 : vector<16xi1>, vector<16xf32>
      %add3A_548 = arith.addf %scan3A_187, %select_n3A_547 : vector<16xf32>
      %mul3A_549 = arith.mulf %select_n3A_547, %sub3A_507 : vector<16xf32>
      %add3A_550 = arith.addf %scan3A_194, %mul3A_549 : vector<16xf32>
      %ge3A_551 = arith.constant 0.17833747 : f32
      %ge3A_552 = vector.broadcast %ge3A_551 : f32 to vector<16xf32>
      %ge3A_553 = arith.cmpf oge, %sub3A_507, %ge3A_552 : vector<16xf32>
      %jit3A_554 = arith.constant 1.000000e+00 : f32
      %jit3A_555 = arith.constant 0.000000e+00 : f32
      %broadcast_in_dim3A_556 = vector.broadcast %jit3A_554 : f32 to vector<16xf32>
      %broadcast_in_dim3A_557 = vector.broadcast %jit3A_555 : f32 to vector<16xf32>
      %select_n3A_558 = arith.select %ge3A_553, %broadcast_in_dim3A_556, %broadcast_in_dim3A_557 : vector<16xi1>, vector<16xf32>
      %add3A_559 = arith.addf %scan3A_188, %select_n3A_558 : vector<16xf32>
      %mul3A_560 = arith.mulf %select_n3A_558, %sub3A_507 : vector<16xf32>
      %add3A_561 = arith.addf %scan3A_195, %mul3A_560 : vector<16xf32>
      %ge3A_562 = arith.constant 0.222921833 : f32
      %ge3A_563 = vector.broadcast %ge3A_562 : f32 to vector<16xf32>
      %ge3A_564 = arith.cmpf oge, %sub3A_507, %ge3A_563 : vector<16xf32>
      %jit3A_565 = arith.constant 1.000000e+00 : f32
      %jit3A_566 = arith.constant 0.000000e+00 : f32
      %broadcast_in_dim3A_567 = vector.broadcast %jit3A_565 : f32 to vector<16xf32>
      %broadcast_in_dim3A_568 = vector.broadcast %jit3A_566 : f32 to vector<16xf32>
      %select_n3A_569 = arith.select %ge3A_564, %broadcast_in_dim3A_567, %broadcast_in_dim3A_568 : vector<16xi1>, vector<16xf32>
      %add3A_570 = arith.addf %scan3A_189, %select_n3A_569 : vector<16xf32>
      %mul3A_571 = arith.mulf %select_n3A_569, %sub3A_507 : vector<16xf32>
      %add3A_572 = arith.addf %scan3A_196, %mul3A_571 : vector<16xf32>
      %ge3A_573 = arith.constant 0.267506212 : f32
      %ge3A_574 = vector.broadcast %ge3A_573 : f32 to vector<16xf32>
      %ge3A_575 = arith.cmpf oge, %sub3A_507, %ge3A_574 : vector<16xf32>
      %jit3A_576 = arith.constant 1.000000e+00 : f32
      %jit3A_577 = arith.constant 0.000000e+00 : f32
      %broadcast_in_dim3A_578 = vector.broadcast %jit3A_576 : f32 to vector<16xf32>
      %broadcast_in_dim3A_579 = vector.broadcast %jit3A_577 : f32 to vector<16xf32>
      %select_n3A_580 = arith.select %ge3A_575, %broadcast_in_dim3A_578, %broadcast_in_dim3A_579 : vector<16xi1>, vector<16xf32>
      %add3A_581 = arith.addf %scan3A_190, %select_n3A_580 : vector<16xf32>
      %mul3A_582 = arith.mulf %select_n3A_580, %sub3A_507 : vector<16xf32>
      %add3A_583 = arith.addf %scan3A_197, %mul3A_582 : vector<16xf32>
      %ge3A_584 = arith.constant 0.312090576 : f32
      %ge3A_585 = vector.broadcast %ge3A_584 : f32 to vector<16xf32>
      %ge3A_586 = arith.cmpf oge, %sub3A_507, %ge3A_585 : vector<16xf32>
      %jit3A_587 = arith.constant 1.000000e+00 : f32
      %jit3A_588 = arith.constant 0.000000e+00 : f32
      %broadcast_in_dim3A_589 = vector.broadcast %jit3A_587 : f32 to vector<16xf32>
      %broadcast_in_dim3A_590 = vector.broadcast %jit3A_588 : f32 to vector<16xf32>
      %select_n3A_591 = arith.select %ge3A_586, %broadcast_in_dim3A_589, %broadcast_in_dim3A_590 : vector<16xi1>, vector<16xf32>
      %add3A_592 = arith.addf %scan3A_191, %select_n3A_591 : vector<16xf32>
      %mul3A_593 = arith.mulf %select_n3A_591, %sub3A_507 : vector<16xf32>
      %add3A_594 = arith.addf %scan3A_198, %mul3A_593 : vector<16xf32>
      scf.yield %add3A_516, %add3A_517, %add3A_518, %add3A_526, %add3A_537, %add3A_548, %add3A_559, %add3A_570, %add3A_581, %add3A_592, %add3A_528, %add3A_539, %add3A_550, %add3A_561, %add3A_572, %add3A_583, %add3A_594 : vector<16xf32>, vector<16xf32>, vector<16xf32>, vector<16xf32>, vector<16xf32>, vector<16xf32>, vector<16xf32>, vector<16xf32>, vector<16xf32>, vector<16xf32>, vector<16xf32>, vector<16xf32>, vector<16xf32>, vector<16xf32>, vector<16xf32>, vector<16xf32>, vector<16xf32>
    }
    %scan3A_43 = arith.constant 128 : i32
    %mul3A_44 = arith.constant 16 : i32
    %mul3A_45 = arith.muli %add3A, %mul3A_44 : i32
    %add3A_46 = arith.constant 4 : i32
    %add3A_47 = arith.addi %mul3A_45, %add3A_46 : i32
    %run_scoped3A_48 = arith.constant 7 : i32
    "tpu.region"() ({
      %run_scoped3A_181 = tpu.sem_alloc : memref<!tpu.dma_semaphore, #tpu.memory_space<semaphore_mem>>
      %dma_start3A = arith.constant 0 : i32
      %dma_start3A_182 = arith.constant 0 : i32
      %dma_start3A_183 = tpu.memref_slice %arg2[%run_scoped3A_48, %dma_start3A, %add3A_47, %dma_start3A_182] : memref<8x19x512x512xf32, #tpu.memory_space<hbm>> -> memref<1x19x4x512xf32, #tpu.memory_space<hbm>>
      %dma_start3A_184 = tpu.memref_squeeze %dma_start3A_183 : memref<1x19x4x512xf32, #tpu.memory_space<hbm>> -> memref<19x4x512xf32, #tpu.memory_space<hbm>>
      %dma_start3A_185 = arith.constant 0 : i32
      %dma_start3A_186 = arith.constant 0 : i32
      %dma_start3A_187 = tpu.memref_slice %arg2[%run_scoped3A_48, %dma_start3A_185, %add3A_47, %dma_start3A_186] : memref<8x19x512x512xf32, #tpu.memory_space<hbm>> -> memref<1x19x4x512xf32, #tpu.memory_space<hbm>>
      %dma_start3A_188 = tpu.memref_squeeze %dma_start3A_187 : memref<1x19x4x512xf32, #tpu.memory_space<hbm>> -> memref<19x4x512xf32, #tpu.memory_space<hbm>>
      tpu.enqueue_dma source(%dma_start3A_188 : memref<19x4x512xf32, #tpu.memory_space<hbm>>) target(%arg5 : memref<19x4x512xf32, #tpu.memory_space<vmem>>) target_semaphore(%run_scoped3A_181 : memref<!tpu.dma_semaphore, #tpu.memory_space<semaphore_mem>>)
      %dma_wait3A = arith.constant 0 : i32
      %dma_wait3A_189 = arith.constant 0 : i32
      %dma_wait3A_190 = tpu.memref_slice %arg2[%run_scoped3A_48, %dma_wait3A, %add3A_47, %dma_wait3A_189] : memref<8x19x512x512xf32, #tpu.memory_space<hbm>> -> memref<1x19x4x512xf32, #tpu.memory_space<hbm>>
      %dma_wait3A_191 = tpu.memref_squeeze %dma_wait3A_190 : memref<1x19x4x512xf32, #tpu.memory_space<hbm>> -> memref<19x4x512xf32, #tpu.memory_space<hbm>>
      %dma_wait3A_192 = arith.constant 0 : i32
      %dma_wait3A_193 = arith.constant 0 : i32
      %dma_wait3A_194 = tpu.memref_slice %arg2[%run_scoped3A_48, %dma_wait3A_192, %add3A_47, %dma_wait3A_193] : memref<8x19x512x512xf32, #tpu.memory_space<hbm>> -> memref<1x19x4x512xf32, #tpu.memory_space<hbm>>
      %dma_wait3A_195 = tpu.memref_squeeze %dma_wait3A_194 : memref<1x19x4x512xf32, #tpu.memory_space<hbm>> -> memref<19x4x512xf32, #tpu.memory_space<hbm>>
      tpu.wait_dma2 semaphore(%run_scoped3A_181 : memref<!tpu.dma_semaphore, #tpu.memory_space<semaphore_mem>>) src(%dma_wait3A_195 : memref<19x4x512xf32, #tpu.memory_space<hbm>>) dst(%arg5 : memref<19x4x512xf32, #tpu.memory_space<vmem>>)
      tpu.yield
    }) : () -> ()
    %run_scoped3A_49 = arith.constant 7 : i32
    "tpu.region"() ({
      %run_scoped3A_181 = tpu.sem_alloc : memref<!tpu.dma_semaphore, #tpu.memory_space<semaphore_mem>>
      %dma_start3A = arith.constant 0 : i32
      %dma_start3A_182 = tpu.memref_slice %arg3[%run_scoped3A_49, %add3A_47, %dma_start3A] : memref<8x512x512xi32, #tpu.memory_space<hbm>> -> memref<1x4x512xi32, #tpu.memory_space<hbm>>
      %dma_start3A_183 = tpu.memref_squeeze %dma_start3A_182 : memref<1x4x512xi32, #tpu.memory_space<hbm>> -> memref<4x512xi32, #tpu.memory_space<hbm>>
      %dma_start3A_184 = arith.constant 0 : i32
      %dma_start3A_185 = tpu.memref_slice %arg3[%run_scoped3A_49, %add3A_47, %dma_start3A_184] : memref<8x512x512xi32, #tpu.memory_space<hbm>> -> memref<1x4x512xi32, #tpu.memory_space<hbm>>
      %dma_start3A_186 = tpu.memref_squeeze %dma_start3A_185 : memref<1x4x512xi32, #tpu.memory_space<hbm>> -> memref<4x512xi32, #tpu.memory_space<hbm>>
      tpu.enqueue_dma source(%dma_start3A_186 : memref<4x512xi32, #tpu.memory_space<hbm>>) target(%arg6 : memref<4x512xi32, #tpu.memory_space<vmem>>) target_semaphore(%run_scoped3A_181 : memref<!tpu.dma_semaphore, #tpu.memory_space<semaphore_mem>>)
      %dma_wait3A = arith.constant 0 : i32
      %dma_wait3A_187 = tpu.memref_slice %arg3[%run_scoped3A_49, %add3A_47, %dma_wait3A] : memref<8x512x512xi32, #tpu.memory_space<hbm>> -> memref<1x4x512xi32, #tpu.memory_space<hbm>>
      %dma_wait3A_188 = tpu.memref_squeeze %dma_wait3A_187 : memref<1x4x512xi32, #tpu.memory_space<hbm>> -> memref<4x512xi32, #tpu.memory_space<hbm>>
      %dma_wait3A_189 = arith.constant 0 : i32
      %dma_wait3A_190 = tpu.memref_slice %arg3[%run_scoped3A_49, %add3A_47, %dma_wait3A_189] : memref<8x512x512xi32, #tpu.memory_space<hbm>> -> memref<1x4x512xi32, #tpu.memory_space<hbm>>
      %dma_wait3A_191 = tpu.memref_squeeze %dma_wait3A_190 : memref<1x4x512xi32, #tpu.memory_space<hbm>> -> memref<4x512xi32, #tpu.memory_space<hbm>>
      tpu.wait_dma2 semaphore(%run_scoped3A_181 : memref<!tpu.dma_semaphore, #tpu.memory_space<semaphore_mem>>) src(%dma_wait3A_191 : memref<4x512xi32, #tpu.memory_space<hbm>>) dst(%arg6 : memref<4x512xi32, #tpu.memory_space<vmem>>)
      tpu.yield
    }) : () -> ()
    %scan3A_50 = arith.constant 0 : i32
    %scan3A_51 = arith.constant 128 : i32
    %scan3A_52 = arith.addi %scan3A_50, %scan3A_51 : i32
    %scan3A_53 = arith.constant 1 : i32
    %scan3A_54:17 = scf.for %scan3A_181 = %scan3A_50 to %scan3A_52 step %scan3A_53 iter_args(%scan3A_182 = %scan3A_42#0, %scan3A_183 = %scan3A_42#1, %scan3A_184 = %scan3A_42#2, %scan3A_185 = %scan3A_42#3, %scan3A_186 = %scan3A_42#4, %scan3A_187 = %scan3A_42#5, %scan3A_188 = %scan3A_42#6, %scan3A_189 = %scan3A_42#7, %scan3A_190 = %scan3A_42#8, %scan3A_191 = %scan3A_42#9, %scan3A_192 = %scan3A_42#10, %scan3A_193 = %scan3A_42#11, %scan3A_194 = %scan3A_42#12, %scan3A_195 = %scan3A_42#13, %scan3A_196 = %scan3A_42#14, %scan3A_197 = %scan3A_42#15, %scan3A_198 = %scan3A_42#16) -> (vector<16xf32>, vector<16xf32>, vector<16xf32>, vector<16xf32>, vector<16xf32>, vector<16xf32>, vector<16xf32>, vector<16xf32>, vector<16xf32>, vector<16xf32>, vector<16xf32>, vector<16xf32>, vector<16xf32>, vector<16xf32>, vector<16xf32>, vector<16xf32>, vector<16xf32>)  : i32 {
      %shift_right_arithmetic3A = arith.constant 5 : i32
      %shift_right_arithmetic3A_199 = arith.shrsi %scan3A_181, %shift_right_arithmetic3A : i32
      %and3A = arith.constant 31 : i32
      %and3A_200 = arith.andi %scan3A_181, %and3A : i32
      %mul3A_201 = arith.constant 16 : i32
      %mul3A_202 = arith.muli %and3A_200, %mul3A_201 : i32
      %get3A = arith.index_cast %shift_right_arithmetic3A_199 : i32 to index
      %get3A_203 = arith.index_cast %mul3A_202 : i32 to index
      %get3A_204 = tpu.vector_load %arg6[%get3A, %get3A_203] {strides = array<i32>} : memref<4x512xi32, #tpu.memory_space<vmem>>, vector<1x16xi32>,
      %get3A_205 = vector.shape_cast %get3A_204 : vector<1x16xi32> to vector<16xi32>
      %get3A_206 = arith.constant 0 : i32
      %get3A_207 = arith.index_cast %get3A_206 : i32 to index
      %get3A_208 = arith.index_cast %shift_right_arithmetic3A_199 : i32 to index
      %get3A_209 = arith.index_cast %mul3A_202 : i32 to index
      %get3A_210 = tpu.vector_load %arg5[%get3A_207, %get3A_208, %get3A_209] {strides = array<i32>} : memref<19x4x512xf32, #tpu.memory_space<vmem>>, vector<1x1x16xf32>,
      %get3A_211 = vector.shape_cast %get3A_210 : vector<1x1x16xf32> to vector<16xf32>
      %exp3A = math.exp %get3A_211 : vector<16xf32>
      %eq3A = arith.constant 0 : i32
      %eq3A_212 = vector.broadcast %eq3A : i32 to vector<16xi32>
      %eq3A_213 = arith.cmpi eq, %get3A_205, %eq3A_212 : vector<16xi32>
      %jit3A = arith.constant 0.000000e+00 : f32
      %broadcast_in_dim3A_214 = vector.broadcast %jit3A : f32 to vector<16xf32>
      %select_n3A = arith.select %eq3A_213, %get3A_211, %broadcast_in_dim3A_214 : vector<16xi1>, vector<16xf32>
      %get3A_215 = arith.constant 1 : i32
      %get3A_216 = arith.index_cast %get3A_215 : i32 to index
      %get3A_217 = arith.index_cast %shift_right_arithmetic3A_199 : i32 to index
      %get3A_218 = arith.index_cast %mul3A_202 : i32 to index
      %get3A_219 = tpu.vector_load %arg5[%get3A_216, %get3A_217, %get3A_218] {strides = array<i32>} : memref<19x4x512xf32, #tpu.memory_space<vmem>>, vector<1x1x16xf32>,
      %get3A_220 = vector.shape_cast %get3A_219 : vector<1x1x16xf32> to vector<16xf32>
      %exp3A_221 = math.exp %get3A_220 : vector<16xf32>
      %add3A_222 = arith.addf %exp3A, %exp3A_221 : vector<16xf32>
      %eq3A_223 = arith.constant 1 : i32
      %eq3A_224 = vector.broadcast %eq3A_223 : i32 to vector<16xi32>
      %eq3A_225 = arith.cmpi eq, %get3A_205, %eq3A_224 : vector<16xi32>
      %jit3A_226 = arith.constant 0.000000e+00 : f32
      %broadcast_in_dim3A_227 = vector.broadcast %jit3A_226 : f32 to vector<16xf32>
      %select_n3A_228 = arith.select %eq3A_225, %get3A_220, %broadcast_in_dim3A_227 : vector<16xi1>, vector<16xf32>
      %add3A_229 = arith.addf %select_n3A, %select_n3A_228 : vector<16xf32>
      %get3A_230 = arith.constant 2 : i32
      %get3A_231 = arith.index_cast %get3A_230 : i32 to index
      %get3A_232 = arith.index_cast %shift_right_arithmetic3A_199 : i32 to index
      %get3A_233 = arith.index_cast %mul3A_202 : i32 to index
      %get3A_234 = tpu.vector_load %arg5[%get3A_231, %get3A_232, %get3A_233] {strides = array<i32>} : memref<19x4x512xf32, #tpu.memory_space<vmem>>, vector<1x1x16xf32>,
      %get3A_235 = vector.shape_cast %get3A_234 : vector<1x1x16xf32> to vector<16xf32>
      %exp3A_236 = math.exp %get3A_235 : vector<16xf32>
      %add3A_237 = arith.addf %add3A_222, %exp3A_236 : vector<16xf32>
      %eq3A_238 = arith.constant 2 : i32
      %eq3A_239 = vector.broadcast %eq3A_238 : i32 to vector<16xi32>
      %eq3A_240 = arith.cmpi eq, %get3A_205, %eq3A_239 : vector<16xi32>
      %jit3A_241 = arith.constant 0.000000e+00 : f32
      %broadcast_in_dim3A_242 = vector.broadcast %jit3A_241 : f32 to vector<16xf32>
      %select_n3A_243 = arith.select %eq3A_240, %get3A_235, %broadcast_in_dim3A_242 : vector<16xi1>, vector<16xf32>
      %add3A_244 = arith.addf %add3A_229, %select_n3A_243 : vector<16xf32>
      %get3A_245 = arith.constant 3 : i32
      %get3A_246 = arith.index_cast %get3A_245 : i32 to index
      %get3A_247 = arith.index_cast %shift_right_arithmetic3A_199 : i32 to index
      %get3A_248 = arith.index_cast %mul3A_202 : i32 to index
      %get3A_249 = tpu.vector_load %arg5[%get3A_246, %get3A_247, %get3A_248] {strides = array<i32>} : memref<19x4x512xf32, #tpu.memory_space<vmem>>, vector<1x1x16xf32>,
      %get3A_250 = vector.shape_cast %get3A_249 : vector<1x1x16xf32> to vector<16xf32>
      %exp3A_251 = math.exp %get3A_250 : vector<16xf32>
      %add3A_252 = arith.addf %add3A_237, %exp3A_251 : vector<16xf32>
      %eq3A_253 = arith.constant 3 : i32
      %eq3A_254 = vector.broadcast %eq3A_253 : i32 to vector<16xi32>
      %eq3A_255 = arith.cmpi eq, %get3A_205, %eq3A_254 : vector<16xi32>
      %jit3A_256 = arith.constant 0.000000e+00 : f32
      %broadcast_in_dim3A_257 = vector.broadcast %jit3A_256 : f32 to vector<16xf32>
      %select_n3A_258 = arith.select %eq3A_255, %get3A_250, %broadcast_in_dim3A_257 : vector<16xi1>, vector<16xf32>
      %add3A_259 = arith.addf %add3A_244, %select_n3A_258 : vector<16xf32>
      %get3A_260 = arith.constant 4 : i32
      %get3A_261 = arith.index_cast %get3A_260 : i32 to index
      %get3A_262 = arith.index_cast %shift_right_arithmetic3A_199 : i32 to index
      %get3A_263 = arith.index_cast %mul3A_202 : i32 to index
      %get3A_264 = tpu.vector_load %arg5[%get3A_261, %get3A_262, %get3A_263] {strides = array<i32>} : memref<19x4x512xf32, #tpu.memory_space<vmem>>, vector<1x1x16xf32>,
      %get3A_265 = vector.shape_cast %get3A_264 : vector<1x1x16xf32> to vector<16xf32>
      %exp3A_266 = math.exp %get3A_265 : vector<16xf32>
      %add3A_267 = arith.addf %add3A_252, %exp3A_266 : vector<16xf32>
      %eq3A_268 = arith.constant 4 : i32
      %eq3A_269 = vector.broadcast %eq3A_268 : i32 to vector<16xi32>
      %eq3A_270 = arith.cmpi eq, %get3A_205, %eq3A_269 : vector<16xi32>
      %jit3A_271 = arith.constant 0.000000e+00 : f32
      %broadcast_in_dim3A_272 = vector.broadcast %jit3A_271 : f32 to vector<16xf32>
      %select_n3A_273 = arith.select %eq3A_270, %get3A_265, %broadcast_in_dim3A_272 : vector<16xi1>, vector<16xf32>
      %add3A_274 = arith.addf %add3A_259, %select_n3A_273 : vector<16xf32>
      %get3A_275 = arith.constant 5 : i32
      %get3A_276 = arith.index_cast %get3A_275 : i32 to index
      %get3A_277 = arith.index_cast %shift_right_arithmetic3A_199 : i32 to index
      %get3A_278 = arith.index_cast %mul3A_202 : i32 to index
      %get3A_279 = tpu.vector_load %arg5[%get3A_276, %get3A_277, %get3A_278] {strides = array<i32>} : memref<19x4x512xf32, #tpu.memory_space<vmem>>, vector<1x1x16xf32>,
      %get3A_280 = vector.shape_cast %get3A_279 : vector<1x1x16xf32> to vector<16xf32>
      %exp3A_281 = math.exp %get3A_280 : vector<16xf32>
      %add3A_282 = arith.addf %add3A_267, %exp3A_281 : vector<16xf32>
      %eq3A_283 = arith.constant 5 : i32
      %eq3A_284 = vector.broadcast %eq3A_283 : i32 to vector<16xi32>
      %eq3A_285 = arith.cmpi eq, %get3A_205, %eq3A_284 : vector<16xi32>
      %jit3A_286 = arith.constant 0.000000e+00 : f32
      %broadcast_in_dim3A_287 = vector.broadcast %jit3A_286 : f32 to vector<16xf32>
      %select_n3A_288 = arith.select %eq3A_285, %get3A_280, %broadcast_in_dim3A_287 : vector<16xi1>, vector<16xf32>
      %add3A_289 = arith.addf %add3A_274, %select_n3A_288 : vector<16xf32>
      %get3A_290 = arith.constant 6 : i32
      %get3A_291 = arith.index_cast %get3A_290 : i32 to index
      %get3A_292 = arith.index_cast %shift_right_arithmetic3A_199 : i32 to index
      %get3A_293 = arith.index_cast %mul3A_202 : i32 to index
      %get3A_294 = tpu.vector_load %arg5[%get3A_291, %get3A_292, %get3A_293] {strides = array<i32>} : memref<19x4x512xf32, #tpu.memory_space<vmem>>, vector<1x1x16xf32>,
      %get3A_295 = vector.shape_cast %get3A_294 : vector<1x1x16xf32> to vector<16xf32>
      %exp3A_296 = math.exp %get3A_295 : vector<16xf32>
      %add3A_297 = arith.addf %add3A_282, %exp3A_296 : vector<16xf32>
      %eq3A_298 = arith.constant 6 : i32
      %eq3A_299 = vector.broadcast %eq3A_298 : i32 to vector<16xi32>
      %eq3A_300 = arith.cmpi eq, %get3A_205, %eq3A_299 : vector<16xi32>
      %jit3A_301 = arith.constant 0.000000e+00 : f32
      %broadcast_in_dim3A_302 = vector.broadcast %jit3A_301 : f32 to vector<16xf32>
      %select_n3A_303 = arith.select %eq3A_300, %get3A_295, %broadcast_in_dim3A_302 : vector<16xi1>, vector<16xf32>
      %add3A_304 = arith.addf %add3A_289, %select_n3A_303 : vector<16xf32>
      %get3A_305 = arith.constant 7 : i32
      %get3A_306 = arith.index_cast %get3A_305 : i32 to index
      %get3A_307 = arith.index_cast %shift_right_arithmetic3A_199 : i32 to index
      %get3A_308 = arith.index_cast %mul3A_202 : i32 to index
      %get3A_309 = tpu.vector_load %arg5[%get3A_306, %get3A_307, %get3A_308] {strides = array<i32>} : memref<19x4x512xf32, #tpu.memory_space<vmem>>, vector<1x1x16xf32>,
      %get3A_310 = vector.shape_cast %get3A_309 : vector<1x1x16xf32> to vector<16xf32>
      %exp3A_311 = math.exp %get3A_310 : vector<16xf32>
      %add3A_312 = arith.addf %add3A_297, %exp3A_311 : vector<16xf32>
      %eq3A_313 = arith.constant 7 : i32
      %eq3A_314 = vector.broadcast %eq3A_313 : i32 to vector<16xi32>
      %eq3A_315 = arith.cmpi eq, %get3A_205, %eq3A_314 : vector<16xi32>
      %jit3A_316 = arith.constant 0.000000e+00 : f32
      %broadcast_in_dim3A_317 = vector.broadcast %jit3A_316 : f32 to vector<16xf32>
      %select_n3A_318 = arith.select %eq3A_315, %get3A_310, %broadcast_in_dim3A_317 : vector<16xi1>, vector<16xf32>
      %add3A_319 = arith.addf %add3A_304, %select_n3A_318 : vector<16xf32>
      %get3A_320 = arith.constant 8 : i32
      %get3A_321 = arith.index_cast %get3A_320 : i32 to index
      %get3A_322 = arith.index_cast %shift_right_arithmetic3A_199 : i32 to index
      %get3A_323 = arith.index_cast %mul3A_202 : i32 to index
      %get3A_324 = tpu.vector_load %arg5[%get3A_321, %get3A_322, %get3A_323] {strides = array<i32>} : memref<19x4x512xf32, #tpu.memory_space<vmem>>, vector<1x1x16xf32>,
      %get3A_325 = vector.shape_cast %get3A_324 : vector<1x1x16xf32> to vector<16xf32>
      %exp3A_326 = math.exp %get3A_325 : vector<16xf32>
      %add3A_327 = arith.addf %add3A_312, %exp3A_326 : vector<16xf32>
      %eq3A_328 = arith.constant 8 : i32
      %eq3A_329 = vector.broadcast %eq3A_328 : i32 to vector<16xi32>
      %eq3A_330 = arith.cmpi eq, %get3A_205, %eq3A_329 : vector<16xi32>
      %jit3A_331 = arith.constant 0.000000e+00 : f32
      %broadcast_in_dim3A_332 = vector.broadcast %jit3A_331 : f32 to vector<16xf32>
      %select_n3A_333 = arith.select %eq3A_330, %get3A_325, %broadcast_in_dim3A_332 : vector<16xi1>, vector<16xf32>
      %add3A_334 = arith.addf %add3A_319, %select_n3A_333 : vector<16xf32>
      %get3A_335 = arith.constant 9 : i32
      %get3A_336 = arith.index_cast %get3A_335 : i32 to index
      %get3A_337 = arith.index_cast %shift_right_arithmetic3A_199 : i32 to index
      %get3A_338 = arith.index_cast %mul3A_202 : i32 to index
      %get3A_339 = tpu.vector_load %arg5[%get3A_336, %get3A_337, %get3A_338] {strides = array<i32>} : memref<19x4x512xf32, #tpu.memory_space<vmem>>, vector<1x1x16xf32>,
      %get3A_340 = vector.shape_cast %get3A_339 : vector<1x1x16xf32> to vector<16xf32>
      %exp3A_341 = math.exp %get3A_340 : vector<16xf32>
      %add3A_342 = arith.addf %add3A_327, %exp3A_341 : vector<16xf32>
      %eq3A_343 = arith.constant 9 : i32
      %eq3A_344 = vector.broadcast %eq3A_343 : i32 to vector<16xi32>
      %eq3A_345 = arith.cmpi eq, %get3A_205, %eq3A_344 : vector<16xi32>
      %jit3A_346 = arith.constant 0.000000e+00 : f32
      %broadcast_in_dim3A_347 = vector.broadcast %jit3A_346 : f32 to vector<16xf32>
      %select_n3A_348 = arith.select %eq3A_345, %get3A_340, %broadcast_in_dim3A_347 : vector<16xi1>, vector<16xf32>
      %add3A_349 = arith.addf %add3A_334, %select_n3A_348 : vector<16xf32>
      %get3A_350 = arith.constant 10 : i32
      %get3A_351 = arith.index_cast %get3A_350 : i32 to index
      %get3A_352 = arith.index_cast %shift_right_arithmetic3A_199 : i32 to index
      %get3A_353 = arith.index_cast %mul3A_202 : i32 to index
      %get3A_354 = tpu.vector_load %arg5[%get3A_351, %get3A_352, %get3A_353] {strides = array<i32>} : memref<19x4x512xf32, #tpu.memory_space<vmem>>, vector<1x1x16xf32>,
      %get3A_355 = vector.shape_cast %get3A_354 : vector<1x1x16xf32> to vector<16xf32>
      %exp3A_356 = math.exp %get3A_355 : vector<16xf32>
      %add3A_357 = arith.addf %add3A_342, %exp3A_356 : vector<16xf32>
      %eq3A_358 = arith.constant 10 : i32
      %eq3A_359 = vector.broadcast %eq3A_358 : i32 to vector<16xi32>
      %eq3A_360 = arith.cmpi eq, %get3A_205, %eq3A_359 : vector<16xi32>
      %jit3A_361 = arith.constant 0.000000e+00 : f32
      %broadcast_in_dim3A_362 = vector.broadcast %jit3A_361 : f32 to vector<16xf32>
      %select_n3A_363 = arith.select %eq3A_360, %get3A_355, %broadcast_in_dim3A_362 : vector<16xi1>, vector<16xf32>
      %add3A_364 = arith.addf %add3A_349, %select_n3A_363 : vector<16xf32>
      %get3A_365 = arith.constant 11 : i32
      %get3A_366 = arith.index_cast %get3A_365 : i32 to index
      %get3A_367 = arith.index_cast %shift_right_arithmetic3A_199 : i32 to index
      %get3A_368 = arith.index_cast %mul3A_202 : i32 to index
      %get3A_369 = tpu.vector_load %arg5[%get3A_366, %get3A_367, %get3A_368] {strides = array<i32>} : memref<19x4x512xf32, #tpu.memory_space<vmem>>, vector<1x1x16xf32>,
      %get3A_370 = vector.shape_cast %get3A_369 : vector<1x1x16xf32> to vector<16xf32>
      %exp3A_371 = math.exp %get3A_370 : vector<16xf32>
      %add3A_372 = arith.addf %add3A_357, %exp3A_371 : vector<16xf32>
      %eq3A_373 = arith.constant 11 : i32
      %eq3A_374 = vector.broadcast %eq3A_373 : i32 to vector<16xi32>
      %eq3A_375 = arith.cmpi eq, %get3A_205, %eq3A_374 : vector<16xi32>
      %jit3A_376 = arith.constant 0.000000e+00 : f32
      %broadcast_in_dim3A_377 = vector.broadcast %jit3A_376 : f32 to vector<16xf32>
      %select_n3A_378 = arith.select %eq3A_375, %get3A_370, %broadcast_in_dim3A_377 : vector<16xi1>, vector<16xf32>
      %add3A_379 = arith.addf %add3A_364, %select_n3A_378 : vector<16xf32>
      %get3A_380 = arith.constant 12 : i32
      %get3A_381 = arith.index_cast %get3A_380 : i32 to index
      %get3A_382 = arith.index_cast %shift_right_arithmetic3A_199 : i32 to index
      %get3A_383 = arith.index_cast %mul3A_202 : i32 to index
      %get3A_384 = tpu.vector_load %arg5[%get3A_381, %get3A_382, %get3A_383] {strides = array<i32>} : memref<19x4x512xf32, #tpu.memory_space<vmem>>, vector<1x1x16xf32>,
      %get3A_385 = vector.shape_cast %get3A_384 : vector<1x1x16xf32> to vector<16xf32>
      %exp3A_386 = math.exp %get3A_385 : vector<16xf32>
      %add3A_387 = arith.addf %add3A_372, %exp3A_386 : vector<16xf32>
      %eq3A_388 = arith.constant 12 : i32
      %eq3A_389 = vector.broadcast %eq3A_388 : i32 to vector<16xi32>
      %eq3A_390 = arith.cmpi eq, %get3A_205, %eq3A_389 : vector<16xi32>
      %jit3A_391 = arith.constant 0.000000e+00 : f32
      %broadcast_in_dim3A_392 = vector.broadcast %jit3A_391 : f32 to vector<16xf32>
      %select_n3A_393 = arith.select %eq3A_390, %get3A_385, %broadcast_in_dim3A_392 : vector<16xi1>, vector<16xf32>
      %add3A_394 = arith.addf %add3A_379, %select_n3A_393 : vector<16xf32>
      %get3A_395 = arith.constant 13 : i32
      %get3A_396 = arith.index_cast %get3A_395 : i32 to index
      %get3A_397 = arith.index_cast %shift_right_arithmetic3A_199 : i32 to index
      %get3A_398 = arith.index_cast %mul3A_202 : i32 to index
      %get3A_399 = tpu.vector_load %arg5[%get3A_396, %get3A_397, %get3A_398] {strides = array<i32>} : memref<19x4x512xf32, #tpu.memory_space<vmem>>, vector<1x1x16xf32>,
      %get3A_400 = vector.shape_cast %get3A_399 : vector<1x1x16xf32> to vector<16xf32>
      %exp3A_401 = math.exp %get3A_400 : vector<16xf32>
      %add3A_402 = arith.addf %add3A_387, %exp3A_401 : vector<16xf32>
      %eq3A_403 = arith.constant 13 : i32
      %eq3A_404 = vector.broadcast %eq3A_403 : i32 to vector<16xi32>
      %eq3A_405 = arith.cmpi eq, %get3A_205, %eq3A_404 : vector<16xi32>
      %jit3A_406 = arith.constant 0.000000e+00 : f32
      %broadcast_in_dim3A_407 = vector.broadcast %jit3A_406 : f32 to vector<16xf32>
      %select_n3A_408 = arith.select %eq3A_405, %get3A_400, %broadcast_in_dim3A_407 : vector<16xi1>, vector<16xf32>
      %add3A_409 = arith.addf %add3A_394, %select_n3A_408 : vector<16xf32>
      %get3A_410 = arith.constant 14 : i32
      %get3A_411 = arith.index_cast %get3A_410 : i32 to index
      %get3A_412 = arith.index_cast %shift_right_arithmetic3A_199 : i32 to index
      %get3A_413 = arith.index_cast %mul3A_202 : i32 to index
      %get3A_414 = tpu.vector_load %arg5[%get3A_411, %get3A_412, %get3A_413] {strides = array<i32>} : memref<19x4x512xf32, #tpu.memory_space<vmem>>, vector<1x1x16xf32>,
      %get3A_415 = vector.shape_cast %get3A_414 : vector<1x1x16xf32> to vector<16xf32>
      %exp3A_416 = math.exp %get3A_415 : vector<16xf32>
      %add3A_417 = arith.addf %add3A_402, %exp3A_416 : vector<16xf32>
      %eq3A_418 = arith.constant 14 : i32
      %eq3A_419 = vector.broadcast %eq3A_418 : i32 to vector<16xi32>
      %eq3A_420 = arith.cmpi eq, %get3A_205, %eq3A_419 : vector<16xi32>
      %jit3A_421 = arith.constant 0.000000e+00 : f32
      %broadcast_in_dim3A_422 = vector.broadcast %jit3A_421 : f32 to vector<16xf32>
      %select_n3A_423 = arith.select %eq3A_420, %get3A_415, %broadcast_in_dim3A_422 : vector<16xi1>, vector<16xf32>
      %add3A_424 = arith.addf %add3A_409, %select_n3A_423 : vector<16xf32>
      %get3A_425 = arith.constant 15 : i32
      %get3A_426 = arith.index_cast %get3A_425 : i32 to index
      %get3A_427 = arith.index_cast %shift_right_arithmetic3A_199 : i32 to index
      %get3A_428 = arith.index_cast %mul3A_202 : i32 to index
      %get3A_429 = tpu.vector_load %arg5[%get3A_426, %get3A_427, %get3A_428] {strides = array<i32>} : memref<19x4x512xf32, #tpu.memory_space<vmem>>, vector<1x1x16xf32>,
      %get3A_430 = vector.shape_cast %get3A_429 : vector<1x1x16xf32> to vector<16xf32>
      %exp3A_431 = math.exp %get3A_430 : vector<16xf32>
      %add3A_432 = arith.addf %add3A_417, %exp3A_431 : vector<16xf32>
      %eq3A_433 = arith.constant 15 : i32
      %eq3A_434 = vector.broadcast %eq3A_433 : i32 to vector<16xi32>
      %eq3A_435 = arith.cmpi eq, %get3A_205, %eq3A_434 : vector<16xi32>
      %jit3A_436 = arith.constant 0.000000e+00 : f32
      %broadcast_in_dim3A_437 = vector.broadcast %jit3A_436 : f32 to vector<16xf32>
      %select_n3A_438 = arith.select %eq3A_435, %get3A_430, %broadcast_in_dim3A_437 : vector<16xi1>, vector<16xf32>
      %add3A_439 = arith.addf %add3A_424, %select_n3A_438 : vector<16xf32>
      %get3A_440 = arith.constant 16 : i32
      %get3A_441 = arith.index_cast %get3A_440 : i32 to index
      %get3A_442 = arith.index_cast %shift_right_arithmetic3A_199 : i32 to index
      %get3A_443 = arith.index_cast %mul3A_202 : i32 to index
      %get3A_444 = tpu.vector_load %arg5[%get3A_441, %get3A_442, %get3A_443] {strides = array<i32>} : memref<19x4x512xf32, #tpu.memory_space<vmem>>, vector<1x1x16xf32>,
      %get3A_445 = vector.shape_cast %get3A_444 : vector<1x1x16xf32> to vector<16xf32>
      %exp3A_446 = math.exp %get3A_445 : vector<16xf32>
      %add3A_447 = arith.addf %add3A_432, %exp3A_446 : vector<16xf32>
      %eq3A_448 = arith.constant 16 : i32
      %eq3A_449 = vector.broadcast %eq3A_448 : i32 to vector<16xi32>
      %eq3A_450 = arith.cmpi eq, %get3A_205, %eq3A_449 : vector<16xi32>
      %jit3A_451 = arith.constant 0.000000e+00 : f32
      %broadcast_in_dim3A_452 = vector.broadcast %jit3A_451 : f32 to vector<16xf32>
      %select_n3A_453 = arith.select %eq3A_450, %get3A_445, %broadcast_in_dim3A_452 : vector<16xi1>, vector<16xf32>
      %add3A_454 = arith.addf %add3A_439, %select_n3A_453 : vector<16xf32>
      %get3A_455 = arith.constant 17 : i32
      %get3A_456 = arith.index_cast %get3A_455 : i32 to index
      %get3A_457 = arith.index_cast %shift_right_arithmetic3A_199 : i32 to index
      %get3A_458 = arith.index_cast %mul3A_202 : i32 to index
      %get3A_459 = tpu.vector_load %arg5[%get3A_456, %get3A_457, %get3A_458] {strides = array<i32>} : memref<19x4x512xf32, #tpu.memory_space<vmem>>, vector<1x1x16xf32>,
      %get3A_460 = vector.shape_cast %get3A_459 : vector<1x1x16xf32> to vector<16xf32>
      %exp3A_461 = math.exp %get3A_460 : vector<16xf32>
      %add3A_462 = arith.addf %add3A_447, %exp3A_461 : vector<16xf32>
      %eq3A_463 = arith.constant 17 : i32
      %eq3A_464 = vector.broadcast %eq3A_463 : i32 to vector<16xi32>
      %eq3A_465 = arith.cmpi eq, %get3A_205, %eq3A_464 : vector<16xi32>
      %jit3A_466 = arith.constant 0.000000e+00 : f32
      %broadcast_in_dim3A_467 = vector.broadcast %jit3A_466 : f32 to vector<16xf32>
      %select_n3A_468 = arith.select %eq3A_465, %get3A_460, %broadcast_in_dim3A_467 : vector<16xi1>, vector<16xf32>
      %add3A_469 = arith.addf %add3A_454, %select_n3A_468 : vector<16xf32>
      %get3A_470 = arith.constant 18 : i32
      %get3A_471 = arith.index_cast %get3A_470 : i32 to index
      %get3A_472 = arith.index_cast %shift_right_arithmetic3A_199 : i32 to index
      %get3A_473 = arith.index_cast %mul3A_202 : i32 to index
      %get3A_474 = tpu.vector_load %arg5[%get3A_471, %get3A_472, %get3A_473] {strides = array<i32>} : memref<19x4x512xf32, #tpu.memory_space<vmem>>, vector<1x1x16xf32>,
      %get3A_475 = vector.shape_cast %get3A_474 : vector<1x1x16xf32> to vector<16xf32>
      %exp3A_476 = math.exp %get3A_475 : vector<16xf32>
      %add3A_477 = arith.addf %add3A_462, %exp3A_476 : vector<16xf32>
      %eq3A_478 = arith.constant 18 : i32
      %eq3A_479 = vector.broadcast %eq3A_478 : i32 to vector<16xi32>
      %eq3A_480 = arith.cmpi eq, %get3A_205, %eq3A_479 : vector<16xi32>
      %jit3A_481 = arith.constant 0.000000e+00 : f32
      %broadcast_in_dim3A_482 = vector.broadcast %jit3A_481 : f32 to vector<16xf32>
      %select_n3A_483 = arith.select %eq3A_480, %get3A_475, %broadcast_in_dim3A_482 : vector<16xi1>, vector<16xf32>
      %add3A_484 = arith.addf %add3A_469, %select_n3A_483 : vector<16xf32>
      %bitcast_convert_type3A = tpu.bitcast %add3A_477 : vector<16xf32> -> vector<16xi32>
      %convert_element_type3A = arith.sitofp %bitcast_convert_type3A : vector<16xi32> to vector<16xf32>
      %sub3A = arith.constant 1.06486682E+9 : f32
      %sub3A_485 = vector.broadcast %sub3A : f32 to vector<16xf32>
      %sub3A_486 = arith.subf %convert_element_type3A, %sub3A_485 : vector<16xf32>
      %mul3A_487 = arith.constant 8.26295832E-8 : f32
      %mul3A_488 = vector.broadcast %mul3A_487 : f32 to vector<16xf32>
      %mul3A_489 = arith.mulf %sub3A_486, %mul3A_488 : vector<16xf32>
      %neg3A = arith.constant 0.000000e+00 : f32
      %neg3A_490 = vector.broadcast %neg3A : f32 to vector<16xf32>
      %neg3A_491 = arith.subf %neg3A_490, %mul3A_489 : vector<16xf32>
      %exp3A_492 = math.exp %neg3A_491 : vector<16xf32>
      %mul3A_493 = arith.mulf %add3A_477, %exp3A_492 : vector<16xf32>
      %add3A_494 = arith.addf %mul3A_489, %mul3A_493 : vector<16xf32>
      %sub3A_495 = arith.constant 1.000000e+00 : f32
      %sub3A_496 = vector.broadcast %sub3A_495 : f32 to vector<16xf32>
      %sub3A_497 = arith.subf %add3A_494, %sub3A_496 : vector<16xf32>
      %neg3A_498 = arith.constant 0.000000e+00 : f32
      %neg3A_499 = vector.broadcast %neg3A_498 : f32 to vector<16xf32>
      %neg3A_500 = arith.subf %neg3A_499, %sub3A_497 : vector<16xf32>
      %exp3A_501 = math.exp %neg3A_500 : vector<16xf32>
      %mul3A_502 = arith.mulf %add3A_477, %exp3A_501 : vector<16xf32>
      %add3A_503 = arith.addf %sub3A_497, %mul3A_502 : vector<16xf32>
      %sub3A_504 = arith.constant 1.000000e+00 : f32
      %sub3A_505 = vector.broadcast %sub3A_504 : f32 to vector<16xf32>
      %sub3A_506 = arith.subf %add3A_503, %sub3A_505 : vector<16xf32>
      %sub3A_507 = arith.subf %sub3A_506, %add3A_484 : vector<16xf32>
      %gt3A = arith.constant 0.356674939 : f32
      %gt3A_508 = vector.broadcast %gt3A : f32 to vector<16xf32>
      %gt3A_509 = arith.cmpf ogt, %sub3A_507, %gt3A_508 : vector<16xf32>
      %jit3A_510 = arith.constant 1.000000e+00 : f32
      %jit3A_511 = arith.constant 0.000000e+00 : f32
      %broadcast_in_dim3A_512 = vector.broadcast %jit3A_510 : f32 to vector<16xf32>
      %broadcast_in_dim3A_513 = vector.broadcast %jit3A_511 : f32 to vector<16xf32>
      %select_n3A_514 = arith.select %gt3A_509, %broadcast_in_dim3A_512, %broadcast_in_dim3A_513 : vector<16xi1>, vector<16xf32>
      %mul3A_515 = arith.mulf %select_n3A_514, %sub3A_507 : vector<16xf32>
      %add3A_516 = arith.addf %scan3A_182, %mul3A_515 : vector<16xf32>
      %add3A_517 = arith.addf %scan3A_183, %select_n3A_514 : vector<16xf32>
      %add3A_518 = arith.addf %scan3A_184, %sub3A_507 : vector<16xf32>
      %ge3A = arith.constant 0.0445843674 : f32
      %ge3A_519 = vector.broadcast %ge3A : f32 to vector<16xf32>
      %ge3A_520 = arith.cmpf oge, %sub3A_507, %ge3A_519 : vector<16xf32>
      %jit3A_521 = arith.constant 1.000000e+00 : f32
      %jit3A_522 = arith.constant 0.000000e+00 : f32
      %broadcast_in_dim3A_523 = vector.broadcast %jit3A_521 : f32 to vector<16xf32>
      %broadcast_in_dim3A_524 = vector.broadcast %jit3A_522 : f32 to vector<16xf32>
      %select_n3A_525 = arith.select %ge3A_520, %broadcast_in_dim3A_523, %broadcast_in_dim3A_524 : vector<16xi1>, vector<16xf32>
      %add3A_526 = arith.addf %scan3A_185, %select_n3A_525 : vector<16xf32>
      %mul3A_527 = arith.mulf %select_n3A_525, %sub3A_507 : vector<16xf32>
      %add3A_528 = arith.addf %scan3A_192, %mul3A_527 : vector<16xf32>
      %ge3A_529 = arith.constant 0.0891687348 : f32
      %ge3A_530 = vector.broadcast %ge3A_529 : f32 to vector<16xf32>
      %ge3A_531 = arith.cmpf oge, %sub3A_507, %ge3A_530 : vector<16xf32>
      %jit3A_532 = arith.constant 1.000000e+00 : f32
      %jit3A_533 = arith.constant 0.000000e+00 : f32
      %broadcast_in_dim3A_534 = vector.broadcast %jit3A_532 : f32 to vector<16xf32>
      %broadcast_in_dim3A_535 = vector.broadcast %jit3A_533 : f32 to vector<16xf32>
      %select_n3A_536 = arith.select %ge3A_531, %broadcast_in_dim3A_534, %broadcast_in_dim3A_535 : vector<16xi1>, vector<16xf32>
      %add3A_537 = arith.addf %scan3A_186, %select_n3A_536 : vector<16xf32>
      %mul3A_538 = arith.mulf %select_n3A_536, %sub3A_507 : vector<16xf32>
      %add3A_539 = arith.addf %scan3A_193, %mul3A_538 : vector<16xf32>
      %ge3A_540 = arith.constant 0.133753106 : f32
      %ge3A_541 = vector.broadcast %ge3A_540 : f32 to vector<16xf32>
      %ge3A_542 = arith.cmpf oge, %sub3A_507, %ge3A_541 : vector<16xf32>
      %jit3A_543 = arith.constant 1.000000e+00 : f32
      %jit3A_544 = arith.constant 0.000000e+00 : f32
      %broadcast_in_dim3A_545 = vector.broadcast %jit3A_543 : f32 to vector<16xf32>
      %broadcast_in_dim3A_546 = vector.broadcast %jit3A_544 : f32 to vector<16xf32>
      %select_n3A_547 = arith.select %ge3A_542, %broadcast_in_dim3A_545, %broadcast_in_dim3A_546 : vector<16xi1>, vector<16xf32>
      %add3A_548 = arith.addf %scan3A_187, %select_n3A_547 : vector<16xf32>
      %mul3A_549 = arith.mulf %select_n3A_547, %sub3A_507 : vector<16xf32>
      %add3A_550 = arith.addf %scan3A_194, %mul3A_549 : vector<16xf32>
      %ge3A_551 = arith.constant 0.17833747 : f32
      %ge3A_552 = vector.broadcast %ge3A_551 : f32 to vector<16xf32>
      %ge3A_553 = arith.cmpf oge, %sub3A_507, %ge3A_552 : vector<16xf32>
      %jit3A_554 = arith.constant 1.000000e+00 : f32
      %jit3A_555 = arith.constant 0.000000e+00 : f32
      %broadcast_in_dim3A_556 = vector.broadcast %jit3A_554 : f32 to vector<16xf32>
      %broadcast_in_dim3A_557 = vector.broadcast %jit3A_555 : f32 to vector<16xf32>
      %select_n3A_558 = arith.select %ge3A_553, %broadcast_in_dim3A_556, %broadcast_in_dim3A_557 : vector<16xi1>, vector<16xf32>
      %add3A_559 = arith.addf %scan3A_188, %select_n3A_558 : vector<16xf32>
      %mul3A_560 = arith.mulf %select_n3A_558, %sub3A_507 : vector<16xf32>
      %add3A_561 = arith.addf %scan3A_195, %mul3A_560 : vector<16xf32>
      %ge3A_562 = arith.constant 0.222921833 : f32
      %ge3A_563 = vector.broadcast %ge3A_562 : f32 to vector<16xf32>
      %ge3A_564 = arith.cmpf oge, %sub3A_507, %ge3A_563 : vector<16xf32>
      %jit3A_565 = arith.constant 1.000000e+00 : f32
      %jit3A_566 = arith.constant 0.000000e+00 : f32
      %broadcast_in_dim3A_567 = vector.broadcast %jit3A_565 : f32 to vector<16xf32>
      %broadcast_in_dim3A_568 = vector.broadcast %jit3A_566 : f32 to vector<16xf32>
      %select_n3A_569 = arith.select %ge3A_564, %broadcast_in_dim3A_567, %broadcast_in_dim3A_568 : vector<16xi1>, vector<16xf32>
      %add3A_570 = arith.addf %scan3A_189, %select_n3A_569 : vector<16xf32>
      %mul3A_571 = arith.mulf %select_n3A_569, %sub3A_507 : vector<16xf32>
      %add3A_572 = arith.addf %scan3A_196, %mul3A_571 : vector<16xf32>
      %ge3A_573 = arith.constant 0.267506212 : f32
      %ge3A_574 = vector.broadcast %ge3A_573 : f32 to vector<16xf32>
      %ge3A_575 = arith.cmpf oge, %sub3A_507, %ge3A_574 : vector<16xf32>
      %jit3A_576 = arith.constant 1.000000e+00 : f32
      %jit3A_577 = arith.constant 0.000000e+00 : f32
      %broadcast_in_dim3A_578 = vector.broadcast %jit3A_576 : f32 to vector<16xf32>
      %broadcast_in_dim3A_579 = vector.broadcast %jit3A_577 : f32 to vector<16xf32>
      %select_n3A_580 = arith.select %ge3A_575, %broadcast_in_dim3A_578, %broadcast_in_dim3A_579 : vector<16xi1>, vector<16xf32>
      %add3A_581 = arith.addf %scan3A_190, %select_n3A_580 : vector<16xf32>
      %mul3A_582 = arith.mulf %select_n3A_580, %sub3A_507 : vector<16xf32>
      %add3A_583 = arith.addf %scan3A_197, %mul3A_582 : vector<16xf32>
      %ge3A_584 = arith.constant 0.312090576 : f32
      %ge3A_585 = vector.broadcast %ge3A_584 : f32 to vector<16xf32>
      %ge3A_586 = arith.cmpf oge, %sub3A_507, %ge3A_585 : vector<16xf32>
      %jit3A_587 = arith.constant 1.000000e+00 : f32
      %jit3A_588 = arith.constant 0.000000e+00 : f32
      %broadcast_in_dim3A_589 = vector.broadcast %jit3A_587 : f32 to vector<16xf32>
      %broadcast_in_dim3A_590 = vector.broadcast %jit3A_588 : f32 to vector<16xf32>
      %select_n3A_591 = arith.select %ge3A_586, %broadcast_in_dim3A_589, %broadcast_in_dim3A_590 : vector<16xi1>, vector<16xf32>
      %add3A_592 = arith.addf %scan3A_191, %select_n3A_591 : vector<16xf32>
      %mul3A_593 = arith.mulf %select_n3A_591, %sub3A_507 : vector<16xf32>
      %add3A_594 = arith.addf %scan3A_198, %mul3A_593 : vector<16xf32>
      scf.yield %add3A_516, %add3A_517, %add3A_518, %add3A_526, %add3A_537, %add3A_548, %add3A_559, %add3A_570, %add3A_581, %add3A_592, %add3A_528, %add3A_539, %add3A_550, %add3A_561, %add3A_572, %add3A_583, %add3A_594 : vector<16xf32>, vector<16xf32>, vector<16xf32>, vector<16xf32>, vector<16xf32>, vector<16xf32>, vector<16xf32>, vector<16xf32>, vector<16xf32>, vector<16xf32>, vector<16xf32>, vector<16xf32>, vector<16xf32>, vector<16xf32>, vector<16xf32>, vector<16xf32>, vector<16xf32>
    }
    %scan3A_55 = arith.constant 128 : i32
    %mul3A_56 = arith.constant 16 : i32
    %mul3A_57 = arith.muli %add3A, %mul3A_56 : i32
    %add3A_58 = arith.constant 8 : i32
    %add3A_59 = arith.addi %mul3A_57, %add3A_58 : i32
    %run_scoped3A_60 = arith.constant 7 : i32
    "tpu.region"() ({
      %run_scoped3A_181 = tpu.sem_alloc : memref<!tpu.dma_semaphore, #tpu.memory_space<semaphore_mem>>
      %dma_start3A = arith.constant 0 : i32
      %dma_start3A_182 = arith.constant 0 : i32
      %dma_start3A_183 = tpu.memref_slice %arg2[%run_scoped3A_60, %dma_start3A, %add3A_59, %dma_start3A_182] : memref<8x19x512x512xf32, #tpu.memory_space<hbm>> -> memref<1x19x4x512xf32, #tpu.memory_space<hbm>>
      %dma_start3A_184 = tpu.memref_squeeze %dma_start3A_183 : memref<1x19x4x512xf32, #tpu.memory_space<hbm>> -> memref<19x4x512xf32, #tpu.memory_space<hbm>>
      %dma_start3A_185 = arith.constant 0 : i32
      %dma_start3A_186 = arith.constant 0 : i32
      %dma_start3A_187 = tpu.memref_slice %arg2[%run_scoped3A_60, %dma_start3A_185, %add3A_59, %dma_start3A_186] : memref<8x19x512x512xf32, #tpu.memory_space<hbm>> -> memref<1x19x4x512xf32, #tpu.memory_space<hbm>>
      %dma_start3A_188 = tpu.memref_squeeze %dma_start3A_187 : memref<1x19x4x512xf32, #tpu.memory_space<hbm>> -> memref<19x4x512xf32, #tpu.memory_space<hbm>>
      tpu.enqueue_dma source(%dma_start3A_188 : memref<19x4x512xf32, #tpu.memory_space<hbm>>) target(%arg5 : memref<19x4x512xf32, #tpu.memory_space<vmem>>) target_semaphore(%run_scoped3A_181 : memref<!tpu.dma_semaphore, #tpu.memory_space<semaphore_mem>>)
      %dma_wait3A = arith.constant 0 : i32
      %dma_wait3A_189 = arith.constant 0 : i32
      %dma_wait3A_190 = tpu.memref_slice %arg2[%run_scoped3A_60, %dma_wait3A, %add3A_59, %dma_wait3A_189] : memref<8x19x512x512xf32, #tpu.memory_space<hbm>> -> memref<1x19x4x512xf32, #tpu.memory_space<hbm>>
      %dma_wait3A_191 = tpu.memref_squeeze %dma_wait3A_190 : memref<1x19x4x512xf32, #tpu.memory_space<hbm>> -> memref<19x4x512xf32, #tpu.memory_space<hbm>>
      %dma_wait3A_192 = arith.constant 0 : i32
      %dma_wait3A_193 = arith.constant 0 : i32
      %dma_wait3A_194 = tpu.memref_slice %arg2[%run_scoped3A_60, %dma_wait3A_192, %add3A_59, %dma_wait3A_193] : memref<8x19x512x512xf32, #tpu.memory_space<hbm>> -> memref<1x19x4x512xf32, #tpu.memory_space<hbm>>
      %dma_wait3A_195 = tpu.memref_squeeze %dma_wait3A_194 : memref<1x19x4x512xf32, #tpu.memory_space<hbm>> -> memref<19x4x512xf32, #tpu.memory_space<hbm>>
      tpu.wait_dma2 semaphore(%run_scoped3A_181 : memref<!tpu.dma_semaphore, #tpu.memory_space<semaphore_mem>>) src(%dma_wait3A_195 : memref<19x4x512xf32, #tpu.memory_space<hbm>>) dst(%arg5 : memref<19x4x512xf32, #tpu.memory_space<vmem>>)
      tpu.yield
    }) : () -> ()
    %run_scoped3A_61 = arith.constant 7 : i32
    "tpu.region"() ({
      %run_scoped3A_181 = tpu.sem_alloc : memref<!tpu.dma_semaphore, #tpu.memory_space<semaphore_mem>>
      %dma_start3A = arith.constant 0 : i32
      %dma_start3A_182 = tpu.memref_slice %arg3[%run_scoped3A_61, %add3A_59, %dma_start3A] : memref<8x512x512xi32, #tpu.memory_space<hbm>> -> memref<1x4x512xi32, #tpu.memory_space<hbm>>
      %dma_start3A_183 = tpu.memref_squeeze %dma_start3A_182 : memref<1x4x512xi32, #tpu.memory_space<hbm>> -> memref<4x512xi32, #tpu.memory_space<hbm>>
      %dma_start3A_184 = arith.constant 0 : i32
      %dma_start3A_185 = tpu.memref_slice %arg3[%run_scoped3A_61, %add3A_59, %dma_start3A_184] : memref<8x512x512xi32, #tpu.memory_space<hbm>> -> memref<1x4x512xi32, #tpu.memory_space<hbm>>
      %dma_start3A_186 = tpu.memref_squeeze %dma_start3A_185 : memref<1x4x512xi32, #tpu.memory_space<hbm>> -> memref<4x512xi32, #tpu.memory_space<hbm>>
      tpu.enqueue_dma source(%dma_start3A_186 : memref<4x512xi32, #tpu.memory_space<hbm>>) target(%arg6 : memref<4x512xi32, #tpu.memory_space<vmem>>) target_semaphore(%run_scoped3A_181 : memref<!tpu.dma_semaphore, #tpu.memory_space<semaphore_mem>>)
      %dma_wait3A = arith.constant 0 : i32
      %dma_wait3A_187 = tpu.memref_slice %arg3[%run_scoped3A_61, %add3A_59, %dma_wait3A] : memref<8x512x512xi32, #tpu.memory_space<hbm>> -> memref<1x4x512xi32, #tpu.memory_space<hbm>>
      %dma_wait3A_188 = tpu.memref_squeeze %dma_wait3A_187 : memref<1x4x512xi32, #tpu.memory_space<hbm>> -> memref<4x512xi32, #tpu.memory_space<hbm>>
      %dma_wait3A_189 = arith.constant 0 : i32
      %dma_wait3A_190 = tpu.memref_slice %arg3[%run_scoped3A_61, %add3A_59, %dma_wait3A_189] : memref<8x512x512xi32, #tpu.memory_space<hbm>> -> memref<1x4x512xi32, #tpu.memory_space<hbm>>
      %dma_wait3A_191 = tpu.memref_squeeze %dma_wait3A_190 : memref<1x4x512xi32, #tpu.memory_space<hbm>> -> memref<4x512xi32, #tpu.memory_space<hbm>>
      tpu.wait_dma2 semaphore(%run_scoped3A_181 : memref<!tpu.dma_semaphore, #tpu.memory_space<semaphore_mem>>) src(%dma_wait3A_191 : memref<4x512xi32, #tpu.memory_space<hbm>>) dst(%arg6 : memref<4x512xi32, #tpu.memory_space<vmem>>)
      tpu.yield
    }) : () -> ()
    %scan3A_62 = arith.constant 0 : i32
    %scan3A_63 = arith.constant 128 : i32
    %scan3A_64 = arith.addi %scan3A_62, %scan3A_63 : i32
    %scan3A_65 = arith.constant 1 : i32
    %scan3A_66:17 = scf.for %scan3A_181 = %scan3A_62 to %scan3A_64 step %scan3A_65 iter_args(%scan3A_182 = %scan3A_54#0, %scan3A_183 = %scan3A_54#1, %scan3A_184 = %scan3A_54#2, %scan3A_185 = %scan3A_54#3, %scan3A_186 = %scan3A_54#4, %scan3A_187 = %scan3A_54#5, %scan3A_188 = %scan3A_54#6, %scan3A_189 = %scan3A_54#7, %scan3A_190 = %scan3A_54#8, %scan3A_191 = %scan3A_54#9, %scan3A_192 = %scan3A_54#10, %scan3A_193 = %scan3A_54#11, %scan3A_194 = %scan3A_54#12, %scan3A_195 = %scan3A_54#13, %scan3A_196 = %scan3A_54#14, %scan3A_197 = %scan3A_54#15, %scan3A_198 = %scan3A_54#16) -> (vector<16xf32>, vector<16xf32>, vector<16xf32>, vector<16xf32>, vector<16xf32>, vector<16xf32>, vector<16xf32>, vector<16xf32>, vector<16xf32>, vector<16xf32>, vector<16xf32>, vector<16xf32>, vector<16xf32>, vector<16xf32>, vector<16xf32>, vector<16xf32>, vector<16xf32>)  : i32 {
      %shift_right_arithmetic3A = arith.constant 5 : i32
      %shift_right_arithmetic3A_199 = arith.shrsi %scan3A_181, %shift_right_arithmetic3A : i32
      %and3A = arith.constant 31 : i32
      %and3A_200 = arith.andi %scan3A_181, %and3A : i32
      %mul3A_201 = arith.constant 16 : i32
      %mul3A_202 = arith.muli %and3A_200, %mul3A_201 : i32
      %get3A = arith.index_cast %shift_right_arithmetic3A_199 : i32 to index
      %get3A_203 = arith.index_cast %mul3A_202 : i32 to index
      %get3A_204 = tpu.vector_load %arg6[%get3A, %get3A_203] {strides = array<i32>} : memref<4x512xi32, #tpu.memory_space<vmem>>, vector<1x16xi32>,
      %get3A_205 = vector.shape_cast %get3A_204 : vector<1x16xi32> to vector<16xi32>
      %get3A_206 = arith.constant 0 : i32
      %get3A_207 = arith.index_cast %get3A_206 : i32 to index
      %get3A_208 = arith.index_cast %shift_right_arithmetic3A_199 : i32 to index
      %get3A_209 = arith.index_cast %mul3A_202 : i32 to index
      %get3A_210 = tpu.vector_load %arg5[%get3A_207, %get3A_208, %get3A_209] {strides = array<i32>} : memref<19x4x512xf32, #tpu.memory_space<vmem>>, vector<1x1x16xf32>,
      %get3A_211 = vector.shape_cast %get3A_210 : vector<1x1x16xf32> to vector<16xf32>
      %exp3A = math.exp %get3A_211 : vector<16xf32>
      %eq3A = arith.constant 0 : i32
      %eq3A_212 = vector.broadcast %eq3A : i32 to vector<16xi32>
      %eq3A_213 = arith.cmpi eq, %get3A_205, %eq3A_212 : vector<16xi32>
      %jit3A = arith.constant 0.000000e+00 : f32
      %broadcast_in_dim3A_214 = vector.broadcast %jit3A : f32 to vector<16xf32>
      %select_n3A = arith.select %eq3A_213, %get3A_211, %broadcast_in_dim3A_214 : vector<16xi1>, vector<16xf32>
      %get3A_215 = arith.constant 1 : i32
      %get3A_216 = arith.index_cast %get3A_215 : i32 to index
      %get3A_217 = arith.index_cast %shift_right_arithmetic3A_199 : i32 to index
      %get3A_218 = arith.index_cast %mul3A_202 : i32 to index
      %get3A_219 = tpu.vector_load %arg5[%get3A_216, %get3A_217, %get3A_218] {strides = array<i32>} : memref<19x4x512xf32, #tpu.memory_space<vmem>>, vector<1x1x16xf32>,
      %get3A_220 = vector.shape_cast %get3A_219 : vector<1x1x16xf32> to vector<16xf32>
      %exp3A_221 = math.exp %get3A_220 : vector<16xf32>
      %add3A_222 = arith.addf %exp3A, %exp3A_221 : vector<16xf32>
      %eq3A_223 = arith.constant 1 : i32
      %eq3A_224 = vector.broadcast %eq3A_223 : i32 to vector<16xi32>
      %eq3A_225 = arith.cmpi eq, %get3A_205, %eq3A_224 : vector<16xi32>
      %jit3A_226 = arith.constant 0.000000e+00 : f32
      %broadcast_in_dim3A_227 = vector.broadcast %jit3A_226 : f32 to vector<16xf32>
      %select_n3A_228 = arith.select %eq3A_225, %get3A_220, %broadcast_in_dim3A_227 : vector<16xi1>, vector<16xf32>
      %add3A_229 = arith.addf %select_n3A, %select_n3A_228 : vector<16xf32>
      %get3A_230 = arith.constant 2 : i32
      %get3A_231 = arith.index_cast %get3A_230 : i32 to index
      %get3A_232 = arith.index_cast %shift_right_arithmetic3A_199 : i32 to index
      %get3A_233 = arith.index_cast %mul3A_202 : i32 to index
      %get3A_234 = tpu.vector_load %arg5[%get3A_231, %get3A_232, %get3A_233] {strides = array<i32>} : memref<19x4x512xf32, #tpu.memory_space<vmem>>, vector<1x1x16xf32>,
      %get3A_235 = vector.shape_cast %get3A_234 : vector<1x1x16xf32> to vector<16xf32>
      %exp3A_236 = math.exp %get3A_235 : vector<16xf32>
      %add3A_237 = arith.addf %add3A_222, %exp3A_236 : vector<16xf32>
      %eq3A_238 = arith.constant 2 : i32
      %eq3A_239 = vector.broadcast %eq3A_238 : i32 to vector<16xi32>
      %eq3A_240 = arith.cmpi eq, %get3A_205, %eq3A_239 : vector<16xi32>
      %jit3A_241 = arith.constant 0.000000e+00 : f32
      %broadcast_in_dim3A_242 = vector.broadcast %jit3A_241 : f32 to vector<16xf32>
      %select_n3A_243 = arith.select %eq3A_240, %get3A_235, %broadcast_in_dim3A_242 : vector<16xi1>, vector<16xf32>
      %add3A_244 = arith.addf %add3A_229, %select_n3A_243 : vector<16xf32>
      %get3A_245 = arith.constant 3 : i32
      %get3A_246 = arith.index_cast %get3A_245 : i32 to index
      %get3A_247 = arith.index_cast %shift_right_arithmetic3A_199 : i32 to index
      %get3A_248 = arith.index_cast %mul3A_202 : i32 to index
      %get3A_249 = tpu.vector_load %arg5[%get3A_246, %get3A_247, %get3A_248] {strides = array<i32>} : memref<19x4x512xf32, #tpu.memory_space<vmem>>, vector<1x1x16xf32>,
      %get3A_250 = vector.shape_cast %get3A_249 : vector<1x1x16xf32> to vector<16xf32>
      %exp3A_251 = math.exp %get3A_250 : vector<16xf32>
      %add3A_252 = arith.addf %add3A_237, %exp3A_251 : vector<16xf32>
      %eq3A_253 = arith.constant 3 : i32
      %eq3A_254 = vector.broadcast %eq3A_253 : i32 to vector<16xi32>
      %eq3A_255 = arith.cmpi eq, %get3A_205, %eq3A_254 : vector<16xi32>
      %jit3A_256 = arith.constant 0.000000e+00 : f32
      %broadcast_in_dim3A_257 = vector.broadcast %jit3A_256 : f32 to vector<16xf32>
      %select_n3A_258 = arith.select %eq3A_255, %get3A_250, %broadcast_in_dim3A_257 : vector<16xi1>, vector<16xf32>
      %add3A_259 = arith.addf %add3A_244, %select_n3A_258 : vector<16xf32>
      %get3A_260 = arith.constant 4 : i32
      %get3A_261 = arith.index_cast %get3A_260 : i32 to index
      %get3A_262 = arith.index_cast %shift_right_arithmetic3A_199 : i32 to index
      %get3A_263 = arith.index_cast %mul3A_202 : i32 to index
      %get3A_264 = tpu.vector_load %arg5[%get3A_261, %get3A_262, %get3A_263] {strides = array<i32>} : memref<19x4x512xf32, #tpu.memory_space<vmem>>, vector<1x1x16xf32>,
      %get3A_265 = vector.shape_cast %get3A_264 : vector<1x1x16xf32> to vector<16xf32>
      %exp3A_266 = math.exp %get3A_265 : vector<16xf32>
      %add3A_267 = arith.addf %add3A_252, %exp3A_266 : vector<16xf32>
      %eq3A_268 = arith.constant 4 : i32
      %eq3A_269 = vector.broadcast %eq3A_268 : i32 to vector<16xi32>
      %eq3A_270 = arith.cmpi eq, %get3A_205, %eq3A_269 : vector<16xi32>
      %jit3A_271 = arith.constant 0.000000e+00 : f32
      %broadcast_in_dim3A_272 = vector.broadcast %jit3A_271 : f32 to vector<16xf32>
      %select_n3A_273 = arith.select %eq3A_270, %get3A_265, %broadcast_in_dim3A_272 : vector<16xi1>, vector<16xf32>
      %add3A_274 = arith.addf %add3A_259, %select_n3A_273 : vector<16xf32>
      %get3A_275 = arith.constant 5 : i32
      %get3A_276 = arith.index_cast %get3A_275 : i32 to index
      %get3A_277 = arith.index_cast %shift_right_arithmetic3A_199 : i32 to index
      %get3A_278 = arith.index_cast %mul3A_202 : i32 to index
      %get3A_279 = tpu.vector_load %arg5[%get3A_276, %get3A_277, %get3A_278] {strides = array<i32>} : memref<19x4x512xf32, #tpu.memory_space<vmem>>, vector<1x1x16xf32>,
      %get3A_280 = vector.shape_cast %get3A_279 : vector<1x1x16xf32> to vector<16xf32>
      %exp3A_281 = math.exp %get3A_280 : vector<16xf32>
      %add3A_282 = arith.addf %add3A_267, %exp3A_281 : vector<16xf32>
      %eq3A_283 = arith.constant 5 : i32
      %eq3A_284 = vector.broadcast %eq3A_283 : i32 to vector<16xi32>
      %eq3A_285 = arith.cmpi eq, %get3A_205, %eq3A_284 : vector<16xi32>
      %jit3A_286 = arith.constant 0.000000e+00 : f32
      %broadcast_in_dim3A_287 = vector.broadcast %jit3A_286 : f32 to vector<16xf32>
      %select_n3A_288 = arith.select %eq3A_285, %get3A_280, %broadcast_in_dim3A_287 : vector<16xi1>, vector<16xf32>
      %add3A_289 = arith.addf %add3A_274, %select_n3A_288 : vector<16xf32>
      %get3A_290 = arith.constant 6 : i32
      %get3A_291 = arith.index_cast %get3A_290 : i32 to index
      %get3A_292 = arith.index_cast %shift_right_arithmetic3A_199 : i32 to index
      %get3A_293 = arith.index_cast %mul3A_202 : i32 to index
      %get3A_294 = tpu.vector_load %arg5[%get3A_291, %get3A_292, %get3A_293] {strides = array<i32>} : memref<19x4x512xf32, #tpu.memory_space<vmem>>, vector<1x1x16xf32>,
      %get3A_295 = vector.shape_cast %get3A_294 : vector<1x1x16xf32> to vector<16xf32>
      %exp3A_296 = math.exp %get3A_295 : vector<16xf32>
      %add3A_297 = arith.addf %add3A_282, %exp3A_296 : vector<16xf32>
      %eq3A_298 = arith.constant 6 : i32
      %eq3A_299 = vector.broadcast %eq3A_298 : i32 to vector<16xi32>
      %eq3A_300 = arith.cmpi eq, %get3A_205, %eq3A_299 : vector<16xi32>
      %jit3A_301 = arith.constant 0.000000e+00 : f32
      %broadcast_in_dim3A_302 = vector.broadcast %jit3A_301 : f32 to vector<16xf32>
      %select_n3A_303 = arith.select %eq3A_300, %get3A_295, %broadcast_in_dim3A_302 : vector<16xi1>, vector<16xf32>
      %add3A_304 = arith.addf %add3A_289, %select_n3A_303 : vector<16xf32>
      %get3A_305 = arith.constant 7 : i32
      %get3A_306 = arith.index_cast %get3A_305 : i32 to index
      %get3A_307 = arith.index_cast %shift_right_arithmetic3A_199 : i32 to index
      %get3A_308 = arith.index_cast %mul3A_202 : i32 to index
      %get3A_309 = tpu.vector_load %arg5[%get3A_306, %get3A_307, %get3A_308] {strides = array<i32>} : memref<19x4x512xf32, #tpu.memory_space<vmem>>, vector<1x1x16xf32>,
      %get3A_310 = vector.shape_cast %get3A_309 : vector<1x1x16xf32> to vector<16xf32>
      %exp3A_311 = math.exp %get3A_310 : vector<16xf32>
      %add3A_312 = arith.addf %add3A_297, %exp3A_311 : vector<16xf32>
      %eq3A_313 = arith.constant 7 : i32
      %eq3A_314 = vector.broadcast %eq3A_313 : i32 to vector<16xi32>
      %eq3A_315 = arith.cmpi eq, %get3A_205, %eq3A_314 : vector<16xi32>
      %jit3A_316 = arith.constant 0.000000e+00 : f32
      %broadcast_in_dim3A_317 = vector.broadcast %jit3A_316 : f32 to vector<16xf32>
      %select_n3A_318 = arith.select %eq3A_315, %get3A_310, %broadcast_in_dim3A_317 : vector<16xi1>, vector<16xf32>
      %add3A_319 = arith.addf %add3A_304, %select_n3A_318 : vector<16xf32>
      %get3A_320 = arith.constant 8 : i32
      %get3A_321 = arith.index_cast %get3A_320 : i32 to index
      %get3A_322 = arith.index_cast %shift_right_arithmetic3A_199 : i32 to index
      %get3A_323 = arith.index_cast %mul3A_202 : i32 to index
      %get3A_324 = tpu.vector_load %arg5[%get3A_321, %get3A_322, %get3A_323] {strides = array<i32>} : memref<19x4x512xf32, #tpu.memory_space<vmem>>, vector<1x1x16xf32>,
      %get3A_325 = vector.shape_cast %get3A_324 : vector<1x1x16xf32> to vector<16xf32>
      %exp3A_326 = math.exp %get3A_325 : vector<16xf32>
      %add3A_327 = arith.addf %add3A_312, %exp3A_326 : vector<16xf32>
      %eq3A_328 = arith.constant 8 : i32
      %eq3A_329 = vector.broadcast %eq3A_328 : i32 to vector<16xi32>
      %eq3A_330 = arith.cmpi eq, %get3A_205, %eq3A_329 : vector<16xi32>
      %jit3A_331 = arith.constant 0.000000e+00 : f32
      %broadcast_in_dim3A_332 = vector.broadcast %jit3A_331 : f32 to vector<16xf32>
      %select_n3A_333 = arith.select %eq3A_330, %get3A_325, %broadcast_in_dim3A_332 : vector<16xi1>, vector<16xf32>
      %add3A_334 = arith.addf %add3A_319, %select_n3A_333 : vector<16xf32>
      %get3A_335 = arith.constant 9 : i32
      %get3A_336 = arith.index_cast %get3A_335 : i32 to index
      %get3A_337 = arith.index_cast %shift_right_arithmetic3A_199 : i32 to index
      %get3A_338 = arith.index_cast %mul3A_202 : i32 to index
      %get3A_339 = tpu.vector_load %arg5[%get3A_336, %get3A_337, %get3A_338] {strides = array<i32>} : memref<19x4x512xf32, #tpu.memory_space<vmem>>, vector<1x1x16xf32>,
      %get3A_340 = vector.shape_cast %get3A_339 : vector<1x1x16xf32> to vector<16xf32>
      %exp3A_341 = math.exp %get3A_340 : vector<16xf32>
      %add3A_342 = arith.addf %add3A_327, %exp3A_341 : vector<16xf32>
      %eq3A_343 = arith.constant 9 : i32
      %eq3A_344 = vector.broadcast %eq3A_343 : i32 to vector<16xi32>
      %eq3A_345 = arith.cmpi eq, %get3A_205, %eq3A_344 : vector<16xi32>
      %jit3A_346 = arith.constant 0.000000e+00 : f32
      %broadcast_in_dim3A_347 = vector.broadcast %jit3A_346 : f32 to vector<16xf32>
      %select_n3A_348 = arith.select %eq3A_345, %get3A_340, %broadcast_in_dim3A_347 : vector<16xi1>, vector<16xf32>
      %add3A_349 = arith.addf %add3A_334, %select_n3A_348 : vector<16xf32>
      %get3A_350 = arith.constant 10 : i32
      %get3A_351 = arith.index_cast %get3A_350 : i32 to index
      %get3A_352 = arith.index_cast %shift_right_arithmetic3A_199 : i32 to index
      %get3A_353 = arith.index_cast %mul3A_202 : i32 to index
      %get3A_354 = tpu.vector_load %arg5[%get3A_351, %get3A_352, %get3A_353] {strides = array<i32>} : memref<19x4x512xf32, #tpu.memory_space<vmem>>, vector<1x1x16xf32>,
      %get3A_355 = vector.shape_cast %get3A_354 : vector<1x1x16xf32> to vector<16xf32>
      %exp3A_356 = math.exp %get3A_355 : vector<16xf32>
      %add3A_357 = arith.addf %add3A_342, %exp3A_356 : vector<16xf32>
      %eq3A_358 = arith.constant 10 : i32
      %eq3A_359 = vector.broadcast %eq3A_358 : i32 to vector<16xi32>
      %eq3A_360 = arith.cmpi eq, %get3A_205, %eq3A_359 : vector<16xi32>
      %jit3A_361 = arith.constant 0.000000e+00 : f32
      %broadcast_in_dim3A_362 = vector.broadcast %jit3A_361 : f32 to vector<16xf32>
      %select_n3A_363 = arith.select %eq3A_360, %get3A_355, %broadcast_in_dim3A_362 : vector<16xi1>, vector<16xf32>
      %add3A_364 = arith.addf %add3A_349, %select_n3A_363 : vector<16xf32>
      %get3A_365 = arith.constant 11 : i32
      %get3A_366 = arith.index_cast %get3A_365 : i32 to index
      %get3A_367 = arith.index_cast %shift_right_arithmetic3A_199 : i32 to index
      %get3A_368 = arith.index_cast %mul3A_202 : i32 to index
      %get3A_369 = tpu.vector_load %arg5[%get3A_366, %get3A_367, %get3A_368] {strides = array<i32>} : memref<19x4x512xf32, #tpu.memory_space<vmem>>, vector<1x1x16xf32>,
      %get3A_370 = vector.shape_cast %get3A_369 : vector<1x1x16xf32> to vector<16xf32>
      %exp3A_371 = math.exp %get3A_370 : vector<16xf32>
      %add3A_372 = arith.addf %add3A_357, %exp3A_371 : vector<16xf32>
      %eq3A_373 = arith.constant 11 : i32
      %eq3A_374 = vector.broadcast %eq3A_373 : i32 to vector<16xi32>
      %eq3A_375 = arith.cmpi eq, %get3A_205, %eq3A_374 : vector<16xi32>
      %jit3A_376 = arith.constant 0.000000e+00 : f32
      %broadcast_in_dim3A_377 = vector.broadcast %jit3A_376 : f32 to vector<16xf32>
      %select_n3A_378 = arith.select %eq3A_375, %get3A_370, %broadcast_in_dim3A_377 : vector<16xi1>, vector<16xf32>
      %add3A_379 = arith.addf %add3A_364, %select_n3A_378 : vector<16xf32>
      %get3A_380 = arith.constant 12 : i32
      %get3A_381 = arith.index_cast %get3A_380 : i32 to index
      %get3A_382 = arith.index_cast %shift_right_arithmetic3A_199 : i32 to index
      %get3A_383 = arith.index_cast %mul3A_202 : i32 to index
      %get3A_384 = tpu.vector_load %arg5[%get3A_381, %get3A_382, %get3A_383] {strides = array<i32>} : memref<19x4x512xf32, #tpu.memory_space<vmem>>, vector<1x1x16xf32>,
      %get3A_385 = vector.shape_cast %get3A_384 : vector<1x1x16xf32> to vector<16xf32>
      %exp3A_386 = math.exp %get3A_385 : vector<16xf32>
      %add3A_387 = arith.addf %add3A_372, %exp3A_386 : vector<16xf32>
      %eq3A_388 = arith.constant 12 : i32
      %eq3A_389 = vector.broadcast %eq3A_388 : i32 to vector<16xi32>
      %eq3A_390 = arith.cmpi eq, %get3A_205, %eq3A_389 : vector<16xi32>
      %jit3A_391 = arith.constant 0.000000e+00 : f32
      %broadcast_in_dim3A_392 = vector.broadcast %jit3A_391 : f32 to vector<16xf32>
      %select_n3A_393 = arith.select %eq3A_390, %get3A_385, %broadcast_in_dim3A_392 : vector<16xi1>, vector<16xf32>
      %add3A_394 = arith.addf %add3A_379, %select_n3A_393 : vector<16xf32>
      %get3A_395 = arith.constant 13 : i32
      %get3A_396 = arith.index_cast %get3A_395 : i32 to index
      %get3A_397 = arith.index_cast %shift_right_arithmetic3A_199 : i32 to index
      %get3A_398 = arith.index_cast %mul3A_202 : i32 to index
      %get3A_399 = tpu.vector_load %arg5[%get3A_396, %get3A_397, %get3A_398] {strides = array<i32>} : memref<19x4x512xf32, #tpu.memory_space<vmem>>, vector<1x1x16xf32>,
      %get3A_400 = vector.shape_cast %get3A_399 : vector<1x1x16xf32> to vector<16xf32>
      %exp3A_401 = math.exp %get3A_400 : vector<16xf32>
      %add3A_402 = arith.addf %add3A_387, %exp3A_401 : vector<16xf32>
      %eq3A_403 = arith.constant 13 : i32
      %eq3A_404 = vector.broadcast %eq3A_403 : i32 to vector<16xi32>
      %eq3A_405 = arith.cmpi eq, %get3A_205, %eq3A_404 : vector<16xi32>
      %jit3A_406 = arith.constant 0.000000e+00 : f32
      %broadcast_in_dim3A_407 = vector.broadcast %jit3A_406 : f32 to vector<16xf32>
      %select_n3A_408 = arith.select %eq3A_405, %get3A_400, %broadcast_in_dim3A_407 : vector<16xi1>, vector<16xf32>
      %add3A_409 = arith.addf %add3A_394, %select_n3A_408 : vector<16xf32>
      %get3A_410 = arith.constant 14 : i32
      %get3A_411 = arith.index_cast %get3A_410 : i32 to index
      %get3A_412 = arith.index_cast %shift_right_arithmetic3A_199 : i32 to index
      %get3A_413 = arith.index_cast %mul3A_202 : i32 to index
      %get3A_414 = tpu.vector_load %arg5[%get3A_411, %get3A_412, %get3A_413] {strides = array<i32>} : memref<19x4x512xf32, #tpu.memory_space<vmem>>, vector<1x1x16xf32>,
      %get3A_415 = vector.shape_cast %get3A_414 : vector<1x1x16xf32> to vector<16xf32>
      %exp3A_416 = math.exp %get3A_415 : vector<16xf32>
      %add3A_417 = arith.addf %add3A_402, %exp3A_416 : vector<16xf32>
      %eq3A_418 = arith.constant 14 : i32
      %eq3A_419 = vector.broadcast %eq3A_418 : i32 to vector<16xi32>
      %eq3A_420 = arith.cmpi eq, %get3A_205, %eq3A_419 : vector<16xi32>
      %jit3A_421 = arith.constant 0.000000e+00 : f32
      %broadcast_in_dim3A_422 = vector.broadcast %jit3A_421 : f32 to vector<16xf32>
      %select_n3A_423 = arith.select %eq3A_420, %get3A_415, %broadcast_in_dim3A_422 : vector<16xi1>, vector<16xf32>
      %add3A_424 = arith.addf %add3A_409, %select_n3A_423 : vector<16xf32>
      %get3A_425 = arith.constant 15 : i32
      %get3A_426 = arith.index_cast %get3A_425 : i32 to index
      %get3A_427 = arith.index_cast %shift_right_arithmetic3A_199 : i32 to index
      %get3A_428 = arith.index_cast %mul3A_202 : i32 to index
      %get3A_429 = tpu.vector_load %arg5[%get3A_426, %get3A_427, %get3A_428] {strides = array<i32>} : memref<19x4x512xf32, #tpu.memory_space<vmem>>, vector<1x1x16xf32>,
      %get3A_430 = vector.shape_cast %get3A_429 : vector<1x1x16xf32> to vector<16xf32>
      %exp3A_431 = math.exp %get3A_430 : vector<16xf32>
      %add3A_432 = arith.addf %add3A_417, %exp3A_431 : vector<16xf32>
      %eq3A_433 = arith.constant 15 : i32
      %eq3A_434 = vector.broadcast %eq3A_433 : i32 to vector<16xi32>
      %eq3A_435 = arith.cmpi eq, %get3A_205, %eq3A_434 : vector<16xi32>
      %jit3A_436 = arith.constant 0.000000e+00 : f32
      %broadcast_in_dim3A_437 = vector.broadcast %jit3A_436 : f32 to vector<16xf32>
      %select_n3A_438 = arith.select %eq3A_435, %get3A_430, %broadcast_in_dim3A_437 : vector<16xi1>, vector<16xf32>
      %add3A_439 = arith.addf %add3A_424, %select_n3A_438 : vector<16xf32>
      %get3A_440 = arith.constant 16 : i32
      %get3A_441 = arith.index_cast %get3A_440 : i32 to index
      %get3A_442 = arith.index_cast %shift_right_arithmetic3A_199 : i32 to index
      %get3A_443 = arith.index_cast %mul3A_202 : i32 to index
      %get3A_444 = tpu.vector_load %arg5[%get3A_441, %get3A_442, %get3A_443] {strides = array<i32>} : memref<19x4x512xf32, #tpu.memory_space<vmem>>, vector<1x1x16xf32>,
      %get3A_445 = vector.shape_cast %get3A_444 : vector<1x1x16xf32> to vector<16xf32>
      %exp3A_446 = math.exp %get3A_445 : vector<16xf32>
      %add3A_447 = arith.addf %add3A_432, %exp3A_446 : vector<16xf32>
      %eq3A_448 = arith.constant 16 : i32
      %eq3A_449 = vector.broadcast %eq3A_448 : i32 to vector<16xi32>
      %eq3A_450 = arith.cmpi eq, %get3A_205, %eq3A_449 : vector<16xi32>
      %jit3A_451 = arith.constant 0.000000e+00 : f32
      %broadcast_in_dim3A_452 = vector.broadcast %jit3A_451 : f32 to vector<16xf32>
      %select_n3A_453 = arith.select %eq3A_450, %get3A_445, %broadcast_in_dim3A_452 : vector<16xi1>, vector<16xf32>
      %add3A_454 = arith.addf %add3A_439, %select_n3A_453 : vector<16xf32>
      %get3A_455 = arith.constant 17 : i32
      %get3A_456 = arith.index_cast %get3A_455 : i32 to index
      %get3A_457 = arith.index_cast %shift_right_arithmetic3A_199 : i32 to index
      %get3A_458 = arith.index_cast %mul3A_202 : i32 to index
      %get3A_459 = tpu.vector_load %arg5[%get3A_456, %get3A_457, %get3A_458] {strides = array<i32>} : memref<19x4x512xf32, #tpu.memory_space<vmem>>, vector<1x1x16xf32>,
      %get3A_460 = vector.shape_cast %get3A_459 : vector<1x1x16xf32> to vector<16xf32>
      %exp3A_461 = math.exp %get3A_460 : vector<16xf32>
      %add3A_462 = arith.addf %add3A_447, %exp3A_461 : vector<16xf32>
      %eq3A_463 = arith.constant 17 : i32
      %eq3A_464 = vector.broadcast %eq3A_463 : i32 to vector<16xi32>
      %eq3A_465 = arith.cmpi eq, %get3A_205, %eq3A_464 : vector<16xi32>
      %jit3A_466 = arith.constant 0.000000e+00 : f32
      %broadcast_in_dim3A_467 = vector.broadcast %jit3A_466 : f32 to vector<16xf32>
      %select_n3A_468 = arith.select %eq3A_465, %get3A_460, %broadcast_in_dim3A_467 : vector<16xi1>, vector<16xf32>
      %add3A_469 = arith.addf %add3A_454, %select_n3A_468 : vector<16xf32>
      %get3A_470 = arith.constant 18 : i32
      %get3A_471 = arith.index_cast %get3A_470 : i32 to index
      %get3A_472 = arith.index_cast %shift_right_arithmetic3A_199 : i32 to index
      %get3A_473 = arith.index_cast %mul3A_202 : i32 to index
      %get3A_474 = tpu.vector_load %arg5[%get3A_471, %get3A_472, %get3A_473] {strides = array<i32>} : memref<19x4x512xf32, #tpu.memory_space<vmem>>, vector<1x1x16xf32>,
      %get3A_475 = vector.shape_cast %get3A_474 : vector<1x1x16xf32> to vector<16xf32>
      %exp3A_476 = math.exp %get3A_475 : vector<16xf32>
      %add3A_477 = arith.addf %add3A_462, %exp3A_476 : vector<16xf32>
      %eq3A_478 = arith.constant 18 : i32
      %eq3A_479 = vector.broadcast %eq3A_478 : i32 to vector<16xi32>
      %eq3A_480 = arith.cmpi eq, %get3A_205, %eq3A_479 : vector<16xi32>
      %jit3A_481 = arith.constant 0.000000e+00 : f32
      %broadcast_in_dim3A_482 = vector.broadcast %jit3A_481 : f32 to vector<16xf32>
      %select_n3A_483 = arith.select %eq3A_480, %get3A_475, %broadcast_in_dim3A_482 : vector<16xi1>, vector<16xf32>
      %add3A_484 = arith.addf %add3A_469, %select_n3A_483 : vector<16xf32>
      %bitcast_convert_type3A = tpu.bitcast %add3A_477 : vector<16xf32> -> vector<16xi32>
      %convert_element_type3A = arith.sitofp %bitcast_convert_type3A : vector<16xi32> to vector<16xf32>
      %sub3A = arith.constant 1.06486682E+9 : f32
      %sub3A_485 = vector.broadcast %sub3A : f32 to vector<16xf32>
      %sub3A_486 = arith.subf %convert_element_type3A, %sub3A_485 : vector<16xf32>
      %mul3A_487 = arith.constant 8.26295832E-8 : f32
      %mul3A_488 = vector.broadcast %mul3A_487 : f32 to vector<16xf32>
      %mul3A_489 = arith.mulf %sub3A_486, %mul3A_488 : vector<16xf32>
      %neg3A = arith.constant 0.000000e+00 : f32
      %neg3A_490 = vector.broadcast %neg3A : f32 to vector<16xf32>
      %neg3A_491 = arith.subf %neg3A_490, %mul3A_489 : vector<16xf32>
      %exp3A_492 = math.exp %neg3A_491 : vector<16xf32>
      %mul3A_493 = arith.mulf %add3A_477, %exp3A_492 : vector<16xf32>
      %add3A_494 = arith.addf %mul3A_489, %mul3A_493 : vector<16xf32>
      %sub3A_495 = arith.constant 1.000000e+00 : f32
      %sub3A_496 = vector.broadcast %sub3A_495 : f32 to vector<16xf32>
      %sub3A_497 = arith.subf %add3A_494, %sub3A_496 : vector<16xf32>
      %neg3A_498 = arith.constant 0.000000e+00 : f32
      %neg3A_499 = vector.broadcast %neg3A_498 : f32 to vector<16xf32>
      %neg3A_500 = arith.subf %neg3A_499, %sub3A_497 : vector<16xf32>
      %exp3A_501 = math.exp %neg3A_500 : vector<16xf32>
      %mul3A_502 = arith.mulf %add3A_477, %exp3A_501 : vector<16xf32>
      %add3A_503 = arith.addf %sub3A_497, %mul3A_502 : vector<16xf32>
      %sub3A_504 = arith.constant 1.000000e+00 : f32
      %sub3A_505 = vector.broadcast %sub3A_504 : f32 to vector<16xf32>
      %sub3A_506 = arith.subf %add3A_503, %sub3A_505 : vector<16xf32>
      %sub3A_507 = arith.subf %sub3A_506, %add3A_484 : vector<16xf32>
      %gt3A = arith.constant 0.356674939 : f32
      %gt3A_508 = vector.broadcast %gt3A : f32 to vector<16xf32>
      %gt3A_509 = arith.cmpf ogt, %sub3A_507, %gt3A_508 : vector<16xf32>
      %jit3A_510 = arith.constant 1.000000e+00 : f32
      %jit3A_511 = arith.constant 0.000000e+00 : f32
      %broadcast_in_dim3A_512 = vector.broadcast %jit3A_510 : f32 to vector<16xf32>
      %broadcast_in_dim3A_513 = vector.broadcast %jit3A_511 : f32 to vector<16xf32>
      %select_n3A_514 = arith.select %gt3A_509, %broadcast_in_dim3A_512, %broadcast_in_dim3A_513 : vector<16xi1>, vector<16xf32>
      %mul3A_515 = arith.mulf %select_n3A_514, %sub3A_507 : vector<16xf32>
      %add3A_516 = arith.addf %scan3A_182, %mul3A_515 : vector<16xf32>
      %add3A_517 = arith.addf %scan3A_183, %select_n3A_514 : vector<16xf32>
      %add3A_518 = arith.addf %scan3A_184, %sub3A_507 : vector<16xf32>
      %ge3A = arith.constant 0.0445843674 : f32
      %ge3A_519 = vector.broadcast %ge3A : f32 to vector<16xf32>
      %ge3A_520 = arith.cmpf oge, %sub3A_507, %ge3A_519 : vector<16xf32>
      %jit3A_521 = arith.constant 1.000000e+00 : f32
      %jit3A_522 = arith.constant 0.000000e+00 : f32
      %broadcast_in_dim3A_523 = vector.broadcast %jit3A_521 : f32 to vector<16xf32>
      %broadcast_in_dim3A_524 = vector.broadcast %jit3A_522 : f32 to vector<16xf32>
      %select_n3A_525 = arith.select %ge3A_520, %broadcast_in_dim3A_523, %broadcast_in_dim3A_524 : vector<16xi1>, vector<16xf32>
      %add3A_526 = arith.addf %scan3A_185, %select_n3A_525 : vector<16xf32>
      %mul3A_527 = arith.mulf %select_n3A_525, %sub3A_507 : vector<16xf32>
      %add3A_528 = arith.addf %scan3A_192, %mul3A_527 : vector<16xf32>
      %ge3A_529 = arith.constant 0.0891687348 : f32
      %ge3A_530 = vector.broadcast %ge3A_529 : f32 to vector<16xf32>
      %ge3A_531 = arith.cmpf oge, %sub3A_507, %ge3A_530 : vector<16xf32>
      %jit3A_532 = arith.constant 1.000000e+00 : f32
      %jit3A_533 = arith.constant 0.000000e+00 : f32
      %broadcast_in_dim3A_534 = vector.broadcast %jit3A_532 : f32 to vector<16xf32>
      %broadcast_in_dim3A_535 = vector.broadcast %jit3A_533 : f32 to vector<16xf32>
      %select_n3A_536 = arith.select %ge3A_531, %broadcast_in_dim3A_534, %broadcast_in_dim3A_535 : vector<16xi1>, vector<16xf32>
      %add3A_537 = arith.addf %scan3A_186, %select_n3A_536 : vector<16xf32>
      %mul3A_538 = arith.mulf %select_n3A_536, %sub3A_507 : vector<16xf32>
      %add3A_539 = arith.addf %scan3A_193, %mul3A_538 : vector<16xf32>
      %ge3A_540 = arith.constant 0.133753106 : f32
      %ge3A_541 = vector.broadcast %ge3A_540 : f32 to vector<16xf32>
      %ge3A_542 = arith.cmpf oge, %sub3A_507, %ge3A_541 : vector<16xf32>
      %jit3A_543 = arith.constant 1.000000e+00 : f32
      %jit3A_544 = arith.constant 0.000000e+00 : f32
      %broadcast_in_dim3A_545 = vector.broadcast %jit3A_543 : f32 to vector<16xf32>
      %broadcast_in_dim3A_546 = vector.broadcast %jit3A_544 : f32 to vector<16xf32>
      %select_n3A_547 = arith.select %ge3A_542, %broadcast_in_dim3A_545, %broadcast_in_dim3A_546 : vector<16xi1>, vector<16xf32>
      %add3A_548 = arith.addf %scan3A_187, %select_n3A_547 : vector<16xf32>
      %mul3A_549 = arith.mulf %select_n3A_547, %sub3A_507 : vector<16xf32>
      %add3A_550 = arith.addf %scan3A_194, %mul3A_549 : vector<16xf32>
      %ge3A_551 = arith.constant 0.17833747 : f32
      %ge3A_552 = vector.broadcast %ge3A_551 : f32 to vector<16xf32>
      %ge3A_553 = arith.cmpf oge, %sub3A_507, %ge3A_552 : vector<16xf32>
      %jit3A_554 = arith.constant 1.000000e+00 : f32
      %jit3A_555 = arith.constant 0.000000e+00 : f32
      %broadcast_in_dim3A_556 = vector.broadcast %jit3A_554 : f32 to vector<16xf32>
      %broadcast_in_dim3A_557 = vector.broadcast %jit3A_555 : f32 to vector<16xf32>
      %select_n3A_558 = arith.select %ge3A_553, %broadcast_in_dim3A_556, %broadcast_in_dim3A_557 : vector<16xi1>, vector<16xf32>
      %add3A_559 = arith.addf %scan3A_188, %select_n3A_558 : vector<16xf32>
      %mul3A_560 = arith.mulf %select_n3A_558, %sub3A_507 : vector<16xf32>
      %add3A_561 = arith.addf %scan3A_195, %mul3A_560 : vector<16xf32>
      %ge3A_562 = arith.constant 0.222921833 : f32
      %ge3A_563 = vector.broadcast %ge3A_562 : f32 to vector<16xf32>
      %ge3A_564 = arith.cmpf oge, %sub3A_507, %ge3A_563 : vector<16xf32>
      %jit3A_565 = arith.constant 1.000000e+00 : f32
      %jit3A_566 = arith.constant 0.000000e+00 : f32
      %broadcast_in_dim3A_567 = vector.broadcast %jit3A_565 : f32 to vector<16xf32>
      %broadcast_in_dim3A_568 = vector.broadcast %jit3A_566 : f32 to vector<16xf32>
      %select_n3A_569 = arith.select %ge3A_564, %broadcast_in_dim3A_567, %broadcast_in_dim3A_568 : vector<16xi1>, vector<16xf32>
      %add3A_570 = arith.addf %scan3A_189, %select_n3A_569 : vector<16xf32>
      %mul3A_571 = arith.mulf %select_n3A_569, %sub3A_507 : vector<16xf32>
      %add3A_572 = arith.addf %scan3A_196, %mul3A_571 : vector<16xf32>
      %ge3A_573 = arith.constant 0.267506212 : f32
      %ge3A_574 = vector.broadcast %ge3A_573 : f32 to vector<16xf32>
      %ge3A_575 = arith.cmpf oge, %sub3A_507, %ge3A_574 : vector<16xf32>
      %jit3A_576 = arith.constant 1.000000e+00 : f32
      %jit3A_577 = arith.constant 0.000000e+00 : f32
      %broadcast_in_dim3A_578 = vector.broadcast %jit3A_576 : f32 to vector<16xf32>
      %broadcast_in_dim3A_579 = vector.broadcast %jit3A_577 : f32 to vector<16xf32>
      %select_n3A_580 = arith.select %ge3A_575, %broadcast_in_dim3A_578, %broadcast_in_dim3A_579 : vector<16xi1>, vector<16xf32>
      %add3A_581 = arith.addf %scan3A_190, %select_n3A_580 : vector<16xf32>
      %mul3A_582 = arith.mulf %select_n3A_580, %sub3A_507 : vector<16xf32>
      %add3A_583 = arith.addf %scan3A_197, %mul3A_582 : vector<16xf32>
      %ge3A_584 = arith.constant 0.312090576 : f32
      %ge3A_585 = vector.broadcast %ge3A_584 : f32 to vector<16xf32>
      %ge3A_586 = arith.cmpf oge, %sub3A_507, %ge3A_585 : vector<16xf32>
      %jit3A_587 = arith.constant 1.000000e+00 : f32
      %jit3A_588 = arith.constant 0.000000e+00 : f32
      %broadcast_in_dim3A_589 = vector.broadcast %jit3A_587 : f32 to vector<16xf32>
      %broadcast_in_dim3A_590 = vector.broadcast %jit3A_588 : f32 to vector<16xf32>
      %select_n3A_591 = arith.select %ge3A_586, %broadcast_in_dim3A_589, %broadcast_in_dim3A_590 : vector<16xi1>, vector<16xf32>
      %add3A_592 = arith.addf %scan3A_191, %select_n3A_591 : vector<16xf32>
      %mul3A_593 = arith.mulf %select_n3A_591, %sub3A_507 : vector<16xf32>
      %add3A_594 = arith.addf %scan3A_198, %mul3A_593 : vector<16xf32>
      scf.yield %add3A_516, %add3A_517, %add3A_518, %add3A_526, %add3A_537, %add3A_548, %add3A_559, %add3A_570, %add3A_581, %add3A_592, %add3A_528, %add3A_539, %add3A_550, %add3A_561, %add3A_572, %add3A_583, %add3A_594 : vector<16xf32>, vector<16xf32>, vector<16xf32>, vector<16xf32>, vector<16xf32>, vector<16xf32>, vector<16xf32>, vector<16xf32>, vector<16xf32>, vector<16xf32>, vector<16xf32>, vector<16xf32>, vector<16xf32>, vector<16xf32>, vector<16xf32>, vector<16xf32>, vector<16xf32>
    }
    %scan3A_67 = arith.constant 128 : i32
    %mul3A_68 = arith.constant 16 : i32
    %mul3A_69 = arith.muli %add3A, %mul3A_68 : i32
    %add3A_70 = arith.constant 12 : i32
    %add3A_71 = arith.addi %mul3A_69, %add3A_70 : i32
    %run_scoped3A_72 = arith.constant 7 : i32
    "tpu.region"() ({
      %run_scoped3A_181 = tpu.sem_alloc : memref<!tpu.dma_semaphore, #tpu.memory_space<semaphore_mem>>
      %dma_start3A = arith.constant 0 : i32
      %dma_start3A_182 = arith.constant 0 : i32
      %dma_start3A_183 = tpu.memref_slice %arg2[%run_scoped3A_72, %dma_start3A, %add3A_71, %dma_start3A_182] : memref<8x19x512x512xf32, #tpu.memory_space<hbm>> -> memref<1x19x4x512xf32, #tpu.memory_space<hbm>>
      %dma_start3A_184 = tpu.memref_squeeze %dma_start3A_183 : memref<1x19x4x512xf32, #tpu.memory_space<hbm>> -> memref<19x4x512xf32, #tpu.memory_space<hbm>>
      %dma_start3A_185 = arith.constant 0 : i32
      %dma_start3A_186 = arith.constant 0 : i32
      %dma_start3A_187 = tpu.memref_slice %arg2[%run_scoped3A_72, %dma_start3A_185, %add3A_71, %dma_start3A_186] : memref<8x19x512x512xf32, #tpu.memory_space<hbm>> -> memref<1x19x4x512xf32, #tpu.memory_space<hbm>>
      %dma_start3A_188 = tpu.memref_squeeze %dma_start3A_187 : memref<1x19x4x512xf32, #tpu.memory_space<hbm>> -> memref<19x4x512xf32, #tpu.memory_space<hbm>>
      tpu.enqueue_dma source(%dma_start3A_188 : memref<19x4x512xf32, #tpu.memory_space<hbm>>) target(%arg5 : memref<19x4x512xf32, #tpu.memory_space<vmem>>) target_semaphore(%run_scoped3A_181 : memref<!tpu.dma_semaphore, #tpu.memory_space<semaphore_mem>>)
      %dma_wait3A = arith.constant 0 : i32
      %dma_wait3A_189 = arith.constant 0 : i32
      %dma_wait3A_190 = tpu.memref_slice %arg2[%run_scoped3A_72, %dma_wait3A, %add3A_71, %dma_wait3A_189] : memref<8x19x512x512xf32, #tpu.memory_space<hbm>> -> memref<1x19x4x512xf32, #tpu.memory_space<hbm>>
      %dma_wait3A_191 = tpu.memref_squeeze %dma_wait3A_190 : memref<1x19x4x512xf32, #tpu.memory_space<hbm>> -> memref<19x4x512xf32, #tpu.memory_space<hbm>>
      %dma_wait3A_192 = arith.constant 0 : i32
      %dma_wait3A_193 = arith.constant 0 : i32
      %dma_wait3A_194 = tpu.memref_slice %arg2[%run_scoped3A_72, %dma_wait3A_192, %add3A_71, %dma_wait3A_193] : memref<8x19x512x512xf32, #tpu.memory_space<hbm>> -> memref<1x19x4x512xf32, #tpu.memory_space<hbm>>
      %dma_wait3A_195 = tpu.memref_squeeze %dma_wait3A_194 : memref<1x19x4x512xf32, #tpu.memory_space<hbm>> -> memref<19x4x512xf32, #tpu.memory_space<hbm>>
      tpu.wait_dma2 semaphore(%run_scoped3A_181 : memref<!tpu.dma_semaphore, #tpu.memory_space<semaphore_mem>>) src(%dma_wait3A_195 : memref<19x4x512xf32, #tpu.memory_space<hbm>>) dst(%arg5 : memref<19x4x512xf32, #tpu.memory_space<vmem>>)
      tpu.yield
    }) : () -> ()
    %run_scoped3A_73 = arith.constant 7 : i32
    "tpu.region"() ({
      %run_scoped3A_181 = tpu.sem_alloc : memref<!tpu.dma_semaphore, #tpu.memory_space<semaphore_mem>>
      %dma_start3A = arith.constant 0 : i32
      %dma_start3A_182 = tpu.memref_slice %arg3[%run_scoped3A_73, %add3A_71, %dma_start3A] : memref<8x512x512xi32, #tpu.memory_space<hbm>> -> memref<1x4x512xi32, #tpu.memory_space<hbm>>
      %dma_start3A_183 = tpu.memref_squeeze %dma_start3A_182 : memref<1x4x512xi32, #tpu.memory_space<hbm>> -> memref<4x512xi32, #tpu.memory_space<hbm>>
      %dma_start3A_184 = arith.constant 0 : i32
      %dma_start3A_185 = tpu.memref_slice %arg3[%run_scoped3A_73, %add3A_71, %dma_start3A_184] : memref<8x512x512xi32, #tpu.memory_space<hbm>> -> memref<1x4x512xi32, #tpu.memory_space<hbm>>
      %dma_start3A_186 = tpu.memref_squeeze %dma_start3A_185 : memref<1x4x512xi32, #tpu.memory_space<hbm>> -> memref<4x512xi32, #tpu.memory_space<hbm>>
      tpu.enqueue_dma source(%dma_start3A_186 : memref<4x512xi32, #tpu.memory_space<hbm>>) target(%arg6 : memref<4x512xi32, #tpu.memory_space<vmem>>) target_semaphore(%run_scoped3A_181 : memref<!tpu.dma_semaphore, #tpu.memory_space<semaphore_mem>>)
      %dma_wait3A = arith.constant 0 : i32
      %dma_wait3A_187 = tpu.memref_slice %arg3[%run_scoped3A_73, %add3A_71, %dma_wait3A] : memref<8x512x512xi32, #tpu.memory_space<hbm>> -> memref<1x4x512xi32, #tpu.memory_space<hbm>>
      %dma_wait3A_188 = tpu.memref_squeeze %dma_wait3A_187 : memref<1x4x512xi32, #tpu.memory_space<hbm>> -> memref<4x512xi32, #tpu.memory_space<hbm>>
      %dma_wait3A_189 = arith.constant 0 : i32
      %dma_wait3A_190 = tpu.memref_slice %arg3[%run_scoped3A_73, %add3A_71, %dma_wait3A_189] : memref<8x512x512xi32, #tpu.memory_space<hbm>> -> memref<1x4x512xi32, #tpu.memory_space<hbm>>
      %dma_wait3A_191 = tpu.memref_squeeze %dma_wait3A_190 : memref<1x4x512xi32, #tpu.memory_space<hbm>> -> memref<4x512xi32, #tpu.memory_space<hbm>>
      tpu.wait_dma2 semaphore(%run_scoped3A_181 : memref<!tpu.dma_semaphore, #tpu.memory_space<semaphore_mem>>) src(%dma_wait3A_191 : memref<4x512xi32, #tpu.memory_space<hbm>>) dst(%arg6 : memref<4x512xi32, #tpu.memory_space<vmem>>)
      tpu.yield
    }) : () -> ()
    %scan3A_74 = arith.constant 0 : i32
    %scan3A_75 = arith.constant 128 : i32
    %scan3A_76 = arith.addi %scan3A_74, %scan3A_75 : i32
    %scan3A_77 = arith.constant 1 : i32
    %scan3A_78:17 = scf.for %scan3A_181 = %scan3A_74 to %scan3A_76 step %scan3A_77 iter_args(%scan3A_182 = %scan3A_66#0, %scan3A_183 = %scan3A_66#1, %scan3A_184 = %scan3A_66#2, %scan3A_185 = %scan3A_66#3, %scan3A_186 = %scan3A_66#4, %scan3A_187 = %scan3A_66#5, %scan3A_188 = %scan3A_66#6, %scan3A_189 = %scan3A_66#7, %scan3A_190 = %scan3A_66#8, %scan3A_191 = %scan3A_66#9, %scan3A_192 = %scan3A_66#10, %scan3A_193 = %scan3A_66#11, %scan3A_194 = %scan3A_66#12, %scan3A_195 = %scan3A_66#13, %scan3A_196 = %scan3A_66#14, %scan3A_197 = %scan3A_66#15, %scan3A_198 = %scan3A_66#16) -> (vector<16xf32>, vector<16xf32>, vector<16xf32>, vector<16xf32>, vector<16xf32>, vector<16xf32>, vector<16xf32>, vector<16xf32>, vector<16xf32>, vector<16xf32>, vector<16xf32>, vector<16xf32>, vector<16xf32>, vector<16xf32>, vector<16xf32>, vector<16xf32>, vector<16xf32>)  : i32 {
      %shift_right_arithmetic3A = arith.constant 5 : i32
      %shift_right_arithmetic3A_199 = arith.shrsi %scan3A_181, %shift_right_arithmetic3A : i32
      %and3A = arith.constant 31 : i32
      %and3A_200 = arith.andi %scan3A_181, %and3A : i32
      %mul3A_201 = arith.constant 16 : i32
      %mul3A_202 = arith.muli %and3A_200, %mul3A_201 : i32
      %get3A = arith.index_cast %shift_right_arithmetic3A_199 : i32 to index
      %get3A_203 = arith.index_cast %mul3A_202 : i32 to index
      %get3A_204 = tpu.vector_load %arg6[%get3A, %get3A_203] {strides = array<i32>} : memref<4x512xi32, #tpu.memory_space<vmem>>, vector<1x16xi32>,
      %get3A_205 = vector.shape_cast %get3A_204 : vector<1x16xi32> to vector<16xi32>
      %get3A_206 = arith.constant 0 : i32
      %get3A_207 = arith.index_cast %get3A_206 : i32 to index
      %get3A_208 = arith.index_cast %shift_right_arithmetic3A_199 : i32 to index
      %get3A_209 = arith.index_cast %mul3A_202 : i32 to index
      %get3A_210 = tpu.vector_load %arg5[%get3A_207, %get3A_208, %get3A_209] {strides = array<i32>} : memref<19x4x512xf32, #tpu.memory_space<vmem>>, vector<1x1x16xf32>,
      %get3A_211 = vector.shape_cast %get3A_210 : vector<1x1x16xf32> to vector<16xf32>
      %exp3A = math.exp %get3A_211 : vector<16xf32>
      %eq3A = arith.constant 0 : i32
      %eq3A_212 = vector.broadcast %eq3A : i32 to vector<16xi32>
      %eq3A_213 = arith.cmpi eq, %get3A_205, %eq3A_212 : vector<16xi32>
      %jit3A = arith.constant 0.000000e+00 : f32
      %broadcast_in_dim3A_214 = vector.broadcast %jit3A : f32 to vector<16xf32>
      %select_n3A = arith.select %eq3A_213, %get3A_211, %broadcast_in_dim3A_214 : vector<16xi1>, vector<16xf32>
      %get3A_215 = arith.constant 1 : i32
      %get3A_216 = arith.index_cast %get3A_215 : i32 to index
      %get3A_217 = arith.index_cast %shift_right_arithmetic3A_199 : i32 to index
      %get3A_218 = arith.index_cast %mul3A_202 : i32 to index
      %get3A_219 = tpu.vector_load %arg5[%get3A_216, %get3A_217, %get3A_218] {strides = array<i32>} : memref<19x4x512xf32, #tpu.memory_space<vmem>>, vector<1x1x16xf32>,
      %get3A_220 = vector.shape_cast %get3A_219 : vector<1x1x16xf32> to vector<16xf32>
      %exp3A_221 = math.exp %get3A_220 : vector<16xf32>
      %add3A_222 = arith.addf %exp3A, %exp3A_221 : vector<16xf32>
      %eq3A_223 = arith.constant 1 : i32
      %eq3A_224 = vector.broadcast %eq3A_223 : i32 to vector<16xi32>
      %eq3A_225 = arith.cmpi eq, %get3A_205, %eq3A_224 : vector<16xi32>
      %jit3A_226 = arith.constant 0.000000e+00 : f32
      %broadcast_in_dim3A_227 = vector.broadcast %jit3A_226 : f32 to vector<16xf32>
      %select_n3A_228 = arith.select %eq3A_225, %get3A_220, %broadcast_in_dim3A_227 : vector<16xi1>, vector<16xf32>
      %add3A_229 = arith.addf %select_n3A, %select_n3A_228 : vector<16xf32>
      %get3A_230 = arith.constant 2 : i32
      %get3A_231 = arith.index_cast %get3A_230 : i32 to index
      %get3A_232 = arith.index_cast %shift_right_arithmetic3A_199 : i32 to index
      %get3A_233 = arith.index_cast %mul3A_202 : i32 to index
      %get3A_234 = tpu.vector_load %arg5[%get3A_231, %get3A_232, %get3A_233] {strides = array<i32>} : memref<19x4x512xf32, #tpu.memory_space<vmem>>, vector<1x1x16xf32>,
      %get3A_235 = vector.shape_cast %get3A_234 : vector<1x1x16xf32> to vector<16xf32>
      %exp3A_236 = math.exp %get3A_235 : vector<16xf32>
      %add3A_237 = arith.addf %add3A_222, %exp3A_236 : vector<16xf32>
      %eq3A_238 = arith.constant 2 : i32
      %eq3A_239 = vector.broadcast %eq3A_238 : i32 to vector<16xi32>
      %eq3A_240 = arith.cmpi eq, %get3A_205, %eq3A_239 : vector<16xi32>
      %jit3A_241 = arith.constant 0.000000e+00 : f32
      %broadcast_in_dim3A_242 = vector.broadcast %jit3A_241 : f32 to vector<16xf32>
      %select_n3A_243 = arith.select %eq3A_240, %get3A_235, %broadcast_in_dim3A_242 : vector<16xi1>, vector<16xf32>
      %add3A_244 = arith.addf %add3A_229, %select_n3A_243 : vector<16xf32>
      %get3A_245 = arith.constant 3 : i32
      %get3A_246 = arith.index_cast %get3A_245 : i32 to index
      %get3A_247 = arith.index_cast %shift_right_arithmetic3A_199 : i32 to index
      %get3A_248 = arith.index_cast %mul3A_202 : i32 to index
      %get3A_249 = tpu.vector_load %arg5[%get3A_246, %get3A_247, %get3A_248] {strides = array<i32>} : memref<19x4x512xf32, #tpu.memory_space<vmem>>, vector<1x1x16xf32>,
      %get3A_250 = vector.shape_cast %get3A_249 : vector<1x1x16xf32> to vector<16xf32>
      %exp3A_251 = math.exp %get3A_250 : vector<16xf32>
      %add3A_252 = arith.addf %add3A_237, %exp3A_251 : vector<16xf32>
      %eq3A_253 = arith.constant 3 : i32
      %eq3A_254 = vector.broadcast %eq3A_253 : i32 to vector<16xi32>
      %eq3A_255 = arith.cmpi eq, %get3A_205, %eq3A_254 : vector<16xi32>
      %jit3A_256 = arith.constant 0.000000e+00 : f32
      %broadcast_in_dim3A_257 = vector.broadcast %jit3A_256 : f32 to vector<16xf32>
      %select_n3A_258 = arith.select %eq3A_255, %get3A_250, %broadcast_in_dim3A_257 : vector<16xi1>, vector<16xf32>
      %add3A_259 = arith.addf %add3A_244, %select_n3A_258 : vector<16xf32>
      %get3A_260 = arith.constant 4 : i32
      %get3A_261 = arith.index_cast %get3A_260 : i32 to index
      %get3A_262 = arith.index_cast %shift_right_arithmetic3A_199 : i32 to index
      %get3A_263 = arith.index_cast %mul3A_202 : i32 to index
      %get3A_264 = tpu.vector_load %arg5[%get3A_261, %get3A_262, %get3A_263] {strides = array<i32>} : memref<19x4x512xf32, #tpu.memory_space<vmem>>, vector<1x1x16xf32>,
      %get3A_265 = vector.shape_cast %get3A_264 : vector<1x1x16xf32> to vector<16xf32>
      %exp3A_266 = math.exp %get3A_265 : vector<16xf32>
      %add3A_267 = arith.addf %add3A_252, %exp3A_266 : vector<16xf32>
      %eq3A_268 = arith.constant 4 : i32
      %eq3A_269 = vector.broadcast %eq3A_268 : i32 to vector<16xi32>
      %eq3A_270 = arith.cmpi eq, %get3A_205, %eq3A_269 : vector<16xi32>
      %jit3A_271 = arith.constant 0.000000e+00 : f32
      %broadcast_in_dim3A_272 = vector.broadcast %jit3A_271 : f32 to vector<16xf32>
      %select_n3A_273 = arith.select %eq3A_270, %get3A_265, %broadcast_in_dim3A_272 : vector<16xi1>, vector<16xf32>
      %add3A_274 = arith.addf %add3A_259, %select_n3A_273 : vector<16xf32>
      %get3A_275 = arith.constant 5 : i32
      %get3A_276 = arith.index_cast %get3A_275 : i32 to index
      %get3A_277 = arith.index_cast %shift_right_arithmetic3A_199 : i32 to index
      %get3A_278 = arith.index_cast %mul3A_202 : i32 to index
      %get3A_279 = tpu.vector_load %arg5[%get3A_276, %get3A_277, %get3A_278] {strides = array<i32>} : memref<19x4x512xf32, #tpu.memory_space<vmem>>, vector<1x1x16xf32>,
      %get3A_280 = vector.shape_cast %get3A_279 : vector<1x1x16xf32> to vector<16xf32>
      %exp3A_281 = math.exp %get3A_280 : vector<16xf32>
      %add3A_282 = arith.addf %add3A_267, %exp3A_281 : vector<16xf32>
      %eq3A_283 = arith.constant 5 : i32
      %eq3A_284 = vector.broadcast %eq3A_283 : i32 to vector<16xi32>
      %eq3A_285 = arith.cmpi eq, %get3A_205, %eq3A_284 : vector<16xi32>
      %jit3A_286 = arith.constant 0.000000e+00 : f32
      %broadcast_in_dim3A_287 = vector.broadcast %jit3A_286 : f32 to vector<16xf32>
      %select_n3A_288 = arith.select %eq3A_285, %get3A_280, %broadcast_in_dim3A_287 : vector<16xi1>, vector<16xf32>
      %add3A_289 = arith.addf %add3A_274, %select_n3A_288 : vector<16xf32>
      %get3A_290 = arith.constant 6 : i32
      %get3A_291 = arith.index_cast %get3A_290 : i32 to index
      %get3A_292 = arith.index_cast %shift_right_arithmetic3A_199 : i32 to index
      %get3A_293 = arith.index_cast %mul3A_202 : i32 to index
      %get3A_294 = tpu.vector_load %arg5[%get3A_291, %get3A_292, %get3A_293] {strides = array<i32>} : memref<19x4x512xf32, #tpu.memory_space<vmem>>, vector<1x1x16xf32>,
      %get3A_295 = vector.shape_cast %get3A_294 : vector<1x1x16xf32> to vector<16xf32>
      %exp3A_296 = math.exp %get3A_295 : vector<16xf32>
      %add3A_297 = arith.addf %add3A_282, %exp3A_296 : vector<16xf32>
      %eq3A_298 = arith.constant 6 : i32
      %eq3A_299 = vector.broadcast %eq3A_298 : i32 to vector<16xi32>
      %eq3A_300 = arith.cmpi eq, %get3A_205, %eq3A_299 : vector<16xi32>
      %jit3A_301 = arith.constant 0.000000e+00 : f32
      %broadcast_in_dim3A_302 = vector.broadcast %jit3A_301 : f32 to vector<16xf32>
      %select_n3A_303 = arith.select %eq3A_300, %get3A_295, %broadcast_in_dim3A_302 : vector<16xi1>, vector<16xf32>
      %add3A_304 = arith.addf %add3A_289, %select_n3A_303 : vector<16xf32>
      %get3A_305 = arith.constant 7 : i32
      %get3A_306 = arith.index_cast %get3A_305 : i32 to index
      %get3A_307 = arith.index_cast %shift_right_arithmetic3A_199 : i32 to index
      %get3A_308 = arith.index_cast %mul3A_202 : i32 to index
      %get3A_309 = tpu.vector_load %arg5[%get3A_306, %get3A_307, %get3A_308] {strides = array<i32>} : memref<19x4x512xf32, #tpu.memory_space<vmem>>, vector<1x1x16xf32>,
      %get3A_310 = vector.shape_cast %get3A_309 : vector<1x1x16xf32> to vector<16xf32>
      %exp3A_311 = math.exp %get3A_310 : vector<16xf32>
      %add3A_312 = arith.addf %add3A_297, %exp3A_311 : vector<16xf32>
      %eq3A_313 = arith.constant 7 : i32
      %eq3A_314 = vector.broadcast %eq3A_313 : i32 to vector<16xi32>
      %eq3A_315 = arith.cmpi eq, %get3A_205, %eq3A_314 : vector<16xi32>
      %jit3A_316 = arith.constant 0.000000e+00 : f32
      %broadcast_in_dim3A_317 = vector.broadcast %jit3A_316 : f32 to vector<16xf32>
      %select_n3A_318 = arith.select %eq3A_315, %get3A_310, %broadcast_in_dim3A_317 : vector<16xi1>, vector<16xf32>
      %add3A_319 = arith.addf %add3A_304, %select_n3A_318 : vector<16xf32>
      %get3A_320 = arith.constant 8 : i32
      %get3A_321 = arith.index_cast %get3A_320 : i32 to index
      %get3A_322 = arith.index_cast %shift_right_arithmetic3A_199 : i32 to index
      %get3A_323 = arith.index_cast %mul3A_202 : i32 to index
      %get3A_324 = tpu.vector_load %arg5[%get3A_321, %get3A_322, %get3A_323] {strides = array<i32>} : memref<19x4x512xf32, #tpu.memory_space<vmem>>, vector<1x1x16xf32>,
      %get3A_325 = vector.shape_cast %get3A_324 : vector<1x1x16xf32> to vector<16xf32>
      %exp3A_326 = math.exp %get3A_325 : vector<16xf32>
      %add3A_327 = arith.addf %add3A_312, %exp3A_326 : vector<16xf32>
      %eq3A_328 = arith.constant 8 : i32
      %eq3A_329 = vector.broadcast %eq3A_328 : i32 to vector<16xi32>
      %eq3A_330 = arith.cmpi eq, %get3A_205, %eq3A_329 : vector<16xi32>
      %jit3A_331 = arith.constant 0.000000e+00 : f32
      %broadcast_in_dim3A_332 = vector.broadcast %jit3A_331 : f32 to vector<16xf32>
      %select_n3A_333 = arith.select %eq3A_330, %get3A_325, %broadcast_in_dim3A_332 : vector<16xi1>, vector<16xf32>
      %add3A_334 = arith.addf %add3A_319, %select_n3A_333 : vector<16xf32>
      %get3A_335 = arith.constant 9 : i32
      %get3A_336 = arith.index_cast %get3A_335 : i32 to index
      %get3A_337 = arith.index_cast %shift_right_arithmetic3A_199 : i32 to index
      %get3A_338 = arith.index_cast %mul3A_202 : i32 to index
      %get3A_339 = tpu.vector_load %arg5[%get3A_336, %get3A_337, %get3A_338] {strides = array<i32>} : memref<19x4x512xf32, #tpu.memory_space<vmem>>, vector<1x1x16xf32>,
      %get3A_340 = vector.shape_cast %get3A_339 : vector<1x1x16xf32> to vector<16xf32>
      %exp3A_341 = math.exp %get3A_340 : vector<16xf32>
      %add3A_342 = arith.addf %add3A_327, %exp3A_341 : vector<16xf32>
      %eq3A_343 = arith.constant 9 : i32
      %eq3A_344 = vector.broadcast %eq3A_343 : i32 to vector<16xi32>
      %eq3A_345 = arith.cmpi eq, %get3A_205, %eq3A_344 : vector<16xi32>
      %jit3A_346 = arith.constant 0.000000e+00 : f32
      %broadcast_in_dim3A_347 = vector.broadcast %jit3A_346 : f32 to vector<16xf32>
      %select_n3A_348 = arith.select %eq3A_345, %get3A_340, %broadcast_in_dim3A_347 : vector<16xi1>, vector<16xf32>
      %add3A_349 = arith.addf %add3A_334, %select_n3A_348 : vector<16xf32>
      %get3A_350 = arith.constant 10 : i32
      %get3A_351 = arith.index_cast %get3A_350 : i32 to index
      %get3A_352 = arith.index_cast %shift_right_arithmetic3A_199 : i32 to index
      %get3A_353 = arith.index_cast %mul3A_202 : i32 to index
      %get3A_354 = tpu.vector_load %arg5[%get3A_351, %get3A_352, %get3A_353] {strides = array<i32>} : memref<19x4x512xf32, #tpu.memory_space<vmem>>, vector<1x1x16xf32>,
      %get3A_355 = vector.shape_cast %get3A_354 : vector<1x1x16xf32> to vector<16xf32>
      %exp3A_356 = math.exp %get3A_355 : vector<16xf32>
      %add3A_357 = arith.addf %add3A_342, %exp3A_356 : vector<16xf32>
      %eq3A_358 = arith.constant 10 : i32
      %eq3A_359 = vector.broadcast %eq3A_358 : i32 to vector<16xi32>
      %eq3A_360 = arith.cmpi eq, %get3A_205, %eq3A_359 : vector<16xi32>
      %jit3A_361 = arith.constant 0.000000e+00 : f32
      %broadcast_in_dim3A_362 = vector.broadcast %jit3A_361 : f32 to vector<16xf32>
      %select_n3A_363 = arith.select %eq3A_360, %get3A_355, %broadcast_in_dim3A_362 : vector<16xi1>, vector<16xf32>
      %add3A_364 = arith.addf %add3A_349, %select_n3A_363 : vector<16xf32>
      %get3A_365 = arith.constant 11 : i32
      %get3A_366 = arith.index_cast %get3A_365 : i32 to index
      %get3A_367 = arith.index_cast %shift_right_arithmetic3A_199 : i32 to index
      %get3A_368 = arith.index_cast %mul3A_202 : i32 to index
      %get3A_369 = tpu.vector_load %arg5[%get3A_366, %get3A_367, %get3A_368] {strides = array<i32>} : memref<19x4x512xf32, #tpu.memory_space<vmem>>, vector<1x1x16xf32>,
      %get3A_370 = vector.shape_cast %get3A_369 : vector<1x1x16xf32> to vector<16xf32>
      %exp3A_371 = math.exp %get3A_370 : vector<16xf32>
      %add3A_372 = arith.addf %add3A_357, %exp3A_371 : vector<16xf32>
      %eq3A_373 = arith.constant 11 : i32
      %eq3A_374 = vector.broadcast %eq3A_373 : i32 to vector<16xi32>
      %eq3A_375 = arith.cmpi eq, %get3A_205, %eq3A_374 : vector<16xi32>
      %jit3A_376 = arith.constant 0.000000e+00 : f32
      %broadcast_in_dim3A_377 = vector.broadcast %jit3A_376 : f32 to vector<16xf32>
      %select_n3A_378 = arith.select %eq3A_375, %get3A_370, %broadcast_in_dim3A_377 : vector<16xi1>, vector<16xf32>
      %add3A_379 = arith.addf %add3A_364, %select_n3A_378 : vector<16xf32>
      %get3A_380 = arith.constant 12 : i32
      %get3A_381 = arith.index_cast %get3A_380 : i32 to index
      %get3A_382 = arith.index_cast %shift_right_arithmetic3A_199 : i32 to index
      %get3A_383 = arith.index_cast %mul3A_202 : i32 to index
      %get3A_384 = tpu.vector_load %arg5[%get3A_381, %get3A_382, %get3A_383] {strides = array<i32>} : memref<19x4x512xf32, #tpu.memory_space<vmem>>, vector<1x1x16xf32>,
      %get3A_385 = vector.shape_cast %get3A_384 : vector<1x1x16xf32> to vector<16xf32>
      %exp3A_386 = math.exp %get3A_385 : vector<16xf32>
      %add3A_387 = arith.addf %add3A_372, %exp3A_386 : vector<16xf32>
      %eq3A_388 = arith.constant 12 : i32
      %eq3A_389 = vector.broadcast %eq3A_388 : i32 to vector<16xi32>
      %eq3A_390 = arith.cmpi eq, %get3A_205, %eq3A_389 : vector<16xi32>
      %jit3A_391 = arith.constant 0.000000e+00 : f32
      %broadcast_in_dim3A_392 = vector.broadcast %jit3A_391 : f32 to vector<16xf32>
      %select_n3A_393 = arith.select %eq3A_390, %get3A_385, %broadcast_in_dim3A_392 : vector<16xi1>, vector<16xf32>
      %add3A_394 = arith.addf %add3A_379, %select_n3A_393 : vector<16xf32>
      %get3A_395 = arith.constant 13 : i32
      %get3A_396 = arith.index_cast %get3A_395 : i32 to index
      %get3A_397 = arith.index_cast %shift_right_arithmetic3A_199 : i32 to index
      %get3A_398 = arith.index_cast %mul3A_202 : i32 to index
      %get3A_399 = tpu.vector_load %arg5[%get3A_396, %get3A_397, %get3A_398] {strides = array<i32>} : memref<19x4x512xf32, #tpu.memory_space<vmem>>, vector<1x1x16xf32>,
      %get3A_400 = vector.shape_cast %get3A_399 : vector<1x1x16xf32> to vector<16xf32>
      %exp3A_401 = math.exp %get3A_400 : vector<16xf32>
      %add3A_402 = arith.addf %add3A_387, %exp3A_401 : vector<16xf32>
      %eq3A_403 = arith.constant 13 : i32
      %eq3A_404 = vector.broadcast %eq3A_403 : i32 to vector<16xi32>
      %eq3A_405 = arith.cmpi eq, %get3A_205, %eq3A_404 : vector<16xi32>
      %jit3A_406 = arith.constant 0.000000e+00 : f32
      %broadcast_in_dim3A_407 = vector.broadcast %jit3A_406 : f32 to vector<16xf32>
      %select_n3A_408 = arith.select %eq3A_405, %get3A_400, %broadcast_in_dim3A_407 : vector<16xi1>, vector<16xf32>
      %add3A_409 = arith.addf %add3A_394, %select_n3A_408 : vector<16xf32>
      %get3A_410 = arith.constant 14 : i32
      %get3A_411 = arith.index_cast %get3A_410 : i32 to index
      %get3A_412 = arith.index_cast %shift_right_arithmetic3A_199 : i32 to index
      %get3A_413 = arith.index_cast %mul3A_202 : i32 to index
      %get3A_414 = tpu.vector_load %arg5[%get3A_411, %get3A_412, %get3A_413] {strides = array<i32>} : memref<19x4x512xf32, #tpu.memory_space<vmem>>, vector<1x1x16xf32>,
      %get3A_415 = vector.shape_cast %get3A_414 : vector<1x1x16xf32> to vector<16xf32>
      %exp3A_416 = math.exp %get3A_415 : vector<16xf32>
      %add3A_417 = arith.addf %add3A_402, %exp3A_416 : vector<16xf32>
      %eq3A_418 = arith.constant 14 : i32
      %eq3A_419 = vector.broadcast %eq3A_418 : i32 to vector<16xi32>
      %eq3A_420 = arith.cmpi eq, %get3A_205, %eq3A_419 : vector<16xi32>
      %jit3A_421 = arith.constant 0.000000e+00 : f32
      %broadcast_in_dim3A_422 = vector.broadcast %jit3A_421 : f32 to vector<16xf32>
      %select_n3A_423 = arith.select %eq3A_420, %get3A_415, %broadcast_in_dim3A_422 : vector<16xi1>, vector<16xf32>
      %add3A_424 = arith.addf %add3A_409, %select_n3A_423 : vector<16xf32>
      %get3A_425 = arith.constant 15 : i32
      %get3A_426 = arith.index_cast %get3A_425 : i32 to index
      %get3A_427 = arith.index_cast %shift_right_arithmetic3A_199 : i32 to index
      %get3A_428 = arith.index_cast %mul3A_202 : i32 to index
      %get3A_429 = tpu.vector_load %arg5[%get3A_426, %get3A_427, %get3A_428] {strides = array<i32>} : memref<19x4x512xf32, #tpu.memory_space<vmem>>, vector<1x1x16xf32>,
      %get3A_430 = vector.shape_cast %get3A_429 : vector<1x1x16xf32> to vector<16xf32>
      %exp3A_431 = math.exp %get3A_430 : vector<16xf32>
      %add3A_432 = arith.addf %add3A_417, %exp3A_431 : vector<16xf32>
      %eq3A_433 = arith.constant 15 : i32
      %eq3A_434 = vector.broadcast %eq3A_433 : i32 to vector<16xi32>
      %eq3A_435 = arith.cmpi eq, %get3A_205, %eq3A_434 : vector<16xi32>
      %jit3A_436 = arith.constant 0.000000e+00 : f32
      %broadcast_in_dim3A_437 = vector.broadcast %jit3A_436 : f32 to vector<16xf32>
      %select_n3A_438 = arith.select %eq3A_435, %get3A_430, %broadcast_in_dim3A_437 : vector<16xi1>, vector<16xf32>
      %add3A_439 = arith.addf %add3A_424, %select_n3A_438 : vector<16xf32>
      %get3A_440 = arith.constant 16 : i32
      %get3A_441 = arith.index_cast %get3A_440 : i32 to index
      %get3A_442 = arith.index_cast %shift_right_arithmetic3A_199 : i32 to index
      %get3A_443 = arith.index_cast %mul3A_202 : i32 to index
      %get3A_444 = tpu.vector_load %arg5[%get3A_441, %get3A_442, %get3A_443] {strides = array<i32>} : memref<19x4x512xf32, #tpu.memory_space<vmem>>, vector<1x1x16xf32>,
      %get3A_445 = vector.shape_cast %get3A_444 : vector<1x1x16xf32> to vector<16xf32>
      %exp3A_446 = math.exp %get3A_445 : vector<16xf32>
      %add3A_447 = arith.addf %add3A_432, %exp3A_446 : vector<16xf32>
      %eq3A_448 = arith.constant 16 : i32
      %eq3A_449 = vector.broadcast %eq3A_448 : i32 to vector<16xi32>
      %eq3A_450 = arith.cmpi eq, %get3A_205, %eq3A_449 : vector<16xi32>
      %jit3A_451 = arith.constant 0.000000e+00 : f32
      %broadcast_in_dim3A_452 = vector.broadcast %jit3A_451 : f32 to vector<16xf32>
      %select_n3A_453 = arith.select %eq3A_450, %get3A_445, %broadcast_in_dim3A_452 : vector<16xi1>, vector<16xf32>
      %add3A_454 = arith.addf %add3A_439, %select_n3A_453 : vector<16xf32>
      %get3A_455 = arith.constant 17 : i32
      %get3A_456 = arith.index_cast %get3A_455 : i32 to index
      %get3A_457 = arith.index_cast %shift_right_arithmetic3A_199 : i32 to index
      %get3A_458 = arith.index_cast %mul3A_202 : i32 to index
      %get3A_459 = tpu.vector_load %arg5[%get3A_456, %get3A_457, %get3A_458] {strides = array<i32>} : memref<19x4x512xf32, #tpu.memory_space<vmem>>, vector<1x1x16xf32>,
      %get3A_460 = vector.shape_cast %get3A_459 : vector<1x1x16xf32> to vector<16xf32>
      %exp3A_461 = math.exp %get3A_460 : vector<16xf32>
      %add3A_462 = arith.addf %add3A_447, %exp3A_461 : vector<16xf32>
      %eq3A_463 = arith.constant 17 : i32
      %eq3A_464 = vector.broadcast %eq3A_463 : i32 to vector<16xi32>
      %eq3A_465 = arith.cmpi eq, %get3A_205, %eq3A_464 : vector<16xi32>
      %jit3A_466 = arith.constant 0.000000e+00 : f32
      %broadcast_in_dim3A_467 = vector.broadcast %jit3A_466 : f32 to vector<16xf32>
      %select_n3A_468 = arith.select %eq3A_465, %get3A_460, %broadcast_in_dim3A_467 : vector<16xi1>, vector<16xf32>
      %add3A_469 = arith.addf %add3A_454, %select_n3A_468 : vector<16xf32>
      %get3A_470 = arith.constant 18 : i32
      %get3A_471 = arith.index_cast %get3A_470 : i32 to index
      %get3A_472 = arith.index_cast %shift_right_arithmetic3A_199 : i32 to index
      %get3A_473 = arith.index_cast %mul3A_202 : i32 to index
      %get3A_474 = tpu.vector_load %arg5[%get3A_471, %get3A_472, %get3A_473] {strides = array<i32>} : memref<19x4x512xf32, #tpu.memory_space<vmem>>, vector<1x1x16xf32>,
      %get3A_475 = vector.shape_cast %get3A_474 : vector<1x1x16xf32> to vector<16xf32>
      %exp3A_476 = math.exp %get3A_475 : vector<16xf32>
      %add3A_477 = arith.addf %add3A_462, %exp3A_476 : vector<16xf32>
      %eq3A_478 = arith.constant 18 : i32
      %eq3A_479 = vector.broadcast %eq3A_478 : i32 to vector<16xi32>
      %eq3A_480 = arith.cmpi eq, %get3A_205, %eq3A_479 : vector<16xi32>
      %jit3A_481 = arith.constant 0.000000e+00 : f32
      %broadcast_in_dim3A_482 = vector.broadcast %jit3A_481 : f32 to vector<16xf32>
      %select_n3A_483 = arith.select %eq3A_480, %get3A_475, %broadcast_in_dim3A_482 : vector<16xi1>, vector<16xf32>
      %add3A_484 = arith.addf %add3A_469, %select_n3A_483 : vector<16xf32>
      %bitcast_convert_type3A = tpu.bitcast %add3A_477 : vector<16xf32> -> vector<16xi32>
      %convert_element_type3A = arith.sitofp %bitcast_convert_type3A : vector<16xi32> to vector<16xf32>
      %sub3A = arith.constant 1.06486682E+9 : f32
      %sub3A_485 = vector.broadcast %sub3A : f32 to vector<16xf32>
      %sub3A_486 = arith.subf %convert_element_type3A, %sub3A_485 : vector<16xf32>
      %mul3A_487 = arith.constant 8.26295832E-8 : f32
      %mul3A_488 = vector.broadcast %mul3A_487 : f32 to vector<16xf32>
      %mul3A_489 = arith.mulf %sub3A_486, %mul3A_488 : vector<16xf32>
      %neg3A = arith.constant 0.000000e+00 : f32
      %neg3A_490 = vector.broadcast %neg3A : f32 to vector<16xf32>
      %neg3A_491 = arith.subf %neg3A_490, %mul3A_489 : vector<16xf32>
      %exp3A_492 = math.exp %neg3A_491 : vector<16xf32>
      %mul3A_493 = arith.mulf %add3A_477, %exp3A_492 : vector<16xf32>
      %add3A_494 = arith.addf %mul3A_489, %mul3A_493 : vector<16xf32>
      %sub3A_495 = arith.constant 1.000000e+00 : f32
      %sub3A_496 = vector.broadcast %sub3A_495 : f32 to vector<16xf32>
      %sub3A_497 = arith.subf %add3A_494, %sub3A_496 : vector<16xf32>
      %neg3A_498 = arith.constant 0.000000e+00 : f32
      %neg3A_499 = vector.broadcast %neg3A_498 : f32 to vector<16xf32>
      %neg3A_500 = arith.subf %neg3A_499, %sub3A_497 : vector<16xf32>
      %exp3A_501 = math.exp %neg3A_500 : vector<16xf32>
      %mul3A_502 = arith.mulf %add3A_477, %exp3A_501 : vector<16xf32>
      %add3A_503 = arith.addf %sub3A_497, %mul3A_502 : vector<16xf32>
      %sub3A_504 = arith.constant 1.000000e+00 : f32
      %sub3A_505 = vector.broadcast %sub3A_504 : f32 to vector<16xf32>
      %sub3A_506 = arith.subf %add3A_503, %sub3A_505 : vector<16xf32>
      %sub3A_507 = arith.subf %sub3A_506, %add3A_484 : vector<16xf32>
      %gt3A = arith.constant 0.356674939 : f32
      %gt3A_508 = vector.broadcast %gt3A : f32 to vector<16xf32>
      %gt3A_509 = arith.cmpf ogt, %sub3A_507, %gt3A_508 : vector<16xf32>
      %jit3A_510 = arith.constant 1.000000e+00 : f32
      %jit3A_511 = arith.constant 0.000000e+00 : f32
      %broadcast_in_dim3A_512 = vector.broadcast %jit3A_510 : f32 to vector<16xf32>
      %broadcast_in_dim3A_513 = vector.broadcast %jit3A_511 : f32 to vector<16xf32>
      %select_n3A_514 = arith.select %gt3A_509, %broadcast_in_dim3A_512, %broadcast_in_dim3A_513 : vector<16xi1>, vector<16xf32>
      %mul3A_515 = arith.mulf %select_n3A_514, %sub3A_507 : vector<16xf32>
      %add3A_516 = arith.addf %scan3A_182, %mul3A_515 : vector<16xf32>
      %add3A_517 = arith.addf %scan3A_183, %select_n3A_514 : vector<16xf32>
      %add3A_518 = arith.addf %scan3A_184, %sub3A_507 : vector<16xf32>
      %ge3A = arith.constant 0.0445843674 : f32
      %ge3A_519 = vector.broadcast %ge3A : f32 to vector<16xf32>
      %ge3A_520 = arith.cmpf oge, %sub3A_507, %ge3A_519 : vector<16xf32>
      %jit3A_521 = arith.constant 1.000000e+00 : f32
      %jit3A_522 = arith.constant 0.000000e+00 : f32
      %broadcast_in_dim3A_523 = vector.broadcast %jit3A_521 : f32 to vector<16xf32>
      %broadcast_in_dim3A_524 = vector.broadcast %jit3A_522 : f32 to vector<16xf32>
      %select_n3A_525 = arith.select %ge3A_520, %broadcast_in_dim3A_523, %broadcast_in_dim3A_524 : vector<16xi1>, vector<16xf32>
      %add3A_526 = arith.addf %scan3A_185, %select_n3A_525 : vector<16xf32>
      %mul3A_527 = arith.mulf %select_n3A_525, %sub3A_507 : vector<16xf32>
      %add3A_528 = arith.addf %scan3A_192, %mul3A_527 : vector<16xf32>
      %ge3A_529 = arith.constant 0.0891687348 : f32
      %ge3A_530 = vector.broadcast %ge3A_529 : f32 to vector<16xf32>
      %ge3A_531 = arith.cmpf oge, %sub3A_507, %ge3A_530 : vector<16xf32>
      %jit3A_532 = arith.constant 1.000000e+00 : f32
      %jit3A_533 = arith.constant 0.000000e+00 : f32
      %broadcast_in_dim3A_534 = vector.broadcast %jit3A_532 : f32 to vector<16xf32>
      %broadcast_in_dim3A_535 = vector.broadcast %jit3A_533 : f32 to vector<16xf32>
      %select_n3A_536 = arith.select %ge3A_531, %broadcast_in_dim3A_534, %broadcast_in_dim3A_535 : vector<16xi1>, vector<16xf32>
      %add3A_537 = arith.addf %scan3A_186, %select_n3A_536 : vector<16xf32>
      %mul3A_538 = arith.mulf %select_n3A_536, %sub3A_507 : vector<16xf32>
      %add3A_539 = arith.addf %scan3A_193, %mul3A_538 : vector<16xf32>
      %ge3A_540 = arith.constant 0.133753106 : f32
      %ge3A_541 = vector.broadcast %ge3A_540 : f32 to vector<16xf32>
      %ge3A_542 = arith.cmpf oge, %sub3A_507, %ge3A_541 : vector<16xf32>
      %jit3A_543 = arith.constant 1.000000e+00 : f32
      %jit3A_544 = arith.constant 0.000000e+00 : f32
      %broadcast_in_dim3A_545 = vector.broadcast %jit3A_543 : f32 to vector<16xf32>
      %broadcast_in_dim3A_546 = vector.broadcast %jit3A_544 : f32 to vector<16xf32>
      %select_n3A_547 = arith.select %ge3A_542, %broadcast_in_dim3A_545, %broadcast_in_dim3A_546 : vector<16xi1>, vector<16xf32>
      %add3A_548 = arith.addf %scan3A_187, %select_n3A_547 : vector<16xf32>
      %mul3A_549 = arith.mulf %select_n3A_547, %sub3A_507 : vector<16xf32>
      %add3A_550 = arith.addf %scan3A_194, %mul3A_549 : vector<16xf32>
      %ge3A_551 = arith.constant 0.17833747 : f32
      %ge3A_552 = vector.broadcast %ge3A_551 : f32 to vector<16xf32>
      %ge3A_553 = arith.cmpf oge, %sub3A_507, %ge3A_552 : vector<16xf32>
      %jit3A_554 = arith.constant 1.000000e+00 : f32
      %jit3A_555 = arith.constant 0.000000e+00 : f32
      %broadcast_in_dim3A_556 = vector.broadcast %jit3A_554 : f32 to vector<16xf32>
      %broadcast_in_dim3A_557 = vector.broadcast %jit3A_555 : f32 to vector<16xf32>
      %select_n3A_558 = arith.select %ge3A_553, %broadcast_in_dim3A_556, %broadcast_in_dim3A_557 : vector<16xi1>, vector<16xf32>
      %add3A_559 = arith.addf %scan3A_188, %select_n3A_558 : vector<16xf32>
      %mul3A_560 = arith.mulf %select_n3A_558, %sub3A_507 : vector<16xf32>
      %add3A_561 = arith.addf %scan3A_195, %mul3A_560 : vector<16xf32>
      %ge3A_562 = arith.constant 0.222921833 : f32
      %ge3A_563 = vector.broadcast %ge3A_562 : f32 to vector<16xf32>
      %ge3A_564 = arith.cmpf oge, %sub3A_507, %ge3A_563 : vector<16xf32>
      %jit3A_565 = arith.constant 1.000000e+00 : f32
      %jit3A_566 = arith.constant 0.000000e+00 : f32
      %broadcast_in_dim3A_567 = vector.broadcast %jit3A_565 : f32 to vector<16xf32>
      %broadcast_in_dim3A_568 = vector.broadcast %jit3A_566 : f32 to vector<16xf32>
      %select_n3A_569 = arith.select %ge3A_564, %broadcast_in_dim3A_567, %broadcast_in_dim3A_568 : vector<16xi1>, vector<16xf32>
      %add3A_570 = arith.addf %scan3A_189, %select_n3A_569 : vector<16xf32>
      %mul3A_571 = arith.mulf %select_n3A_569, %sub3A_507 : vector<16xf32>
      %add3A_572 = arith.addf %scan3A_196, %mul3A_571 : vector<16xf32>
      %ge3A_573 = arith.constant 0.267506212 : f32
      %ge3A_574 = vector.broadcast %ge3A_573 : f32 to vector<16xf32>
      %ge3A_575 = arith.cmpf oge, %sub3A_507, %ge3A_574 : vector<16xf32>
      %jit3A_576 = arith.constant 1.000000e+00 : f32
      %jit3A_577 = arith.constant 0.000000e+00 : f32
      %broadcast_in_dim3A_578 = vector.broadcast %jit3A_576 : f32 to vector<16xf32>
      %broadcast_in_dim3A_579 = vector.broadcast %jit3A_577 : f32 to vector<16xf32>
      %select_n3A_580 = arith.select %ge3A_575, %broadcast_in_dim3A_578, %broadcast_in_dim3A_579 : vector<16xi1>, vector<16xf32>
      %add3A_581 = arith.addf %scan3A_190, %select_n3A_580 : vector<16xf32>
      %mul3A_582 = arith.mulf %select_n3A_580, %sub3A_507 : vector<16xf32>
      %add3A_583 = arith.addf %scan3A_197, %mul3A_582 : vector<16xf32>
      %ge3A_584 = arith.constant 0.312090576 : f32
      %ge3A_585 = vector.broadcast %ge3A_584 : f32 to vector<16xf32>
      %ge3A_586 = arith.cmpf oge, %sub3A_507, %ge3A_585 : vector<16xf32>
      %jit3A_587 = arith.constant 1.000000e+00 : f32
      %jit3A_588 = arith.constant 0.000000e+00 : f32
      %broadcast_in_dim3A_589 = vector.broadcast %jit3A_587 : f32 to vector<16xf32>
      %broadcast_in_dim3A_590 = vector.broadcast %jit3A_588 : f32 to vector<16xf32>
      %select_n3A_591 = arith.select %ge3A_586, %broadcast_in_dim3A_589, %broadcast_in_dim3A_590 : vector<16xi1>, vector<16xf32>
      %add3A_592 = arith.addf %scan3A_191, %select_n3A_591 : vector<16xf32>
      %mul3A_593 = arith.mulf %select_n3A_591, %sub3A_507 : vector<16xf32>
      %add3A_594 = arith.addf %scan3A_198, %mul3A_593 : vector<16xf32>
      scf.yield %add3A_516, %add3A_517, %add3A_518, %add3A_526, %add3A_537, %add3A_548, %add3A_559, %add3A_570, %add3A_581, %add3A_592, %add3A_528, %add3A_539, %add3A_550, %add3A_561, %add3A_572, %add3A_583, %add3A_594 : vector<16xf32>, vector<16xf32>, vector<16xf32>, vector<16xf32>, vector<16xf32>, vector<16xf32>, vector<16xf32>, vector<16xf32>, vector<16xf32>, vector<16xf32>, vector<16xf32>, vector<16xf32>, vector<16xf32>, vector<16xf32>, vector<16xf32>, vector<16xf32>, vector<16xf32>
    }
    %scan3A_79 = arith.constant 128 : i32
    %swap3A = arith.constant 0 : i32
    %swap3A_80 = arith.index_cast %swap3A : i32 to index
    %swap3A_81 = arith.constant 0 : index
    %swap3A_82 = tpu.vector_load %arg7[%swap3A_80, %swap3A_81] {strides = array<i32>} : memref<17x16xf32, #tpu.memory_space<vmem>>, vector<1x16xf32>,
    %swap3A_83 = vector.shape_cast %swap3A_82 : vector<1x16xf32> to vector<16xf32>
    %swap3A_84 = vector.shape_cast %scan3A_78#0 : vector<16xf32> to vector<1x16xf32>
    tpu.vector_store %arg7[%swap3A_80, %swap3A_81], %swap3A_84 {strides = array<i32>} : memref<17x16xf32, #tpu.memory_space<vmem>>, vector<1x16xf32>,
    %swap3A_85 = arith.constant 1 : i32
    %swap3A_86 = arith.index_cast %swap3A_85 : i32 to index
    %swap3A_87 = arith.constant 0 : index
    %swap3A_88 = tpu.vector_load %arg7[%swap3A_86, %swap3A_87] {strides = array<i32>} : memref<17x16xf32, #tpu.memory_space<vmem>>, vector<1x16xf32>,
    %swap3A_89 = vector.shape_cast %swap3A_88 : vector<1x16xf32> to vector<16xf32>
    %swap3A_90 = vector.shape_cast %scan3A_78#1 : vector<16xf32> to vector<1x16xf32>
    tpu.vector_store %arg7[%swap3A_86, %swap3A_87], %swap3A_90 {strides = array<i32>} : memref<17x16xf32, #tpu.memory_space<vmem>>, vector<1x16xf32>,
    %swap3A_91 = arith.constant 2 : i32
    %swap3A_92 = arith.index_cast %swap3A_91 : i32 to index
    %swap3A_93 = arith.constant 0 : index
    %swap3A_94 = tpu.vector_load %arg7[%swap3A_92, %swap3A_93] {strides = array<i32>} : memref<17x16xf32, #tpu.memory_space<vmem>>, vector<1x16xf32>,
    %swap3A_95 = vector.shape_cast %swap3A_94 : vector<1x16xf32> to vector<16xf32>
    %swap3A_96 = vector.shape_cast %scan3A_78#2 : vector<16xf32> to vector<1x16xf32>
    tpu.vector_store %arg7[%swap3A_92, %swap3A_93], %swap3A_96 {strides = array<i32>} : memref<17x16xf32, #tpu.memory_space<vmem>>, vector<1x16xf32>,
    %swap3A_97 = arith.constant 3 : i32
    %swap3A_98 = arith.index_cast %swap3A_97 : i32 to index
    %swap3A_99 = arith.constant 0 : index
    %swap3A_100 = tpu.vector_load %arg7[%swap3A_98, %swap3A_99] {strides = array<i32>} : memref<17x16xf32, #tpu.memory_space<vmem>>, vector<1x16xf32>,
    %swap3A_101 = vector.shape_cast %swap3A_100 : vector<1x16xf32> to vector<16xf32>
    %swap3A_102 = vector.shape_cast %scan3A_78#3 : vector<16xf32> to vector<1x16xf32>
    tpu.vector_store %arg7[%swap3A_98, %swap3A_99], %swap3A_102 {strides = array<i32>} : memref<17x16xf32, #tpu.memory_space<vmem>>, vector<1x16xf32>,
    %swap3A_103 = arith.constant 4 : i32
    %swap3A_104 = arith.index_cast %swap3A_103 : i32 to index
    %swap3A_105 = arith.constant 0 : index
    %swap3A_106 = tpu.vector_load %arg7[%swap3A_104, %swap3A_105] {strides = array<i32>} : memref<17x16xf32, #tpu.memory_space<vmem>>, vector<1x16xf32>,
    %swap3A_107 = vector.shape_cast %swap3A_106 : vector<1x16xf32> to vector<16xf32>
    %swap3A_108 = vector.shape_cast %scan3A_78#4 : vector<16xf32> to vector<1x16xf32>
    tpu.vector_store %arg7[%swap3A_104, %swap3A_105], %swap3A_108 {strides = array<i32>} : memref<17x16xf32, #tpu.memory_space<vmem>>, vector<1x16xf32>,
    %swap3A_109 = arith.constant 5 : i32
    %swap3A_110 = arith.index_cast %swap3A_109 : i32 to index
    %swap3A_111 = arith.constant 0 : index
    %swap3A_112 = tpu.vector_load %arg7[%swap3A_110, %swap3A_111] {strides = array<i32>} : memref<17x16xf32, #tpu.memory_space<vmem>>, vector<1x16xf32>,
    %swap3A_113 = vector.shape_cast %swap3A_112 : vector<1x16xf32> to vector<16xf32>
    %swap3A_114 = vector.shape_cast %scan3A_78#5 : vector<16xf32> to vector<1x16xf32>
    tpu.vector_store %arg7[%swap3A_110, %swap3A_111], %swap3A_114 {strides = array<i32>} : memref<17x16xf32, #tpu.memory_space<vmem>>, vector<1x16xf32>,
    %swap3A_115 = arith.constant 6 : i32
    %swap3A_116 = arith.index_cast %swap3A_115 : i32 to index
    %swap3A_117 = arith.constant 0 : index
    %swap3A_118 = tpu.vector_load %arg7[%swap3A_116, %swap3A_117] {strides = array<i32>} : memref<17x16xf32, #tpu.memory_space<vmem>>, vector<1x16xf32>,
    %swap3A_119 = vector.shape_cast %swap3A_118 : vector<1x16xf32> to vector<16xf32>
    %swap3A_120 = vector.shape_cast %scan3A_78#6 : vector<16xf32> to vector<1x16xf32>
    tpu.vector_store %arg7[%swap3A_116, %swap3A_117], %swap3A_120 {strides = array<i32>} : memref<17x16xf32, #tpu.memory_space<vmem>>, vector<1x16xf32>,
    %swap3A_121 = arith.constant 7 : i32
    %swap3A_122 = arith.index_cast %swap3A_121 : i32 to index
    %swap3A_123 = arith.constant 0 : index
    %swap3A_124 = tpu.vector_load %arg7[%swap3A_122, %swap3A_123] {strides = array<i32>} : memref<17x16xf32, #tpu.memory_space<vmem>>, vector<1x16xf32>,
    %swap3A_125 = vector.shape_cast %swap3A_124 : vector<1x16xf32> to vector<16xf32>
    %swap3A_126 = vector.shape_cast %scan3A_78#7 : vector<16xf32> to vector<1x16xf32>
    tpu.vector_store %arg7[%swap3A_122, %swap3A_123], %swap3A_126 {strides = array<i32>} : memref<17x16xf32, #tpu.memory_space<vmem>>, vector<1x16xf32>,
    %swap3A_127 = arith.constant 8 : i32
    %swap3A_128 = arith.index_cast %swap3A_127 : i32 to index
    %swap3A_129 = arith.constant 0 : index
    %swap3A_130 = tpu.vector_load %arg7[%swap3A_128, %swap3A_129] {strides = array<i32>} : memref<17x16xf32, #tpu.memory_space<vmem>>, vector<1x16xf32>,
    %swap3A_131 = vector.shape_cast %swap3A_130 : vector<1x16xf32> to vector<16xf32>
    %swap3A_132 = vector.shape_cast %scan3A_78#8 : vector<16xf32> to vector<1x16xf32>
    tpu.vector_store %arg7[%swap3A_128, %swap3A_129], %swap3A_132 {strides = array<i32>} : memref<17x16xf32, #tpu.memory_space<vmem>>, vector<1x16xf32>,
    %swap3A_133 = arith.constant 9 : i32
    %swap3A_134 = arith.index_cast %swap3A_133 : i32 to index
    %swap3A_135 = arith.constant 0 : index
    %swap3A_136 = tpu.vector_load %arg7[%swap3A_134, %swap3A_135] {strides = array<i32>} : memref<17x16xf32, #tpu.memory_space<vmem>>, vector<1x16xf32>,
    %swap3A_137 = vector.shape_cast %swap3A_136 : vector<1x16xf32> to vector<16xf32>
    %swap3A_138 = vector.shape_cast %scan3A_78#9 : vector<16xf32> to vector<1x16xf32>
    tpu.vector_store %arg7[%swap3A_134, %swap3A_135], %swap3A_138 {strides = array<i32>} : memref<17x16xf32, #tpu.memory_space<vmem>>, vector<1x16xf32>,
    %swap3A_139 = arith.constant 10 : i32
    %swap3A_140 = arith.index_cast %swap3A_139 : i32 to index
    %swap3A_141 = arith.constant 0 : index
    %swap3A_142 = tpu.vector_load %arg7[%swap3A_140, %swap3A_141] {strides = array<i32>} : memref<17x16xf32, #tpu.memory_space<vmem>>, vector<1x16xf32>,
    %swap3A_143 = vector.shape_cast %swap3A_142 : vector<1x16xf32> to vector<16xf32>
    %swap3A_144 = vector.shape_cast %scan3A_78#10 : vector<16xf32> to vector<1x16xf32>
    tpu.vector_store %arg7[%swap3A_140, %swap3A_141], %swap3A_144 {strides = array<i32>} : memref<17x16xf32, #tpu.memory_space<vmem>>, vector<1x16xf32>,
    %swap3A_145 = arith.constant 11 : i32
    %swap3A_146 = arith.index_cast %swap3A_145 : i32 to index
    %swap3A_147 = arith.constant 0 : index
    %swap3A_148 = tpu.vector_load %arg7[%swap3A_146, %swap3A_147] {strides = array<i32>} : memref<17x16xf32, #tpu.memory_space<vmem>>, vector<1x16xf32>,
    %swap3A_149 = vector.shape_cast %swap3A_148 : vector<1x16xf32> to vector<16xf32>
    %swap3A_150 = vector.shape_cast %scan3A_78#11 : vector<16xf32> to vector<1x16xf32>
    tpu.vector_store %arg7[%swap3A_146, %swap3A_147], %swap3A_150 {strides = array<i32>} : memref<17x16xf32, #tpu.memory_space<vmem>>, vector<1x16xf32>,
    %swap3A_151 = arith.constant 12 : i32
    %swap3A_152 = arith.index_cast %swap3A_151 : i32 to index
    %swap3A_153 = arith.constant 0 : index
    %swap3A_154 = tpu.vector_load %arg7[%swap3A_152, %swap3A_153] {strides = array<i32>} : memref<17x16xf32, #tpu.memory_space<vmem>>, vector<1x16xf32>,
    %swap3A_155 = vector.shape_cast %swap3A_154 : vector<1x16xf32> to vector<16xf32>
    %swap3A_156 = vector.shape_cast %scan3A_78#12 : vector<16xf32> to vector<1x16xf32>
    tpu.vector_store %arg7[%swap3A_152, %swap3A_153], %swap3A_156 {strides = array<i32>} : memref<17x16xf32, #tpu.memory_space<vmem>>, vector<1x16xf32>,
    %swap3A_157 = arith.constant 13 : i32
    %swap3A_158 = arith.index_cast %swap3A_157 : i32 to index
    %swap3A_159 = arith.constant 0 : index
    %swap3A_160 = tpu.vector_load %arg7[%swap3A_158, %swap3A_159] {strides = array<i32>} : memref<17x16xf32, #tpu.memory_space<vmem>>, vector<1x16xf32>,
    %swap3A_161 = vector.shape_cast %swap3A_160 : vector<1x16xf32> to vector<16xf32>
    %swap3A_162 = vector.shape_cast %scan3A_78#13 : vector<16xf32> to vector<1x16xf32>
    tpu.vector_store %arg7[%swap3A_158, %swap3A_159], %swap3A_162 {strides = array<i32>} : memref<17x16xf32, #tpu.memory_space<vmem>>, vector<1x16xf32>,
    %swap3A_163 = arith.constant 14 : i32
    %swap3A_164 = arith.index_cast %swap3A_163 : i32 to index
    %swap3A_165 = arith.constant 0 : index
    %swap3A_166 = tpu.vector_load %arg7[%swap3A_164, %swap3A_165] {strides = array<i32>} : memref<17x16xf32, #tpu.memory_space<vmem>>, vector<1x16xf32>,
    %swap3A_167 = vector.shape_cast %swap3A_166 : vector<1x16xf32> to vector<16xf32>
    %swap3A_168 = vector.shape_cast %scan3A_78#14 : vector<16xf32> to vector<1x16xf32>
    tpu.vector_store %arg7[%swap3A_164, %swap3A_165], %swap3A_168 {strides = array<i32>} : memref<17x16xf32, #tpu.memory_space<vmem>>, vector<1x16xf32>,
    %swap3A_169 = arith.constant 15 : i32
    %swap3A_170 = arith.index_cast %swap3A_169 : i32 to index
    %swap3A_171 = arith.constant 0 : index
    %swap3A_172 = tpu.vector_load %arg7[%swap3A_170, %swap3A_171] {strides = array<i32>} : memref<17x16xf32, #tpu.memory_space<vmem>>, vector<1x16xf32>,
    %swap3A_173 = vector.shape_cast %swap3A_172 : vector<1x16xf32> to vector<16xf32>
    %swap3A_174 = vector.shape_cast %scan3A_78#15 : vector<16xf32> to vector<1x16xf32>
    tpu.vector_store %arg7[%swap3A_170, %swap3A_171], %swap3A_174 {strides = array<i32>} : memref<17x16xf32, #tpu.memory_space<vmem>>, vector<1x16xf32>,
    %swap3A_175 = arith.constant 16 : i32
    %swap3A_176 = arith.index_cast %swap3A_175 : i32 to index
    %swap3A_177 = arith.constant 0 : index
    %swap3A_178 = tpu.vector_load %arg7[%swap3A_176, %swap3A_177] {strides = array<i32>} : memref<17x16xf32, #tpu.memory_space<vmem>>, vector<1x16xf32>,
    %swap3A_179 = vector.shape_cast %swap3A_178 : vector<1x16xf32> to vector<16xf32>
    %swap3A_180 = vector.shape_cast %scan3A_78#16 : vector<16xf32> to vector<1x16xf32>
    tpu.vector_store %arg7[%swap3A_176, %swap3A_177], %swap3A_180 {strides = array<i32>} : memref<17x16xf32, #tpu.memory_space<vmem>>, vector<1x16xf32>,
    "tpu.region"() ({
      %run_scoped3A_181 = tpu.sem_alloc : memref<!tpu.dma_semaphore, #tpu.memory_space<semaphore_mem>>
      %dma_start3A = arith.constant 0 : i32
      %dma_start3A_182 = arith.constant 0 : i32
      %dma_start3A_183 = tpu.memref_slice %arg4[%add3A, %dma_start3A, %dma_start3A_182] : memref<32x17x16xf32, #tpu.memory_space<hbm>> -> memref<1x17x16xf32, #tpu.memory_space<hbm>>
      %dma_start3A_184 = tpu.memref_squeeze %dma_start3A_183 : memref<1x17x16xf32, #tpu.memory_space<hbm>> -> memref<17x16xf32, #tpu.memory_space<hbm>>
      %dma_start3A_185 = arith.constant 0 : i32
      %dma_start3A_186 = arith.constant 0 : i32
      %dma_start3A_187 = tpu.memref_slice %arg4[%add3A, %dma_start3A_185, %dma_start3A_186] : memref<32x17x16xf32, #tpu.memory_space<hbm>> -> memref<1x17x16xf32, #tpu.memory_space<hbm>>
      %dma_start3A_188 = tpu.memref_squeeze %dma_start3A_187 : memref<1x17x16xf32, #tpu.memory_space<hbm>> -> memref<17x16xf32, #tpu.memory_space<hbm>>
      tpu.enqueue_dma source(%arg7 : memref<17x16xf32, #tpu.memory_space<vmem>>) target(%dma_start3A_188 : memref<17x16xf32, #tpu.memory_space<hbm>>) target_semaphore(%run_scoped3A_181 : memref<!tpu.dma_semaphore, #tpu.memory_space<semaphore_mem>>)
      %dma_wait3A = arith.constant 0 : i32
      %dma_wait3A_189 = arith.constant 0 : i32
      %dma_wait3A_190 = tpu.memref_slice %arg4[%add3A, %dma_wait3A, %dma_wait3A_189] : memref<32x17x16xf32, #tpu.memory_space<hbm>> -> memref<1x17x16xf32, #tpu.memory_space<hbm>>
      %dma_wait3A_191 = tpu.memref_squeeze %dma_wait3A_190 : memref<1x17x16xf32, #tpu.memory_space<hbm>> -> memref<17x16xf32, #tpu.memory_space<hbm>>
      %dma_wait3A_192 = arith.constant 0 : i32
      %dma_wait3A_193 = arith.constant 0 : i32
      %dma_wait3A_194 = tpu.memref_slice %arg4[%add3A, %dma_wait3A_192, %dma_wait3A_193] : memref<32x17x16xf32, #tpu.memory_space<hbm>> -> memref<1x17x16xf32, #tpu.memory_space<hbm>>
      %dma_wait3A_195 = tpu.memref_squeeze %dma_wait3A_194 : memref<1x17x16xf32, #tpu.memory_space<hbm>> -> memref<17x16xf32, #tpu.memory_space<hbm>>
      tpu.wait_dma2 semaphore(%run_scoped3A_181 : memref<!tpu.dma_semaphore, #tpu.memory_space<semaphore_mem>>) src(%arg7 : memref<17x16xf32, #tpu.memory_space<vmem>>) dst(%dma_wait3A_195 : memref<17x16xf32, #tpu.memory_space<hbm>>)
      tpu.yield
    }) : () -> ()
    return
  }
}

</mosaic_0001>

<sc_bundles>
// kernel: kernel.3.cloned.1.call-start
scs
__scs_entry_jumppad:
0x0: {  	(pc) =	sbr.rel $0x88, $3  }
0x1: {  	(tag) =	ssettag $0x0;
	lr =	simm.s32 $0x1  }
0x2: {  	[smem:$0x3F9F] =	sst lr;
	_ =	strace $0xD0000000  }
0x3: {  	_ = 	snop  }
0x4: {  	_ = 	snop  }
0x5: {  	_ = 	snop  }
0x6: {  	_ = 	snop  }
0x7: {  	_ = 	snop  }
__scs_overlays_trampoline_lowered:
0x8: {  	[smem:$0x3FAE] =	sst s0  }
0x9: {  	[smem:$0x3FAF] =	sst s1  }
0xa: {  	[smem:$0x3FB0] =	sst s2  }
0xb: {  	[smem:$0x3FB1] =	sst s3  }
0xc: {  	[smem:$0x3FB2] =	sst s4  }
0xd: {  	[smem:$0x3FB3] =	sst s5  }
0xe: {  	[smem:$0x3FB4] =	sst s6  }
0xf: {  	[smem:$0x3FB5] =	sst s7  }
0x10: {  	[smem:$0x3FB6] =	sst s8  }
0x11: {  	[smem:$0x3FB7] =	sst s9;
	s0 =	simm.s32 @!p0 $0x0  }
0x12: {  	s1 =	sld [smem:$0x3F9D];
	s0 =	simm.s32 @p0 $0x1  }
0x13: {  	[smem:$0x3FB8] =	sst s0;
	s0 =	simm.s32 @!p1 $0x0  }
0x14: {  	s2 =	sld [smem:$0x3F9C];
	s0 =	simm.s32 @p1 $0x1  }
0x15: {  	[smem:$0x3FB9] =	sst s0;
	s0 =	simm.s32 @!p2 $0x0  }
0x16: {  	s3 =	sld [smem:$0x3FDB];
	s0 =	simm.s32 @p2 $0x1  }
0x17: {  	s4 =	simm.s32 $0x1BF5;
	[smem:$0x3FBB] =	sst s0  }
0x18: {  	s0 =	sld [smem:$0x3F9E];
	_ =	swait.ge [sflag:s4], $0x0  }
0x19: {  	s7 =	sld [smem:$0x3F9F]  }
0x1a: {  	s8 =	sadd.s32 $0xFFFFE003, lr  }
0x1b: {  	s9 =	sadd.s32 $0xFFFFFEF7, lr;
	s5 =	simm.s32 $0xFFFFFFFF;
	p2 =	slt.u32 s8, $0xFFFFF086  }
0x1c: {  	p1 =	slt.u32 s9, $0xF7A;
	s5 =	simm.s32 @!p2 $0x0  }
0x1d: {  	s5 =	simm.s32 @p1 $0x1;
	p0 =	seq.s32 s7, s2  }
0x1e: {  	s7 =	smul.u32 @!p0 $0xF7A, s2;
	p2 =	seq.s32 @!p0 s5, $0x0  }
0x1f: {  	s9 =	smul.u32 $0xF7A, s1;
	s8 =	simm.s32 @!p0 $0x1BF5;
	p2 =	por !p2, p0  }
0x20: {  	[sflag:s8] =	ssyncset.s32 @!p0 $0xFFFFF086;
	s6 =	sadd.s32 @!p0 s3, s7;
	s7 =	simm.s32 @!p0 $0x108  }
0x21: {  	s3 =	sadd.s32 s3, s9;
	s6 =	sadd.s32 @!p0 $0x88, s6;
	s7 =	simm.s32 @p2 $0x1082  }
0x22: {  	[simem:s7], [sflag:s8] =	dma.local @!p0 [hbm:s6], $0xF7A  }
0x23: {  	s9 =	sor.u32 $0xD0000000, s2;
	s6 =	simm.s32 $0x108;
	_ =	swait.ge @!p0 [sflag:s8], $0x0  }
0x24: {  	s3 =	sadd.s32 $0x88, s3;
	s6 =	simm.s32 @!p1 $0x1082;
	[sflag:s4] =	ssyncset.s32 $0xFFFFF086  }
0x25: {  	[simem:s6], [sflag:s4] =	dma.local [hbm:s3], $0xF7A  }
0x26: {  	[smem:$0x3F9F] =	sst s1;
	(tag) =	ssettag s2;
	_ =	strace s9  }
0x27: {  	s1 =	sld [smem:$0x3FAF]  }
0x28: {  	s2 =	sld [smem:$0x3FB0]  }
0x29: {  	s4 =	sld [smem:$0x3FB2]  }
0x2a: {  	p0 =	seq.s32 s5, $0x0;
	s5 =	sld [smem:$0x3FB3]  }
0x2b: {  	s6 =	sld [smem:$0x3FB4]  }
0x2c: {  	s7 =	sld [smem:$0x3FB5]  }
0x2d: {  	s3 =	simm.s32 $0x108;
	s8 =	sld [smem:$0x3FB6]  }
0x2e: {  	s3 =	simm.s32 @!p0 $0x1082;
	s9 =	sld [smem:$0x3FB7]  }
0x2f: {  	lr =	sadd.s32 s0, s3;
	s0 =	sld [smem:$0x3FAE]  }
0x30: {  	s3 =	sld [smem:$0x3FB1]  }
0x31: {  	[smem:$0x3FBA] =	sst s10  }
0x32: {  	s10 =	sld [smem:$0x3FB8];
	_ =	sdelay $0x3  }
0x33: {  	p0 =	seq.s32 s10, $0x1;
	s10 =	sld [smem:$0x3FBA];
	_ =	sdelay $0x3  }
0x34: {  	[smem:$0x3FBA] =	sst s10  }
0x35: {  	s10 =	sld [smem:$0x3FB9];
	_ =	sdelay $0x3  }
0x36: {  	p1 =	seq.s32 s10, $0x1;
	s10 =	sld [smem:$0x3FBA];
	_ =	sdelay $0x3  }
0x37: {  	[smem:$0x3FBA] =	sst s10  }
0x38: {  	s10 =	sld [smem:$0x3FBB]  }
0x39: {  	_ = 	snop;
	(pc) =	sbr.ind lr, $3  }
0x3a: {  	_ = 	snop  }
0x3b: {  	_ = 	snop  }
0x3c: {  	p2 =	seq.s32 s10, $0x1;
	s10 =	sld [smem:$0x3FBA]  }
0x3d: {  	_ =	shalt  }
0x3e: {  	_ =	shalt  }
0x3f: {  	_ =	shalt  }
0x40: {  	_ =	shalt  }
0x41: {  	_ =	shalt  }
0x42: {  	_ =	shalt  }
0x43: {  	_ =	shalt  }
0x44: {  	_ =	shalt  }
0x45: {  	_ =	shalt  }
0x46: {  	_ =	shalt  }
0x47: {  	_ =	shalt  }
0x48: {  	_ =	shalt  }
0x49: {  	_ =	shalt  }
0x4a: {  	_ =	shalt  }
0x4b: {  	_ =	shalt  }
0x4c: {  	_ =	shalt  }
0x4d: {  	_ =	shalt  }
0x4e: {  	_ =	shalt  }
0x4f: {  	_ =	shalt  }
0x50: {  	_ =	shalt  }
0x51: {  	_ =	shalt  }
0x52: {  	_ =	shalt  }
0x53: {  	_ =	shalt  }
0x54: {  	_ =	shalt  }
0x55: {  	_ =	shalt  }
0x56: {  	_ =	shalt  }
0x57: {  	_ =	shalt  }
0x58: {  	_ =	shalt  }
0x59: {  	_ =	shalt  }
0x5a: {  	_ =	shalt  }
0x5b: {  	_ =	shalt  }
0x5c: {  	_ =	shalt  }
0x5d: {  	_ =	shalt  }
0x5e: {  	_ =	shalt  }
0x5f: {  	_ =	shalt  }
0x60: {  	_ =	shalt  }
0x61: {  	_ =	shalt  }
0x62: {  	_ =	shalt  }
0x63: {  	_ =	shalt  }
0x64: {  	_ =	shalt  }
0x65: {  	_ =	shalt  }
0x66: {  	_ =	shalt  }
0x67: {  	_ =	shalt  }
0x68: {  	_ =	shalt  }
0x69: {  	_ =	shalt  }
0x6a: {  	_ =	shalt  }
0x6b: {  	_ =	shalt  }
0x6c: {  	_ =	shalt  }
0x6d: {  	_ =	shalt  }
0x6e: {  	_ =	shalt  }
0x6f: {  	_ =	shalt  }
0x70: {  	_ =	shalt  }
0x71: {  	_ =	shalt  }
0x72: {  	_ =	shalt  }
0x73: {  	_ =	shalt  }
0x74: {  	_ =	shalt  }
0x75: {  	_ =	shalt  }
0x76: {  	_ =	shalt  }
0x77: {  	_ =	shalt  }
0x78: {  	_ =	shalt  }
0x79: {  	_ =	shalt  }
0x7a: {  	_ =	shalt  }
0x7b: {  	_ =	shalt  }
0x7c: {  	_ =	shalt  }
0x7d: {  	_ =	shalt  }
0x7e: {  	_ =	shalt  }
0x7f: {  	_ =	shalt  }
0x80: {  	_ =	shalt  }
0x81: {  	_ =	shalt  }
0x82: {  	_ =	shalt  }
0x83: {  	_ =	shalt  }
0x84: {  	_ =	shalt  }
0x85: {  	_ =	shalt  }
0x86: {  	_ =	shalt  }
0x87: {  	_ =	shalt  }
.Lfunc_end0:
.L_simem_size_0:
called_computation_lowered:
.L_overlay_start_0:
0x88: {  	s2 =	sld [smem:$0x3FD9]  }
0x89: {  	s3 =	sld [smem:$0x3FFE];
	_ =	sdelay $0x1  }
0x8a: {  	s1 =	srdreg.scid  }
0x8b: {  	s0 =	sand.u32 $0x1, s1  }
0x8c: {  	s17 =	sshll.u32 s0, $0xA;
	s2 =	sadd.s32 s3, s2  }
0x8d: {  	s2 =	sadd.s32 s2, s17  }
0x8e: {  	[smem:$0x3FC6] =	sst s2  }
0x8f: {  	_ = 	snop  }
0x90: {  	s2 =	sld [smem:$0x3FC9]  }
0x91: {  	s18 =	sld [smem:$0x3FC8];
	(tm) =	ssettm $0x1  }
0x92: {  	s4 =	sld [smem:$0x3FFB];
	_ =	sdelay $0x3  }
0x93: {  	_ =	strace s4  }
0x94: {  	s4 =	sld [smem:$0x3FFC];
	_ =	sdelay $0x3  }
0x95: {  	_ =	strace s4  }
0x96: {  	s4 =	sld [smem:$0x3FFD];
	_ =	sdelay $0x3  }
0x97: {  	_ =	strace s4  }
0x98: {  	_ =	strace $0x8FFFFFFF  }
0x99: {  	s19 =	sld [smem:$0x3FDB];
	_ =	sdelay $0x1  }
0x9a: {  	s5 =	simm.s32 $_scs_section_size  }
0x9b: {  	s6 =	simm.s32 $_size__tile_overlayer_lowered;
	s7 =	simm.s32 $_tile_overlayer_lowered  }
0x9c: {  	s22 =	simm.s32 $0x1BFF;
	s21 =	sshll.u32 s7, $0x1;
	s4 =	sadd.s32 s5, s19  }
0x9d: {  	s8 =	simm.s32 $0x0;
	s20 =	sshll.u32 s6, $0x1;
	s6 =	sadd.s32 s21, s4  }
0x9e: {  	[timem:s8], [sflag:s22] =	dma.local [hbm:s6], s20  }
0x9f: {  	_ =	swait.ge [sflag:s22], s20  }
0xa0: {  	s5 =	ssub.s32 $0x0, s20;
	[sflag:s22] =	ssyncset.done $0x0  }
0xa1: {  	[sflag:s22] =	ssyncadd.s32 s5;
	_ =	sdelay $0x1  }
0xa2: {  	s23 =	simm.s32 $0x1B8B  }
0xa3: {  	_ =	swait.ge [sflag:s23], $0x1  }
0xa4: {  	[sflag:s23] =	ssyncset.done $0x0  }
0xa5: {  	s25 =	simm.s32 $0x1B8E;
	s24 =	sld [smem:$0x3FFE];
	[sflag:s23] =	ssyncadd.s32 $0xFFFFFFFF  }
0xa6: {  	s26 =	simm.s32 $execute0_lowered;
	[smem:$0x3FD2] =	sst s25  }
0xa7: {  	s6 =	sshll.u32 s26, $0x1;
	_ =	strace $0x80000046;
	[dreg:$0x1] =	wrdreg $0xFFFFFFFF  }
0xa8: {  	s28 =	simm.s32 $_size_execute0_lowered;
	s4 =	sadd.s32 s4, s6;
	[dreg:$0x0] =	wrdreg $0x0  }
0xa9: {  	s6 =	sshll.u32 s28, $0x1;
	[dreg:$0x2] =	wrdreg s4  }
0xaa: {  	[dreg:$0x3] =	wrdreg s6  }
0xab: {  	[dreg:$0x4] =	wrdreg $0xC0  }
0xac: {  	_ =	task [dreg:s8], $0x5FFFF  }
0xad: {  	[dreg:$0x1] =	wrdreg $0xFFFFFFFF  }
0xae: {  	[dreg:$0x0] =	wrdreg $0x60  }
0xaf: {  	[dreg:$0x2] =	wrdreg s2  }
0xb0: {  	[dreg:$0x3] =	wrdreg s18  }
0xb1: {  	[dreg:$0x4] =	wrdreg s24  }
0xb2: {  	[dreg:$0x5] =	wrdreg $0x9  }
0xb3: {  	_ =	task.clear_ibuf [dreg:s8], $0x6FFFF;
	_ =	strace $0x90000046  }
0xb4: {  	s29 =	simm.s32 $0x9;
	_ =	strace $0x80000048  }
0xb5: {  	_ =	swait.ge [sflag:s29], $0x1  }
0xb6: {  	[sflag:s29] =	ssyncadd.s32 $0xFFFFFFFF  }
0xb7: {  	_ =	strace $0x90000048  }
0xb8: {  	_ =	sfence  }
0xb9: {  	s30 =	sld [smem:$0x0];
	_ =	sdelay $0x2  }
0xba: {  	s31 =	sshll.u32 s1, $0xD;
	s1 =	sshrl.u32 s1, $0x2  }
0xbb: {  	s3 =	sand.u32 $0x4000, s31;
	s1 =	sadd.s32 s1, s30  }
0xbc: {  	s0 =	sor.u32 s3, s0;
	s1 =	sshll.u32 s1, $0x11  }
0xbd: {  	s0 =	sor.u32 s1, s0  }
0xbe: {  	s0 =	sadd.s32 $0x8F2B, s0  }
0xbf: {  	[sflag:s0] =	ssyncadd.remote.s32 $0x1  }
0xc0: {  	_ =	sfence.sel $0xFFFF  }
0xc1: {  	[dreg:$0x0] =	wrdreg $0xFFFFFFFF;
	(pc) =	sbr.abs _section_cstart, $3  }
0xc2: {  	[dreg:$0x1] =	wrdreg $0xFFFFFFFF  }
0xc3: {  	_ =	task.clear_ibuf [dreg:s8], $0x2FFFF;
	_ =	strace $0x9FFFFFFF  }
0xc4: {  	(tm) =	ssettm $0x7FFFFFFF  }
0xc5: {  	_ =	shalt  }
tec
execute0_lowered:
.L_overlay_start_1:
0x0: {  	(tag) =	ssettag $0x1  }
0x1: {  	s3 =	rddreg [dreg:$0x0]  }
0x2: {  	s4 =	rddreg [dreg:$0x1]  }
0x3: {  	s11 =	rddreg [dreg:$0x2]  }
0x4: {  	s2 =	srdreg.scid;
	s1 =	stileid.u32  }
0x5: {  	s0 =	rddreg [dreg:$0x3];
	s14 =	simm.s32 $0x400;
	s15 =	simm.s32 $0x1  }
0x6: {  	s16 =	simm.s32 $0x9800;
	s17 =	simm.s32 $0xA000;
	s18 =	simm.s32 $0x0  }
0x7: {  	s5 =	sand.u32 $0x1, s2;
	s6 =	sshll.u32 s1, $0x1;
	s2 =	simm.s32 $0x0  }
0x8: {  	s7 =	ssub.s32 $0x2, s5;
	s8 =	sor.u32 s5, s6;
	[smem:$0x7FF] =	sst s2  }
0x9: {  	s31 =	sshrl.u32 s7, $0x1;
	s6 =	sshll.u32 s8, $0xA;
	_ =	strace $0x80000047  }
0xa: {  	s13 =	smul.u32 $0x180, s8;
	s12 =	ssub.s32 s7, s31;
	s9 =	sadd.s32 s6, s3  }
0xb: {  	s10 =	sadd.s32 s6, s4;
	s3 =	sadd.s32 $0x428000, s9;
	s4 =	sadd.s32 $0x428040, s9  }
0xc: {  	s5 =	sadd.s32 $0x38000, s10;
	s6 =	sadd.s32 $0x428200, s9;
	s7 =	sadd.s32 $0x38040, s10  }
0xd: {  	s8 =	sadd.s32 $0x38200, s10;
	s9 =	sadd.s32 $0x428240, s9;
	s10 =	sadd.s32 $0x38240, s10  }
0xe: {  	v0 =	vimm.f32 $0.0e+00;
	s11 =	sadd.s32 s11, s13;
	s12 =	smax.u32 s12, $0x1;
	s13 =	simm.s32 $0x200  }
.LBB2_1:
0xf: {  	s19 =	simm.s32 $0x2000  }
0x10: {  	s22 =	simm.s32 $0x0;
	s20 =	sadd.s32 $0x8000, s3;
	s21 =	smov.u32 s3  }
.LBB2_2:
0x11: {  	[tilespmem:s22], [sflag:$0x1] =	stream.strided.gather [hbm4b:s21+s13], $0x800, s14, s13, $0x38;
	[tilespmem:$0xAC00] =	vst v63  }
0x12: {  	s22 =	smov.u32 s19;
	s21 =	smov.u32 s20;
	p0 =	sne.s32 s19, $0x24000  }
.Ltmp0:
0x13: {  	s19 =	sadd.s32 $0x2000, s19;
	(pc) =	sbr.rel @p0 .LBB2_2-.Ltmp0, $2  }
0x14: {  	_ =	sdelay $0x2  }
0x15: {  	s20 =	sadd.s32 $0x8000, s20;
	s22 =	sshra.s32 s22, $0x2  }
0x16: {  	[tilespmem:s22], [sflag:$0x1] =	stream.strided.gather [hbm4b:s21+s13], $0x800, s14, s13, $0x38;
	[tilespmem:$0xAC00] =	vst v63  }
0x17: {  	_ =	swait.ge [sflag:s15], $0x9800  }
0x18: {  	[sflag:s15] =	ssyncset.done $0x0  }
0x19: {  	s19 =	simm.s32 $0x0;
	[sflag:s15] =	ssyncadd.s32 $0xFFFF6800  }
0x1a: {  	[tilespmem:s16], [sflag:$0x1] =	stream.strided.gather [hbm4b:s5+s13], $0x800, s14, s13, $0x38;
	[tilespmem:$0xAC00] =	vst v63  }
0x1b: {  	s20 =	sand.u32 $0x600, s19;
	s26 =	sand.u32 $0x180, s19;
	_ =	swait.ge [sflag:s15], $0x800  }
0x1c: {  	s19 =	sand.u32 $0x70, s19;
	s20 =	sor.u32 s26, s20;
	[sflag:s15] =	ssyncset.done $0x0  }
0x1d: {  	s19 =	sor.u32 s19, s20;
	[sflag:s15] =	ssyncadd.s32 $0xFFFFF800  }
0x1e: {  	v15 =	vld [tilespmem:s19+$0x0]  }
0x1f: {  	v17 =	vld [tilespmem:s19+$0x800];
	_ =	sdelay $0x2  }
0x20: {  	v18 =	vld [tilespmem:s19+$0x1000]  }
0x21: {  	v1 =	vmul.f32 $1.442695020e+00, v15  }
0x22: {  	v22 =	vld [tilespmem:s19+$0x1800];
	v2 =	vmul.f32 $1.442695020e+00, v17  }
0x23: {  	v10 =	vld [tilespmem:s19+$0x2000];
	(erf) = vpow2.f32 v1  }
0x24: {  	v11 =	vld [tilespmem:s19+$0x2800];
	(erf) = vpow2.f32 v2  }
0x25: {  	v1 =	vmul.f32 $1.442695020e+00, v18;
	_ =	sdelay $0x1  }
0x26: {  	v13 =	vld [tilespmem:s19+$0x3000];
	v2 =	vmul.f32 $1.442695020e+00, v22;
	(erf) = vpow2.f32 v1  }
0x27: {  	v1 =	vmul.f32 $1.442695020e+00, v10  }
0x28: {  	(erf) = vpow2.f32 v2;
	v2 =	vmul.f32 $1.442695020e+00, v11  }
0x29: {  	v19 =	vld [tilespmem:s19+$0x3800]  }
0x2a: {  	(erf) = vpow2.f32 v1  }
0x2b: {  	v21 =	vld [tilespmem:s19+$0x4000];
	v1 =	vmul.f32 $1.442695020e+00, v13;
	v3 =	vpop (erf)  }
0x2c: {  	(erf) = vpow2.f32 v2;
	v2 =	vpop (erf)  }
0x2d: {  	v12 =	vld [tilespmem:s19+$0x4800];
	v2 =	vadd.f32 v2, v3  }
0x2e: {  	v4 =	vmul.f32 $1.442695020e+00, v19;
	(erf) = vpow2.f32 v1  }
0x2f: {  	v9 =	vld [tilespmem:s19+$0x5000];
	v1 =	vpop (erf)  }
0x30: {  	v3 =	vmul.f32 $1.442695020e+00, v21;
	(erf) = vpow2.f32 v4;
	v1 =	vadd.f32 v1, v2  }
0x31: {  	v8 =	vld [tilespmem:s19+$0x5800];
	v2 =	vpop (erf)  }
0x32: {  	v4 =	vmul.f32 $1.442695020e+00, v12;
	(erf) = vpow2.f32 v3;
	v1 =	vadd.f32 v2, v1  }
0x33: {  	v7 =	vld [tilespmem:s19+$0x6000];
	v2 =	vpop (erf)  }
0x34: {  	v6 =	vld [tilespmem:s19+$0x6800];
	v3 =	vmul.f32 $1.442695020e+00, v9;
	(erf) = vpow2.f32 v4;
	v1 =	vadd.f32 v2, v1  }
0x35: {  	v2 =	vpop (erf)  }
0x36: {  	v5 =	vld [tilespmem:s19+$0x7000];
	v4 =	vmul.f32 $1.442695020e+00, v8;
	(erf) = vpow2.f32 v3;
	v1 =	vadd.f32 v2, v1  }
0x37: {  	v2 =	vpop (erf)  }
0x38: {  	v3 =	vmul.f32 $1.442695020e+00, v7;
	(erf) = vpow2.f32 v4;
	v1 =	vadd.f32 v2, v1  }
0x39: {  	v14 =	vmul.f32 $1.442695020e+00, v6;
	v2 =	vpop (erf)  }
0x3a: {  	v4 =	vld [tilespmem:s19+$0x7800];
	(erf) = vpow2.f32 v3;
	v1 =	vadd.f32 v2, v1  }
0x3b: {  	v16 =	vmul.f32 $1.442695020e+00, v5;
	v2 =	vpop (erf)  }
0x3c: {  	v3 =	vld [tilespmem:s19+$0x8000];
	v1 =	vadd.f32 v2, v1  }
0x3d: {  	(erf) = vpow2.f32 v14;
	v14 =	vpop (erf);
	v2 =	vld [tilespmem:s19+$0x8800]  }
0x3e: {  	v14 =	vadd.f32 v14, v1  }
0x3f: {  	v20 =	vmul.f32 $1.442695020e+00, v4;
	(erf) = vpow2.f32 v16;
	v16 =	vpop (erf);
	v1 =	vld [tilespmem:s19+$0x9000]  }
0x40: {  	v14 =	vadd.f32 v16, v14  }
0x41: {  	v23 =	vmul.f32 $1.442695020e+00, v3;
	(erf) = vpow2.f32 v20;
	v16 =	vpop (erf)  }
0x42: {  	v20 =	vmul.f32 $1.442695020e+00, v2;
	v14 =	vadd.f32 v16, v14  }
0x43: {  	(erf) = vpow2.f32 v23;
	v16 =	vpop (erf)  }
0x44: {  	v14 =	vadd.f32 v16, v14;
	v16 =	vmul.f32 $1.442695020e+00, v1  }
0x45: {  	(erf) = vpow2.f32 v20  }
0x46: {  	v20 =	vpop (erf)  }
0x47: {  	v14 =	vadd.f32 v20, v14;
	(erf) = vpow2.f32 v16  }
0x48: {  	v16 =	vpop (erf)  }
0x49: {  	v14 =	vadd.f32 v16, v14  }
0x4a: {  	v16 =	vpop (erf)  }
0x4b: {  	v14 =	vadd.f32 v16, v14  }
0x4c: {  	v16 =	vpop (erf)  }
0x4d: {  	v14 =	vadd.f32 v16, v14  }
0x4e: {  	v16 =	vpop (erf)  }
0x4f: {  	v14 =	vadd.f32 v16, v14  }
0x50: {  	v16 =	vpop (erf)  }
0x51: {  	v23 =	vadd.f32 v16, v14;
	_ =	sdelay $0x1  }
0x52: {  	s28 =	simm.s32 $0x4;
	s29 =	simm.s32 $0x40;
	v14 =	vcvt.s32.f32 v23  }
0x53: {  	s30 =	simm.s32 $0x10;
	s21 =	sand.u32 $0x600, s29;
	s20 =	sand.u32 $0x180, s28  }
0x54: {  	s20 =	sor.u32 s20, s21;
	v27 =	vld [tilespmem:s19+$0x9800];
	s19 =	sand.u32 $0x70, s30;
	v14 =	vadd.f32 $-1.064866820e+09, v14  }
0x55: {  	s21 =	sor.u32 s19, s20  }
0x56: {  	v25 =	vmul.f32 $8.262958320e-08, v14;
	v14 =	vld [tilespmem:s21+$0x0]  }
0x57: {  	v20 =	vld [tilespmem:s21+$0x800]  }
0x58: {  	v24 =	vsub.f32 $0.0e+00, v25  }
0x59: {  	vm3 =	veq.s32 v27, $0x0;
	vm4 =	veq.s32 v27, $0x1  }
0x5a: {  	v15 =	vnsel vm3, $0x0, v15;
	v26 =	vnsel vm4, $0x0, v17;
	v16 =	vld [tilespmem:s21+$0x1000];
	v24 =	vmul.f32 $1.442695020e+00, v24  }
0x5b: {  	vm9 =	veq.s32 v27, $0x2;
	v26 =	vadd.f32 v26, v15;
	v17 =	vld [tilespmem:s21+$0x1800];
	v28 =	vmul.f32 $1.442695020e+00, v14  }
0x5c: {  	v18 =	vnsel vm9, $0x0, v18;
	v15 =	vld [tilespmem:s21+$0x2000];
	(erf) = vpow2.f32 v24;
	v24 =	vmul.f32 $1.442695020e+00, v20  }
0x5d: {  	vm11 =	veq.s32 v27, $0x3;
	v26 =	vadd.f32 v18, v26;
	(erf) = vpow2.f32 v28  }
0x5e: {  	v22 =	vnsel vm11, $0x0, v22;
	(erf) = vpow2.f32 v24  }
0x5f: {  	vm5 =	veq.s32 v27, $0x4;
	v22 =	vadd.f32 v22, v26;
	v28 =	vmul.f32 $1.442695020e+00, v16  }
0x60: {  	vm6 =	veq.s32 v27, $0x5;
	v10 =	vnsel vm5, $0x0, v10;
	v18 =	vld [tilespmem:s21+$0x2800];
	v26 =	vmul.f32 $1.442695020e+00, v17  }
0x61: {  	v22 =	vadd.f32 v10, v22;
	(erf) = vpow2.f32 v28;
	v28 =	vmul.f32 $1.442695020e+00, v15  }
0x62: {  	v11 =	vnsel vm6, $0x0, v11;
	v24 =	vld [tilespmem:s21+$0x3000]  }
0x63: {  	vm14 =	veq.s32 v27, $0x6;
	v22 =	vadd.f32 v11, v22;
	(erf) = vpow2.f32 v26  }
0x64: {  	vm2 =	veq.s32 v27, $0xC;
	vm15 =	veq.s32 v27, $0x7;
	v13 =	vnsel vm14, $0x0, v13;
	v10 =	vld [tilespmem:s21+$0x3800]  }
0x65: {  	v22 =	vadd.f32 v13, v22;
	v11 =	vld [tilespmem:s21+$0x4000];
	v26 =	vmul.f32 $1.442695020e+00, v18;
	(erf) = vpow2.f32 v28;
	v28 =	vpop (erf)  }
0x66: {  	vm13 =	veq.s32 v27, $0x9;
	v19 =	vnsel vm15, $0x0, v19;
	v28 =	vmul.f32 v28, v23;
	v30 =	vpop (erf)  }
0x67: {  	v22 =	vadd.f32 v19, v22;
	v13 =	vld [tilespmem:s21+$0x4800];
	v29 =	vmul.f32 $1.442695020e+00, v24;
	(erf) = vpow2.f32 v26;
	v31 =	vpop (erf)  }
0x68: {  	vm7 =	veq.s32 v27, $0x8;
	v25 =	vadd.f32 v28, v25;
	v28 =	vadd.f32 v31, v30  }
0x69: {  	v21 =	vnsel vm7, $0x0, v21;
	v19 =	vld [tilespmem:s21+$0x5000];
	v26 =	vmul.f32 $1.442695020e+00, v10;
	(erf) = vpow2.f32 v29  }
0x6a: {  	v12 =	vnsel vm13, $0x0, v12;
	v22 =	vadd.f32 v21, v22;
	v29 =	vmul.f32 $1.442695020e+00, v11;
	v30 =	vpop (erf)  }
0x6b: {  	(erf) = vpow2.f32 v26;
	v32 =	vadd.f32 $-1.000000000e+00, v25;
	v25 =	vadd.f32 v30, v28  }
0x6c: {  	vm12 =	veq.s32 v27, $0xA;
	v12 =	vadd.f32 v12, v22;
	v26 =	vmul.f32 $1.442695020e+00, v13;
	v28 =	vpop (erf)  }
0x6d: {  	v22 =	vld [tilespmem:s21+$0x6000];
	(erf) = vpow2.f32 v29;
	v30 =	vsub.f32 $0.0e+00, v32;
	v25 =	vadd.f32 v28, v25  }
0x6e: {  	vm10 =	veq.s32 v27, $0xB;
	v9 =	vnsel vm12, $0x0, v9;
	v21 =	vld [tilespmem:s21+$0x5800];
	v28 =	vmul.f32 $1.442695020e+00, v19;
	v29 =	vpop (erf)  }
0x6f: {  	v9 =	vadd.f32 v9, v12;
	v12 =	vmul.f32 $1.442695020e+00, v30;
	v29 =	vadd.f32 v29, v25  }
0x70: {  	vm5 =	veq.s32 v27, $0xD;
	v8 =	vnsel vm10, $0x0, v8;
	(erf) = vpow2.f32 v26;
	v26 =	vpop (erf)  }
0x71: {  	v8 =	vadd.f32 v8, v9;
	v25 =	vld [tilespmem:s21+$0x6800];
	(erf) = vpow2.f32 v12;
	v9 =	vadd.f32 v26, v29  }
0x72: {  	v7 =	vnsel vm2, $0x0, v7;
	v12 =	vmul.f32 $1.442695020e+00, v22;
	(erf) = vpow2.f32 v28;
	v28 =	vpop (erf)  }
0x73: {  	v7 =	vadd.f32 v7, v8;
	v30 =	vmul.f32 $1.442695020e+00, v21;
	v8 =	vadd.f32 v28, v9  }
0x74: {  	v6 =	vnsel vm5, $0x0, v6;
	vm6 =	veq.s32 v27, $0xE;
	v28 =	vpop (erf)  }
0x75: {  	v6 =	vadd.f32 v6, v7;
	v26 =	vld [tilespmem:s21+$0x7000];
	(erf) = vpow2.f32 v30;
	v7 =	vadd.f32 v28, v8  }
0x76: {  	v5 =	vnsel vm6, $0x0, v5;
	v31 =	vld [tilespmem:s21+$0x7800];
	(erf) = vpow2.f32 v12;
	v9 =	vmul.f32 $1.442695020e+00, v25;
	v12 =	vpop (erf)  }
0x77: {  	vm7 =	veq.s32 v27, $0xF;
	v5 =	vadd.f32 v5, v6;
	v6 =	vadd.f32 v12, v7  }
0x78: {  	vm1 =	veq.s32 v27, $0x11;
	v4 =	vnsel vm7, $0x0, v4  }
0x79: {  	vm0 =	veq.s32 v27, $0x12;
	vm8 =	veq.s32 v27, $0x10;
	v4 =	vadd.f32 v4, v5;
	v28 =	vld [tilespmem:s21+$0x8000]  }
0x7a: {  	v3 =	vnsel vm8, $0x0, v3;
	v29 =	vld [tilespmem:s21+$0x8800];
	v8 =	vmul.f32 $1.442695020e+00, v26;
	(erf) = vpow2.f32 v9;
	v9 =	vpop (erf)  }
0x7b: {  	v3 =	vadd.f32 v3, v4;
	v7 =	vmul.f32 $1.442695020e+00, v31;
	v5 =	vadd.f32 v9, v6;
	v6 =	vpop (erf)  }
0x7c: {  	v2 =	vnsel vm1, $0x0, v2;
	(erf) = vpow2.f32 v8;
	v9 =	vpop (erf);
	v4 =	vmul.f32 v6, v23  }
0x7d: {  	v2 =	vadd.f32 v2, v3;
	v1 =	vnsel vm0, $0x0, v1;
	v30 =	vld [tilespmem:s21+$0x9000];
	v5 =	vadd.f32 v9, v5  }
0x7e: {  	v8 =	vmul.f32 $1.442695020e+00, v28;
	(erf) = vpow2.f32 v7;
	v3 =	vadd.f32 v4, v32  }
0x7f: {  	v1 =	vadd.f32 v1, v2;
	v6 =	vmul.f32 $1.442695020e+00, v29;
	v7 =	vpop (erf)  }
0x80: {  	(erf) = vpow2.f32 v8;
	v4 =	vadd.f32 v7, v5;
	v2 =	vadd.f32 $-1.000000000e+00, v3  }
0x81: {  	v5 =	vpop (erf);
	(erf) = vpow2.f32 v6  }
0x82: {  	v3 =	vadd.f32 v5, v4;
	v4 =	vmul.f32 $1.442695020e+00, v30;
	v27 =	vsub.f32 v2, v1  }
0x83: {  	v37 =	vimm.f32 $0.0e+00;
	v32 =	vimm.f32 $0.0e+00;
	v5 =	vpop (erf)  }
0x84: {  	v1 =	vadd.f32 v5, v3;
	(erf) = vpow2.f32 v4;
	vm0 =	vgt.f32 v27, $3.566749390e-01  }
0x85: {  	v2 =	vpop (erf);
	vm9 =	vge.f32 v27, $4.458436740e-02;
	vm10 =	vge.f32 v27, $3.120905760e-01;
	vm11 =	vge.f32 v27, $8.916873480e-02  }
0x86: {  	vm12 =	vge.f32 v27, $1.337531060e-01;
	vm13 =	vge.f32 v27, $1.783374700e-01;
	v1 =	vadd.f32 v2, v1  }
0x87: {  	vm14 =	vge.f32 v27, $2.229218330e-01;
	vm15 =	vge.f32 v27, $2.675062120e-01;
	v40 =	vsel vm10, $0x3F800000, v0;
	v2 =	vpop (erf)  }
0x88: {  	v4 =	vsel vm0, $0x3F800000, v0;
	v33 =	vsel vm9, $0x3F800000, v0;
	v1 =	vadd.f32 v2, v1  }
0x89: {  	v44 =	vsel vm12, $0x3F800000, v0;
	v43 =	vsel vm13, $0x3F800000, v0;
	v42 =	vsel vm14, $0x3F800000, v0;
	v2 =	vpop (erf)  }
0x8a: {  	v41 =	vsel vm15, $0x3F800000, v0;
	v3 =	vmul.f32 v40, v27;
	v1 =	vadd.f32 v2, v1  }
0x8b: {  	v5 =	vmul.f32 v33, v27;
	v12 =	vadd.f32 v4, v32;
	v34 =	vmul.f32 v44, v27;
	v2 =	vpop (erf)  }
0x8c: {  	v35 =	vmul.f32 v42, v27;
	v23 =	vadd.f32 v3, v32;
	v1 =	vadd.f32 v2, v1  }
0x8d: {  	v3 =	vsel vm11, $0x3F800000, v0;
	v8 =	vadd.f32 v5, v32;
	v2 =	vmul.f32 v4, v27;
	v6 =	vpop (erf)  }
0x8e: {  	v5 =	vadd.f32 v34, v32;
	v4 =	vmul.f32 v3, v27;
	v38 =	vadd.f32 v6, v1  }
0x8f: {  	v3 =	vadd.f32 v3, v32;
	v1 =	vmul.f32 v43, v27;
	v9 =	vadd.f32 v2, v32  }
0x90: {  	v7 =	vadd.f32 v4, v32;
	v4 =	vmul.f32 v41, v27;
	v36 =	vcvt.s32.f32 v38  }
0x91: {  	s31 =	simm.s32 $0x8;
	s19 =	simm.s32 $0x80;
	v34 =	vimm.f32 $0.0e+00;
	v2 =	vadd.f32 v35, v32;
	v6 =	vadd.f32 v1, v32  }
0x92: {  	s24 =	sand.u32 $0x180, s31;
	s20 =	simm.s32 $0x20;
	s23 =	sand.u32 $0x600, s19;
	v39 =	vld [tilespmem:s21+$0x9800];
	v35 =	vimm.f32 $0.0e+00;
	v4 =	vadd.f32 v4, v32;
	v45 =	vadd.f32 $-1.064866820e+09, v36  }
0x93: {  	s22 =	sand.u32 $0x70, s20;
	s23 =	sor.u32 s24, s23;
	s21 =	simm.s32 $0xC;
	v1 =	vadd.f32 v33, v32;
	v33 =	vimm.f32 $0.0e+00;
	v36 =	vimm.f32 $0.0e+00  }
.LBB2_4:
0x94: {  	p0 =	sne.s32 s21, $0x1FC;
	s22 =	sor.u32 s22, s23;
	v45 =	vmul.f32 $8.262958320e-08, v45;
	v32 =	vadd.f32 v44, v32;
	v37 =	vadd.f32 v43, v37  }
0x95: {  	v34 =	vadd.f32 v42, v34;
	v36 =	vadd.f32 v41, v36;
	v43 =	vld [tilespmem:s22+$0x0]  }
0x96: {  	v35 =	vadd.f32 v40, v35;
	v41 =	vld [tilespmem:s22+$0x800];
	v42 =	vsub.f32 $0.0e+00, v45  }
0x97: {  	vm2 =	veq.s32 v39, $0xC;
	vm1 =	veq.s32 v39, $0x11;
	vm0 =	veq.s32 v39, $0x12  }
0x98: {  	vm3 =	veq.s32 v39, $0x0;
	vm4 =	veq.s32 v39, $0x1;
	v40 =	vld [tilespmem:s22+$0x1000];
	v42 =	vmul.f32 $1.442695020e+00, v42  }
0x99: {  	v48 =	vnsel vm3, $0x0, v14;
	v49 =	vnsel vm4, $0x0, v20;
	vm3 =	veq.s32 v39, $0x2  }
0x9a: {  	v47 =	vadd.f32 v49, v48;
	v44 =	vmul.f32 $1.442695020e+00, v43;
	v46 =	vld [tilespmem:s22+$0x1800];
	(erf) = vpow2.f32 v42;
	v14 =	vmovc v43  }
0x9b: {  	v48 =	vnsel vm3, $0x0, v16;
	vm3 =	veq.s32 v39, $0xB;
	v42 =	vmul.f32 $1.442695020e+00, v41;
	v20 =	vmovc v41  }
0x9c: {  	vm4 =	veq.s32 v39, $0x3;
	v43 =	vadd.f32 v48, v47;
	v41 =	vld [tilespmem:s22+$0x2000];
	(erf) = vpow2.f32 v44  }
0x9d: {  	v47 =	vnsel vm4, $0x0, v17;
	v44 =	vmul.f32 $1.442695020e+00, v40;
	(erf) = vpow2.f32 v42;
	v16 =	vmovc v40  }
0x9e: {  	vm5 =	veq.s32 v39, $0x4;
	vm4 =	veq.s32 v39, $0xA;
	v42 =	vadd.f32 v47, v43;
	v40 =	vld [tilespmem:s22+$0x2800]  }
0x9f: {  	v48 =	vnsel vm5, $0x0, v15;
	v43 =	vmul.f32 $1.442695020e+00, v46;
	(erf) = vpow2.f32 v44;
	v17 =	vmovc v46  }
0xa0: {  	vm6 =	veq.s32 v39, $0x5;
	vm5 =	veq.s32 v39, $0x9;
	v42 =	vadd.f32 v48, v42;
	v44 =	vld [tilespmem:s22+$0x3000]  }
0xa1: {  	v18 =	vnsel vm6, $0x0, v18;
	v46 =	vmul.f32 $1.442695020e+00, v41;
	v47 =	vld [tilespmem:s22+$0x3800];
	(erf) = vpow2.f32 v43;
	v15 =	vmovc v41  }
0xa2: {  	vm7 =	veq.s32 v39, $0x8;
	vm6 =	veq.s32 v39, $0x6;
	v49 =	vadd.f32 v18, v42  }
0xa3: {  	v24 =	vnsel vm6, $0x0, v24;
	v41 =	vmul.f32 $1.442695020e+00, v40;
	v42 =	vld [tilespmem:s22+$0x4000];
	(erf) = vpow2.f32 v46;
	v43 =	vpop (erf)  }
0xa4: {  	vm6 =	veq.s32 v39, $0x7;
	v51 =	vadd.f32 v24, v49;
	v18 =	vmovc v40;
	v43 =	vmul.f32 v43, v38  }
0xa5: {  	v52 =	vnsel vm6, $0x0, v10;
	v40 =	vmul.f32 $1.442695020e+00, v44;
	v46 =	vld [tilespmem:s22+$0x4800];
	v48 =	vpop (erf);
	(erf) = vpow2.f32 v41  }
0xa6: {  	v50 =	vadd.f32 v52, v51;
	v41 =	vmul.f32 $1.442695020e+00, v47;
	v49 =	vpop (erf);
	v43 =	vadd.f32 v43, v45  }
0xa7: {  	v24 =	vmovc v44;
	v10 =	vmovc v47;
	v45 =	vadd.f32 v49, v48;
	v48 =	vld [tilespmem:s22+$0x5000];
	(erf) = vpow2.f32 v40;
	v49 =	vnsel vm7, $0x0, v11  }
0xa8: {  	v40 =	vmul.f32 $1.442695020e+00, v42;
	v44 =	vpop (erf);
	v47 =	vadd.f32 v49, v50;
	v43 =	vadd.f32 $-1.000000000e+00, v43  }
0xa9: {  	v50 =	vnsel vm5, $0x0, v13;
	v11 =	vmovc v42;
	v44 =	vadd.f32 v44, v45;
	v45 =	vld [tilespmem:s22+$0x5800];
	(erf) = vpow2.f32 v41  }
0xaa: {  	v41 =	vmul.f32 $1.442695020e+00, v46;
	v42 =	vpop (erf);
	v47 =	vadd.f32 v50, v47;
	v49 =	vsub.f32 $0.0e+00, v43  }
0xab: {  	v50 =	vnsel vm4, $0x0, v19;
	v13 =	vmovc v46;
	v42 =	vadd.f32 v42, v44;
	v44 =	vld [tilespmem:s22+$0x6000];
	(erf) = vpow2.f32 v40  }
0xac: {  	v40 =	vmul.f32 $1.442695020e+00, v48;
	v46 =	vpop (erf);
	v47 =	vadd.f32 v50, v47;
	v49 =	vmul.f32 $1.442695020e+00, v49  }
0xad: {  	v50 =	vnsel vm3, $0x0, v21;
	v19 =	vmovc v48;
	v42 =	vadd.f32 v46, v42;
	v46 =	vld [tilespmem:s22+$0x6800];
	(erf) = vpow2.f32 v41  }
0xae: {  	v41 =	vmul.f32 $1.442695020e+00, v45;
	v48 =	vpop (erf);
	v47 =	vadd.f32 v50, v47;
	(erf) = vpow2.f32 v49  }
0xaf: {  	v49 =	vnsel vm2, $0x0, v22;
	v21 =	vmovc v45;
	v42 =	vadd.f32 v48, v42;
	v48 =	vld [tilespmem:s22+$0x7000];
	(erf) = vpow2.f32 v40  }
0xb0: {  	vm2 =	veq.s32 v39, $0xD;
	v40 =	vmul.f32 $1.442695020e+00, v44;
	v45 =	vpop (erf);
	v47 =	vadd.f32 v49, v47  }
0xb1: {  	v49 =	vnsel vm2, $0x0, v25;
	v22 =	vmovc v44;
	v42 =	vadd.f32 v45, v42;
	v45 =	vld [tilespmem:s22+$0x7800];
	(erf) = vpow2.f32 v41  }
0xb2: {  	vm2 =	veq.s32 v39, $0xE;
	v41 =	vmul.f32 $1.442695020e+00, v46;
	v44 =	vpop (erf);
	v47 =	vadd.f32 v49, v47  }
0xb3: {  	v49 =	vnsel vm2, $0x0, v26;
	v25 =	vmovc v46;
	v42 =	vadd.f32 v44, v42;
	v44 =	vld [tilespmem:s22+$0x8000];
	(erf) = vpow2.f32 v40  }
0xb4: {  	vm2 =	veq.s32 v39, $0xF;
	v50 =	vmul.f32 $1.442695020e+00, v48;
	v46 =	vpop (erf);
	v47 =	vadd.f32 v49, v47  }
0xb5: {  	v31 =	vnsel vm2, $0x0, v31;
	v26 =	vmovc v48;
	v42 =	vadd.f32 v46, v42;
	v46 =	vld [tilespmem:s22+$0x8800];
	(erf) = vpow2.f32 v41  }
0xb6: {  	vm2 =	veq.s32 v39, $0x10;
	v41 =	vmul.f32 $1.442695020e+00, v45;
	v48 =	vpop (erf);
	v51 =	vadd.f32 v31, v47  }
0xb7: {  	v39 =	vadd.f32 v48, v42;
	(erf) = vpow2.f32 v50;
	v50 =	vnsel vm2, $0x0, v28;
	v40 =	vpop (erf)  }
0xb8: {  	v42 =	vmul.f32 $1.442695020e+00, v44;
	v47 =	vld [tilespmem:s22+$0x9000];
	v48 =	vpop (erf);
	v49 =	vadd.f32 v50, v51;
	v38 =	vmul.f32 v40, v38  }
0xb9: {  	v31 =	vmovc v45;
	v28 =	vmovc v44;
	v39 =	vadd.f32 v48, v39;
	(erf) = vpow2.f32 v41;
	v48 =	vnsel vm1, $0x0, v29  }
0xba: {  	v40 =	vmul.f32 $1.442695020e+00, v46;
	v41 =	vpop (erf);
	v44 =	vadd.f32 v48, v49;
	v38 =	vadd.f32 v38, v43  }
0xbb: {  	v43 =	vnsel vm0, $0x0, v30;
	v29 =	vmovc v46;
	v39 =	vadd.f32 v41, v39;
	(erf) = vpow2.f32 v42  }
0xbc: {  	v41 =	vpop (erf);
	v42 =	vadd.f32 v43, v44;
	v38 =	vadd.f32 $-1.000000000e+00, v38  }
0xbd: {  	v43 =	vadd.f32 v41, v39;
	v41 =	vmul.f32 $1.442695020e+00, v47;
	(erf) = vpow2.f32 v40;
	v30 =	vmovc v47  }
0xbe: {  	v33 =	vadd.f32 v27, v33;
	v40 =	vpop (erf);
	v27 =	vsub.f32 v38, v42  }
0xbf: {  	v38 =	vadd.f32 v40, v43;
	(erf) = vpow2.f32 v41  }
0xc0: {  	v39 =	vpop (erf);
	vm0 =	vgt.f32 v27, $3.566749390e-01;
	vm1 =	vge.f32 v27, $4.458436740e-02;
	vm2 =	vge.f32 v27, $3.120905760e-01  }
0xc1: {  	vm3 =	vge.f32 v27, $8.916873480e-02;
	v38 =	vadd.f32 v39, v38;
	v40 =	vsel vm2, $0x3F800000, v0  }
0xc2: {  	vm4 =	vge.f32 v27, $1.783374700e-01;
	vm2 =	vge.f32 v27, $1.337531060e-01;
	v39 =	vpop (erf);
	v41 =	vmul.f32 v40, v27  }
0xc3: {  	vm5 =	vge.f32 v27, $2.229218330e-01;
	vm6 =	vge.f32 v27, $2.675062120e-01;
	v38 =	vadd.f32 v39, v38  }
0xc4: {  	v45 =	vsel vm0, $0x3F800000, v0;
	v46 =	vsel vm1, $0x3F800000, v0;
	v39 =	vpop (erf);
	v23 =	vadd.f32 v41, v23  }
0xc5: {  	v47 =	vsel vm3, $0x3F800000, v0;
	v44 =	vsel vm2, $0x3F800000, v0;
	v38 =	vadd.f32 v39, v38  }
0xc6: {  	v43 =	vsel vm4, $0x3F800000, v0;
	v42 =	vsel vm5, $0x3F800000, v0;
	v41 =	vsel vm6, $0x3F800000, v0;
	v39 =	vpop (erf)  }
0xc7: {  	v48 =	vmul.f32 v46, v27;
	v38 =	vadd.f32 v39, v38;
	v39 =	vmul.f32 v45, v27  }
0xc8: {  	v12 =	vadd.f32 v45, v12;
	v50 =	vmul.f32 v44, v27;
	v45 =	vmul.f32 v47, v27;
	v49 =	vpop (erf)  }
0xc9: {  	v51 =	vmul.f32 v42, v27;
	v38 =	vadd.f32 v49, v38;
	v49 =	vmul.f32 v43, v27  }
.Ltmp1:
0xca: {  	v8 =	vadd.f32 v48, v8;
	v48 =	vmul.f32 v41, v27;
	v9 =	vadd.f32 v39, v9;
	(pc) =	sbr.rel @p0 .LBB2_4-.Ltmp1, $4  }
0xcb: {  	v5 =	vadd.f32 v50, v5;
	v7 =	vadd.f32 v45, v7;
	v52 =	vcvt.s32.f32 v38  }
0xcc: {  	s19 =	sadd.s32 $0x40, s19;
	v2 =	vadd.f32 v51, v2;
	v6 =	vadd.f32 v49, v6  }
0xcd: {  	s24 =	sand.u32 $0x180, s21;
	s20 =	sadd.s32 $0x10, s20;
	s23 =	sand.u32 $0x600, s19;
	v4 =	vadd.f32 v48, v4;
	v39 =	vld [tilespmem:s22+$0x9800];
	v45 =	vadd.f32 $-1.064866820e+09, v52  }
0xce: {  	s21 =	sadd.s32 $0x4, s21;
	s23 =	sor.u32 s24, s23;
	v1 =	vadd.f32 v46, v1;
	v3 =	vadd.f32 v47, v3;
	s22 =	sand.u32 $0x70, s20  }
0xcf: {  	s19 =	sor.u32 s22, s23  }
0xd0: {  	v46 =	vmul.f32 $8.262958320e-08, v45;
	v58 =	vld [tilespmem:s19+$0x0]  }
0xd1: {  	v59 =	vld [tilespmem:s19+$0x800]  }
0xd2: {  	v45 =	vsub.f32 $0.0e+00, v46;
	_ =	sdelay $0x1  }
0xd3: {  	v57 =	vld [tilespmem:s19+$0x1000];
	v45 =	vmul.f32 $1.442695020e+00, v45  }
0xd4: {  	v47 =	vmul.f32 $1.442695020e+00, v58  }
0xd5: {  	v56 =	vld [tilespmem:s19+$0x1800];
	(erf) = vpow2.f32 v45;
	v50 =	vmul.f32 $1.442695020e+00, v59  }
0xd6: {  	(erf) = vpow2.f32 v47  }
0xd7: {  	v55 =	vld [tilespmem:s19+$0x2000];
	(erf) = vpow2.f32 v50  }
0xd8: {  	v51 =	vmul.f32 $1.442695020e+00, v57  }
0xd9: {  	v54 =	vld [tilespmem:s19+$0x2800]  }
0xda: {  	v53 =	vld [tilespmem:s19+$0x3000];
	v60 =	vmul.f32 $1.442695020e+00, v56;
	(erf) = vpow2.f32 v51;
	_ =	sdelay $0x1  }
0xdb: {  	v61 =	vmul.f32 $1.442695020e+00, v55;
	(erf) = vpow2.f32 v60  }
0xdc: {  	v51 =	vld [tilespmem:s19+$0x3800]  }
0xdd: {  	v62 =	vmul.f32 $1.442695020e+00, v54;
	(erf) = vpow2.f32 v61;
	v63 =	vpop (erf)  }
0xde: {  	v49 =	vld [tilespmem:s19+$0x4000];
	v48 =	vmul.f32 $1.442695020e+00, v53;
	v50 =	vpop (erf)  }
0xdf: {  	(erf) = vpow2.f32 v62;
	v52 =	vpop (erf)  }
0xe0: {  	v47 =	vmul.f32 v63, v38;
	v50 =	vadd.f32 v52, v50  }
0xe1: {  	v45 =	vld [tilespmem:s19+$0x4800];
	v61 =	vmul.f32 $1.442695020e+00, v51;
	(erf) = vpow2.f32 v48  }
0xe2: {  	v47 =	vadd.f32 v47, v46;
	v48 =	vpop (erf)  }
0xe3: {  	v46 =	vld [tilespmem:s19+$0x5000];
	(erf) = vpow2.f32 v61;
	v52 =	vmul.f32 $1.442695020e+00, v49;
	v48 =	vadd.f32 v48, v50  }
0xe4: {  	v60 =	vadd.f32 $-1.000000000e+00, v47;
	v50 =	vpop (erf)  }
0xe5: {  	v47 =	vld [tilespmem:s19+$0x5800];
	(erf) = vpow2.f32 v52;
	v50 =	vadd.f32 v50, v48  }
0xe6: {  	[tilespmem:$0x1FFF0] =	vst v45;
	v62 =	vmul.f32 $1.442695020e+00, v45;
	v61 =	vsub.f32 $0.0e+00, v60;
	v45 =	vpop (erf)  }
0xe7: {  	v48 =	vld [tilespmem:s19+$0x6000];
	v52 =	vadd.f32 v45, v50  }
0xe8: {  	v63 =	vmul.f32 $1.442695020e+00, v46;
	v61 =	vmul.f32 $1.442695020e+00, v61;
	v45 =	vpop (erf)  }
0xe9: {  	vm0 =	veq.s32 v39, $0x0;
	(erf) = vpow2.f32 v62;
	v50 =	vld [tilespmem:s19+$0x6800];
	v52 =	vadd.f32 v45, v52  }
0xea: {  	vm1 =	veq.s32 v39, $0x1;
	(erf) = vpow2.f32 v61;
	v61 =	vmul.f32 $1.442695020e+00, v47;
	v45 =	vpop (erf)  }
0xeb: {  	v14 =	vnsel vm0, $0x0, v14;
	(erf) = vpow2.f32 v63;
	v62 =	vadd.f32 v45, v52;
	v52 =	vld [tilespmem:s19+$0x7000]  }
0xec: {  	v20 =	vnsel vm1, $0x0, v20;
	(erf) = vpow2.f32 v61;
	v61 =	vmul.f32 $1.442695020e+00, v48;
	v63 =	vpop (erf)  }
0xed: {  	vm14 =	veq.s32 v39, $0x2;
	v20 =	vadd.f32 v20, v14;
	v62 =	vadd.f32 v63, v62  }
0xee: {  	v16 =	vnsel vm14, $0x0, v16;
	v45 =	vld [tilespmem:s19+$0x7800];
	(erf) = vpow2.f32 v61;
	v61 =	vmul.f32 $1.442695020e+00, v50;
	v63 =	vpop (erf)  }
0xef: {  	vm15 =	veq.s32 v39, $0x3;
	v20 =	vadd.f32 v16, v20;
	v62 =	vadd.f32 v63, v62  }
0xf0: {  	v17 =	vnsel vm15, $0x0, v17;
	v63 =	vmul.f32 $1.442695020e+00, v52  }
0xf1: {  	vm4 =	veq.s32 v39, $0x4;
	v20 =	vadd.f32 v17, v20  }
0xf2: {  	vm5 =	veq.s32 v39, $0x5;
	v15 =	vnsel vm4, $0x0, v15;
	(erf) = vpow2.f32 v61;
	v61 =	vpop (erf)  }
0xf3: {  	v16 =	vld [tilespmem:s19+$0x8000];
	v20 =	vadd.f32 v15, v20;
	v14 =	vmul.f32 $1.442695020e+00, v45;
	v61 =	vadd.f32 v61, v62;
	v62 =	vpop (erf)  }
0xf4: {  	v18 =	vnsel vm5, $0x0, v18;
	(erf) = vpow2.f32 v63;
	v63 =	vpop (erf)  }
0xf5: {  	vm6 =	veq.s32 v39, $0x6;
	v18 =	vadd.f32 v18, v20;
	v61 =	vadd.f32 v63, v61  }
0xf6: {  	v20 =	vnsel vm6, $0x0, v24;
	(erf) = vpow2.f32 v14  }
0xf7: {  	v17 =	vld [tilespmem:s19+$0x8800];
	v18 =	vadd.f32 v20, v18;
	v14 =	vpop (erf)  }
0xf8: {  	vm7 =	veq.s32 v39, $0x7;
	v63 =	vmul.f32 $1.442695020e+00, v16;
	v14 =	vadd.f32 v14, v61  }
0xf9: {  	vm8 =	veq.s32 v39, $0x8;
	v10 =	vnsel vm7, $0x0, v10;
	v61 =	vpop (erf)  }
0xfa: {  	v11 =	vnsel vm8, $0x0, v11;
	(erf) = vpow2.f32 v63;
	v14 =	vadd.f32 v61, v14  }
0xfb: {  	vm9 =	veq.s32 v39, $0x9;
	v15 =	vld [tilespmem:s19+$0x9000];
	v10 =	vadd.f32 v10, v18;
	v18 =	vpop (erf)  }
0xfc: {  	v13 =	vnsel vm9, $0x0, v13;
	v24 =	vmul.f32 $1.442695020e+00, v17;
	v14 =	vadd.f32 v18, v14  }
0xfd: {  	v10 =	vadd.f32 v11, v10;
	v11 =	vpop (erf)  }
0xfe: {  	(erf) = vpow2.f32 v24;
	v11 =	vadd.f32 v11, v14  }
0xff: {  	vm10 =	veq.s32 v39, $0xA;
	v10 =	vadd.f32 v13, v10;
	v13 =	vpop (erf)  }
0x100: {  	v20 =	vmul.f32 $1.442695020e+00, v15;
	v11 =	vadd.f32 v13, v11;
	v13 =	vnsel vm10, $0x0, v19;
	_ =	sdelay $0x1  }
0x101: {  	(erf) = vpow2.f32 v20  }
0x102: {  	vm11 =	veq.s32 v39, $0xB;
	v10 =	vadd.f32 v13, v10;
	v13 =	vpop (erf)  }
0x103: {  	v11 =	vadd.f32 v13, v11;
	v13 =	vnsel vm11, $0x0, v21;
	_ =	sdelay $0x2  }
0x104: {  	vm12 =	veq.s32 v39, $0xC;
	v10 =	vadd.f32 v13, v10;
	v13 =	vpop (erf)  }
0x105: {  	v11 =	vadd.f32 v13, v11;
	v13 =	vnsel vm12, $0x0, v22;
	_ =	sdelay $0x2  }
0x106: {  	vm13 =	veq.s32 v39, $0xD;
	v10 =	vadd.f32 v13, v10;
	v13 =	vpop (erf)  }
0x107: {  	v11 =	vadd.f32 v13, v11;
	v13 =	vnsel vm13, $0x0, v25  }
0x108: {  	vm14 =	veq.s32 v39, $0xE;
	v10 =	vadd.f32 v13, v10  }
0x109: {  	v13 =	vnsel vm14, $0x0, v26;
	v14 =	vcvt.s32.f32 v11  }
0x10a: {  	vm15 =	veq.s32 v39, $0xF;
	v10 =	vadd.f32 v13, v10  }
0x10b: {  	v13 =	vnsel vm15, $0x0, v31;
	v14 =	vadd.f32 $-1.064866820e+09, v14  }
0x10c: {  	vm4 =	veq.s32 v39, $0x10;
	v10 =	vadd.f32 v13, v10;
	v13 =	vld [tilespmem:s19+$0x9800]  }
0x10d: {  	v19 =	vnsel vm4, $0x0, v28;
	v14 =	vmul.f32 $8.262958320e-08, v14  }
0x10e: {  	vm5 =	veq.s32 v39, $0x11;
	vm6 =	veq.s32 v39, $0x12;
	v10 =	vadd.f32 v19, v10  }
0x10f: {  	v18 =	vadd.f32 v44, v32;
	v25 =	vnsel vm5, $0x0, v29;
	v26 =	vsub.f32 $0.0e+00, v14  }
0x110: {  	v29 =	vnsel vm6, $0x0, v30;
	v19 =	vmul.f32 v62, v38;
	v10 =	vadd.f32 v25, v10  }
0x111: {  	vm7 =	veq.s32 v13, $0x0;
	vm2 =	veq.s32 v13, $0x1;
	v28 =	vmul.f32 $1.442695020e+00, v26  }
0x112: {  	v19 =	vadd.f32 v19, v60;
	v30 =	vnsel vm7, $0x0, v58;
	v31 =	vnsel vm2, $0x0, v59  }
0x113: {  	vm8 =	veq.s32 v13, $0x2;
	v24 =	vadd.f32 v31, v30;
	(erf) = vpow2.f32 v28  }
0x114: {  	v10 =	vadd.f32 v29, v10;
	v19 =	vadd.f32 $-1.000000000e+00, v19;
	v32 =	vnsel vm8, $0x0, v57  }
0x115: {  	vm9 =	veq.s32 v13, $0x3;
	v21 =	vadd.f32 v32, v24  }
0x116: {  	v20 =	vadd.f32 v43, v37;
	v10 =	vsub.f32 v19, v10;
	v19 =	vnsel vm9, $0x0, v56  }
0x117: {  	v22 =	vadd.f32 v42, v34;
	vm10 =	veq.s32 v13, $0x4;
	v19 =	vadd.f32 v19, v21  }
0x118: {  	v25 =	vadd.f32 v40, v35;
	vm13 =	veq.s32 v13, $0x5;
	v37 =	vnsel vm10, $0x0, v55  }
0x119: {  	vm14 =	veq.s32 v13, $0x6;
	v38 =	vnsel vm13, $0x0, v54;
	v19 =	vadd.f32 v37, v19  }
0x11a: {  	v39 =	vnsel vm14, $0x0, v53;
	vm10 =	veq.s32 v13, $0x8;
	vm13 =	veq.s32 v13, $0xB  }
0x11b: {  	vm14 =	veq.s32 v13, $0xC;
	vm8 =	veq.s32 v13, $0x12;
	v19 =	vadd.f32 v38, v19  }
0x11c: {  	v61 =	vnsel vm13, $0x0, v47;
	vm9 =	veq.s32 v13, $0x7;
	v24 =	vadd.f32 v41, v36;
	v40 =	vpop (erf)  }
0x11d: {  	v54 =	vld [tilespmem:$0x1FFF0];
	v43 =	vnsel vm9, $0x0, v51;
	v19 =	vadd.f32 v39, v19;
	v41 =	vmul.f32 v40, v11  }
0x11e: {  	v51 =	vnsel vm10, $0x0, v49;
	vm11 =	vgt.f32 v10, $3.566749390e-01;
	vm12 =	vge.f32 v10, $4.458436740e-02  }
0x11f: {  	vm3 =	vge.f32 v10, $3.120905760e-01;
	v19 =	vadd.f32 v43, v19;
	v14 =	vadd.f32 v41, v14  }
0x120: {  	vm4 =	vge.f32 v10, $8.916873480e-02;
	vm15 =	vge.f32 v10, $1.337531060e-01;
	v44 =	vsel vm11, $0x3F800000, v0  }
0x121: {  	vm11 =	veq.s32 v13, $0x9;
	v19 =	vadd.f32 v51, v19;
	v14 =	vadd.f32 $-1.000000000e+00, v14  }
0x122: {  	vm5 =	vge.f32 v10, $1.783374700e-01;
	v53 =	vsel vm12, $0x3F800000, v0;
	v28 =	vnsel vm11, $0x0, v54  }
0x123: {  	vm12 =	veq.s32 v13, $0xA;
	v19 =	vadd.f32 v28, v19;
	v55 =	vsub.f32 $0.0e+00, v14  }
0x124: {  	vm6 =	vge.f32 v10, $2.229218330e-01;
	vm7 =	vge.f32 v10, $2.675062120e-01;
	v58 =	vnsel vm12, $0x0, v46  }
0x125: {  	v21 =	vadd.f32 v27, v33;
	v19 =	vadd.f32 v58, v19;
	v28 =	vmul.f32 $1.442695020e+00, v55  }
0x126: {  	v27 =	vsel vm3, $0x3F800000, v0;
	v56 =	vsel vm4, $0x3F800000, v0;
	v57 =	vsel vm15, $0x3F800000, v0  }
0x127: {  	v59 =	vsel vm5, $0x3F800000, v0;
	v19 =	vadd.f32 v61, v19;
	(erf) = vpow2.f32 v28  }
0x128: {  	v60 =	vsel vm6, $0x3F800000, v0;
	v62 =	vsel vm7, $0x3F800000, v0;
	v41 =	vnsel vm14, $0x0, v48  }
0x129: {  	vm15 =	veq.s32 v13, $0xD;
	vm4 =	veq.s32 v13, $0xE;
	v19 =	vadd.f32 v41, v19  }
0x12a: {  	v63 =	vmul.f32 v44, v10;
	v12 =	vadd.f32 v44, v12;
	v44 =	vnsel vm15, $0x0, v50  }
0x12b: {  	vm5 =	veq.s32 v13, $0xF;
	vm6 =	veq.s32 v13, $0x10;
	v19 =	vadd.f32 v44, v19  }
0x12c: {  	vm7 =	veq.s32 v13, $0x11;
	v42 =	vmul.f32 v27, v10;
	v49 =	vnsel vm4, $0x0, v52  }
0x12d: {  	v46 =	vmul.f32 v57, v10;
	v47 =	vmul.f32 v59, v10;
	v19 =	vadd.f32 v49, v19  }
0x12e: {  	v1 =	vadd.f32 v53, v1;
	v3 =	vadd.f32 v56, v3;
	v51 =	vnsel vm5, $0x0, v45  }
0x12f: {  	v50 =	vmul.f32 v62, v10;
	v54 =	vadd.f32 v27, v25;
	v19 =	vadd.f32 v51, v19  }
0x130: {  	v16 =	vnsel vm6, $0x0, v16;
	v21 =	vadd.f32 v10, v21;
	v23 =	vadd.f32 v42, v23;
	v52 =	vpop (erf)  }
0x131: {  	v9 =	vadd.f32 v63, v9;
	v16 =	vadd.f32 v16, v19;
	v11 =	vmul.f32 v52, v11  }
0x132: {  	v17 =	vnsel vm7, $0x0, v17;
	v5 =	vadd.f32 v46, v5;
	v6 =	vadd.f32 v47, v6  }
0x133: {  	v42 =	vmul.f32 v53, v10;
	v13 =	vadd.f32 v17, v16;
	v11 =	vadd.f32 v11, v14  }
0x134: {  	v4 =	vadd.f32 v50, v4;
	v53 =	vadd.f32 v62, v24;
	v14 =	vnsel vm8, $0x0, v15  }
0x135: {  	v13 =	vadd.f32 v14, v13;
	v11 =	vadd.f32 $-1.000000000e+00, v11  }
0x136: {  	v8 =	vadd.f32 v42, v8;
	v43 =	vmul.f32 v56, v10;
	v48 =	vmul.f32 v60, v10  }
0x137: {  	v17 =	vadd.f32 v59, v20;
	v20 =	vsub.f32 v11, v13  }
0x138: {  	v7 =	vadd.f32 v43, v7;
	v2 =	vadd.f32 v48, v2  }
0x139: {  	v19 =	vadd.f32 v60, v22;
	v16 =	vadd.f32 v57, v18;
	vm0 =	vgt.f32 v20, $3.566749390e-01  }
0x13a: {  	vm9 =	vge.f32 v20, $3.120905760e-01;
	vm10 =	vge.f32 v20, $4.458436740e-02;
	vm11 =	vge.f32 v20, $8.916873480e-02  }
0x13b: {  	vm12 =	vge.f32 v20, $1.337531060e-01;
	vm13 =	vge.f32 v20, $1.783374700e-01;
	vm14 =	vge.f32 v20, $2.229218330e-01  }
0x13c: {  	v55 =	vsel vm9, $0x3F800000, v0;
	v11 =	vsel vm0, $0x3F800000, v0;
	v56 =	vsel vm10, $0x3F800000, v0  }
0x13d: {  	v57 =	vsel vm11, $0x3F800000, v0;
	v58 =	vsel vm12, $0x3F800000, v0;
	v59 =	vsel vm13, $0x3F800000, v0  }
0x13e: {  	v60 =	vsel vm14, $0x3F800000, v0;
	v10 =	vmul.f32 v55, v20;
	v13 =	vmul.f32 v56, v20  }
0x13f: {  	v15 =	vadd.f32 v11, v12;
	v14 =	vmul.f32 v58, v20;
	v63 =	vmul.f32 v60, v20  }
0x140: {  	v18 =	vadd.f32 v10, v23;
	v10 =	vmul.f32 v11, v20;
	v13 =	vadd.f32 v13, v8  }
0x141: {  	v11 =	vmul.f32 v57, v20;
	v14 =	vadd.f32 v14, v5;
	v39 =	vadd.f32 v63, v2  }
0x142: {  	v62 =	vmul.f32 v59, v20;
	v5 =	vadd.f32 v59, v17;
	v2 =	vadd.f32 v55, v54  }
0x143: {  	vm15 =	vge.f32 v20, $2.675062120e-01;
	v12 =	vadd.f32 v10, v9;
	v8 =	vadd.f32 v11, v7  }
0x144: {  	v61 =	vsel vm15, $0x3F800000, v0;
	v7 =	vadd.f32 v62, v6;
	v10 =	vadd.f32 v56, v1  }
0x145: {  	v9 =	vmul.f32 v61, v20;
	v11 =	vadd.f32 v57, v3;
	v6 =	vadd.f32 v58, v16  }
0x146: {  	s22 =	simm.s32 $0x0;
	v3 =	vadd.f32 v61, v53;
	v1 =	vadd.f32 v20, v21  }
0x147: {  	s20 =	sadd.s32 $0x8000, s4;
	s21 =	smov.u32 s4;
	s19 =	simm.s32 $0x2000;
	v9 =	vadd.f32 v9, v4;
	v4 =	vadd.f32 v60, v19  }
.LBB2_6:
0x148: {  	[tilespmem:s22], [sflag:$0x1] =	stream.strided.gather [hbm4b:s21+s13], $0x800, s14, s13, $0x38;
	[tilespmem:$0xAC00] =	vst v63  }
0x149: {  	s22 =	smov.u32 s19;
	s21 =	smov.u32 s20;
	p0 =	sne.s32 s19, $0x24000  }
.Ltmp2:
0x14a: {  	s19 =	sadd.s32 $0x2000, s19;
	(pc) =	sbr.rel @p0 .LBB2_6-.Ltmp2, $2  }
0x14b: {  	_ =	sdelay $0x2  }
0x14c: {  	s20 =	sadd.s32 $0x8000, s20;
	s22 =	sshra.s32 s22, $0x2  }
0x14d: {  	[tilespmem:s22], [sflag:$0x1] =	stream.strided.gather [hbm4b:s21+s13], $0x800, s14, s13, $0x38;
	[tilespmem:$0xAC00] =	vst v63  }
0x14e: {  	_ =	swait.ge [sflag:s15], $0x9800  }
0x14f: {  	[sflag:s15] =	ssyncset.done $0x0  }
0x150: {  	s19 =	simm.s32 $0x0;
	[sflag:s15] =	ssyncadd.s32 $0xFFFF6800  }
0x151: {  	[tilespmem:s16], [sflag:$0x1] =	stream.strided.gather [hbm4b:s7+s13], $0x800, s14, s13, $0x38;
	[tilespmem:$0xAC00] =	vst v63  }
0x152: {  	s20 =	sand.u32 $0x600, s19;
	s26 =	sand.u32 $0x180, s19;
	_ =	swait.ge [sflag:s15], $0x800  }
0x153: {  	s19 =	sand.u32 $0x70, s19;
	s20 =	sor.u32 s26, s20;
	[sflag:s15] =	ssyncset.done $0x0  }
0x154: {  	s19 =	sor.u32 s19, s20;
	[sflag:s15] =	ssyncadd.s32 $0xFFFFF800  }
0x155: {  	v21 =	vld [tilespmem:s19+$0x0]  }
0x156: {  	v23 =	vld [tilespmem:s19+$0x800];
	_ =	sdelay $0x2  }
0x157: {  	v24 =	vld [tilespmem:s19+$0x1000]  }
0x158: {  	v17 =	vmul.f32 $1.442695020e+00, v21  }
0x159: {  	v30 =	vld [tilespmem:s19+$0x1800];
	v19 =	vmul.f32 $1.442695020e+00, v23  }
0x15a: {  	v16 =	vld [tilespmem:s19+$0x2000];
	(erf) = vpow2.f32 v17  }
0x15b: {  	v17 =	vld [tilespmem:s19+$0x2800];
	(erf) = vpow2.f32 v19  }
0x15c: {  	v20 =	vmul.f32 $1.442695020e+00, v24;
	_ =	sdelay $0x1  }
0x15d: {  	v22 =	vmul.f32 $1.442695020e+00, v30;
	v19 =	vld [tilespmem:s19+$0x3000];
	(erf) = vpow2.f32 v20  }
0x15e: {  	v20 =	vmul.f32 $1.442695020e+00, v16  }
0x15f: {  	(erf) = vpow2.f32 v22;
	v22 =	vmul.f32 $1.442695020e+00, v17  }
0x160: {  	v25 =	vld [tilespmem:s19+$0x3800]  }
0x161: {  	(erf) = vpow2.f32 v20  }
0x162: {  	v27 =	vld [tilespmem:s19+$0x4000];
	v20 =	vmul.f32 $1.442695020e+00, v19;
	v26 =	vpop (erf)  }
0x163: {  	(erf) = vpow2.f32 v22;
	v22 =	vpop (erf)  }
0x164: {  	v29 =	vld [tilespmem:s19+$0x4800];
	v22 =	vadd.f32 v22, v26  }
0x165: {  	v28 =	vmul.f32 $1.442695020e+00, v25;
	(erf) = vpow2.f32 v20  }
0x166: {  	v31 =	vld [tilespmem:s19+$0x5000];
	v20 =	vpop (erf)  }
0x167: {  	v26 =	vmul.f32 $1.442695020e+00, v27;
	(erf) = vpow2.f32 v28;
	v20 =	vadd.f32 v20, v22  }
0x168: {  	v32 =	vld [tilespmem:s19+$0x5800];
	v22 =	vpop (erf)  }
0x169: {  	v28 =	vmul.f32 $1.442695020e+00, v29;
	(erf) = vpow2.f32 v26;
	v20 =	vadd.f32 v22, v20  }
0x16a: {  	v37 =	vld [tilespmem:s19+$0x6000];
	v22 =	vpop (erf)  }
0x16b: {  	v26 =	vmul.f32 $1.442695020e+00, v31;
	(erf) = vpow2.f32 v28;
	v20 =	vadd.f32 v22, v20  }
0x16c: {  	v22 =	vpop (erf)  }
0x16d: {  	v34 =	vld [tilespmem:s19+$0x6800];
	v28 =	vmul.f32 $1.442695020e+00, v32;
	(erf) = vpow2.f32 v26;
	v20 =	vadd.f32 v22, v20  }
0x16e: {  	v22 =	vpop (erf)  }
0x16f: {  	v35 =	vld [tilespmem:s19+$0x7000];
	v26 =	vmul.f32 $1.442695020e+00, v37;
	(erf) = vpow2.f32 v28;
	v20 =	vadd.f32 v22, v20  }
0x170: {  	v22 =	vpop (erf)  }
0x171: {  	v38 =	vld [tilespmem:s19+$0x7800];
	(erf) = vpow2.f32 v26;
	v20 =	vadd.f32 v22, v20  }
0x172: {  	v28 =	vmul.f32 $1.442695020e+00, v34;
	v22 =	vpop (erf)  }
0x173: {  	v36 =	vld [tilespmem:s19+$0x8000];
	v20 =	vadd.f32 v22, v20  }
0x174: {  	v26 =	vmul.f32 $1.442695020e+00, v35;
	(erf) = vpow2.f32 v28;
	v22 =	vpop (erf)  }
0x175: {  	v33 =	vld [tilespmem:s19+$0x8800];
	v20 =	vadd.f32 v22, v20  }
0x176: {  	v40 =	vmul.f32 $1.442695020e+00, v38;
	v28 =	vld [tilespmem:s19+$0x9000];
	(erf) = vpow2.f32 v26;
	v22 =	vpop (erf)  }
0x177: {  	v20 =	vadd.f32 v22, v20  }
0x178: {  	v26 =	vmul.f32 $1.442695020e+00, v36;
	(erf) = vpow2.f32 v40;
	v22 =	vpop (erf)  }
0x179: {  	v20 =	vadd.f32 v22, v20  }
0x17a: {  	v61 =	vmul.f32 $1.442695020e+00, v33;
	(erf) = vpow2.f32 v26;
	v22 =	vpop (erf)  }
0x17b: {  	v20 =	vadd.f32 v22, v20;
	v22 =	vmul.f32 $1.442695020e+00, v28  }
0x17c: {  	(erf) = vpow2.f32 v61  }
0x17d: {  	v26 =	vpop (erf)  }
0x17e: {  	v20 =	vadd.f32 v26, v20;
	(erf) = vpow2.f32 v22  }
0x17f: {  	v22 =	vpop (erf)  }
0x180: {  	v20 =	vadd.f32 v22, v20  }
0x181: {  	v22 =	vpop (erf)  }
0x182: {  	v20 =	vadd.f32 v22, v20  }
0x183: {  	v22 =	vpop (erf)  }
0x184: {  	v20 =	vadd.f32 v22, v20  }
0x185: {  	v22 =	vpop (erf)  }
0x186: {  	v20 =	vadd.f32 v22, v20  }
0x187: {  	v22 =	vpop (erf)  }
0x188: {  	v40 =	vadd.f32 v22, v20;
	_ =	sdelay $0x1  }
0x189: {  	v20 =	vcvt.s32.f32 v40  }
0x18a: {  	s28 =	simm.s32 $0x4;
	s29 =	simm.s32 $0x40  }
0x18b: {  	s30 =	simm.s32 $0x10;
	s21 =	sand.u32 $0x600, s29;
	s20 =	sand.u32 $0x180, s28;
	v41 =	vld [tilespmem:s19+$0x9800];
	v20 =	vadd.f32 $-1.064866820e+09, v20  }
0x18c: {  	s20 =	sor.u32 s20, s21;
	s19 =	sand.u32 $0x70, s30  }
0x18d: {  	s21 =	sor.u32 s19, s20;
	v42 =	vmul.f32 $8.262958320e-08, v20  }
0x18e: {  	v20 =	vld [tilespmem:s21+$0x0]  }
0x18f: {  	v26 =	vld [tilespmem:s21+$0x800];
	v43 =	vsub.f32 $0.0e+00, v42  }
0x190: {  	vm2 =	veq.s32 v41, $0xC;
	vm1 =	veq.s32 v41, $0x11;
	vm3 =	veq.s32 v41, $0x0  }
0x191: {  	vm4 =	veq.s32 v41, $0x1;
	vm9 =	veq.s32 v41, $0x2;
	v22 =	vld [tilespmem:s21+$0x1000];
	v43 =	vmul.f32 $1.442695020e+00, v43  }
0x192: {  	vm10 =	veq.s32 v41, $0xB;
	v21 =	vnsel vm3, $0x0, v21;
	v44 =	vnsel vm4, $0x0, v23  }
0x193: {  	v44 =	vadd.f32 v44, v21;
	v23 =	vld [tilespmem:s21+$0x1800];
	v45 =	vmul.f32 $1.442695020e+00, v20;
	(erf) = vpow2.f32 v43  }
0x194: {  	vm11 =	veq.s32 v41, $0x3;
	v24 =	vnsel vm9, $0x0, v24;
	v62 =	vmul.f32 $1.442695020e+00, v26  }
0x195: {  	vm5 =	veq.s32 v41, $0x4;
	v44 =	vadd.f32 v24, v44;
	v21 =	vld [tilespmem:s21+$0x2000];
	(erf) = vpow2.f32 v45  }
0x196: {  	v30 =	vnsel vm11, $0x0, v30;
	v63 =	vmul.f32 $1.442695020e+00, v22;
	(erf) = vpow2.f32 v62  }
0x197: {  	vm12 =	veq.s32 v41, $0xA;
	vm6 =	veq.s32 v41, $0x5;
	v48 =	vadd.f32 v30, v44;
	v24 =	vld [tilespmem:s21+$0x2800]  }
0x198: {  	v16 =	vnsel vm5, $0x0, v16;
	v49 =	vmul.f32 $1.442695020e+00, v23;
	(erf) = vpow2.f32 v63  }
0x199: {  	vm13 =	veq.s32 v41, $0x9;
	vm14 =	veq.s32 v41, $0x6;
	v30 =	vld [tilespmem:s21+$0x3000];
	v43 =	vadd.f32 v16, v48  }
0x19a: {  	v17 =	vnsel vm6, $0x0, v17;
	v50 =	vmul.f32 $1.442695020e+00, v21;
	(erf) = vpow2.f32 v49  }
0x19b: {  	vm7 =	veq.s32 v41, $0x8;
	vm15 =	veq.s32 v41, $0x7;
	v16 =	vld [tilespmem:s21+$0x3800];
	v43 =	vadd.f32 v17, v43  }
0x19c: {  	v19 =	vnsel vm14, $0x0, v19;
	v51 =	vmul.f32 $1.442695020e+00, v24;
	(erf) = vpow2.f32 v50;
	v52 =	vpop (erf)  }
0x19d: {  	v25 =	vnsel vm15, $0x0, v25;
	v17 =	vld [tilespmem:s21+$0x4000];
	v43 =	vadd.f32 v19, v43;
	v45 =	vmul.f32 v52, v40  }
0x19e: {  	vm5 =	veq.s32 v41, $0xD;
	v46 =	vmul.f32 $1.442695020e+00, v30;
	(erf) = vpow2.f32 v51;
	v47 =	vpop (erf)  }
0x19f: {  	v27 =	vnsel vm7, $0x0, v27;
	v19 =	vld [tilespmem:s21+$0x4800];
	v43 =	vadd.f32 v25, v43;
	v48 =	vpop (erf);
	v42 =	vadd.f32 v45, v42  }
0x1a0: {  	v53 =	vmul.f32 $1.442695020e+00, v16;
	(erf) = vpow2.f32 v46;
	v54 =	vadd.f32 v48, v47  }
0x1a1: {  	v29 =	vnsel vm13, $0x0, v29;
	v25 =	vld [tilespmem:s21+$0x5000];
	v43 =	vadd.f32 v27, v43;
	v56 =	vpop (erf);
	v42 =	vadd.f32 $-1.000000000e+00, v42  }
0x1a2: {  	v55 =	vmul.f32 $1.442695020e+00, v17;
	(erf) = vpow2.f32 v53;
	v45 =	vadd.f32 v56, v54  }
0x1a3: {  	v31 =	vnsel vm12, $0x0, v31;
	v27 =	vld [tilespmem:s21+$0x5800];
	v43 =	vadd.f32 v29, v43;
	v58 =	vpop (erf);
	v59 =	vsub.f32 $0.0e+00, v42  }
0x1a4: {  	v57 =	vmul.f32 $1.442695020e+00, v19;
	(erf) = vpow2.f32 v55;
	v45 =	vadd.f32 v58, v45  }
0x1a5: {  	v32 =	vnsel vm10, $0x0, v32;
	v29 =	vld [tilespmem:s21+$0x6000];
	v43 =	vadd.f32 v31, v43;
	v61 =	vpop (erf);
	v48 =	vmul.f32 $1.442695020e+00, v59  }
0x1a6: {  	v60 =	vmul.f32 $1.442695020e+00, v25;
	(erf) = vpow2.f32 v57;
	v45 =	vadd.f32 v61, v45  }
0x1a7: {  	v37 =	vnsel vm2, $0x0, v37;
	v31 =	vld [tilespmem:s21+$0x6800];
	v43 =	vadd.f32 v32, v43;
	v63 =	vpop (erf);
	(erf) = vpow2.f32 v48  }
0x1a8: {  	v62 =	vmul.f32 $1.442695020e+00, v27;
	v45 =	vadd.f32 v63, v45;
	(erf) = vpow2.f32 v60  }
0x1a9: {  	vm6 =	veq.s32 v41, $0xE;
	v34 =	vnsel vm5, $0x0, v34;
	v32 =	vld [tilespmem:s21+$0x7000];
	v43 =	vadd.f32 v37, v43;
	v49 =	vpop (erf)  }
0x1aa: {  	v48 =	vmul.f32 $1.442695020e+00, v29;
	v45 =	vadd.f32 v49, v45;
	(erf) = vpow2.f32 v62  }
0x1ab: {  	vm7 =	veq.s32 v41, $0xF;
	v35 =	vnsel vm6, $0x0, v35;
	v37 =	vld [tilespmem:s21+$0x7800];
	v43 =	vadd.f32 v34, v43;
	v51 =	vpop (erf)  }
0x1ac: {  	v50 =	vmul.f32 $1.442695020e+00, v31;
	(erf) = vpow2.f32 v48;
	v45 =	vadd.f32 v51, v45  }
0x1ad: {  	vm8 =	veq.s32 v41, $0x10;
	v38 =	vnsel vm7, $0x0, v38;
	v34 =	vld [tilespmem:s21+$0x8000];
	v43 =	vadd.f32 v35, v43;
	v53 =	vpop (erf)  }
0x1ae: {  	v52 =	vmul.f32 $1.442695020e+00, v32;
	(erf) = vpow2.f32 v50;
	v45 =	vadd.f32 v53, v45  }
0x1af: {  	vm0 =	veq.s32 v41, $0x12;
	v57 =	vnsel vm8, $0x0, v36;
	v35 =	vld [tilespmem:s21+$0x8800];
	v55 =	vpop (erf);
	v38 =	vadd.f32 v38, v43  }
0x1b0: {  	v54 =	vmul.f32 $1.442695020e+00, v37;
	(erf) = vpow2.f32 v52;
	v56 =	vadd.f32 v55, v45;
	v58 =	vpop (erf)  }
0x1b1: {  	v33 =	vnsel vm1, $0x0, v33;
	v36 =	vld [tilespmem:s21+$0x9000];
	v38 =	vadd.f32 v57, v38;
	v60 =	vpop (erf);
	v40 =	vmul.f32 v58, v40  }
0x1b2: {  	v59 =	vmul.f32 $1.442695020e+00, v34;
	(erf) = vpow2.f32 v54;
	v41 =	vadd.f32 v60, v56  }
0x1b3: {  	v28 =	vnsel vm0, $0x0, v28;
	v33 =	vadd.f32 v33, v38;
	v62 =	vpop (erf);
	v63 =	vadd.f32 v40, v42  }
0x1b4: {  	v61 =	vmul.f32 $1.442695020e+00, v35;
	(erf) = vpow2.f32 v59;
	v45 =	vadd.f32 v62, v41  }
0x1b5: {  	v28 =	vadd.f32 v28, v33;
	v46 =	vpop (erf);
	v47 =	vadd.f32 $-1.000000000e+00, v63  }
0x1b6: {  	v49 =	vmul.f32 $1.442695020e+00, v36;
	(erf) = vpow2.f32 v61;
	v48 =	vadd.f32 v46, v45  }
0x1b7: {  	v50 =	vpop (erf);
	v33 =	vsub.f32 v47, v28  }
0x1b8: {  	(erf) = vpow2.f32 v49;
	v28 =	vadd.f32 v50, v48  }
0x1b9: {  	v51 =	vpop (erf);
	vm0 =	vgt.f32 v33, $3.566749390e-01;
	vm9 =	vge.f32 v33, $4.458436740e-02  }
0x1ba: {  	vm10 =	vge.f32 v33, $3.120905760e-01;
	vm11 =	vge.f32 v33, $8.916873480e-02;
	v28 =	vadd.f32 v51, v28  }
0x1bb: {  	v52 =	vpop (erf);
	vm12 =	vge.f32 v33, $1.337531060e-01;
	vm13 =	vge.f32 v33, $1.783374700e-01;
	v40 =	vsel vm10, $0x3F800000, v0  }
0x1bc: {  	vm14 =	vge.f32 v33, $2.229218330e-01;
	v53 =	vmul.f32 v40, v33;
	v38 =	vadd.f32 v52, v28  }
0x1bd: {  	vm15 =	vge.f32 v33, $2.675062120e-01;
	v55 =	vsel vm0, $0x3F800000, v0;
	v56 =	vsel vm9, $0x3F800000, v0;
	v54 =	vpop (erf)  }
0x1be: {  	v57 =	vsel vm11, $0x3F800000, v0;
	v28 =	vadd.f32 v53, v18;
	v18 =	vadd.f32 v54, v38  }
0x1bf: {  	v44 =	vsel vm12, $0x3F800000, v0;
	v43 =	vsel vm13, $0x3F800000, v0;
	v42 =	vsel vm14, $0x3F800000, v0;
	v58 =	vpop (erf)  }
0x1c0: {  	v59 =	vmul.f32 v55, v33;
	v49 =	vmul.f32 v56, v33;
	v38 =	vadd.f32 v58, v18  }
0x1c1: {  	v41 =	vsel vm15, $0x3F800000, v0;
	v60 =	vmul.f32 v57, v33;
	v51 =	vmul.f32 v44, v33;
	v50 =	vpop (erf)  }
0x1c2: {  	v61 =	vmul.f32 v43, v33;
	v10 =	vadd.f32 v56, v10;
	v38 =	vadd.f32 v50, v38  }
0x1c3: {  	v52 =	vmul.f32 v42, v33;
	v18 =	vadd.f32 v55, v15;
	v15 =	vadd.f32 v59, v12  }
0x1c4: {  	v12 =	vadd.f32 v49, v13;
	v13 =	vadd.f32 v60, v8;
	v63 =	vcvt.s32.f32 v38  }
0x1c5: {  	s31 =	simm.s32 $0x8;
	s19 =	simm.s32 $0x80;
	v62 =	vmul.f32 v41, v33;
	v8 =	vadd.f32 v51, v14;
	v14 =	vadd.f32 v61, v7  }
0x1c6: {  	s24 =	sand.u32 $0x180, s31;
	s20 =	simm.s32 $0x20;
	s23 =	sand.u32 $0x600, s19;
	v7 =	vadd.f32 v52, v39;
	v39 =	vld [tilespmem:s21+$0x9800];
	v45 =	vadd.f32 $-1.064866820e+09, v63  }
0x1c7: {  	s22 =	sand.u32 $0x70, s20;
	s23 =	sor.u32 s24, s23;
	v11 =	vadd.f32 v57, v11;
	v9 =	vadd.f32 v62, v9;
	s21 =	simm.s32 $0xC  }
.LBB2_8:
0x1c8: {  	p0 =	sne.s32 s21, $0x1FC;
	s22 =	sor.u32 s22, s23;
	v45 =	vmul.f32 $8.262958320e-08, v45;
	v6 =	vadd.f32 v44, v6;
	v5 =	vadd.f32 v43, v5  }
0x1c9: {  	v4 =	vadd.f32 v42, v4;
	v3 =	vadd.f32 v41, v3;
	v43 =	vld [tilespmem:s22+$0x0]  }
0x1ca: {  	v2 =	vadd.f32 v40, v2;
	v41 =	vld [tilespmem:s22+$0x800];
	v42 =	vsub.f32 $0.0e+00, v45  }
0x1cb: {  	vm2 =	veq.s32 v39, $0xC;
	vm1 =	veq.s32 v39, $0x11;
	vm0 =	veq.s32 v39, $0x12  }
0x1cc: {  	vm3 =	veq.s32 v39, $0x0;
	vm4 =	veq.s32 v39, $0x1;
	v40 =	vld [tilespmem:s22+$0x1000];
	v42 =	vmul.f32 $1.442695020e+00, v42  }
0x1cd: {  	v48 =	vnsel vm3, $0x0, v20;
	v49 =	vnsel vm4, $0x0, v26;
	vm3 =	veq.s32 v39, $0x2  }
0x1ce: {  	v47 =	vadd.f32 v49, v48;
	v44 =	vmul.f32 $1.442695020e+00, v43;
	v46 =	vld [tilespmem:s22+$0x1800];
	(erf) = vpow2.f32 v42;
	v20 =	vmovc v43  }
0x1cf: {  	v48 =	vnsel vm3, $0x0, v22;
	vm3 =	veq.s32 v39, $0xB;
	v42 =	vmul.f32 $1.442695020e+00, v41;
	v26 =	vmovc v41  }
0x1d0: {  	vm4 =	veq.s32 v39, $0x3;
	v43 =	vadd.f32 v48, v47;
	v41 =	vld [tilespmem:s22+$0x2000];
	(erf) = vpow2.f32 v44  }
0x1d1: {  	v47 =	vnsel vm4, $0x0, v23;
	v44 =	vmul.f32 $1.442695020e+00, v40;
	(erf) = vpow2.f32 v42;
	v22 =	vmovc v40  }
0x1d2: {  	vm5 =	veq.s32 v39, $0x4;
	vm4 =	veq.s32 v39, $0xA;
	v42 =	vadd.f32 v47, v43;
	v40 =	vld [tilespmem:s22+$0x2800]  }
0x1d3: {  	v48 =	vnsel vm5, $0x0, v21;
	v43 =	vmul.f32 $1.442695020e+00, v46;
	(erf) = vpow2.f32 v44;
	v23 =	vmovc v46  }
0x1d4: {  	vm6 =	veq.s32 v39, $0x5;
	vm5 =	veq.s32 v39, $0x9;
	v42 =	vadd.f32 v48, v42;
	v44 =	vld [tilespmem:s22+$0x3000]  }
0x1d5: {  	v24 =	vnsel vm6, $0x0, v24;
	v46 =	vmul.f32 $1.442695020e+00, v41;
	v47 =	vld [tilespmem:s22+$0x3800];
	(erf) = vpow2.f32 v43;
	v21 =	vmovc v41  }
0x1d6: {  	vm7 =	veq.s32 v39, $0x8;
	vm6 =	veq.s32 v39, $0x6;
	v49 =	vadd.f32 v24, v42  }
0x1d7: {  	v30 =	vnsel vm6, $0x0, v30;
	v41 =	vmul.f32 $1.442695020e+00, v40;
	v42 =	vld [tilespmem:s22+$0x4000];
	(erf) = vpow2.f32 v46;
	v43 =	vpop (erf)  }
0x1d8: {  	vm6 =	veq.s32 v39, $0x7;
	v51 =	vadd.f32 v30, v49;
	v24 =	vmovc v40;
	v43 =	vmul.f32 v43, v38  }
0x1d9: {  	v52 =	vnsel vm6, $0x0, v16;
	v40 =	vmul.f32 $1.442695020e+00, v44;
	v46 =	vld [tilespmem:s22+$0x4800];
	v48 =	vpop (erf);
	(erf) = vpow2.f32 v41  }
0x1da: {  	v50 =	vadd.f32 v52, v51;
	v41 =	vmul.f32 $1.442695020e+00, v47;
	v49 =	vpop (erf);
	v43 =	vadd.f32 v43, v45  }
0x1db: {  	v30 =	vmovc v44;
	v16 =	vmovc v47;
	v45 =	vadd.f32 v49, v48;
	v48 =	vld [tilespmem:s22+$0x5000];
	(erf) = vpow2.f32 v40;
	v49 =	vnsel vm7, $0x0, v17  }
0x1dc: {  	v40 =	vmul.f32 $1.442695020e+00, v42;
	v44 =	vpop (erf);
	v47 =	vadd.f32 v49, v50;
	v43 =	vadd.f32 $-1.000000000e+00, v43  }
0x1dd: {  	v50 =	vnsel vm5, $0x0, v19;
	v17 =	vmovc v42;
	v44 =	vadd.f32 v44, v45;
	v45 =	vld [tilespmem:s22+$0x5800];
	(erf) = vpow2.f32 v41  }
0x1de: {  	v41 =	vmul.f32 $1.442695020e+00, v46;
	v42 =	vpop (erf);
	v47 =	vadd.f32 v50, v47;
	v49 =	vsub.f32 $0.0e+00, v43  }
0x1df: {  	v50 =	vnsel vm4, $0x0, v25;
	v19 =	vmovc v46;
	v42 =	vadd.f32 v42, v44;
	v44 =	vld [tilespmem:s22+$0x6000];
	(erf) = vpow2.f32 v40  }
0x1e0: {  	v40 =	vmul.f32 $1.442695020e+00, v48;
	v46 =	vpop (erf);
	v47 =	vadd.f32 v50, v47;
	v49 =	vmul.f32 $1.442695020e+00, v49  }
0x1e1: {  	v50 =	vnsel vm3, $0x0, v27;
	v25 =	vmovc v48;
	v42 =	vadd.f32 v46, v42;
	v46 =	vld [tilespmem:s22+$0x6800];
	(erf) = vpow2.f32 v41  }
0x1e2: {  	v41 =	vmul.f32 $1.442695020e+00, v45;
	v48 =	vpop (erf);
	v47 =	vadd.f32 v50, v47;
	(erf) = vpow2.f32 v49  }
0x1e3: {  	v49 =	vnsel vm2, $0x0, v29;
	v27 =	vmovc v45;
	v42 =	vadd.f32 v48, v42;
	v48 =	vld [tilespmem:s22+$0x7000];
	(erf) = vpow2.f32 v40  }
0x1e4: {  	vm2 =	veq.s32 v39, $0xD;
	v40 =	vmul.f32 $1.442695020e+00, v44;
	v45 =	vpop (erf);
	v47 =	vadd.f32 v49, v47  }
0x1e5: {  	v49 =	vnsel vm2, $0x0, v31;
	v29 =	vmovc v44;
	v42 =	vadd.f32 v45, v42;
	v45 =	vld [tilespmem:s22+$0x7800];
	(erf) = vpow2.f32 v41  }
0x1e6: {  	vm2 =	veq.s32 v39, $0xE;
	v41 =	vmul.f32 $1.442695020e+00, v46;
	v44 =	vpop (erf);
	v47 =	vadd.f32 v49, v47  }
0x1e7: {  	v49 =	vnsel vm2, $0x0, v32;
	v31 =	vmovc v46;
	v42 =	vadd.f32 v44, v42;
	v44 =	vld [tilespmem:s22+$0x8000];
	(erf) = vpow2.f32 v40  }
0x1e8: {  	vm2 =	veq.s32 v39, $0xF;
	v50 =	vmul.f32 $1.442695020e+00, v48;
	v46 =	vpop (erf);
	v47 =	vadd.f32 v49, v47  }
0x1e9: {  	v37 =	vnsel vm2, $0x0, v37;
	v32 =	vmovc v48;
	v42 =	vadd.f32 v46, v42;
	v46 =	vld [tilespmem:s22+$0x8800];
	(erf) = vpow2.f32 v41  }
0x1ea: {  	vm2 =	veq.s32 v39, $0x10;
	v41 =	vmul.f32 $1.442695020e+00, v45;
	v48 =	vpop (erf);
	v51 =	vadd.f32 v37, v47  }
0x1eb: {  	v39 =	vadd.f32 v48, v42;
	(erf) = vpow2.f32 v50;
	v50 =	vnsel vm2, $0x0, v34;
	v40 =	vpop (erf)  }
0x1ec: {  	v42 =	vmul.f32 $1.442695020e+00, v44;
	v47 =	vld [tilespmem:s22+$0x9000];
	v48 =	vpop (erf);
	v49 =	vadd.f32 v50, v51;
	v38 =	vmul.f32 v40, v38  }
0x1ed: {  	v37 =	vmovc v45;
	v34 =	vmovc v44;
	v39 =	vadd.f32 v48, v39;
	(erf) = vpow2.f32 v41;
	v48 =	vnsel vm1, $0x0, v35  }
0x1ee: {  	v40 =	vmul.f32 $1.442695020e+00, v46;
	v41 =	vpop (erf);
	v44 =	vadd.f32 v48, v49;
	v38 =	vadd.f32 v38, v43  }
0x1ef: {  	v43 =	vnsel vm0, $0x0, v36;
	v35 =	vmovc v46;
	v39 =	vadd.f32 v41, v39;
	(erf) = vpow2.f32 v42  }
0x1f0: {  	v41 =	vpop (erf);
	v42 =	vadd.f32 v43, v44;
	v38 =	vadd.f32 $-1.000000000e+00, v38  }
0x1f1: {  	v43 =	vadd.f32 v41, v39;
	v41 =	vmul.f32 $1.442695020e+00, v47;
	(erf) = vpow2.f32 v40;
	v36 =	vmovc v47  }
0x1f2: {  	v1 =	vadd.f32 v33, v1;
	v40 =	vpop (erf);
	v33 =	vsub.f32 v38, v42  }
0x1f3: {  	v38 =	vadd.f32 v40, v43;
	(erf) = vpow2.f32 v41  }
0x1f4: {  	v39 =	vpop (erf);
	vm0 =	vgt.f32 v33, $3.566749390e-01;
	vm1 =	vge.f32 v33, $4.458436740e-02;
	vm2 =	vge.f32 v33, $3.120905760e-01  }
0x1f5: {  	vm3 =	vge.f32 v33, $8.916873480e-02;
	v38 =	vadd.f32 v39, v38;
	v40 =	vsel vm2, $0x3F800000, v0  }
0x1f6: {  	vm4 =	vge.f32 v33, $1.783374700e-01;
	vm2 =	vge.f32 v33, $1.337531060e-01;
	v39 =	vpop (erf);
	v41 =	vmul.f32 v40, v33  }
0x1f7: {  	vm5 =	vge.f32 v33, $2.229218330e-01;
	vm6 =	vge.f32 v33, $2.675062120e-01;
	v38 =	vadd.f32 v39, v38  }
0x1f8: {  	v45 =	vsel vm0, $0x3F800000, v0;
	v46 =	vsel vm1, $0x3F800000, v0;
	v39 =	vpop (erf);
	v28 =	vadd.f32 v41, v28  }
0x1f9: {  	v47 =	vsel vm3, $0x3F800000, v0;
	v44 =	vsel vm2, $0x3F800000, v0;
	v38 =	vadd.f32 v39, v38  }
0x1fa: {  	v43 =	vsel vm4, $0x3F800000, v0;
	v42 =	vsel vm5, $0x3F800000, v0;
	v41 =	vsel vm6, $0x3F800000, v0;
	v39 =	vpop (erf)  }
0x1fb: {  	v48 =	vmul.f32 v46, v33;
	v38 =	vadd.f32 v39, v38;
	v39 =	vmul.f32 v45, v33  }
0x1fc: {  	v18 =	vadd.f32 v45, v18;
	v50 =	vmul.f32 v44, v33;
	v45 =	vmul.f32 v47, v33;
	v49 =	vpop (erf)  }
0x1fd: {  	v51 =	vmul.f32 v42, v33;
	v38 =	vadd.f32 v49, v38;
	v49 =	vmul.f32 v43, v33  }
.Ltmp3:
0x1fe: {  	v12 =	vadd.f32 v48, v12;
	v48 =	vmul.f32 v41, v33;
	v15 =	vadd.f32 v39, v15;
	(pc) =	sbr.rel @p0 .LBB2_8-.Ltmp3, $4  }
0x1ff: {  	v8 =	vadd.f32 v50, v8;
	v13 =	vadd.f32 v45, v13;
	v52 =	vcvt.s32.f32 v38  }
0x200: {  	s19 =	sadd.s32 $0x40, s19;
	v7 =	vadd.f32 v51, v7;
	v14 =	vadd.f32 v49, v14  }
0x201: {  	s24 =	sand.u32 $0x180, s21;
	s20 =	sadd.s32 $0x10, s20;
	s23 =	sand.u32 $0x600, s19;
	v9 =	vadd.f32 v48, v9;
	v39 =	vld [tilespmem:s22+$0x9800];
	v45 =	vadd.f32 $-1.064866820e+09, v52  }
0x202: {  	s21 =	sadd.s32 $0x4, s21;
	s23 =	sor.u32 s24, s23;
	v10 =	vadd.f32 v46, v10;
	v11 =	vadd.f32 v47, v11;
	s22 =	sand.u32 $0x70, s20  }
0x203: {  	s19 =	sor.u32 s22, s23  }
0x204: {  	v46 =	vmul.f32 $8.262958320e-08, v45;
	v58 =	vld [tilespmem:s19+$0x0]  }
0x205: {  	v59 =	vld [tilespmem:s19+$0x800]  }
0x206: {  	v45 =	vsub.f32 $0.0e+00, v46;
	_ =	sdelay $0x1  }
0x207: {  	v57 =	vld [tilespmem:s19+$0x1000];
	v45 =	vmul.f32 $1.442695020e+00, v45  }
0x208: {  	v47 =	vmul.f32 $1.442695020e+00, v58  }
0x209: {  	v56 =	vld [tilespmem:s19+$0x1800];
	(erf) = vpow2.f32 v45;
	v50 =	vmul.f32 $1.442695020e+00, v59  }
0x20a: {  	(erf) = vpow2.f32 v47  }
0x20b: {  	v55 =	vld [tilespmem:s19+$0x2000];
	(erf) = vpow2.f32 v50  }
0x20c: {  	v51 =	vmul.f32 $1.442695020e+00, v57  }
0x20d: {  	v54 =	vld [tilespmem:s19+$0x2800]  }
0x20e: {  	v53 =	vld [tilespmem:s19+$0x3000];
	v60 =	vmul.f32 $1.442695020e+00, v56;
	(erf) = vpow2.f32 v51;
	_ =	sdelay $0x1  }
0x20f: {  	v61 =	vmul.f32 $1.442695020e+00, v55;
	(erf) = vpow2.f32 v60  }
0x210: {  	v51 =	vld [tilespmem:s19+$0x3800]  }
0x211: {  	v62 =	vmul.f32 $1.442695020e+00, v54;
	(erf) = vpow2.f32 v61;
	v63 =	vpop (erf)  }
0x212: {  	v49 =	vld [tilespmem:s19+$0x4000];
	v48 =	vmul.f32 $1.442695020e+00, v53;
	v50 =	vpop (erf)  }
0x213: {  	(erf) = vpow2.f32 v62;
	v52 =	vpop (erf)  }
0x214: {  	v47 =	vmul.f32 v63, v38;
	v50 =	vadd.f32 v52, v50  }
0x215: {  	v45 =	vld [tilespmem:s19+$0x4800];
	v61 =	vmul.f32 $1.442695020e+00, v51;
	(erf) = vpow2.f32 v48  }
0x216: {  	v47 =	vadd.f32 v47, v46;
	v48 =	vpop (erf)  }
0x217: {  	v46 =	vld [tilespmem:s19+$0x5000];
	(erf) = vpow2.f32 v61;
	v52 =	vmul.f32 $1.442695020e+00, v49;
	v48 =	vadd.f32 v48, v50  }
0x218: {  	v60 =	vadd.f32 $-1.000000000e+00, v47;
	v50 =	vpop (erf)  }
0x219: {  	v47 =	vld [tilespmem:s19+$0x5800];
	(erf) = vpow2.f32 v52;
	v50 =	vadd.f32 v50, v48  }
0x21a: {  	[tilespmem:$0x1FFE0] =	vst v45;
	v62 =	vmul.f32 $1.442695020e+00, v45;
	v61 =	vsub.f32 $0.0e+00, v60;
	v45 =	vpop (erf)  }
0x21b: {  	v48 =	vld [tilespmem:s19+$0x6000];
	v52 =	vadd.f32 v45, v50  }
0x21c: {  	v63 =	vmul.f32 $1.442695020e+00, v46;
	v61 =	vmul.f32 $1.442695020e+00, v61;
	v45 =	vpop (erf)  }
0x21d: {  	(erf) = vpow2.f32 v62;
	v50 =	vld [tilespmem:s19+$0x6800];
	v52 =	vadd.f32 v45, v52  }
0x21e: {  	(erf) = vpow2.f32 v61;
	v61 =	vmul.f32 $1.442695020e+00, v47;
	v45 =	vpop (erf)  }
0x21f: {  	(erf) = vpow2.f32 v63;
	v62 =	vadd.f32 v45, v52;
	v52 =	vld [tilespmem:s19+$0x7000]  }
0x220: {  	vm0 =	veq.s32 v39, $0x0;
	(erf) = vpow2.f32 v61;
	v61 =	vmul.f32 $1.442695020e+00, v48;
	v63 =	vpop (erf)  }
0x221: {  	vm1 =	veq.s32 v39, $0x1;
	v20 =	vnsel vm0, $0x0, v20;
	v62 =	vadd.f32 v63, v62  }
0x222: {  	v26 =	vnsel vm1, $0x0, v26;
	v45 =	vld [tilespmem:s19+$0x7800];
	(erf) = vpow2.f32 v61;
	v61 =	vmul.f32 $1.442695020e+00, v50;
	v63 =	vpop (erf)  }
0x223: {  	vm14 =	veq.s32 v39, $0x2;
	v26 =	vadd.f32 v26, v20;
	v62 =	vadd.f32 v63, v62  }
0x224: {  	v22 =	vnsel vm14, $0x0, v22;
	v63 =	vmul.f32 $1.442695020e+00, v52  }
0x225: {  	vm15 =	veq.s32 v39, $0x3;
	v26 =	vadd.f32 v22, v26  }
0x226: {  	vm4 =	veq.s32 v39, $0x4;
	v23 =	vnsel vm15, $0x0, v23;
	(erf) = vpow2.f32 v61;
	v61 =	vpop (erf)  }
0x227: {  	v22 =	vld [tilespmem:s19+$0x8000];
	v26 =	vadd.f32 v23, v26;
	v20 =	vmul.f32 $1.442695020e+00, v45;
	v61 =	vadd.f32 v61, v62;
	v62 =	vpop (erf)  }
0x228: {  	v21 =	vnsel vm4, $0x0, v21;
	(erf) = vpow2.f32 v63;
	v63 =	vpop (erf)  }
0x229: {  	vm5 =	veq.s32 v39, $0x5;
	v26 =	vadd.f32 v21, v26;
	v61 =	vadd.f32 v63, v61  }
0x22a: {  	v24 =	vnsel vm5, $0x0, v24;
	(erf) = vpow2.f32 v20  }
0x22b: {  	vm6 =	veq.s32 v39, $0x6;
	vm7 =	veq.s32 v39, $0x7;
	v23 =	vld [tilespmem:s19+$0x8800];
	v24 =	vadd.f32 v24, v26;
	v20 =	vpop (erf)  }
0x22c: {  	v26 =	vnsel vm6, $0x0, v30;
	v63 =	vmul.f32 $1.442695020e+00, v22;
	v20 =	vadd.f32 v20, v61  }
0x22d: {  	vm8 =	veq.s32 v39, $0x8;
	v16 =	vnsel vm7, $0x0, v16;
	v24 =	vadd.f32 v26, v24;
	v61 =	vpop (erf)  }
0x22e: {  	v17 =	vnsel vm8, $0x0, v17;
	(erf) = vpow2.f32 v63;
	v20 =	vadd.f32 v61, v20  }
0x22f: {  	vm9 =	veq.s32 v39, $0x9;
	v21 =	vld [tilespmem:s19+$0x9000];
	v16 =	vadd.f32 v16, v24;
	v61 =	vpop (erf)  }
0x230: {  	v19 =	vnsel vm9, $0x0, v19;
	v30 =	vmul.f32 $1.442695020e+00, v23;
	v20 =	vadd.f32 v61, v20  }
0x231: {  	v16 =	vadd.f32 v17, v16;
	v17 =	vpop (erf)  }
0x232: {  	(erf) = vpow2.f32 v30;
	v17 =	vadd.f32 v17, v20  }
0x233: {  	vm10 =	veq.s32 v39, $0xA;
	v16 =	vadd.f32 v19, v16;
	v19 =	vpop (erf)  }
0x234: {  	v30 =	vmul.f32 $1.442695020e+00, v21;
	v17 =	vadd.f32 v19, v17;
	v19 =	vnsel vm10, $0x0, v25;
	_ =	sdelay $0x1  }
0x235: {  	(erf) = vpow2.f32 v30  }
0x236: {  	vm11 =	veq.s32 v39, $0xB;
	v16 =	vadd.f32 v19, v16;
	v19 =	vpop (erf)  }
0x237: {  	v17 =	vadd.f32 v19, v17;
	v19 =	vnsel vm11, $0x0, v27;
	_ =	sdelay $0x2  }
0x238: {  	vm12 =	veq.s32 v39, $0xC;
	v16 =	vadd.f32 v19, v16;
	v19 =	vpop (erf)  }
0x239: {  	v17 =	vadd.f32 v19, v17;
	v19 =	vnsel vm12, $0x0, v29;
	_ =	sdelay $0x2  }
0x23a: {  	vm13 =	veq.s32 v39, $0xD;
	v16 =	vadd.f32 v19, v16;
	v19 =	vpop (erf)  }
0x23b: {  	v17 =	vadd.f32 v19, v17;
	v19 =	vnsel vm13, $0x0, v31  }
0x23c: {  	vm14 =	veq.s32 v39, $0xE;
	v16 =	vadd.f32 v19, v16  }
0x23d: {  	v19 =	vnsel vm14, $0x0, v32;
	v20 =	vcvt.s32.f32 v17  }
0x23e: {  	vm15 =	veq.s32 v39, $0xF;
	v16 =	vadd.f32 v19, v16  }
0x23f: {  	v19 =	vnsel vm15, $0x0, v37;
	v20 =	vadd.f32 $-1.064866820e+09, v20  }
0x240: {  	v16 =	vadd.f32 v19, v16;
	v19 =	vld [tilespmem:s19+$0x9800]  }
0x241: {  	v6 =	vadd.f32 v44, v6;
	vm4 =	veq.s32 v39, $0x10;
	v20 =	vmul.f32 $8.262958320e-08, v20  }
0x242: {  	vm5 =	veq.s32 v39, $0x11;
	vm6 =	veq.s32 v39, $0x12;
	v29 =	vmul.f32 v62, v38  }
0x243: {  	v63 =	vnsel vm4, $0x0, v34;
	v34 =	vnsel vm6, $0x0, v36;
	v31 =	vsub.f32 $0.0e+00, v20  }
0x244: {  	v30 =	vnsel vm5, $0x0, v35;
	v24 =	vadd.f32 v29, v60;
	v16 =	vadd.f32 v63, v16  }
0x245: {  	vm7 =	veq.s32 v19, $0x0;
	vm2 =	veq.s32 v19, $0x1;
	v32 =	vmul.f32 $1.442695020e+00, v31  }
0x246: {  	v16 =	vadd.f32 v30, v16;
	v35 =	vnsel vm7, $0x0, v58;
	v36 =	vnsel vm2, $0x0, v59  }
0x247: {  	vm8 =	veq.s32 v19, $0x2;
	v27 =	vadd.f32 v36, v35;
	(erf) = vpow2.f32 v32  }
0x248: {  	v5 =	vadd.f32 v43, v5;
	v24 =	vadd.f32 $-1.000000000e+00, v24;
	v37 =	vnsel vm8, $0x0, v57  }
0x249: {  	vm9 =	veq.s32 v19, $0x3;
	v16 =	vadd.f32 v34, v16;
	v25 =	vadd.f32 v37, v27  }
0x24a: {  	v4 =	vadd.f32 v42, v4;
	v3 =	vadd.f32 v41, v3;
	v38 =	vnsel vm9, $0x0, v56  }
0x24b: {  	vm10 =	veq.s32 v19, $0x4;
	v16 =	vsub.f32 v24, v16;
	v24 =	vadd.f32 v38, v25  }
0x24c: {  	v2 =	vadd.f32 v40, v2;
	v1 =	vadd.f32 v33, v1;
	v39 =	vnsel vm10, $0x0, v55  }
0x24d: {  	vm13 =	veq.s32 v19, $0x5;
	vm14 =	veq.s32 v19, $0x6;
	v24 =	vadd.f32 v39, v24  }
0x24e: {  	v40 =	vnsel vm13, $0x0, v54;
	v41 =	vnsel vm14, $0x0, v53;
	vm9 =	veq.s32 v19, $0x7  }
0x24f: {  	vm10 =	veq.s32 v19, $0x8;
	vm13 =	veq.s32 v19, $0xB;
	v24 =	vadd.f32 v40, v24  }
0x250: {  	vm14 =	veq.s32 v19, $0xC;
	v53 =	vnsel vm9, $0x0, v51;
	v55 =	vnsel vm10, $0x0, v49;
	v42 =	vpop (erf)  }
0x251: {  	v57 =	vld [tilespmem:$0x1FFE0];
	vm11 =	vgt.f32 v16, $3.566749390e-01;
	v24 =	vadd.f32 v41, v24;
	v43 =	vmul.f32 v42, v17  }
0x252: {  	vm12 =	vge.f32 v16, $4.458436740e-02;
	vm3 =	vge.f32 v16, $3.120905760e-01;
	vm4 =	vge.f32 v16, $8.916873480e-02  }
0x253: {  	v26 =	vsel vm3, $0x3F800000, v0;
	v24 =	vadd.f32 v53, v24;
	v20 =	vadd.f32 v43, v20  }
0x254: {  	vm15 =	vge.f32 v16, $1.337531060e-01;
	v54 =	vsel vm11, $0x3F800000, v0;
	v44 =	vmul.f32 v26, v16  }
0x255: {  	vm11 =	veq.s32 v19, $0x9;
	v24 =	vadd.f32 v55, v24;
	v20 =	vadd.f32 $-1.000000000e+00, v20  }
0x256: {  	v56 =	vsel vm12, $0x3F800000, v0;
	v27 =	vadd.f32 v44, v28;
	v28 =	vnsel vm11, $0x0, v57  }
0x257: {  	vm12 =	veq.s32 v19, $0xA;
	v24 =	vadd.f32 v28, v24;
	v58 =	vsub.f32 $0.0e+00, v20  }
0x258: {  	vm5 =	vge.f32 v16, $1.783374700e-01;
	vm6 =	vge.f32 v16, $2.229218330e-01;
	v61 =	vnsel vm12, $0x0, v46  }
0x259: {  	vm7 =	vge.f32 v16, $2.675062120e-01;
	v24 =	vadd.f32 v61, v24;
	v28 =	vmul.f32 $1.442695020e+00, v58  }
0x25a: {  	v59 =	vsel vm4, $0x3F800000, v0;
	v60 =	vsel vm15, $0x3F800000, v0;
	v41 =	vnsel vm13, $0x0, v47  }
0x25b: {  	v62 =	vsel vm5, $0x3F800000, v0;
	v24 =	vadd.f32 v41, v24;
	(erf) = vpow2.f32 v28  }
0x25c: {  	v63 =	vsel vm6, $0x3F800000, v0;
	vm15 =	veq.s32 v19, $0xD;
	v44 =	vnsel vm14, $0x0, v48  }
0x25d: {  	vm4 =	veq.s32 v19, $0xE;
	vm5 =	veq.s32 v19, $0xF;
	v24 =	vadd.f32 v44, v24  }
0x25e: {  	vm6 =	veq.s32 v19, $0x10;
	v46 =	vmul.f32 v56, v16;
	v47 =	vnsel vm15, $0x0, v50  }
0x25f: {  	v25 =	vadd.f32 v54, v18;
	v43 =	vmul.f32 v54, v16;
	v24 =	vadd.f32 v47, v24  }
0x260: {  	v18 =	vmul.f32 v59, v16;
	v49 =	vmul.f32 v62, v16;
	v51 =	vnsel vm4, $0x0, v52  }
0x261: {  	v48 =	vmul.f32 v60, v16;
	v34 =	vadd.f32 v43, v15;
	v15 =	vadd.f32 v51, v24  }
0x262: {  	v52 =	vadd.f32 v46, v12;
	v35 =	vadd.f32 v49, v14;
	v53 =	vnsel vm5, $0x0, v45  }
0x263: {  	v42 =	vsel vm7, $0x3F800000, v0;
	v54 =	vadd.f32 v18, v13;
	v13 =	vadd.f32 v53, v15  }
0x264: {  	v50 =	vmul.f32 v63, v16;
	v55 =	vadd.f32 v48, v8;
	v8 =	vnsel vm6, $0x0, v22;
	v14 =	vpop (erf)  }
0x265: {  	vm7 =	veq.s32 v19, $0x11;
	v8 =	vadd.f32 v8, v13;
	v13 =	vmul.f32 v14, v17  }
0x266: {  	v12 =	vmul.f32 v42, v16;
	v17 =	vadd.f32 v50, v7;
	v7 =	vnsel vm7, $0x0, v23  }
0x267: {  	vm8 =	veq.s32 v19, $0x12;
	v7 =	vadd.f32 v7, v8;
	v8 =	vadd.f32 v13, v20  }
0x268: {  	v1 =	vadd.f32 v16, v1;
	v9 =	vadd.f32 v12, v9;
	v12 =	vnsel vm8, $0x0, v21  }
0x269: {  	v7 =	vadd.f32 v12, v7;
	v8 =	vadd.f32 $-1.000000000e+00, v8  }
0x26a: {  	v10 =	vadd.f32 v56, v10;
	v11 =	vadd.f32 v59, v11  }
0x26b: {  	v6 =	vadd.f32 v60, v6;
	v19 =	vsub.f32 v8, v7  }
0x26c: {  	v5 =	vadd.f32 v62, v5;
	v4 =	vadd.f32 v63, v4  }
0x26d: {  	v2 =	vadd.f32 v26, v2;
	v3 =	vadd.f32 v42, v3;
	vm0 =	vgt.f32 v19, $3.566749390e-01  }
0x26e: {  	vm9 =	vge.f32 v19, $3.120905760e-01;
	vm10 =	vge.f32 v19, $4.458436740e-02;
	vm11 =	vge.f32 v19, $8.916873480e-02  }
0x26f: {  	vm12 =	vge.f32 v19, $1.337531060e-01;
	vm13 =	vge.f32 v19, $1.783374700e-01;
	vm14 =	vge.f32 v19, $2.229218330e-01  }
0x270: {  	vm15 =	vge.f32 v19, $2.675062120e-01;
	v1 =	vadd.f32 v19, v1;
	v16 =	vsel vm9, $0x3F800000, v0  }
0x271: {  	v8 =	vsel vm0, $0x3F800000, v0;
	v20 =	vsel vm10, $0x3F800000, v0;
	v56 =	vsel vm11, $0x3F800000, v0  }
0x272: {  	v57 =	vsel vm12, $0x3F800000, v0;
	v58 =	vsel vm13, $0x3F800000, v0;
	v59 =	vsel vm14, $0x3F800000, v0  }
0x273: {  	v60 =	vsel vm15, $0x3F800000, v0;
	v7 =	vmul.f32 v16, v19;
	v13 =	vmul.f32 v20, v19  }
0x274: {  	v15 =	vadd.f32 v8, v25;
	v14 =	vmul.f32 v57, v19;
	v10 =	vadd.f32 v20, v10  }
0x275: {  	v61 =	vmul.f32 v58, v19;
	v11 =	vadd.f32 v56, v11;
	v6 =	vadd.f32 v57, v6  }
0x276: {  	v62 =	vmul.f32 v59, v19;
	v5 =	vadd.f32 v58, v5;
	v4 =	vadd.f32 v59, v4  }
0x277: {  	v63 =	vmul.f32 v60, v19;
	v3 =	vadd.f32 v60, v3;
	v2 =	vadd.f32 v16, v2  }
0x278: {  	v18 =	vadd.f32 v7, v27;
	v7 =	vmul.f32 v8, v19;
	v13 =	vadd.f32 v13, v52  }
0x279: {  	v8 =	vmul.f32 v56, v19;
	v14 =	vadd.f32 v14, v55;
	v39 =	vadd.f32 v62, v17  }
0x27a: {  	s22 =	simm.s32 $0x0;
	v9 =	vadd.f32 v63, v9;
	v12 =	vadd.f32 v7, v34  }
0x27b: {  	s20 =	sadd.s32 $0x8000, s6;
	s21 =	smov.u32 s6;
	s19 =	simm.s32 $0x2000;
	v8 =	vadd.f32 v8, v54;
	v7 =	vadd.f32 v61, v35  }
.LBB2_10:
0x27c: {  	[tilespmem:s22], [sflag:$0x1] =	stream.strided.gather [hbm4b:s21+s13], $0x800, s14, s13, $0x38;
	[tilespmem:$0xAC00] =	vst v63  }
0x27d: {  	s22 =	smov.u32 s19;
	s21 =	smov.u32 s20;
	p0 =	sne.s32 s19, $0x24000  }
.Ltmp4:
0x27e: {  	s19 =	sadd.s32 $0x2000, s19;
	(pc) =	sbr.rel @p0 .LBB2_10-.Ltmp4, $2  }
0x27f: {  	_ =	sdelay $0x2  }
0x280: {  	s20 =	sadd.s32 $0x8000, s20;
	s22 =	sshra.s32 s22, $0x2  }
0x281: {  	[tilespmem:s22], [sflag:$0x1] =	stream.strided.gather [hbm4b:s21+s13], $0x800, s14, s13, $0x38;
	[tilespmem:$0xAC00] =	vst v63  }
0x282: {  	_ =	swait.ge [sflag:s15], $0x9800  }
0x283: {  	[sflag:s15] =	ssyncset.done $0x0  }
0x284: {  	s19 =	simm.s32 $0x0;
	[sflag:s15] =	ssyncadd.s32 $0xFFFF6800  }
0x285: {  	[tilespmem:s16], [sflag:$0x1] =	stream.strided.gather [hbm4b:s8+s13], $0x800, s14, s13, $0x38;
	[tilespmem:$0xAC00] =	vst v63  }
0x286: {  	s20 =	sand.u32 $0x600, s19;
	s26 =	sand.u32 $0x180, s19;
	_ =	swait.ge [sflag:s15], $0x800  }
0x287: {  	s19 =	sand.u32 $0x70, s19;
	s20 =	sor.u32 s26, s20;
	[sflag:s15] =	ssyncset.done $0x0  }
0x288: {  	s19 =	sor.u32 s19, s20;
	[sflag:s15] =	ssyncadd.s32 $0xFFFFF800  }
0x289: {  	v21 =	vld [tilespmem:s19+$0x0]  }
0x28a: {  	v23 =	vld [tilespmem:s19+$0x800];
	_ =	sdelay $0x2  }
0x28b: {  	v24 =	vld [tilespmem:s19+$0x1000]  }
0x28c: {  	v17 =	vmul.f32 $1.442695020e+00, v21  }
0x28d: {  	v30 =	vld [tilespmem:s19+$0x1800];
	v19 =	vmul.f32 $1.442695020e+00, v23  }
0x28e: {  	v16 =	vld [tilespmem:s19+$0x2000];
	(erf) = vpow2.f32 v17  }
0x28f: {  	v17 =	vld [tilespmem:s19+$0x2800];
	(erf) = vpow2.f32 v19  }
0x290: {  	v20 =	vmul.f32 $1.442695020e+00, v24;
	_ =	sdelay $0x1  }
0x291: {  	v22 =	vmul.f32 $1.442695020e+00, v30;
	v19 =	vld [tilespmem:s19+$0x3000];
	(erf) = vpow2.f32 v20  }
0x292: {  	v20 =	vmul.f32 $1.442695020e+00, v16  }
0x293: {  	(erf) = vpow2.f32 v22;
	v22 =	vmul.f32 $1.442695020e+00, v17  }
0x294: {  	v25 =	vld [tilespmem:s19+$0x3800]  }
0x295: {  	(erf) = vpow2.f32 v20  }
0x296: {  	v27 =	vld [tilespmem:s19+$0x4000];
	v20 =	vmul.f32 $1.442695020e+00, v19;
	v26 =	vpop (erf)  }
0x297: {  	(erf) = vpow2.f32 v22;
	v22 =	vpop (erf)  }
0x298: {  	v29 =	vld [tilespmem:s19+$0x4800];
	v22 =	vadd.f32 v22, v26  }
0x299: {  	v28 =	vmul.f32 $1.442695020e+00, v25;
	(erf) = vpow2.f32 v20  }
0x29a: {  	v31 =	vld [tilespmem:s19+$0x5000];
	v20 =	vpop (erf)  }
0x29b: {  	v26 =	vmul.f32 $1.442695020e+00, v27;
	(erf) = vpow2.f32 v28;
	v20 =	vadd.f32 v20, v22  }
0x29c: {  	v32 =	vld [tilespmem:s19+$0x5800];
	v22 =	vpop (erf)  }
0x29d: {  	v28 =	vmul.f32 $1.442695020e+00, v29;
	(erf) = vpow2.f32 v26;
	v20 =	vadd.f32 v22, v20  }
0x29e: {  	v37 =	vld [tilespmem:s19+$0x6000];
	v22 =	vpop (erf)  }
0x29f: {  	v26 =	vmul.f32 $1.442695020e+00, v31;
	(erf) = vpow2.f32 v28;
	v20 =	vadd.f32 v22, v20  }
0x2a0: {  	v22 =	vpop (erf)  }
0x2a1: {  	v34 =	vld [tilespmem:s19+$0x6800];
	v28 =	vmul.f32 $1.442695020e+00, v32;
	(erf) = vpow2.f32 v26;
	v20 =	vadd.f32 v22, v20  }
0x2a2: {  	v22 =	vpop (erf)  }
0x2a3: {  	v35 =	vld [tilespmem:s19+$0x7000];
	v26 =	vmul.f32 $1.442695020e+00, v37;
	(erf) = vpow2.f32 v28;
	v20 =	vadd.f32 v22, v20  }
0x2a4: {  	v22 =	vpop (erf)  }
0x2a5: {  	v38 =	vld [tilespmem:s19+$0x7800];
	(erf) = vpow2.f32 v26;
	v20 =	vadd.f32 v22, v20  }
0x2a6: {  	v28 =	vmul.f32 $1.442695020e+00, v34;
	v22 =	vpop (erf)  }
0x2a7: {  	v36 =	vld [tilespmem:s19+$0x8000];
	v20 =	vadd.f32 v22, v20  }
0x2a8: {  	v26 =	vmul.f32 $1.442695020e+00, v35;
	(erf) = vpow2.f32 v28;
	v22 =	vpop (erf)  }
0x2a9: {  	v33 =	vld [tilespmem:s19+$0x8800];
	v20 =	vadd.f32 v22, v20  }
0x2aa: {  	v40 =	vmul.f32 $1.442695020e+00, v38;
	v28 =	vld [tilespmem:s19+$0x9000];
	(erf) = vpow2.f32 v26;
	v22 =	vpop (erf)  }
0x2ab: {  	v20 =	vadd.f32 v22, v20  }
0x2ac: {  	v26 =	vmul.f32 $1.442695020e+00, v36;
	(erf) = vpow2.f32 v40;
	v22 =	vpop (erf)  }
0x2ad: {  	v20 =	vadd.f32 v22, v20  }
0x2ae: {  	v61 =	vmul.f32 $1.442695020e+00, v33;
	(erf) = vpow2.f32 v26;
	v22 =	vpop (erf)  }
0x2af: {  	v20 =	vadd.f32 v22, v20;
	v22 =	vmul.f32 $1.442695020e+00, v28  }
0x2b0: {  	(erf) = vpow2.f32 v61  }
0x2b1: {  	v26 =	vpop (erf)  }
0x2b2: {  	v20 =	vadd.f32 v26, v20;
	(erf) = vpow2.f32 v22  }
0x2b3: {  	v22 =	vpop (erf)  }
0x2b4: {  	v20 =	vadd.f32 v22, v20  }
0x2b5: {  	v22 =	vpop (erf)  }
0x2b6: {  	v20 =	vadd.f32 v22, v20  }
0x2b7: {  	v22 =	vpop (erf)  }
0x2b8: {  	v20 =	vadd.f32 v22, v20  }
0x2b9: {  	v22 =	vpop (erf)  }
0x2ba: {  	v20 =	vadd.f32 v22, v20  }
0x2bb: {  	v22 =	vpop (erf)  }
0x2bc: {  	v40 =	vadd.f32 v22, v20;
	_ =	sdelay $0x1  }
0x2bd: {  	v20 =	vcvt.s32.f32 v40  }
0x2be: {  	s28 =	simm.s32 $0x4;
	s29 =	simm.s32 $0x40  }
0x2bf: {  	s30 =	simm.s32 $0x10;
	s21 =	sand.u32 $0x600, s29;
	s20 =	sand.u32 $0x180, s28;
	v41 =	vld [tilespmem:s19+$0x9800];
	v20 =	vadd.f32 $-1.064866820e+09, v20  }
0x2c0: {  	s20 =	sor.u32 s20, s21;
	s19 =	sand.u32 $0x70, s30  }
0x2c1: {  	s21 =	sor.u32 s19, s20;
	v42 =	vmul.f32 $8.262958320e-08, v20  }
0x2c2: {  	v20 =	vld [tilespmem:s21+$0x0]  }
0x2c3: {  	v26 =	vld [tilespmem:s21+$0x800];
	v43 =	vsub.f32 $0.0e+00, v42  }
0x2c4: {  	vm2 =	veq.s32 v41, $0xC;
	vm1 =	veq.s32 v41, $0x11;
	vm3 =	veq.s32 v41, $0x0  }
0x2c5: {  	vm4 =	veq.s32 v41, $0x1;
	vm9 =	veq.s32 v41, $0x2;
	v22 =	vld [tilespmem:s21+$0x1000];
	v43 =	vmul.f32 $1.442695020e+00, v43  }
0x2c6: {  	vm10 =	veq.s32 v41, $0xB;
	v21 =	vnsel vm3, $0x0, v21;
	v44 =	vnsel vm4, $0x0, v23  }
0x2c7: {  	v44 =	vadd.f32 v44, v21;
	v23 =	vld [tilespmem:s21+$0x1800];
	v45 =	vmul.f32 $1.442695020e+00, v20;
	(erf) = vpow2.f32 v43  }
0x2c8: {  	vm11 =	veq.s32 v41, $0x3;
	v24 =	vnsel vm9, $0x0, v24;
	v62 =	vmul.f32 $1.442695020e+00, v26  }
0x2c9: {  	vm5 =	veq.s32 v41, $0x4;
	v44 =	vadd.f32 v24, v44;
	v21 =	vld [tilespmem:s21+$0x2000];
	(erf) = vpow2.f32 v45  }
0x2ca: {  	v30 =	vnsel vm11, $0x0, v30;
	v63 =	vmul.f32 $1.442695020e+00, v22;
	(erf) = vpow2.f32 v62  }
0x2cb: {  	vm12 =	veq.s32 v41, $0xA;
	vm6 =	veq.s32 v41, $0x5;
	v48 =	vadd.f32 v30, v44;
	v24 =	vld [tilespmem:s21+$0x2800]  }
0x2cc: {  	v16 =	vnsel vm5, $0x0, v16;
	v49 =	vmul.f32 $1.442695020e+00, v23;
	(erf) = vpow2.f32 v63  }
0x2cd: {  	vm13 =	veq.s32 v41, $0x9;
	vm14 =	veq.s32 v41, $0x6;
	v30 =	vld [tilespmem:s21+$0x3000];
	v43 =	vadd.f32 v16, v48  }
0x2ce: {  	v17 =	vnsel vm6, $0x0, v17;
	v50 =	vmul.f32 $1.442695020e+00, v21;
	(erf) = vpow2.f32 v49  }
0x2cf: {  	vm7 =	veq.s32 v41, $0x8;
	vm15 =	veq.s32 v41, $0x7;
	v16 =	vld [tilespmem:s21+$0x3800];
	v43 =	vadd.f32 v17, v43  }
0x2d0: {  	v19 =	vnsel vm14, $0x0, v19;
	v51 =	vmul.f32 $1.442695020e+00, v24;
	(erf) = vpow2.f32 v50;
	v52 =	vpop (erf)  }
0x2d1: {  	v25 =	vnsel vm15, $0x0, v25;
	v17 =	vld [tilespmem:s21+$0x4000];
	v43 =	vadd.f32 v19, v43;
	v45 =	vmul.f32 v52, v40  }
0x2d2: {  	vm5 =	veq.s32 v41, $0xD;
	v46 =	vmul.f32 $1.442695020e+00, v30;
	(erf) = vpow2.f32 v51;
	v47 =	vpop (erf)  }
0x2d3: {  	v27 =	vnsel vm7, $0x0, v27;
	v19 =	vld [tilespmem:s21+$0x4800];
	v43 =	vadd.f32 v25, v43;
	v48 =	vpop (erf);
	v42 =	vadd.f32 v45, v42  }
0x2d4: {  	v53 =	vmul.f32 $1.442695020e+00, v16;
	(erf) = vpow2.f32 v46;
	v54 =	vadd.f32 v48, v47  }
0x2d5: {  	v29 =	vnsel vm13, $0x0, v29;
	v25 =	vld [tilespmem:s21+$0x5000];
	v43 =	vadd.f32 v27, v43;
	v56 =	vpop (erf);
	v42 =	vadd.f32 $-1.000000000e+00, v42  }
0x2d6: {  	v55 =	vmul.f32 $1.442695020e+00, v17;
	(erf) = vpow2.f32 v53;
	v45 =	vadd.f32 v56, v54  }
0x2d7: {  	v31 =	vnsel vm12, $0x0, v31;
	v27 =	vld [tilespmem:s21+$0x5800];
	v43 =	vadd.f32 v29, v43;
	v58 =	vpop (erf);
	v59 =	vsub.f32 $0.0e+00, v42  }
0x2d8: {  	v57 =	vmul.f32 $1.442695020e+00, v19;
	(erf) = vpow2.f32 v55;
	v45 =	vadd.f32 v58, v45  }
0x2d9: {  	v32 =	vnsel vm10, $0x0, v32;
	v29 =	vld [tilespmem:s21+$0x6000];
	v43 =	vadd.f32 v31, v43;
	v61 =	vpop (erf);
	v48 =	vmul.f32 $1.442695020e+00, v59  }
0x2da: {  	v60 =	vmul.f32 $1.442695020e+00, v25;
	(erf) = vpow2.f32 v57;
	v45 =	vadd.f32 v61, v45  }
0x2db: {  	v37 =	vnsel vm2, $0x0, v37;
	v31 =	vld [tilespmem:s21+$0x6800];
	v43 =	vadd.f32 v32, v43;
	v63 =	vpop (erf);
	(erf) = vpow2.f32 v48  }
0x2dc: {  	v62 =	vmul.f32 $1.442695020e+00, v27;
	v45 =	vadd.f32 v63, v45;
	(erf) = vpow2.f32 v60  }
0x2dd: {  	vm6 =	veq.s32 v41, $0xE;
	v34 =	vnsel vm5, $0x0, v34;
	v32 =	vld [tilespmem:s21+$0x7000];
	v43 =	vadd.f32 v37, v43;
	v49 =	vpop (erf)  }
0x2de: {  	v48 =	vmul.f32 $1.442695020e+00, v29;
	v45 =	vadd.f32 v49, v45;
	(erf) = vpow2.f32 v62  }
0x2df: {  	vm7 =	veq.s32 v41, $0xF;
	v35 =	vnsel vm6, $0x0, v35;
	v37 =	vld [tilespmem:s21+$0x7800];
	v43 =	vadd.f32 v34, v43;
	v51 =	vpop (erf)  }
0x2e0: {  	v50 =	vmul.f32 $1.442695020e+00, v31;
	(erf) = vpow2.f32 v48;
	v45 =	vadd.f32 v51, v45  }
0x2e1: {  	vm8 =	veq.s32 v41, $0x10;
	v38 =	vnsel vm7, $0x0, v38;
	v34 =	vld [tilespmem:s21+$0x8000];
	v43 =	vadd.f32 v35, v43;
	v53 =	vpop (erf)  }
0x2e2: {  	v52 =	vmul.f32 $1.442695020e+00, v32;
	(erf) = vpow2.f32 v50;
	v45 =	vadd.f32 v53, v45  }
0x2e3: {  	vm0 =	veq.s32 v41, $0x12;
	v57 =	vnsel vm8, $0x0, v36;
	v35 =	vld [tilespmem:s21+$0x8800];
	v55 =	vpop (erf);
	v38 =	vadd.f32 v38, v43  }
0x2e4: {  	v54 =	vmul.f32 $1.442695020e+00, v37;
	(erf) = vpow2.f32 v52;
	v56 =	vadd.f32 v55, v45;
	v58 =	vpop (erf)  }
0x2e5: {  	v33 =	vnsel vm1, $0x0, v33;
	v36 =	vld [tilespmem:s21+$0x9000];
	v38 =	vadd.f32 v57, v38;
	v60 =	vpop (erf);
	v40 =	vmul.f32 v58, v40  }
0x2e6: {  	v59 =	vmul.f32 $1.442695020e+00, v34;
	(erf) = vpow2.f32 v54;
	v41 =	vadd.f32 v60, v56  }
0x2e7: {  	v28 =	vnsel vm0, $0x0, v28;
	v33 =	vadd.f32 v33, v38;
	v62 =	vpop (erf);
	v63 =	vadd.f32 v40, v42  }
0x2e8: {  	v61 =	vmul.f32 $1.442695020e+00, v35;
	(erf) = vpow2.f32 v59;
	v45 =	vadd.f32 v62, v41  }
0x2e9: {  	v28 =	vadd.f32 v28, v33;
	v46 =	vpop (erf);
	v47 =	vadd.f32 $-1.000000000e+00, v63  }
0x2ea: {  	v49 =	vmul.f32 $1.442695020e+00, v36;
	(erf) = vpow2.f32 v61;
	v48 =	vadd.f32 v46, v45  }
0x2eb: {  	v50 =	vpop (erf);
	v33 =	vsub.f32 v47, v28  }
0x2ec: {  	(erf) = vpow2.f32 v49;
	v28 =	vadd.f32 v50, v48  }
0x2ed: {  	v51 =	vpop (erf);
	vm0 =	vgt.f32 v33, $3.566749390e-01;
	vm9 =	vge.f32 v33, $4.458436740e-02  }
0x2ee: {  	vm10 =	vge.f32 v33, $3.120905760e-01;
	vm11 =	vge.f32 v33, $8.916873480e-02;
	v28 =	vadd.f32 v51, v28  }
0x2ef: {  	v52 =	vpop (erf);
	vm12 =	vge.f32 v33, $1.337531060e-01;
	vm13 =	vge.f32 v33, $1.783374700e-01;
	v40 =	vsel vm10, $0x3F800000, v0  }
0x2f0: {  	vm14 =	vge.f32 v33, $2.229218330e-01;
	v53 =	vmul.f32 v40, v33;
	v38 =	vadd.f32 v52, v28  }
0x2f1: {  	vm15 =	vge.f32 v33, $2.675062120e-01;
	v55 =	vsel vm0, $0x3F800000, v0;
	v56 =	vsel vm9, $0x3F800000, v0;
	v54 =	vpop (erf)  }
0x2f2: {  	v57 =	vsel vm11, $0x3F800000, v0;
	v28 =	vadd.f32 v53, v18;
	v18 =	vadd.f32 v54, v38  }
0x2f3: {  	v44 =	vsel vm12, $0x3F800000, v0;
	v43 =	vsel vm13, $0x3F800000, v0;
	v42 =	vsel vm14, $0x3F800000, v0;
	v58 =	vpop (erf)  }
0x2f4: {  	v59 =	vmul.f32 v55, v33;
	v49 =	vmul.f32 v56, v33;
	v38 =	vadd.f32 v58, v18  }
0x2f5: {  	v41 =	vsel vm15, $0x3F800000, v0;
	v60 =	vmul.f32 v57, v33;
	v51 =	vmul.f32 v44, v33;
	v50 =	vpop (erf)  }
0x2f6: {  	v61 =	vmul.f32 v43, v33;
	v10 =	vadd.f32 v56, v10;
	v38 =	vadd.f32 v50, v38  }
0x2f7: {  	v52 =	vmul.f32 v42, v33;
	v18 =	vadd.f32 v55, v15;
	v15 =	vadd.f32 v59, v12  }
0x2f8: {  	v12 =	vadd.f32 v49, v13;
	v13 =	vadd.f32 v60, v8;
	v63 =	vcvt.s32.f32 v38  }
0x2f9: {  	s31 =	simm.s32 $0x8;
	s19 =	simm.s32 $0x80;
	v62 =	vmul.f32 v41, v33;
	v8 =	vadd.f32 v51, v14;
	v14 =	vadd.f32 v61, v7  }
0x2fa: {  	s24 =	sand.u32 $0x180, s31;
	s20 =	simm.s32 $0x20;
	s23 =	sand.u32 $0x600, s19;
	v7 =	vadd.f32 v52, v39;
	v39 =	vld [tilespmem:s21+$0x9800];
	v45 =	vadd.f32 $-1.064866820e+09, v63  }
0x2fb: {  	s22 =	sand.u32 $0x70, s20;
	s23 =	sor.u32 s24, s23;
	v11 =	vadd.f32 v57, v11;
	v9 =	vadd.f32 v62, v9;
	s21 =	simm.s32 $0xC  }
.LBB2_12:
0x2fc: {  	p0 =	sne.s32 s21, $0x1FC;
	s22 =	sor.u32 s22, s23;
	v45 =	vmul.f32 $8.262958320e-08, v45;
	v6 =	vadd.f32 v44, v6;
	v5 =	vadd.f32 v43, v5  }
0x2fd: {  	v4 =	vadd.f32 v42, v4;
	v3 =	vadd.f32 v41, v3;
	v43 =	vld [tilespmem:s22+$0x0]  }
0x2fe: {  	v2 =	vadd.f32 v40, v2;
	v41 =	vld [tilespmem:s22+$0x800];
	v42 =	vsub.f32 $0.0e+00, v45  }
0x2ff: {  	vm2 =	veq.s32 v39, $0xC;
	vm1 =	veq.s32 v39, $0x11;
	vm0 =	veq.s32 v39, $0x12  }
0x300: {  	vm3 =	veq.s32 v39, $0x0;
	vm4 =	veq.s32 v39, $0x1;
	v40 =	vld [tilespmem:s22+$0x1000];
	v42 =	vmul.f32 $1.442695020e+00, v42  }
0x301: {  	v48 =	vnsel vm3, $0x0, v20;
	v49 =	vnsel vm4, $0x0, v26;
	vm3 =	veq.s32 v39, $0x2  }
0x302: {  	v47 =	vadd.f32 v49, v48;
	v44 =	vmul.f32 $1.442695020e+00, v43;
	v46 =	vld [tilespmem:s22+$0x1800];
	(erf) = vpow2.f32 v42;
	v20 =	vmovc v43  }
0x303: {  	v48 =	vnsel vm3, $0x0, v22;
	vm3 =	veq.s32 v39, $0xB;
	v42 =	vmul.f32 $1.442695020e+00, v41;
	v26 =	vmovc v41  }
0x304: {  	vm4 =	veq.s32 v39, $0x3;
	v43 =	vadd.f32 v48, v47;
	v41 =	vld [tilespmem:s22+$0x2000];
	(erf) = vpow2.f32 v44  }
0x305: {  	v47 =	vnsel vm4, $0x0, v23;
	v44 =	vmul.f32 $1.442695020e+00, v40;
	(erf) = vpow2.f32 v42;
	v22 =	vmovc v40  }
0x306: {  	vm5 =	veq.s32 v39, $0x4;
	vm4 =	veq.s32 v39, $0xA;
	v42 =	vadd.f32 v47, v43;
	v40 =	vld [tilespmem:s22+$0x2800]  }
0x307: {  	v48 =	vnsel vm5, $0x0, v21;
	v43 =	vmul.f32 $1.442695020e+00, v46;
	(erf) = vpow2.f32 v44;
	v23 =	vmovc v46  }
0x308: {  	vm6 =	veq.s32 v39, $0x5;
	vm5 =	veq.s32 v39, $0x9;
	v42 =	vadd.f32 v48, v42;
	v44 =	vld [tilespmem:s22+$0x3000]  }
0x309: {  	v24 =	vnsel vm6, $0x0, v24;
	v46 =	vmul.f32 $1.442695020e+00, v41;
	v47 =	vld [tilespmem:s22+$0x3800];
	(erf) = vpow2.f32 v43;
	v21 =	vmovc v41  }
0x30a: {  	vm7 =	veq.s32 v39, $0x8;
	vm6 =	veq.s32 v39, $0x6;
	v49 =	vadd.f32 v24, v42  }
0x30b: {  	v30 =	vnsel vm6, $0x0, v30;
	v41 =	vmul.f32 $1.442695020e+00, v40;
	v42 =	vld [tilespmem:s22+$0x4000];
	(erf) = vpow2.f32 v46;
	v43 =	vpop (erf)  }
0x30c: {  	vm6 =	veq.s32 v39, $0x7;
	v51 =	vadd.f32 v30, v49;
	v24 =	vmovc v40;
	v43 =	vmul.f32 v43, v38  }
0x30d: {  	v52 =	vnsel vm6, $0x0, v16;
	v40 =	vmul.f32 $1.442695020e+00, v44;
	v46 =	vld [tilespmem:s22+$0x4800];
	v48 =	vpop (erf);
	(erf) = vpow2.f32 v41  }
0x30e: {  	v50 =	vadd.f32 v52, v51;
	v41 =	vmul.f32 $1.442695020e+00, v47;
	v49 =	vpop (erf);
	v43 =	vadd.f32 v43, v45  }
0x30f: {  	v30 =	vmovc v44;
	v16 =	vmovc v47;
	v45 =	vadd.f32 v49, v48;
	v48 =	vld [tilespmem:s22+$0x5000];
	(erf) = vpow2.f32 v40;
	v49 =	vnsel vm7, $0x0, v17  }
0x310: {  	v40 =	vmul.f32 $1.442695020e+00, v42;
	v44 =	vpop (erf);
	v47 =	vadd.f32 v49, v50;
	v43 =	vadd.f32 $-1.000000000e+00, v43  }
0x311: {  	v50 =	vnsel vm5, $0x0, v19;
	v17 =	vmovc v42;
	v44 =	vadd.f32 v44, v45;
	v45 =	vld [tilespmem:s22+$0x5800];
	(erf) = vpow2.f32 v41  }
0x312: {  	v41 =	vmul.f32 $1.442695020e+00, v46;
	v42 =	vpop (erf);
	v47 =	vadd.f32 v50, v47;
	v49 =	vsub.f32 $0.0e+00, v43  }
0x313: {  	v50 =	vnsel vm4, $0x0, v25;
	v19 =	vmovc v46;
	v42 =	vadd.f32 v42, v44;
	v44 =	vld [tilespmem:s22+$0x6000];
	(erf) = vpow2.f32 v40  }
0x314: {  	v40 =	vmul.f32 $1.442695020e+00, v48;
	v46 =	vpop (erf);
	v47 =	vadd.f32 v50, v47;
	v49 =	vmul.f32 $1.442695020e+00, v49  }
0x315: {  	v50 =	vnsel vm3, $0x0, v27;
	v25 =	vmovc v48;
	v42 =	vadd.f32 v46, v42;
	v46 =	vld [tilespmem:s22+$0x6800];
	(erf) = vpow2.f32 v41  }
0x316: {  	v41 =	vmul.f32 $1.442695020e+00, v45;
	v48 =	vpop (erf);
	v47 =	vadd.f32 v50, v47;
	(erf) = vpow2.f32 v49  }
0x317: {  	v49 =	vnsel vm2, $0x0, v29;
	v27 =	vmovc v45;
	v42 =	vadd.f32 v48, v42;
	v48 =	vld [tilespmem:s22+$0x7000];
	(erf) = vpow2.f32 v40  }
0x318: {  	vm2 =	veq.s32 v39, $0xD;
	v40 =	vmul.f32 $1.442695020e+00, v44;
	v45 =	vpop (erf);
	v47 =	vadd.f32 v49, v47  }
0x319: {  	v49 =	vnsel vm2, $0x0, v31;
	v29 =	vmovc v44;
	v42 =	vadd.f32 v45, v42;
	v45 =	vld [tilespmem:s22+$0x7800];
	(erf) = vpow2.f32 v41  }
0x31a: {  	vm2 =	veq.s32 v39, $0xE;
	v41 =	vmul.f32 $1.442695020e+00, v46;
	v44 =	vpop (erf);
	v47 =	vadd.f32 v49, v47  }
0x31b: {  	v49 =	vnsel vm2, $0x0, v32;
	v31 =	vmovc v46;
	v42 =	vadd.f32 v44, v42;
	v44 =	vld [tilespmem:s22+$0x8000];
	(erf) = vpow2.f32 v40  }
0x31c: {  	vm2 =	veq.s32 v39, $0xF;
	v50 =	vmul.f32 $1.442695020e+00, v48;
	v46 =	vpop (erf);
	v47 =	vadd.f32 v49, v47  }
0x31d: {  	v37 =	vnsel vm2, $0x0, v37;
	v32 =	vmovc v48;
	v42 =	vadd.f32 v46, v42;
	v46 =	vld [tilespmem:s22+$0x8800];
	(erf) = vpow2.f32 v41  }
0x31e: {  	vm2 =	veq.s32 v39, $0x10;
	v41 =	vmul.f32 $1.442695020e+00, v45;
	v48 =	vpop (erf);
	v51 =	vadd.f32 v37, v47  }
0x31f: {  	v39 =	vadd.f32 v48, v42;
	(erf) = vpow2.f32 v50;
	v50 =	vnsel vm2, $0x0, v34;
	v40 =	vpop (erf)  }
0x320: {  	v42 =	vmul.f32 $1.442695020e+00, v44;
	v47 =	vld [tilespmem:s22+$0x9000];
	v48 =	vpop (erf);
	v49 =	vadd.f32 v50, v51;
	v38 =	vmul.f32 v40, v38  }
0x321: {  	v37 =	vmovc v45;
	v34 =	vmovc v44;
	v39 =	vadd.f32 v48, v39;
	(erf) = vpow2.f32 v41;
	v48 =	vnsel vm1, $0x0, v35  }
0x322: {  	v40 =	vmul.f32 $1.442695020e+00, v46;
	v41 =	vpop (erf);
	v44 =	vadd.f32 v48, v49;
	v38 =	vadd.f32 v38, v43  }
0x323: {  	v43 =	vnsel vm0, $0x0, v36;
	v35 =	vmovc v46;
	v39 =	vadd.f32 v41, v39;
	(erf) = vpow2.f32 v42  }
0x324: {  	v41 =	vpop (erf);
	v42 =	vadd.f32 v43, v44;
	v38 =	vadd.f32 $-1.000000000e+00, v38  }
0x325: {  	v43 =	vadd.f32 v41, v39;
	v41 =	vmul.f32 $1.442695020e+00, v47;
	(erf) = vpow2.f32 v40;
	v36 =	vmovc v47  }
0x326: {  	v1 =	vadd.f32 v33, v1;
	v40 =	vpop (erf);
	v33 =	vsub.f32 v38, v42  }
0x327: {  	v38 =	vadd.f32 v40, v43;
	(erf) = vpow2.f32 v41  }
0x328: {  	v39 =	vpop (erf);
	vm0 =	vgt.f32 v33, $3.566749390e-01;
	vm1 =	vge.f32 v33, $4.458436740e-02;
	vm2 =	vge.f32 v33, $3.120905760e-01  }
0x329: {  	vm3 =	vge.f32 v33, $8.916873480e-02;
	v38 =	vadd.f32 v39, v38;
	v40 =	vsel vm2, $0x3F800000, v0  }
0x32a: {  	vm4 =	vge.f32 v33, $1.783374700e-01;
	vm2 =	vge.f32 v33, $1.337531060e-01;
	v39 =	vpop (erf);
	v41 =	vmul.f32 v40, v33  }
0x32b: {  	vm5 =	vge.f32 v33, $2.229218330e-01;
	vm6 =	vge.f32 v33, $2.675062120e-01;
	v38 =	vadd.f32 v39, v38  }
0x32c: {  	v45 =	vsel vm0, $0x3F800000, v0;
	v46 =	vsel vm1, $0x3F800000, v0;
	v39 =	vpop (erf);
	v28 =	vadd.f32 v41, v28  }
0x32d: {  	v47 =	vsel vm3, $0x3F800000, v0;
	v44 =	vsel vm2, $0x3F800000, v0;
	v38 =	vadd.f32 v39, v38  }
0x32e: {  	v43 =	vsel vm4, $0x3F800000, v0;
	v42 =	vsel vm5, $0x3F800000, v0;
	v41 =	vsel vm6, $0x3F800000, v0;
	v39 =	vpop (erf)  }
0x32f: {  	v48 =	vmul.f32 v46, v33;
	v38 =	vadd.f32 v39, v38;
	v39 =	vmul.f32 v45, v33  }
0x330: {  	v18 =	vadd.f32 v45, v18;
	v50 =	vmul.f32 v44, v33;
	v45 =	vmul.f32 v47, v33;
	v49 =	vpop (erf)  }
0x331: {  	v51 =	vmul.f32 v42, v33;
	v38 =	vadd.f32 v49, v38;
	v49 =	vmul.f32 v43, v33  }
.Ltmp5:
0x332: {  	v12 =	vadd.f32 v48, v12;
	v48 =	vmul.f32 v41, v33;
	v15 =	vadd.f32 v39, v15;
	(pc) =	sbr.rel @p0 .LBB2_12-.Ltmp5, $4  }
0x333: {  	v8 =	vadd.f32 v50, v8;
	v13 =	vadd.f32 v45, v13;
	v52 =	vcvt.s32.f32 v38  }
0x334: {  	s19 =	sadd.s32 $0x40, s19;
	v7 =	vadd.f32 v51, v7;
	v14 =	vadd.f32 v49, v14  }
0x335: {  	s24 =	sand.u32 $0x180, s21;
	s20 =	sadd.s32 $0x10, s20;
	s23 =	sand.u32 $0x600, s19;
	v9 =	vadd.f32 v48, v9;
	v39 =	vld [tilespmem:s22+$0x9800];
	v45 =	vadd.f32 $-1.064866820e+09, v52  }
0x336: {  	s21 =	sadd.s32 $0x4, s21;
	s23 =	sor.u32 s24, s23;
	v10 =	vadd.f32 v46, v10;
	v11 =	vadd.f32 v47, v11;
	s22 =	sand.u32 $0x70, s20  }
0x337: {  	s19 =	sor.u32 s22, s23  }
0x338: {  	v46 =	vmul.f32 $8.262958320e-08, v45;
	v58 =	vld [tilespmem:s19+$0x0]  }
0x339: {  	v59 =	vld [tilespmem:s19+$0x800]  }
0x33a: {  	v45 =	vsub.f32 $0.0e+00, v46;
	_ =	sdelay $0x1  }
0x33b: {  	v57 =	vld [tilespmem:s19+$0x1000];
	v45 =	vmul.f32 $1.442695020e+00, v45  }
0x33c: {  	v47 =	vmul.f32 $1.442695020e+00, v58  }
0x33d: {  	v56 =	vld [tilespmem:s19+$0x1800];
	(erf) = vpow2.f32 v45;
	v50 =	vmul.f32 $1.442695020e+00, v59  }
0x33e: {  	(erf) = vpow2.f32 v47  }
0x33f: {  	v55 =	vld [tilespmem:s19+$0x2000];
	(erf) = vpow2.f32 v50  }
0x340: {  	v51 =	vmul.f32 $1.442695020e+00, v57  }
0x341: {  	v54 =	vld [tilespmem:s19+$0x2800]  }
0x342: {  	v53 =	vld [tilespmem:s19+$0x3000];
	v60 =	vmul.f32 $1.442695020e+00, v56;
	(erf) = vpow2.f32 v51;
	_ =	sdelay $0x1  }
0x343: {  	v61 =	vmul.f32 $1.442695020e+00, v55;
	(erf) = vpow2.f32 v60  }
0x344: {  	v51 =	vld [tilespmem:s19+$0x3800]  }
0x345: {  	v62 =	vmul.f32 $1.442695020e+00, v54;
	(erf) = vpow2.f32 v61;
	v63 =	vpop (erf)  }
0x346: {  	v49 =	vld [tilespmem:s19+$0x4000];
	v48 =	vmul.f32 $1.442695020e+00, v53;
	v50 =	vpop (erf)  }
0x347: {  	(erf) = vpow2.f32 v62;
	v52 =	vpop (erf)  }
0x348: {  	v47 =	vmul.f32 v63, v38;
	v50 =	vadd.f32 v52, v50  }
0x349: {  	v45 =	vld [tilespmem:s19+$0x4800];
	v61 =	vmul.f32 $1.442695020e+00, v51;
	(erf) = vpow2.f32 v48  }
0x34a: {  	v47 =	vadd.f32 v47, v46;
	v48 =	vpop (erf)  }
0x34b: {  	v46 =	vld [tilespmem:s19+$0x5000];
	(erf) = vpow2.f32 v61;
	v52 =	vmul.f32 $1.442695020e+00, v49;
	v48 =	vadd.f32 v48, v50  }
0x34c: {  	v60 =	vadd.f32 $-1.000000000e+00, v47;
	v50 =	vpop (erf)  }
0x34d: {  	v47 =	vld [tilespmem:s19+$0x5800];
	(erf) = vpow2.f32 v52;
	v50 =	vadd.f32 v50, v48  }
0x34e: {  	[tilespmem:$0x1FFD0] =	vst v45;
	v62 =	vmul.f32 $1.442695020e+00, v45;
	v61 =	vsub.f32 $0.0e+00, v60;
	v45 =	vpop (erf)  }
0x34f: {  	v48 =	vld [tilespmem:s19+$0x6000];
	v52 =	vadd.f32 v45, v50  }
0x350: {  	v63 =	vmul.f32 $1.442695020e+00, v46;
	v61 =	vmul.f32 $1.442695020e+00, v61;
	v45 =	vpop (erf)  }
0x351: {  	(erf) = vpow2.f32 v62;
	v50 =	vld [tilespmem:s19+$0x6800];
	v52 =	vadd.f32 v45, v52  }
0x352: {  	(erf) = vpow2.f32 v61;
	v61 =	vmul.f32 $1.442695020e+00, v47;
	v45 =	vpop (erf)  }
0x353: {  	(erf) = vpow2.f32 v63;
	v62 =	vadd.f32 v45, v52;
	v52 =	vld [tilespmem:s19+$0x7000]  }
0x354: {  	vm0 =	veq.s32 v39, $0x0;
	(erf) = vpow2.f32 v61;
	v61 =	vmul.f32 $1.442695020e+00, v48;
	v63 =	vpop (erf)  }
0x355: {  	vm1 =	veq.s32 v39, $0x1;
	v20 =	vnsel vm0, $0x0, v20;
	v62 =	vadd.f32 v63, v62  }
0x356: {  	v26 =	vnsel vm1, $0x0, v26;
	v45 =	vld [tilespmem:s19+$0x7800];
	(erf) = vpow2.f32 v61;
	v61 =	vmul.f32 $1.442695020e+00, v50;
	v63 =	vpop (erf)  }
0x357: {  	vm14 =	veq.s32 v39, $0x2;
	v26 =	vadd.f32 v26, v20;
	v62 =	vadd.f32 v63, v62  }
0x358: {  	v22 =	vnsel vm14, $0x0, v22;
	v63 =	vmul.f32 $1.442695020e+00, v52  }
0x359: {  	vm15 =	veq.s32 v39, $0x3;
	v26 =	vadd.f32 v22, v26  }
0x35a: {  	vm4 =	veq.s32 v39, $0x4;
	v23 =	vnsel vm15, $0x0, v23;
	(erf) = vpow2.f32 v61;
	v61 =	vpop (erf)  }
0x35b: {  	v22 =	vld [tilespmem:s19+$0x8000];
	v26 =	vadd.f32 v23, v26;
	v20 =	vmul.f32 $1.442695020e+00, v45;
	v61 =	vadd.f32 v61, v62;
	v62 =	vpop (erf)  }
0x35c: {  	v21 =	vnsel vm4, $0x0, v21;
	(erf) = vpow2.f32 v63;
	v63 =	vpop (erf)  }
0x35d: {  	vm5 =	veq.s32 v39, $0x5;
	v26 =	vadd.f32 v21, v26;
	v61 =	vadd.f32 v63, v61  }
0x35e: {  	v24 =	vnsel vm5, $0x0, v24;
	(erf) = vpow2.f32 v20  }
0x35f: {  	vm6 =	veq.s32 v39, $0x6;
	vm7 =	veq.s32 v39, $0x7;
	v23 =	vld [tilespmem:s19+$0x8800];
	v24 =	vadd.f32 v24, v26;
	v20 =	vpop (erf)  }
0x360: {  	v26 =	vnsel vm6, $0x0, v30;
	v63 =	vmul.f32 $1.442695020e+00, v22;
	v20 =	vadd.f32 v20, v61  }
0x361: {  	vm8 =	veq.s32 v39, $0x8;
	v16 =	vnsel vm7, $0x0, v16;
	v24 =	vadd.f32 v26, v24;
	v61 =	vpop (erf)  }
0x362: {  	v17 =	vnsel vm8, $0x0, v17;
	(erf) = vpow2.f32 v63;
	v20 =	vadd.f32 v61, v20  }
0x363: {  	vm9 =	veq.s32 v39, $0x9;
	v21 =	vld [tilespmem:s19+$0x9000];
	v16 =	vadd.f32 v16, v24;
	v61 =	vpop (erf)  }
0x364: {  	v19 =	vnsel vm9, $0x0, v19;
	v30 =	vmul.f32 $1.442695020e+00, v23;
	v20 =	vadd.f32 v61, v20  }
0x365: {  	v16 =	vadd.f32 v17, v16;
	v17 =	vpop (erf)  }
0x366: {  	(erf) = vpow2.f32 v30;
	v17 =	vadd.f32 v17, v20  }
0x367: {  	vm10 =	veq.s32 v39, $0xA;
	v16 =	vadd.f32 v19, v16;
	v19 =	vpop (erf)  }
0x368: {  	v30 =	vmul.f32 $1.442695020e+00, v21;
	v17 =	vadd.f32 v19, v17;
	v19 =	vnsel vm10, $0x0, v25;
	_ =	sdelay $0x1  }
0x369: {  	(erf) = vpow2.f32 v30  }
0x36a: {  	vm11 =	veq.s32 v39, $0xB;
	v16 =	vadd.f32 v19, v16;
	v19 =	vpop (erf)  }
0x36b: {  	v17 =	vadd.f32 v19, v17;
	v19 =	vnsel vm11, $0x0, v27;
	_ =	sdelay $0x2  }
0x36c: {  	vm12 =	veq.s32 v39, $0xC;
	v16 =	vadd.f32 v19, v16;
	v19 =	vpop (erf)  }
0x36d: {  	v17 =	vadd.f32 v19, v17;
	v19 =	vnsel vm12, $0x0, v29;
	_ =	sdelay $0x2  }
0x36e: {  	vm13 =	veq.s32 v39, $0xD;
	v16 =	vadd.f32 v19, v16;
	v19 =	vpop (erf)  }
0x36f: {  	v17 =	vadd.f32 v19, v17;
	v19 =	vnsel vm13, $0x0, v31  }
0x370: {  	vm14 =	veq.s32 v39, $0xE;
	v16 =	vadd.f32 v19, v16  }
0x371: {  	v19 =	vnsel vm14, $0x0, v32;
	v20 =	vcvt.s32.f32 v17  }
0x372: {  	vm15 =	veq.s32 v39, $0xF;
	v16 =	vadd.f32 v19, v16  }
0x373: {  	v19 =	vnsel vm15, $0x0, v37;
	v20 =	vadd.f32 $-1.064866820e+09, v20  }
0x374: {  	v16 =	vadd.f32 v19, v16;
	v19 =	vld [tilespmem:s19+$0x9800]  }
0x375: {  	vm4 =	veq.s32 v39, $0x10;
	v20 =	vmul.f32 $8.262958320e-08, v20  }
0x376: {  	vm5 =	veq.s32 v39, $0x11;
	vm6 =	veq.s32 v39, $0x12;
	v29 =	vmul.f32 v62, v38  }
0x377: {  	v63 =	vnsel vm4, $0x0, v34;
	v34 =	vnsel vm6, $0x0, v36;
	v31 =	vsub.f32 $0.0e+00, v20  }
0x378: {  	v30 =	vnsel vm5, $0x0, v35;
	v24 =	vadd.f32 v29, v60;
	v16 =	vadd.f32 v63, v16  }
0x379: {  	vm7 =	veq.s32 v19, $0x0;
	vm2 =	veq.s32 v19, $0x1;
	v32 =	vmul.f32 $1.442695020e+00, v31  }
0x37a: {  	v16 =	vadd.f32 v30, v16;
	v35 =	vnsel vm7, $0x0, v58;
	v36 =	vnsel vm2, $0x0, v59  }
0x37b: {  	vm8 =	veq.s32 v19, $0x2;
	v27 =	vadd.f32 v36, v35;
	(erf) = vpow2.f32 v32  }
0x37c: {  	v24 =	vadd.f32 $-1.000000000e+00, v24;
	v37 =	vnsel vm8, $0x0, v57  }
0x37d: {  	vm9 =	veq.s32 v19, $0x3;
	v16 =	vadd.f32 v34, v16;
	v25 =	vadd.f32 v37, v27  }
0x37e: {  	v6 =	vadd.f32 v44, v6;
	v5 =	vadd.f32 v43, v5;
	v38 =	vnsel vm9, $0x0, v56  }
0x37f: {  	vm10 =	veq.s32 v19, $0x4;
	v16 =	vsub.f32 v24, v16;
	v24 =	vadd.f32 v38, v25  }
0x380: {  	v4 =	vadd.f32 v42, v4;
	v3 =	vadd.f32 v41, v3;
	v39 =	vnsel vm10, $0x0, v55  }
0x381: {  	v2 =	vadd.f32 v40, v2;
	vm13 =	veq.s32 v19, $0x5;
	v24 =	vadd.f32 v39, v24  }
0x382: {  	v1 =	vadd.f32 v33, v1;
	vm14 =	veq.s32 v19, $0x6;
	v40 =	vnsel vm13, $0x0, v54  }
0x383: {  	v41 =	vnsel vm14, $0x0, v53;
	vm9 =	veq.s32 v19, $0x7;
	v24 =	vadd.f32 v40, v24  }
0x384: {  	vm10 =	veq.s32 v19, $0x8;
	vm13 =	veq.s32 v19, $0xB;
	vm14 =	veq.s32 v19, $0xC;
	v42 =	vpop (erf)  }
0x385: {  	v57 =	vld [tilespmem:$0x1FFD0];
	v53 =	vnsel vm9, $0x0, v51;
	v24 =	vadd.f32 v41, v24;
	v43 =	vmul.f32 v42, v17  }
0x386: {  	v55 =	vnsel vm10, $0x0, v49;
	vm11 =	vgt.f32 v16, $3.566749390e-01;
	vm3 =	vge.f32 v16, $3.120905760e-01  }
0x387: {  	v26 =	vsel vm3, $0x3F800000, v0;
	v24 =	vadd.f32 v53, v24;
	v20 =	vadd.f32 v43, v20  }
0x388: {  	vm12 =	vge.f32 v16, $4.458436740e-02;
	v54 =	vsel vm11, $0x3F800000, v0;
	v44 =	vmul.f32 v26, v16  }
0x389: {  	vm11 =	veq.s32 v19, $0x9;
	v24 =	vadd.f32 v55, v24;
	v20 =	vadd.f32 $-1.000000000e+00, v20  }
0x38a: {  	v56 =	vsel vm12, $0x3F800000, v0;
	v27 =	vadd.f32 v44, v28;
	v28 =	vnsel vm11, $0x0, v57  }
0x38b: {  	vm12 =	veq.s32 v19, $0xA;
	v24 =	vadd.f32 v28, v24;
	v58 =	vsub.f32 $0.0e+00, v20  }
0x38c: {  	vm8 =	veq.s32 v19, $0x12;
	vm4 =	vge.f32 v16, $8.916873480e-02;
	v61 =	vnsel vm12, $0x0, v46  }
0x38d: {  	vm15 =	vge.f32 v16, $1.337531060e-01;
	v24 =	vadd.f32 v61, v24;
	v28 =	vmul.f32 $1.442695020e+00, v58  }
0x38e: {  	vm5 =	vge.f32 v16, $1.783374700e-01;
	vm6 =	vge.f32 v16, $2.229218330e-01;
	v41 =	vnsel vm13, $0x0, v47  }
0x38f: {  	vm7 =	vge.f32 v16, $2.675062120e-01;
	v24 =	vadd.f32 v41, v24;
	(erf) = vpow2.f32 v28  }
0x390: {  	v1 =	vadd.f32 v16, v1;
	v59 =	vsel vm4, $0x3F800000, v0;
	v44 =	vnsel vm14, $0x0, v48  }
0x391: {  	v60 =	vsel vm15, $0x3F800000, v0;
	vm15 =	veq.s32 v19, $0xD;
	v24 =	vadd.f32 v44, v24  }
0x392: {  	v62 =	vsel vm5, $0x3F800000, v0;
	v63 =	vsel vm6, $0x3F800000, v0;
	v48 =	vnsel vm15, $0x0, v50  }
0x393: {  	vm4 =	veq.s32 v19, $0xE;
	v43 =	vmul.f32 v54, v16;
	v24 =	vadd.f32 v48, v24  }
0x394: {  	vm5 =	veq.s32 v19, $0xF;
	vm6 =	veq.s32 v19, $0x10;
	v52 =	vnsel vm4, $0x0, v52  }
0x395: {  	v46 =	vmul.f32 v56, v16;
	v34 =	vadd.f32 v43, v15;
	v15 =	vadd.f32 v52, v24  }
0x396: {  	v18 =	vadd.f32 v54, v18;
	v51 =	vmul.f32 v63, v16;
	v54 =	vnsel vm5, $0x0, v45  }
0x397: {  	v22 =	vnsel vm6, $0x0, v22;
	v42 =	vsel vm7, $0x3F800000, v0;
	v15 =	vadd.f32 v54, v15  }
0x398: {  	v6 =	vadd.f32 v60, v6;
	v53 =	vadd.f32 v46, v12;
	v12 =	vmul.f32 v42, v16;
	v55 =	vpop (erf)  }
0x399: {  	vm7 =	veq.s32 v19, $0x11;
	v15 =	vadd.f32 v22, v15;
	v17 =	vmul.f32 v55, v17  }
0x39a: {  	v9 =	vadd.f32 v12, v9;
	v22 =	vadd.f32 v51, v7;
	v7 =	vnsel vm7, $0x0, v23  }
0x39b: {  	v49 =	vmul.f32 v60, v16;
	v7 =	vadd.f32 v7, v15;
	v12 =	vadd.f32 v17, v20  }
0x39c: {  	v4 =	vadd.f32 v63, v4;
	v17 =	vadd.f32 v56, v10;
	v10 =	vnsel vm8, $0x0, v21  }
0x39d: {  	v50 =	vmul.f32 v62, v16;
	v7 =	vadd.f32 v10, v7;
	v10 =	vadd.f32 $-1.000000000e+00, v12  }
0x39e: {  	v2 =	vadd.f32 v26, v2;
	v8 =	vadd.f32 v49, v8  }
0x39f: {  	v14 =	vadd.f32 v50, v14;
	v47 =	vmul.f32 v59, v16;
	v23 =	vsub.f32 v10, v7  }
0x3a0: {  	v19 =	vadd.f32 v59, v11;
	v3 =	vadd.f32 v42, v3  }
0x3a1: {  	v13 =	vadd.f32 v47, v13;
	v21 =	vadd.f32 v62, v5;
	vm0 =	vgt.f32 v23, $3.566749390e-01  }
0x3a2: {  	vm9 =	vge.f32 v23, $3.120905760e-01;
	vm10 =	vge.f32 v23, $4.458436740e-02;
	vm11 =	vge.f32 v23, $8.916873480e-02  }
0x3a3: {  	vm12 =	vge.f32 v23, $1.337531060e-01;
	vm13 =	vge.f32 v23, $1.783374700e-01;
	vm14 =	vge.f32 v23, $2.229218330e-01  }
0x3a4: {  	vm15 =	vge.f32 v23, $2.675062120e-01;
	v1 =	vadd.f32 v23, v1;
	v16 =	vsel vm9, $0x3F800000, v0  }
0x3a5: {  	v10 =	vsel vm0, $0x3F800000, v0;
	v56 =	vsel vm10, $0x3F800000, v0;
	v57 =	vsel vm12, $0x3F800000, v0  }
0x3a6: {  	v58 =	vsel vm13, $0x3F800000, v0;
	v59 =	vsel vm14, $0x3F800000, v0;
	v5 =	vmul.f32 v16, v23  }
0x3a7: {  	v60 =	vsel vm15, $0x3F800000, v0;
	v11 =	vmul.f32 v10, v23;
	v20 =	vmul.f32 v56, v23  }
0x3a8: {  	v15 =	vadd.f32 v10, v18;
	v18 =	vmul.f32 v57, v23;
	v4 =	vadd.f32 v59, v4  }
0x3a9: {  	v61 =	vmul.f32 v58, v23;
	v3 =	vadd.f32 v60, v3;
	v2 =	vadd.f32 v16, v2  }
0x3aa: {  	v62 =	vmul.f32 v59, v23;
	v7 =	vadd.f32 v5, v27;
	v12 =	vadd.f32 v11, v34  }
0x3ab: {  	v63 =	vmul.f32 v60, v23;
	v20 =	vadd.f32 v20, v53;
	v11 =	vadd.f32 v18, v8  }
0x3ac: {  	v5 =	vsel vm11, $0x3F800000, v0;
	v8 =	vadd.f32 v61, v14;
	v39 =	vadd.f32 v62, v22  }
0x3ad: {  	v9 =	vadd.f32 v63, v9;
	v10 =	vmul.f32 v5, v23;
	v35 =	vadd.f32 v5, v19  }
0x3ae: {  	s22 =	simm.s32 $0x0;
	v5 =	vadd.f32 v57, v6;
	v6 =	vadd.f32 v58, v21  }
0x3af: {  	s20 =	sadd.s32 $0x8000, s9;
	s21 =	smov.u32 s9;
	s19 =	simm.s32 $0x2000;
	v34 =	vadd.f32 v56, v17;
	v10 =	vadd.f32 v10, v13  }
.LBB2_14:
0x3b0: {  	[tilespmem:s22], [sflag:$0x1] =	stream.strided.gather [hbm4b:s21+s13], $0x800, s14, s13, $0x38;
	[tilespmem:$0xAC00] =	vst v63  }
0x3b1: {  	s22 =	smov.u32 s19;
	s21 =	smov.u32 s20;
	p0 =	sne.s32 s19, $0x24000  }
.Ltmp6:
0x3b2: {  	s19 =	sadd.s32 $0x2000, s19;
	(pc) =	sbr.rel @p0 .LBB2_14-.Ltmp6, $2  }
0x3b3: {  	_ =	sdelay $0x2  }
0x3b4: {  	s20 =	sadd.s32 $0x8000, s20;
	s22 =	sshra.s32 s22, $0x2  }
0x3b5: {  	[tilespmem:s22], [sflag:$0x1] =	stream.strided.gather [hbm4b:s21+s13], $0x800, s14, s13, $0x38;
	[tilespmem:$0xAC00] =	vst v63  }
0x3b6: {  	_ =	swait.ge [sflag:s15], $0x9800  }
0x3b7: {  	[sflag:s15] =	ssyncset.done $0x0  }
0x3b8: {  	s19 =	simm.s32 $0x0;
	[sflag:s15] =	ssyncadd.s32 $0xFFFF6800  }
0x3b9: {  	[tilespmem:s16], [sflag:$0x1] =	stream.strided.gather [hbm4b:s10+s13], $0x800, s14, s13, $0x38;
	[tilespmem:$0xAC00] =	vst v63  }
0x3ba: {  	s20 =	sand.u32 $0x600, s19;
	s26 =	sand.u32 $0x180, s19;
	_ =	swait.ge [sflag:s15], $0x800  }
0x3bb: {  	s19 =	sand.u32 $0x70, s19;
	s20 =	sor.u32 s26, s20;
	[sflag:s15] =	ssyncset.done $0x0  }
0x3bc: {  	s19 =	sor.u32 s19, s20;
	[sflag:s15] =	ssyncadd.s32 $0xFFFFF800  }
0x3bd: {  	v17 =	vld [tilespmem:s19+$0x0]  }
0x3be: {  	v18 =	vld [tilespmem:s19+$0x800];
	_ =	sdelay $0x2  }
0x3bf: {  	v22 =	vld [tilespmem:s19+$0x1000]  }
0x3c0: {  	v13 =	vmul.f32 $1.442695020e+00, v17  }
0x3c1: {  	v30 =	vld [tilespmem:s19+$0x1800];
	v14 =	vmul.f32 $1.442695020e+00, v18  }
0x3c2: {  	v21 =	vld [tilespmem:s19+$0x2000];
	(erf) = vpow2.f32 v13  }
0x3c3: {  	v23 =	vld [tilespmem:s19+$0x2800];
	(erf) = vpow2.f32 v14  }
0x3c4: {  	v13 =	vmul.f32 $1.442695020e+00, v22;
	_ =	sdelay $0x1  }
0x3c5: {  	v25 =	vld [tilespmem:s19+$0x3000];
	v14 =	vmul.f32 $1.442695020e+00, v30;
	(erf) = vpow2.f32 v13  }
0x3c6: {  	v13 =	vmul.f32 $1.442695020e+00, v21  }
0x3c7: {  	(erf) = vpow2.f32 v14;
	v14 =	vmul.f32 $1.442695020e+00, v23  }
0x3c8: {  	v26 =	vld [tilespmem:s19+$0x3800]  }
0x3c9: {  	(erf) = vpow2.f32 v13  }
0x3ca: {  	v36 =	vld [tilespmem:s19+$0x4000];
	v13 =	vmul.f32 $1.442695020e+00, v25;
	v16 =	vpop (erf)  }
0x3cb: {  	(erf) = vpow2.f32 v14;
	v14 =	vpop (erf)  }
0x3cc: {  	v27 =	vld [tilespmem:s19+$0x4800];
	v14 =	vadd.f32 v14, v16  }
0x3cd: {  	v19 =	vmul.f32 $1.442695020e+00, v26;
	(erf) = vpow2.f32 v13  }
0x3ce: {  	v28 =	vld [tilespmem:s19+$0x5000];
	v13 =	vpop (erf)  }
0x3cf: {  	v16 =	vmul.f32 $1.442695020e+00, v36;
	(erf) = vpow2.f32 v19;
	v13 =	vadd.f32 v13, v14  }
0x3d0: {  	v31 =	vld [tilespmem:s19+$0x5800];
	v14 =	vpop (erf)  }
0x3d1: {  	v19 =	vmul.f32 $1.442695020e+00, v27;
	(erf) = vpow2.f32 v16;
	v13 =	vadd.f32 v14, v13  }
0x3d2: {  	v37 =	vld [tilespmem:s19+$0x6000];
	v14 =	vpop (erf)  }
0x3d3: {  	v16 =	vmul.f32 $1.442695020e+00, v28;
	(erf) = vpow2.f32 v19;
	v13 =	vadd.f32 v14, v13  }
0x3d4: {  	v14 =	vpop (erf)  }
0x3d5: {  	v32 =	vld [tilespmem:s19+$0x6800];
	v19 =	vmul.f32 $1.442695020e+00, v31;
	(erf) = vpow2.f32 v16;
	v13 =	vadd.f32 v14, v13  }
0x3d6: {  	v14 =	vpop (erf)  }
0x3d7: {  	v33 =	vld [tilespmem:s19+$0x7000];
	v16 =	vmul.f32 $1.442695020e+00, v37;
	(erf) = vpow2.f32 v19;
	v13 =	vadd.f32 v14, v13  }
0x3d8: {  	v14 =	vpop (erf)  }
0x3d9: {  	v38 =	vld [tilespmem:s19+$0x7800];
	(erf) = vpow2.f32 v16;
	v13 =	vadd.f32 v14, v13  }
0x3da: {  	v19 =	vmul.f32 $1.442695020e+00, v32;
	v14 =	vpop (erf)  }
0x3db: {  	v29 =	vld [tilespmem:s19+$0x8000];
	v13 =	vadd.f32 v14, v13  }
0x3dc: {  	v16 =	vmul.f32 $1.442695020e+00, v33;
	(erf) = vpow2.f32 v19;
	v14 =	vpop (erf)  }
0x3dd: {  	v24 =	vld [tilespmem:s19+$0x8800];
	v13 =	vadd.f32 v14, v13  }
0x3de: {  	v40 =	vmul.f32 $1.442695020e+00, v38;
	v19 =	vld [tilespmem:s19+$0x9000];
	(erf) = vpow2.f32 v16;
	v14 =	vpop (erf)  }
0x3df: {  	v13 =	vadd.f32 v14, v13  }
0x3e0: {  	v16 =	vmul.f32 $1.442695020e+00, v29;
	(erf) = vpow2.f32 v40;
	v14 =	vpop (erf)  }
0x3e1: {  	v13 =	vadd.f32 v14, v13  }
0x3e2: {  	v61 =	vmul.f32 $1.442695020e+00, v24;
	(erf) = vpow2.f32 v16;
	v14 =	vpop (erf)  }
0x3e3: {  	v13 =	vadd.f32 v14, v13;
	v14 =	vmul.f32 $1.442695020e+00, v19  }
0x3e4: {  	(erf) = vpow2.f32 v61  }
0x3e5: {  	v16 =	vpop (erf)  }
0x3e6: {  	v13 =	vadd.f32 v16, v13;
	(erf) = vpow2.f32 v14  }
0x3e7: {  	v14 =	vpop (erf)  }
0x3e8: {  	v13 =	vadd.f32 v14, v13  }
0x3e9: {  	v14 =	vpop (erf)  }
0x3ea: {  	v13 =	vadd.f32 v14, v13  }
0x3eb: {  	v14 =	vpop (erf)  }
0x3ec: {  	v13 =	vadd.f32 v14, v13  }
0x3ed: {  	v14 =	vpop (erf)  }
0x3ee: {  	v13 =	vadd.f32 v14, v13  }
0x3ef: {  	v14 =	vpop (erf)  }
0x3f0: {  	v40 =	vadd.f32 v14, v13;
	_ =	sdelay $0x1  }
0x3f1: {  	v13 =	vcvt.s32.f32 v40  }
0x3f2: {  	s28 =	simm.s32 $0x4;
	s29 =	simm.s32 $0x40  }
0x3f3: {  	s30 =	simm.s32 $0x10;
	s21 =	sand.u32 $0x600, s29;
	s20 =	sand.u32 $0x180, s28;
	v41 =	vld [tilespmem:s19+$0x9800];
	v13 =	vadd.f32 $-1.064866820e+09, v13  }
0x3f4: {  	s20 =	sor.u32 s20, s21;
	s19 =	sand.u32 $0x70, s30  }
0x3f5: {  	s21 =	sor.u32 s19, s20;
	v42 =	vmul.f32 $8.262958320e-08, v13  }
0x3f6: {  	v13 =	vld [tilespmem:s21+$0x0]  }
0x3f7: {  	v16 =	vld [tilespmem:s21+$0x800];
	v43 =	vsub.f32 $0.0e+00, v42  }
0x3f8: {  	vm2 =	veq.s32 v41, $0xC;
	vm1 =	veq.s32 v41, $0x11;
	vm3 =	veq.s32 v41, $0x0  }
0x3f9: {  	vm4 =	veq.s32 v41, $0x1;
	vm9 =	veq.s32 v41, $0x2;
	v14 =	vld [tilespmem:s21+$0x1000];
	v43 =	vmul.f32 $1.442695020e+00, v43  }
0x3fa: {  	vm10 =	veq.s32 v41, $0xB;
	v44 =	vnsel vm3, $0x0, v17;
	v18 =	vnsel vm4, $0x0, v18  }
0x3fb: {  	v44 =	vadd.f32 v18, v44;
	v17 =	vld [tilespmem:s21+$0x1800];
	v45 =	vmul.f32 $1.442695020e+00, v13;
	(erf) = vpow2.f32 v43  }
0x3fc: {  	vm11 =	veq.s32 v41, $0x3;
	v22 =	vnsel vm9, $0x0, v22;
	v62 =	vmul.f32 $1.442695020e+00, v16  }
0x3fd: {  	vm5 =	veq.s32 v41, $0x4;
	v44 =	vadd.f32 v22, v44;
	v18 =	vld [tilespmem:s21+$0x2000];
	(erf) = vpow2.f32 v45  }
0x3fe: {  	v30 =	vnsel vm11, $0x0, v30;
	v63 =	vmul.f32 $1.442695020e+00, v14;
	(erf) = vpow2.f32 v62  }
0x3ff: {  	vm12 =	veq.s32 v41, $0xA;
	vm6 =	veq.s32 v41, $0x5;
	v48 =	vadd.f32 v30, v44;
	v22 =	vld [tilespmem:s21+$0x2800]  }
0x400: {  	v21 =	vnsel vm5, $0x0, v21;
	v49 =	vmul.f32 $1.442695020e+00, v17;
	(erf) = vpow2.f32 v63  }
0x401: {  	vm13 =	veq.s32 v41, $0x9;
	vm14 =	veq.s32 v41, $0x6;
	v30 =	vld [tilespmem:s21+$0x3000];
	v43 =	vadd.f32 v21, v48  }
0x402: {  	v23 =	vnsel vm6, $0x0, v23;
	v50 =	vmul.f32 $1.442695020e+00, v18;
	(erf) = vpow2.f32 v49  }
0x403: {  	vm7 =	veq.s32 v41, $0x8;
	vm15 =	veq.s32 v41, $0x7;
	v21 =	vld [tilespmem:s21+$0x3800];
	v43 =	vadd.f32 v23, v43  }
0x404: {  	v25 =	vnsel vm14, $0x0, v25;
	v51 =	vmul.f32 $1.442695020e+00, v22;
	(erf) = vpow2.f32 v50;
	v52 =	vpop (erf)  }
0x405: {  	v26 =	vnsel vm15, $0x0, v26;
	v23 =	vld [tilespmem:s21+$0x4000];
	v43 =	vadd.f32 v25, v43;
	v45 =	vmul.f32 v52, v40  }
0x406: {  	vm5 =	veq.s32 v41, $0xD;
	v46 =	vmul.f32 $1.442695020e+00, v30;
	(erf) = vpow2.f32 v51;
	v47 =	vpop (erf)  }
0x407: {  	v36 =	vnsel vm7, $0x0, v36;
	v25 =	vld [tilespmem:s21+$0x4800];
	v43 =	vadd.f32 v26, v43;
	v48 =	vpop (erf);
	v42 =	vadd.f32 v45, v42  }
0x408: {  	v53 =	vmul.f32 $1.442695020e+00, v21;
	(erf) = vpow2.f32 v46;
	v54 =	vadd.f32 v48, v47  }
0x409: {  	v27 =	vnsel vm13, $0x0, v27;
	v26 =	vld [tilespmem:s21+$0x5000];
	v43 =	vadd.f32 v36, v43;
	v56 =	vpop (erf);
	v42 =	vadd.f32 $-1.000000000e+00, v42  }
0x40a: {  	v55 =	vmul.f32 $1.442695020e+00, v23;
	(erf) = vpow2.f32 v53;
	v45 =	vadd.f32 v56, v54  }
0x40b: {  	v28 =	vnsel vm12, $0x0, v28;
	v36 =	vld [tilespmem:s21+$0x5800];
	v43 =	vadd.f32 v27, v43;
	v58 =	vpop (erf);
	v59 =	vsub.f32 $0.0e+00, v42  }
0x40c: {  	v57 =	vmul.f32 $1.442695020e+00, v25;
	(erf) = vpow2.f32 v55;
	v45 =	vadd.f32 v58, v45  }
0x40d: {  	v31 =	vnsel vm10, $0x0, v31;
	v27 =	vld [tilespmem:s21+$0x6000];
	v43 =	vadd.f32 v28, v43;
	v61 =	vpop (erf);
	v48 =	vmul.f32 $1.442695020e+00, v59  }
0x40e: {  	v60 =	vmul.f32 $1.442695020e+00, v26;
	(erf) = vpow2.f32 v57;
	v45 =	vadd.f32 v61, v45  }
0x40f: {  	v37 =	vnsel vm2, $0x0, v37;
	v28 =	vld [tilespmem:s21+$0x6800];
	v43 =	vadd.f32 v31, v43;
	v63 =	vpop (erf);
	(erf) = vpow2.f32 v48  }
0x410: {  	v62 =	vmul.f32 $1.442695020e+00, v36;
	v45 =	vadd.f32 v63, v45;
	(erf) = vpow2.f32 v60  }
0x411: {  	vm6 =	veq.s32 v41, $0xE;
	v32 =	vnsel vm5, $0x0, v32;
	v31 =	vld [tilespmem:s21+$0x7000];
	v43 =	vadd.f32 v37, v43;
	v49 =	vpop (erf)  }
0x412: {  	v48 =	vmul.f32 $1.442695020e+00, v27;
	v45 =	vadd.f32 v49, v45;
	(erf) = vpow2.f32 v62  }
0x413: {  	vm7 =	veq.s32 v41, $0xF;
	v33 =	vnsel vm6, $0x0, v33;
	v37 =	vld [tilespmem:s21+$0x7800];
	v43 =	vadd.f32 v32, v43;
	v51 =	vpop (erf)  }
0x414: {  	v50 =	vmul.f32 $1.442695020e+00, v28;
	(erf) = vpow2.f32 v48;
	v45 =	vadd.f32 v51, v45  }
0x415: {  	vm8 =	veq.s32 v41, $0x10;
	v38 =	vnsel vm7, $0x0, v38;
	v32 =	vld [tilespmem:s21+$0x8000];
	v43 =	vadd.f32 v33, v43;
	v53 =	vpop (erf)  }
0x416: {  	v52 =	vmul.f32 $1.442695020e+00, v31;
	(erf) = vpow2.f32 v50;
	v45 =	vadd.f32 v53, v45  }
0x417: {  	vm0 =	veq.s32 v41, $0x12;
	v57 =	vnsel vm8, $0x0, v29;
	v33 =	vld [tilespmem:s21+$0x8800];
	v55 =	vpop (erf);
	v38 =	vadd.f32 v38, v43  }
0x418: {  	v54 =	vmul.f32 $1.442695020e+00, v37;
	(erf) = vpow2.f32 v52;
	v56 =	vadd.f32 v55, v45;
	v58 =	vpop (erf)  }
0x419: {  	v24 =	vnsel vm1, $0x0, v24;
	v29 =	vld [tilespmem:s21+$0x9000];
	v38 =	vadd.f32 v57, v38;
	v60 =	vpop (erf);
	v40 =	vmul.f32 v58, v40  }
0x41a: {  	v59 =	vmul.f32 $1.442695020e+00, v32;
	(erf) = vpow2.f32 v54;
	v41 =	vadd.f32 v60, v56  }
0x41b: {  	v19 =	vnsel vm0, $0x0, v19;
	v24 =	vadd.f32 v24, v38;
	v62 =	vpop (erf);
	v63 =	vadd.f32 v40, v42  }
0x41c: {  	v61 =	vmul.f32 $1.442695020e+00, v33;
	(erf) = vpow2.f32 v59;
	v45 =	vadd.f32 v62, v41  }
0x41d: {  	v19 =	vadd.f32 v19, v24;
	v47 =	vpop (erf);
	v24 =	vadd.f32 $-1.000000000e+00, v63  }
0x41e: {  	v49 =	vmul.f32 $1.442695020e+00, v29;
	(erf) = vpow2.f32 v61;
	v48 =	vadd.f32 v47, v45  }
0x41f: {  	v50 =	vpop (erf);
	v24 =	vsub.f32 v24, v19  }
0x420: {  	(erf) = vpow2.f32 v49;
	v19 =	vadd.f32 v50, v48  }
0x421: {  	v51 =	vpop (erf);
	vm0 =	vgt.f32 v24, $3.566749390e-01;
	vm9 =	vge.f32 v24, $4.458436740e-02  }
0x422: {  	vm10 =	vge.f32 v24, $3.120905760e-01;
	vm11 =	vge.f32 v24, $8.916873480e-02;
	v19 =	vadd.f32 v51, v19  }
0x423: {  	v52 =	vpop (erf);
	vm12 =	vge.f32 v24, $1.337531060e-01;
	vm13 =	vge.f32 v24, $1.783374700e-01;
	vm14 =	vge.f32 v24, $2.229218330e-01  }
0x424: {  	vm15 =	vge.f32 v24, $2.675062120e-01;
	v40 =	vsel vm10, $0x3F800000, v0;
	v19 =	vadd.f32 v52, v19  }
0x425: {  	v55 =	vsel vm0, $0x3F800000, v0;
	v56 =	vsel vm9, $0x3F800000, v0;
	v57 =	vsel vm11, $0x3F800000, v0;
	v54 =	vpop (erf)  }
0x426: {  	v43 =	vsel vm12, $0x3F800000, v0;
	v44 =	vsel vm13, $0x3F800000, v0;
	v19 =	vadd.f32 v54, v19  }
0x427: {  	v42 =	vsel vm14, $0x3F800000, v0;
	v41 =	vsel vm15, $0x3F800000, v0;
	v53 =	vmul.f32 v40, v24;
	v58 =	vpop (erf)  }
0x428: {  	v59 =	vmul.f32 v55, v24;
	v49 =	vmul.f32 v56, v24;
	v19 =	vadd.f32 v58, v19  }
0x429: {  	v15 =	vadd.f32 v55, v15;
	v61 =	vmul.f32 v57, v24;
	v50 =	vmul.f32 v43, v24;
	v60 =	vpop (erf)  }
0x42a: {  	v51 =	vmul.f32 v44, v24;
	v34 =	vadd.f32 v56, v34;
	v38 =	vadd.f32 v60, v19  }
0x42b: {  	v35 =	vadd.f32 v57, v35;
	v52 =	vmul.f32 v42, v24;
	v7 =	vadd.f32 v53, v7  }
0x42c: {  	v20 =	vadd.f32 v49, v20;
	v19 =	vadd.f32 v59, v12;
	v63 =	vcvt.s32.f32 v38  }
0x42d: {  	s31 =	simm.s32 $0x8;
	s19 =	simm.s32 $0x80;
	v62 =	vmul.f32 v41, v24;
	v12 =	vadd.f32 v61, v10;
	v10 =	vadd.f32 v51, v8  }
0x42e: {  	s24 =	sand.u32 $0x180, s31;
	s20 =	simm.s32 $0x20;
	s23 =	sand.u32 $0x600, s19;
	v8 =	vadd.f32 v52, v39;
	v39 =	vld [tilespmem:s21+$0x9800];
	v45 =	vadd.f32 $-1.064866820e+09, v63  }
0x42f: {  	s22 =	sand.u32 $0x70, s20;
	s23 =	sor.u32 s24, s23;
	v11 =	vadd.f32 v50, v11;
	v9 =	vadd.f32 v62, v9;
	s21 =	simm.s32 $0xC  }
.LBB2_16:
0x430: {  	p0 =	sne.s32 s21, $0x1FC;
	s22 =	sor.u32 s22, s23;
	v45 =	vmul.f32 $8.262958320e-08, v45;
	v5 =	vadd.f32 v43, v5;
	v6 =	vadd.f32 v44, v6  }
0x431: {  	v4 =	vadd.f32 v42, v4;
	v3 =	vadd.f32 v41, v3;
	v43 =	vld [tilespmem:s22+$0x0]  }
0x432: {  	v2 =	vadd.f32 v40, v2;
	v41 =	vld [tilespmem:s22+$0x800];
	v42 =	vsub.f32 $0.0e+00, v45  }
0x433: {  	vm2 =	veq.s32 v39, $0xC;
	vm1 =	veq.s32 v39, $0x11;
	vm0 =	veq.s32 v39, $0x12  }
0x434: {  	vm3 =	veq.s32 v39, $0x0;
	vm4 =	veq.s32 v39, $0x1;
	v40 =	vld [tilespmem:s22+$0x1000];
	v42 =	vmul.f32 $1.442695020e+00, v42  }
0x435: {  	v48 =	vnsel vm3, $0x0, v13;
	v49 =	vnsel vm4, $0x0, v16;
	vm3 =	veq.s32 v39, $0x2  }
0x436: {  	v47 =	vadd.f32 v49, v48;
	v44 =	vmul.f32 $1.442695020e+00, v43;
	v46 =	vld [tilespmem:s22+$0x1800];
	(erf) = vpow2.f32 v42;
	v13 =	vmovc v43  }
0x437: {  	v48 =	vnsel vm3, $0x0, v14;
	vm3 =	veq.s32 v39, $0xB;
	v42 =	vmul.f32 $1.442695020e+00, v41;
	v16 =	vmovc v41  }
0x438: {  	vm4 =	veq.s32 v39, $0x3;
	v43 =	vadd.f32 v48, v47;
	v41 =	vld [tilespmem:s22+$0x2000];
	(erf) = vpow2.f32 v44  }
0x439: {  	v47 =	vnsel vm4, $0x0, v17;
	v44 =	vmul.f32 $1.442695020e+00, v40;
	(erf) = vpow2.f32 v42;
	v14 =	vmovc v40  }
0x43a: {  	vm5 =	veq.s32 v39, $0x4;
	vm4 =	veq.s32 v39, $0xA;
	v42 =	vadd.f32 v47, v43;
	v40 =	vld [tilespmem:s22+$0x2800]  }
0x43b: {  	v48 =	vnsel vm5, $0x0, v18;
	v43 =	vmul.f32 $1.442695020e+00, v46;
	(erf) = vpow2.f32 v44;
	v17 =	vmovc v46  }
0x43c: {  	vm6 =	veq.s32 v39, $0x5;
	vm5 =	veq.s32 v39, $0x9;
	v42 =	vadd.f32 v48, v42;
	v44 =	vld [tilespmem:s22+$0x3000]  }
0x43d: {  	v22 =	vnsel vm6, $0x0, v22;
	v46 =	vmul.f32 $1.442695020e+00, v41;
	v47 =	vld [tilespmem:s22+$0x3800];
	(erf) = vpow2.f32 v43;
	v18 =	vmovc v41  }
0x43e: {  	vm7 =	veq.s32 v39, $0x8;
	vm6 =	veq.s32 v39, $0x6;
	v49 =	vadd.f32 v22, v42  }
0x43f: {  	v30 =	vnsel vm6, $0x0, v30;
	v41 =	vmul.f32 $1.442695020e+00, v40;
	v42 =	vld [tilespmem:s22+$0x4000];
	(erf) = vpow2.f32 v46;
	v43 =	vpop (erf)  }
0x440: {  	vm6 =	veq.s32 v39, $0x7;
	v51 =	vadd.f32 v30, v49;
	v22 =	vmovc v40;
	v43 =	vmul.f32 v43, v38  }
0x441: {  	v52 =	vnsel vm6, $0x0, v21;
	v40 =	vmul.f32 $1.442695020e+00, v44;
	v46 =	vld [tilespmem:s22+$0x4800];
	v48 =	vpop (erf);
	(erf) = vpow2.f32 v41  }
0x442: {  	v50 =	vadd.f32 v52, v51;
	v41 =	vmul.f32 $1.442695020e+00, v47;
	v49 =	vpop (erf);
	v43 =	vadd.f32 v43, v45  }
0x443: {  	v30 =	vmovc v44;
	v21 =	vmovc v47;
	v45 =	vadd.f32 v49, v48;
	v48 =	vld [tilespmem:s22+$0x5000];
	(erf) = vpow2.f32 v40;
	v49 =	vnsel vm7, $0x0, v23  }
0x444: {  	v40 =	vmul.f32 $1.442695020e+00, v42;
	v44 =	vpop (erf);
	v47 =	vadd.f32 v49, v50;
	v43 =	vadd.f32 $-1.000000000e+00, v43  }
0x445: {  	v50 =	vnsel vm5, $0x0, v25;
	v23 =	vmovc v42;
	v44 =	vadd.f32 v44, v45;
	v45 =	vld [tilespmem:s22+$0x5800];
	(erf) = vpow2.f32 v41  }
0x446: {  	v41 =	vmul.f32 $1.442695020e+00, v46;
	v42 =	vpop (erf);
	v47 =	vadd.f32 v50, v47;
	v49 =	vsub.f32 $0.0e+00, v43  }
0x447: {  	v50 =	vnsel vm4, $0x0, v26;
	v25 =	vmovc v46;
	v42 =	vadd.f32 v42, v44;
	v44 =	vld [tilespmem:s22+$0x6000];
	(erf) = vpow2.f32 v40  }
0x448: {  	v40 =	vmul.f32 $1.442695020e+00, v48;
	v46 =	vpop (erf);
	v47 =	vadd.f32 v50, v47;
	v49 =	vmul.f32 $1.442695020e+00, v49  }
0x449: {  	v50 =	vnsel vm3, $0x0, v36;
	v26 =	vmovc v48;
	v42 =	vadd.f32 v46, v42;
	v46 =	vld [tilespmem:s22+$0x6800];
	(erf) = vpow2.f32 v41  }
0x44a: {  	v41 =	vmul.f32 $1.442695020e+00, v45;
	v48 =	vpop (erf);
	v47 =	vadd.f32 v50, v47;
	(erf) = vpow2.f32 v49  }
0x44b: {  	v49 =	vnsel vm2, $0x0, v27;
	v36 =	vmovc v45;
	v42 =	vadd.f32 v48, v42;
	v48 =	vld [tilespmem:s22+$0x7000];
	(erf) = vpow2.f32 v40  }
0x44c: {  	vm2 =	veq.s32 v39, $0xD;
	v40 =	vmul.f32 $1.442695020e+00, v44;
	v45 =	vpop (erf);
	v47 =	vadd.f32 v49, v47  }
0x44d: {  	v49 =	vnsel vm2, $0x0, v28;
	v27 =	vmovc v44;
	v42 =	vadd.f32 v45, v42;
	v45 =	vld [tilespmem:s22+$0x7800];
	(erf) = vpow2.f32 v41  }
0x44e: {  	vm2 =	veq.s32 v39, $0xE;
	v41 =	vmul.f32 $1.442695020e+00, v46;
	v44 =	vpop (erf);
	v47 =	vadd.f32 v49, v47  }
0x44f: {  	v49 =	vnsel vm2, $0x0, v31;
	v28 =	vmovc v46;
	v42 =	vadd.f32 v44, v42;
	v44 =	vld [tilespmem:s22+$0x8000];
	(erf) = vpow2.f32 v40  }
0x450: {  	vm2 =	veq.s32 v39, $0xF;
	v50 =	vmul.f32 $1.442695020e+00, v48;
	v46 =	vpop (erf);
	v47 =	vadd.f32 v49, v47  }
0x451: {  	v37 =	vnsel vm2, $0x0, v37;
	v31 =	vmovc v48;
	v42 =	vadd.f32 v46, v42;
	v46 =	vld [tilespmem:s22+$0x8800];
	(erf) = vpow2.f32 v41  }
0x452: {  	vm2 =	veq.s32 v39, $0x10;
	v41 =	vmul.f32 $1.442695020e+00, v45;
	v48 =	vpop (erf);
	v51 =	vadd.f32 v37, v47  }
0x453: {  	v39 =	vadd.f32 v48, v42;
	(erf) = vpow2.f32 v50;
	v50 =	vnsel vm2, $0x0, v32;
	v40 =	vpop (erf)  }
0x454: {  	v42 =	vmul.f32 $1.442695020e+00, v44;
	v47 =	vld [tilespmem:s22+$0x9000];
	v48 =	vpop (erf);
	v49 =	vadd.f32 v50, v51;
	v38 =	vmul.f32 v40, v38  }
0x455: {  	v37 =	vmovc v45;
	v32 =	vmovc v44;
	v39 =	vadd.f32 v48, v39;
	(erf) = vpow2.f32 v41;
	v48 =	vnsel vm1, $0x0, v33  }
0x456: {  	v40 =	vmul.f32 $1.442695020e+00, v46;
	v41 =	vpop (erf);
	v44 =	vadd.f32 v48, v49;
	v38 =	vadd.f32 v38, v43  }
0x457: {  	v43 =	vnsel vm0, $0x0, v29;
	v33 =	vmovc v46;
	v39 =	vadd.f32 v41, v39;
	(erf) = vpow2.f32 v42  }
0x458: {  	v41 =	vpop (erf);
	v42 =	vadd.f32 v43, v44;
	v38 =	vadd.f32 $-1.000000000e+00, v38  }
0x459: {  	v43 =	vadd.f32 v41, v39;
	v41 =	vmul.f32 $1.442695020e+00, v47;
	(erf) = vpow2.f32 v40;
	v29 =	vmovc v47  }
0x45a: {  	v1 =	vadd.f32 v24, v1;
	v40 =	vpop (erf);
	v24 =	vsub.f32 v38, v42  }
0x45b: {  	v38 =	vadd.f32 v40, v43;
	(erf) = vpow2.f32 v41  }
0x45c: {  	v39 =	vpop (erf);
	vm0 =	vgt.f32 v24, $3.566749390e-01;
	vm1 =	vge.f32 v24, $4.458436740e-02;
	vm2 =	vge.f32 v24, $3.120905760e-01  }
0x45d: {  	vm3 =	vge.f32 v24, $8.916873480e-02;
	v38 =	vadd.f32 v39, v38;
	v40 =	vsel vm2, $0x3F800000, v0  }
0x45e: {  	vm4 =	vge.f32 v24, $1.783374700e-01;
	vm2 =	vge.f32 v24, $1.337531060e-01;
	v39 =	vpop (erf);
	v41 =	vmul.f32 v40, v24  }
0x45f: {  	vm5 =	vge.f32 v24, $2.229218330e-01;
	vm6 =	vge.f32 v24, $2.675062120e-01;
	v38 =	vadd.f32 v39, v38  }
0x460: {  	v45 =	vsel vm0, $0x3F800000, v0;
	v46 =	vsel vm1, $0x3F800000, v0;
	v39 =	vpop (erf);
	v7 =	vadd.f32 v41, v7  }
0x461: {  	v47 =	vsel vm3, $0x3F800000, v0;
	v43 =	vsel vm2, $0x3F800000, v0;
	v38 =	vadd.f32 v39, v38  }
0x462: {  	v44 =	vsel vm4, $0x3F800000, v0;
	v42 =	vsel vm5, $0x3F800000, v0;
	v41 =	vsel vm6, $0x3F800000, v0;
	v39 =	vpop (erf)  }
0x463: {  	v48 =	vmul.f32 v46, v24;
	v38 =	vadd.f32 v39, v38;
	v39 =	vmul.f32 v45, v24  }
0x464: {  	v15 =	vadd.f32 v45, v15;
	v50 =	vmul.f32 v43, v24;
	v45 =	vmul.f32 v47, v24;
	v49 =	vpop (erf)  }
0x465: {  	v51 =	vmul.f32 v42, v24;
	v38 =	vadd.f32 v49, v38;
	v49 =	vmul.f32 v44, v24  }
.Ltmp7:
0x466: {  	v20 =	vadd.f32 v48, v20;
	v48 =	vmul.f32 v41, v24;
	v19 =	vadd.f32 v39, v19;
	(pc) =	sbr.rel @p0 .LBB2_16-.Ltmp7, $4  }
0x467: {  	v11 =	vadd.f32 v50, v11;
	v12 =	vadd.f32 v45, v12;
	v52 =	vcvt.s32.f32 v38  }
0x468: {  	s19 =	sadd.s32 $0x40, s19;
	v8 =	vadd.f32 v51, v8;
	v10 =	vadd.f32 v49, v10  }
0x469: {  	s24 =	sand.u32 $0x180, s21;
	s20 =	sadd.s32 $0x10, s20;
	s23 =	sand.u32 $0x600, s19;
	v9 =	vadd.f32 v48, v9;
	v39 =	vld [tilespmem:s22+$0x9800];
	v45 =	vadd.f32 $-1.064866820e+09, v52  }
0x46a: {  	s21 =	sadd.s32 $0x4, s21;
	s23 =	sor.u32 s24, s23;
	v34 =	vadd.f32 v46, v34;
	v35 =	vadd.f32 v47, v35;
	s22 =	sand.u32 $0x70, s20  }
0x46b: {  	s19 =	sor.u32 s22, s23;
	v46 =	vmul.f32 $8.262958320e-08, v45  }
0x46c: {  	v63 =	vld [tilespmem:s19+$0x0]  }
0x46d: {  	v52 =	vld [tilespmem:s19+$0x800];
	v47 =	vsub.f32 $0.0e+00, v46;
	_ =	sdelay $0x1  }
0x46e: {  	v62 =	vld [tilespmem:s19+$0x1000];
	v47 =	vmul.f32 $1.442695020e+00, v47;
	_ =	sdelay $0x1  }
0x46f: {  	v61 =	vld [tilespmem:s19+$0x1800];
	v48 =	vmul.f32 $1.442695020e+00, v63;
	(erf) = vpow2.f32 v47  }
0x470: {  	v53 =	vmul.f32 $1.442695020e+00, v52  }
0x471: {  	v60 =	vld [tilespmem:s19+$0x2000];
	(erf) = vpow2.f32 v48  }
0x472: {  	v54 =	vmul.f32 $1.442695020e+00, v62;
	(erf) = vpow2.f32 v53  }
0x473: {  	v59 =	vld [tilespmem:s19+$0x2800]  }
0x474: {  	v55 =	vmul.f32 $1.442695020e+00, v61;
	(erf) = vpow2.f32 v54  }
0x475: {  	v58 =	vld [tilespmem:s19+$0x3000]  }
0x476: {  	v57 =	vmul.f32 $1.442695020e+00, v60;
	(erf) = vpow2.f32 v55  }
0x477: {  	v54 =	vld [tilespmem:s19+$0x3800]  }
0x478: {  	v47 =	vmul.f32 $1.442695020e+00, v59;
	(erf) = vpow2.f32 v57;
	v53 =	vpop (erf)  }
0x479: {  	v56 =	vld [tilespmem:s19+$0x4000];
	v48 =	vmul.f32 v53, v38  }
0x47a: {  	v49 =	vmul.f32 $1.442695020e+00, v58;
	(erf) = vpow2.f32 v47;
	v50 =	vpop (erf)  }
0x47b: {  	v45 =	vld [tilespmem:s19+$0x4800];
	v51 =	vpop (erf);
	v46 =	vadd.f32 v48, v46  }
0x47c: {  	v53 =	vmul.f32 $1.442695020e+00, v54;
	(erf) = vpow2.f32 v49;
	v50 =	vadd.f32 v51, v50  }
0x47d: {  	v47 =	vld [tilespmem:s19+$0x5000];
	v57 =	vpop (erf);
	v55 =	vadd.f32 $-1.000000000e+00, v46  }
0x47e: {  	(erf) = vpow2.f32 v53;
	v46 =	vmul.f32 $1.442695020e+00, v56;
	v50 =	vadd.f32 v57, v50  }
0x47f: {  	v48 =	vld [tilespmem:s19+$0x5800];
	v51 =	vpop (erf);
	v53 =	vsub.f32 $0.0e+00, v55  }
0x480: {  	[tilespmem:$0x1FF60] =	vst v56;
	v56 =	vmul.f32 $1.442695020e+00, v45;
	(erf) = vpow2.f32 v46;
	v51 =	vadd.f32 v51, v50;
	v50 =	vld [tilespmem:s19+$0x6000]  }
0x481: {  	v49 =	vpop (erf);
	v53 =	vmul.f32 $1.442695020e+00, v53  }
0x482: {  	v57 =	vmul.f32 $1.442695020e+00, v47;
	(erf) = vpow2.f32 v56;
	v46 =	vadd.f32 v49, v51  }
0x483: {  	[tilespmem:$0x1FF90] =	vst v47;
	v47 =	vpop (erf);
	(erf) = vpow2.f32 v53  }
0x484: {  	v53 =	vmul.f32 $1.442695020e+00, v48;
	v46 =	vadd.f32 v47, v46;
	(erf) = vpow2.f32 v57  }
0x485: {  	[tilespmem:$0x1FF80] =	vst v45;
	v56 =	vpop (erf);
	v57 =	vld [tilespmem:s19+$0x6800];
	v45 =	vmul.f32 $1.442695020e+00, v50  }
0x486: {  	(erf) = vpow2.f32 v53;
	v46 =	vadd.f32 v56, v46  }
0x487: {  	v47 =	vpop (erf);
	v56 =	vld [tilespmem:s19+$0x7000]  }
0x488: {  	v46 =	vadd.f32 v47, v46  }
0x489: {  	v53 =	vld [tilespmem:s19+$0x7800];
	(erf) = vpow2.f32 v45;
	v45 =	vpop (erf)  }
0x48a: {  	v51 =	vmul.f32 $1.442695020e+00, v57;
	v49 =	vadd.f32 v45, v46  }
0x48b: {  	[tilespmem:$0x1FFA0] =	vst v48;
	v46 =	vld [tilespmem:s19+$0x8000];
	v48 =	vpop (erf)  }
0x48c: {  	(erf) = vpow2.f32 v51;
	v51 =	vmul.f32 $1.442695020e+00, v56;
	v47 =	vadd.f32 v48, v49;
	v48 =	vpop (erf)  }
0x48d: {  	v45 =	vld [tilespmem:s19+$0x8800];
	[tilespmem:$0x1FF70] =	vst v48;
	v48 =	vpop (erf)  }
0x48e: {  	(erf) = vpow2.f32 v51;
	v51 =	vld [tilespmem:s19+$0x9000];
	v49 =	vadd.f32 v48, v47;
	v47 =	vmul.f32 $1.442695020e+00, v53  }
0x48f: {  	v48 =	vpop (erf)  }
0x490: {  	(erf) = vpow2.f32 v47;
	v48 =	vadd.f32 v48, v49;
	v49 =	vmul.f32 $1.442695020e+00, v46;
	_ =	sdelay $0x1  }
0x491: {  	[tilespmem:$0x1FFC0] =	vst v45;
	v47 =	vmul.f32 $1.442695020e+00, v45;
	v45 =	vpop (erf);
	(erf) = vpow2.f32 v49  }
0x492: {  	vm0 =	veq.s32 v39, $0x0;
	v49 =	vmul.f32 $1.442695020e+00, v51  }
0x493: {  	vm1 =	veq.s32 v39, $0x1;
	v45 =	vadd.f32 v45, v48;
	(erf) = vpow2.f32 v47  }
0x494: {  	v13 =	vnsel vm0, $0x0, v13;
	v16 =	vnsel vm1, $0x0, v16;
	v48 =	vpop (erf)  }
0x495: {  	v13 =	vadd.f32 v16, v13;
	(erf) = vpow2.f32 v49;
	v16 =	vadd.f32 v48, v45  }
0x496: {  	v49 =	vpop (erf)  }
0x497: {  	vm8 =	veq.s32 v39, $0x2;
	[tilespmem:$0x1FFB0] =	vst v46;
	v46 =	vadd.f32 v49, v16  }
0x498: {  	vm9 =	veq.s32 v39, $0x3;
	v14 =	vnsel vm8, $0x0, v14;
	v48 =	vpop (erf)  }
0x499: {  	v13 =	vadd.f32 v14, v13;
	v47 =	vnsel vm9, $0x0, v17;
	v14 =	vadd.f32 v48, v46  }
0x49a: {  	v5 =	vadd.f32 v43, v5;
	v6 =	vadd.f32 v44, v6;
	vm10 =	veq.s32 v39, $0x4;
	v45 =	vpop (erf)  }
0x49b: {  	v4 =	vadd.f32 v42, v4;
	v49 =	vnsel vm10, $0x0, v18;
	v14 =	vadd.f32 v45, v14  }
0x49c: {  	v3 =	vadd.f32 v41, v3;
	v13 =	vadd.f32 v47, v13;
	v47 =	vpop (erf)  }
0x49d: {  	v2 =	vadd.f32 v40, v2;
	v14 =	vadd.f32 v47, v14  }
0x49e: {  	v1 =	vadd.f32 v24, v1;
	vm11 =	veq.s32 v39, $0x5;
	v13 =	vadd.f32 v49, v13;
	v49 =	vpop (erf)  }
0x49f: {  	vm12 =	veq.s32 v39, $0x6;
	vm13 =	veq.s32 v39, $0x7;
	v14 =	vadd.f32 v49, v14  }
0x4a0: {  	vm14 =	veq.s32 v39, $0x8;
	vm15 =	veq.s32 v39, $0x9;
	vm4 =	veq.s32 v39, $0xA  }
0x4a1: {  	vm5 =	veq.s32 v39, $0xB;
	v17 =	vld [tilespmem:s19+$0x9800];
	v46 =	vnsel vm11, $0x0, v22;
	v22 =	vcvt.s32.f32 v14  }
0x4a2: {  	vm2 =	veq.s32 v39, $0xD;
	v21 =	vnsel vm13, $0x0, v21;
	v23 =	vnsel vm14, $0x0, v23  }
0x4a3: {  	v25 =	vnsel vm15, $0x0, v25;
	v44 =	vnsel vm5, $0x0, v36;
	v16 =	vadd.f32 $-1.064866820e+09, v22  }
0x4a4: {  	vm8 =	veq.s32 v39, $0xC;
	vm13 =	veq.s32 v39, $0xE;
	v13 =	vadd.f32 v46, v13  }
0x4a5: {  	vm15 =	veq.s32 v39, $0x12;
	v48 =	vnsel vm12, $0x0, v30;
	v16 =	vmul.f32 $8.262958320e-08, v16  }
0x4a6: {  	vm6 =	veq.s32 v17, $0x0;
	vm7 =	veq.s32 v17, $0x1;
	v13 =	vadd.f32 v48, v13  }
0x4a7: {  	vm9 =	veq.s32 v17, $0x2;
	vm10 =	veq.s32 v17, $0x3;
	v43 =	vsub.f32 $0.0e+00, v16  }
0x4a8: {  	vm14 =	veq.s32 v17, $0x5;
	vm3 =	veq.s32 v17, $0x6;
	v13 =	vadd.f32 v21, v13  }
0x4a9: {  	v61 =	vnsel vm10, $0x0, v61;
	vm10 =	veq.s32 v17, $0x9;
	v18 =	vmul.f32 $1.442695020e+00, v43  }
0x4aa: {  	v46 =	vnsel vm7, $0x0, v52;
	v45 =	vnsel vm6, $0x0, v63;
	v13 =	vadd.f32 v23, v13  }
0x4ab: {  	v30 =	vnsel vm4, $0x0, v26;
	v47 =	vadd.f32 v46, v45;
	(erf) = vpow2.f32 v18  }
0x4ac: {  	vm11 =	veq.s32 v39, $0x11;
	v49 =	vnsel vm9, $0x0, v62;
	v13 =	vadd.f32 v25, v13  }
0x4ad: {  	vm12 =	veq.s32 v17, $0x4;
	v26 =	vnsel vm14, $0x0, v59;
	v52 =	vadd.f32 v49, v47  }
0x4ae: {  	vm14 =	veq.s32 v17, $0xD;
	vm7 =	veq.s32 v39, $0x10;
	v13 =	vadd.f32 v30, v13  }
0x4af: {  	v63 =	vnsel vm12, $0x0, v60;
	vm6 =	veq.s32 v39, $0xF;
	v18 =	vadd.f32 v61, v52  }
0x4b0: {  	v36 =	vnsel vm7, $0x0, v32;
	v39 =	vnsel vm11, $0x0, v33;
	v13 =	vadd.f32 v44, v13  }
0x4b1: {  	vm11 =	veq.s32 v17, $0xA;
	v48 =	vnsel vm8, $0x0, v27;
	v18 =	vadd.f32 v63, v18  }
0x4b2: {  	vm12 =	veq.s32 v17, $0xB;
	v27 =	vnsel vm6, $0x0, v37;
	v13 =	vadd.f32 v48, v13  }
0x4b3: {  	v42 =	vld [tilespmem:$0x1FF60];
	vm8 =	veq.s32 v17, $0x7;
	v62 =	vnsel vm2, $0x0, v28;
	v18 =	vadd.f32 v26, v18  }
0x4b4: {  	v37 =	vnsel vm8, $0x0, v54;
	v28 =	vnsel vm3, $0x0, v58;
	v44 =	vld [tilespmem:$0x1FF80];
	v13 =	vadd.f32 v62, v13;
	v30 =	vpop (erf)  }
0x4b5: {  	v25 =	vnsel vm13, $0x0, v31;
	v43 =	vld [tilespmem:$0x1FF70];
	v18 =	vadd.f32 v28, v18;
	v31 =	vmul.f32 v30, v14  }
0x4b6: {  	v46 =	vnsel vm15, $0x0, v29;
	vm9 =	veq.s32 v17, $0x8;
	v13 =	vadd.f32 v25, v13  }
0x4b7: {  	v47 =	vld [tilespmem:$0x1FF90];
	vm13 =	veq.s32 v17, $0xC;
	v18 =	vadd.f32 v37, v18;
	v16 =	vadd.f32 v31, v16  }
0x4b8: {  	v22 =	vnsel vm9, $0x0, v42;
	v49 =	vnsel vm13, $0x0, v50;
	v13 =	vadd.f32 v27, v13  }
0x4b9: {  	v50 =	vnsel vm14, $0x0, v57;
	v48 =	vld [tilespmem:$0x1FFA0];
	v18 =	vadd.f32 v22, v18;
	v16 =	vadd.f32 $-1.000000000e+00, v16  }
0x4ba: {  	v21 =	vnsel vm10, $0x0, v44;
	v13 =	vadd.f32 v36, v13;
	v22 =	vmul.f32 v43, v38  }
0x4bb: {  	vm9 =	veq.s32 v17, $0xE;
	v18 =	vadd.f32 v21, v18;
	v45 =	vsub.f32 $0.0e+00, v16  }
0x4bc: {  	v60 =	vld [tilespmem:$0x1FFC0];
	v25 =	vnsel vm11, $0x0, v47;
	v13 =	vadd.f32 v39, v13;
	v22 =	vadd.f32 v22, v55  }
0x4bd: {  	vm13 =	veq.s32 v17, $0x10;
	v18 =	vadd.f32 v25, v18;
	v21 =	vmul.f32 $1.442695020e+00, v45  }
0x4be: {  	v23 =	vnsel vm12, $0x0, v48;
	v13 =	vadd.f32 v46, v13;
	v22 =	vadd.f32 $-1.000000000e+00, v22  }
0x4bf: {  	vm14 =	veq.s32 v17, $0x11;
	v18 =	vadd.f32 v23, v18;
	(erf) = vpow2.f32 v21  }
0x4c0: {  	v52 =	vnsel vm9, $0x0, v56;
	vm11 =	veq.s32 v17, $0xF;
	v13 =	vsub.f32 v22, v13  }
0x4c1: {  	v55 =	vnsel vm11, $0x0, v53;
	v25 =	vnsel vm14, $0x0, v60;
	v18 =	vadd.f32 v49, v18  }
0x4c2: {  	vm1 =	vgt.f32 v13, $3.566749390e-01;
	vm15 =	vge.f32 v13, $4.458436740e-02;
	vm10 =	vge.f32 v13, $3.120905760e-01  }
0x4c3: {  	v56 =	vld [tilespmem:$0x1FFB0];
	vm4 =	vge.f32 v13, $8.916873480e-02;
	vm12 =	vge.f32 v13, $1.337531060e-01;
	v18 =	vadd.f32 v50, v18  }
0x4c4: {  	vm5 =	vge.f32 v13, $1.783374700e-01;
	vm6 =	vge.f32 v13, $2.229218330e-01;
	vm7 =	vge.f32 v13, $2.675062120e-01  }
0x4c5: {  	v1 =	vadd.f32 v13, v1;
	v54 =	vsel vm10, $0x3F800000, v0;
	v18 =	vadd.f32 v52, v18  }
0x4c6: {  	v58 =	vsel vm1, $0x3F800000, v0;
	v59 =	vsel vm15, $0x3F800000, v0;
	vm15 =	veq.s32 v17, $0x12  }
0x4c7: {  	v62 =	vsel vm4, $0x3F800000, v0;
	v63 =	vsel vm12, $0x3F800000, v0;
	v18 =	vadd.f32 v55, v18  }
0x4c8: {  	v36 =	vsel vm5, $0x3F800000, v0;
	v37 =	vsel vm6, $0x3F800000, v0;
	v21 =	vnsel vm13, $0x0, v56;
	v57 =	vpop (erf)  }
0x4c9: {  	v38 =	vsel vm7, $0x3F800000, v0;
	v18 =	vadd.f32 v21, v18;
	v14 =	vmul.f32 v57, v14  }
0x4ca: {  	v23 =	vmul.f32 v54, v13;
	v33 =	vnsel vm15, $0x0, v51;
	v39 =	vmul.f32 v58, v13  }
0x4cb: {  	v40 =	vmul.f32 v59, v13;
	v61 =	vadd.f32 v25, v18;
	v14 =	vadd.f32 v14, v16  }
0x4cc: {  	v41 =	vmul.f32 v62, v13;
	v15 =	vadd.f32 v58, v15;
	v24 =	vadd.f32 v59, v34  }
0x4cd: {  	v42 =	vmul.f32 v63, v13;
	v17 =	vadd.f32 v33, v61;
	v14 =	vadd.f32 $-1.000000000e+00, v14  }
0x4ce: {  	v43 =	vmul.f32 v36, v13;
	v5 =	vadd.f32 v63, v5;
	v6 =	vadd.f32 v36, v6  }
0x4cf: {  	v46 =	vmul.f32 v37, v13;
	v4 =	vadd.f32 v37, v4;
	v14 =	vsub.f32 v14, v17  }
0x4d0: {  	v3 =	vadd.f32 v38, v3;
	v47 =	vmul.f32 v38, v13;
	v2 =	vadd.f32 v54, v2  }
0x4d1: {  	v19 =	vadd.f32 v39, v19;
	v16 =	vadd.f32 v62, v35;
	vm8 =	vgt.f32 v14, $3.566749390e-01  }
0x4d2: {  	vm9 =	vge.f32 v14, $4.458436740e-02;
	v1 =	vadd.f32 v14, v1;
	v44 =	vsel vm8, $0x3F800000, v0  }
0x4d3: {  	vm10 =	vge.f32 v14, $8.916873480e-02;
	v49 =	vsel vm9, $0x3F800000, v0;
	v15 =	vadd.f32 v44, v15  }
0x4d4: {  	vm11 =	vge.f32 v14, $1.337531060e-01;
	v50 =	vsel vm10, $0x3F800000, v0;
	v51 =	vadd.f32 v49, v24;
	[tilespmem:$0xA100] =	vst v1  }
0x4d5: {  	vm13 =	vge.f32 v14, $2.229218330e-01;
	v52 =	vsel vm11, $0x3F800000, v0;
	v16 =	vadd.f32 v50, v16;
	[tilespmem:$0xA080] =	vst v15  }
0x4d6: {  	vm14 =	vge.f32 v14, $2.675062120e-01;
	v53 =	vsel vm13, $0x3F800000, v0;
	v5 =	vadd.f32 v52, v5;
	[tilespmem:$0xA180] =	vst v51  }
0x4d7: {  	vm15 =	vge.f32 v14, $3.120905760e-01;
	v54 =	vsel vm14, $0x3F800000, v0;
	v4 =	vadd.f32 v53, v4;
	[tilespmem:$0xA200] =	vst v16  }
0x4d8: {  	vm12 =	vge.f32 v14, $1.783374700e-01;
	v55 =	vsel vm15, $0x3F800000, v0;
	v3 =	vadd.f32 v54, v3;
	[tilespmem:$0xA280] =	vst v5  }
0x4d9: {  	v45 =	vmul.f32 v44, v14;
	v1 =	vsel vm12, $0x3F800000, v0;
	v2 =	vadd.f32 v55, v2;
	[tilespmem:$0xA380] =	vst v4  }
0x4da: {  	v20 =	vadd.f32 v40, v20;
	v18 =	vmul.f32 v49, v14;
	v6 =	vadd.f32 v1, v6;
	[tilespmem:$0xA400] =	vst v3  }
0x4db: {  	v58 =	vadd.f32 v42, v11;
	v59 =	vmul.f32 v52, v14;
	v48 =	vadd.f32 v45, v19;
	[tilespmem:$0xA480] =	vst v2  }
0x4dc: {  	v9 =	vadd.f32 v47, v9;
	v62 =	vmul.f32 v54, v14;
	v60 =	vadd.f32 v18, v20;
	[tilespmem:$0xA300] =	vst v6  }
0x4dd: {  	v56 =	vadd.f32 v41, v12;
	v57 =	vmul.f32 v50, v14;
	v4 =	vadd.f32 v59, v58;
	[tilespmem:$0xA000] =	vst v48  }
0x4de: {  	v1 =	vmul.f32 v1, v14;
	v3 =	vadd.f32 v43, v10;
	v63 =	vadd.f32 v62, v9;
	[tilespmem:$0xA500] =	vst v60  }
0x4df: {  	v61 =	vmul.f32 v53, v14;
	v2 =	vadd.f32 v46, v8;
	v6 =	vadd.f32 v57, v56;
	[tilespmem:$0xA600] =	vst v4  }
0x4e0: {  	v5 =	vmul.f32 v55, v14;
	v1 =	vadd.f32 v1, v3;
	v3 =	vadd.f32 v23, v7;
	[tilespmem:$0xA780] =	vst v63  }
0x4e1: {  	v2 =	vadd.f32 v61, v2;
	[tilespmem:$0xA580] =	vst v6  }
0x4e2: {  	s18 =	sadd.s32 $0x1, s18;
	[tilespmem:$0xA680] =	vst v1;
	v1 =	vadd.f32 v5, v3  }
0x4e3: {  	p0 =	sne.s32 s18, s12;
	[tilespmem:$0xA700] =	vst v2  }
.Ltmp8:
0x4e4: {  	[tilespmem:$0xA800] =	vst v1;
	(pc) =	sbr.rel @p0 .LBB2_1-.Ltmp8, $4  }
0x4e5: {  	[hbm4b:s11+s2] =	stream.linear.scatter [tilespmem:s17], [sflag:$0x1], $0x880, $0x38;
	[tilespmem:$0xAC00] =	vst v63  }
0x4e6: {  	_ =	swait.ge [sflag:s15], $0x880  }
0x4e7: {  	[sflag:s15] =	ssyncset.done $0x0  }
0x4e8: {  	[sflag:s15] =	ssyncadd.s32 $0xFFFFF780  }
0x4e9: {  	_ =	sfence.sel $0x180000  }
0x4ea: {  	[bflag:$0x0] =	sbarrier.arrive $0xFFFF  }
0x4eb: {  	p0 =	sne.s32 s1, $0x0;
	_ =	strace $0x90000047  }
0x4ec: {  	s0 =	sadd.s32 @!p0 $0x100000, s0;
	[bflag:$0x2] =	sbarrier.arrive $0xFFFF  }
0x4ed: {  	[sflag:s0] =	ssyncadd.tile.s32 @!p0 $0x1;
	_ =	shalt  }
.Lfunc_end2:
_tile_overlayer_lowered:
.L_overlay_start_2:
0x4ee: {  	(tag) =	ssettag $0x2  }
0x4ef: {  	s0 =	rddreg [dreg:$0x0];
	s2 =	stileid.u32  }
0x4f0: {  	s1 =	rddreg [dreg:$0x1];
	p0 =	sne.s32 s2, $0x0  }
0x4f1: {  	s3 =	rddreg [dreg:$0x2];
	[bflag:$0x3] =	sbarrier.arrive $0xFFFF;
	s2 =	simm.s32 @!p0 $0x1C01  }
0x4f2: {  	[timem:s3], [sflag:s2] =	dma.local @!p0 [hbm:s0], s1  }
0x4f3: {  	s0 =	simm.s32 @!p0 $0x1  }
0x4f4: {  	_ =	swait.ge @!p0 [sflag:s0], s1  }
0x4f5: {  	s1 =	ssub.s32 @!p0 $0x0, s1;
	[sflag:s0] =	ssyncset.done @!p0 $0x0  }
0x4f6: {  	[sflag:s0] =	ssyncadd.s32 @!p0 s1  }
0x4f7: {  	[bflag:$0x3] =	sbarrier.arrive $0xFFFF  }
0x4f8: {  	_ =	shalt  }

</sc_bundles>
